<compile_context>
chip_gen: v7x
topology: tpu7x:2x2x1
jax: 0.10.2.dev20260603
libtpu: 0.0.44.dev20260713+nightly
codegen_flags: <defaults>
</compile_context>

<pallas_src>
import functools

import jax
import jax.numpy as jnp
from jax import lax
from jax.experimental import pallas as pl
from jax.experimental.pallas import tpu as pltpu
from jax.experimental.pallas import tpu_sc as plsc

_N = 10000
_NP = 10240
_E = 320000
_B = 128
_D = 64
_IN = 128
_K = 80
_TILES = 16
_EPT = _E // _TILES
_EPTP = 20000
_NB = 10
_CPT = _EPTP // _K
_NIT = _CPT // _NB
_RPT = _NP // _TILES
_R = 2048
_G = (2 * _NP) // _R


def _edge_agg_body(z_hbm, src2_hbm, dst2_hbm, zero_hbm, out_hbm,
                   srcs_v, dsts_v, rows_v, agg_sh, sem_i, sems_g, sems_s):
    c = lax.axis_index("c")
    s = lax.axis_index("s")
    pltpu.sync_copy(zero_hbm, agg_sh.at[pl.ds(s * _RPT, _RPT)])
    plsc.subcore_barrier()
    crow0 = (c * _TILES + s) * _CPT

    def body(i, carry):
        row0 = pl.multiple_of(crow0 + i * _NB, _NB)
        ci = pltpu.async_copy(src2_hbm.at[pl.ds(row0, _NB)], srcs_v, sem_i)
        cd = pltpu.async_copy(dst2_hbm.at[pl.ds(row0, _NB)], dsts_v, sem_i)
        ci.wait()
        cd.wait()
        gathers = [
            pltpu.async_copy(z_hbm.at[srcs_v.at[b]], rows_v.at[b],
                             sems_g.at[b])
            for b in range(_NB)
        ]
        scatters = []
        for b in range(_NB):
            gathers[b].wait()
            scatters.append(
                pltpu.async_copy(rows_v.at[b], agg_sh.at[dsts_v.at[b]],
                                 sems_s.at[b], add=True))
        for b in range(_NB):
            scatters[b].wait()
        return carry

    lax.fori_loop(0, _NIT, body, 0)
    plsc.subcore_barrier()
    rbase = s * _RPT
    pltpu.sync_copy(agg_sh.at[pl.ds(rbase, _RPT)],
                    out_hbm.at[pl.ds(c * _NP + rbase, _RPT)])


@functools.cache
def _get_edge_agg():
    return pl.kernel(
        _edge_agg_body,
        out_type=jax.ShapeDtypeStruct((2 * _NP, _D), jnp.float32),
        mesh=plsc.VectorSubcoreMesh(core_axis_name="c", subcore_axis_name="s"),
        scratch_types=[
            pltpu.VMEM((_NB, _K), jnp.int32),
            pltpu.VMEM((_NB, _K), jnp.int32),
            pltpu.VMEM((_NB, _K, _D), jnp.float32),
            pltpu.VMEM_SHARED((_NP, _D), jnp.float32),
            pltpu.SemaphoreType.DMA,
            pltpu.SemaphoreType.DMA((_NB,)),
            pltpu.SemaphoreType.DMA((_NB,)),
        ],
        compiler_params=pltpu.CompilerParams(use_tc_tiling_on_sc=False),
    )


def _pre_body(x_ref, w_ref, o_ref):
    o_ref[...] = jnp.dot(x_ref[...], w_ref[...],
                         preferred_element_type=jnp.float32)


_pre = pl.pallas_call(
    _pre_body,
    grid=(_G,),
    in_specs=[
        pl.BlockSpec((_R, _IN), lambda i: (i, 0)),
        pl.BlockSpec((_IN, _D), lambda i: (0, 0)),
    ],
    out_specs=pl.BlockSpec((_R, _D), lambda i: (i, 0)),
    out_shape=jax.ShapeDtypeStruct((2 * _NP, _D), jnp.float32),
)


def _layer_body(has_next):
    def body(z_ref, a_ref, g_ref, b1_ref, w2_ref, b2_ref, bng_ref, bnb_ref,
             iw_ref, ib_ref, *rest):
        if has_next:
            w1n_ref, pooled_ref, znext_ref = rest
        else:
            (pooled_ref,) = rest
        i = pl.program_id(0)
        h = jnp.maximum(z_ref[...] + a_ref[...] + b1_ref[...], 0.0)
        h2 = jnp.dot(h, w2_ref[...], preferred_element_type=jnp.float32)
        h2 = h2 + b2_ref[...]
        x_new = jnp.maximum(h2 * bng_ref[...] + bnb_ref[...], 0.0)
        y = jnp.dot(x_new, iw_ref[...], preferred_element_type=jnp.float32)
        y = jnp.maximum(y + ib_ref[...], 0.0)
        g = g_ref[0, 0, :]
        oh = (g[None, :] == lax.broadcasted_iota(jnp.int32, (2 * _B, _R), 0))
        ps = jnp.dot(oh.astype(jnp.float32), y,
                     preferred_element_type=jnp.float32)

        @pl.when(i == 0)
        def _():
            pooled_ref[...] = ps

        @pl.when(i > 0)
        def _():
            pooled_ref[...] += ps

        if has_next:
            znext_ref[...] = jnp.dot(x_new, w1n_ref[...],
                                     preferred_element_type=jnp.float32)

    return body


def _make_layer(has_next):
    body = _layer_body(has_next)
    vec = pl.BlockSpec((1, _D), lambda i: (0, 0))
    mat = pl.BlockSpec((_D, _D), lambda i: (0, 0))
    rowblk = pl.BlockSpec((_R, _D), lambda i: (i, 0))
    in_specs = [
        rowblk,
        rowblk,
        pl.BlockSpec((1, 1, _R), lambda i: (i, 0, 0)),
        vec, mat, vec, vec, vec, mat, vec,
    ]
    out_shape = [jax.ShapeDtypeStruct((2 * _B, _D), jnp.float32)]
    out_specs = [pl.BlockSpec((2 * _B, _D), lambda i: (0, 0))]
    if has_next:
        in_specs.append(mat)
        out_shape.append(jax.ShapeDtypeStruct((2 * _NP, _D), jnp.float32))
        out_specs.append(rowblk)
    return pl.pallas_call(
        body, grid=(_G,), in_specs=in_specs,
        out_specs=out_specs, out_shape=out_shape,
    )


_layer_mid = _make_layer(True)
_layer_last = _make_layer(False)


_F3 = 3 * _D
_TN = 16
_H = _F3 // 2


def _head_body(p0_ref, p1_ref, p2_ref,
               ow0_ref, ob0_ref, ow1_ref, ob1_ref, ow2_ref, ob2_ref,
               wt3_ref, wbt_ref, nb_ref,
               cw1_ref, cb1_ref, cw2_ref, cb2_ref,
               sw1_ref, sb1_ref, sw2_ref, sb2_ref,
               tw1_ref, tb1_ref, tw2_ref, tb2_ref,
               o_ref):
    prs = []
    for p_ref, ow_ref, ob_ref in ((p0_ref, ow0_ref, ob0_ref),
                                  (p1_ref, ow1_ref, ob1_ref),
                                  (p2_ref, ow2_ref, ob2_ref)):
        pr = jnp.dot(p_ref[...], ow_ref[...],
                     preferred_element_type=jnp.float32) + ob_ref[...]
        prs.append(jnp.maximum(pr, 0.0))
    qf = jnp.concatenate([pr[:_B] for pr in prs], axis=1)
    cf = jnp.concatenate([pr[_B:] for pr in prs], axis=1)

    diff = jnp.exp(-jnp.square(qf - cf))
    h = jnp.maximum(jnp.dot(diff, cw1_ref[...],
                            preferred_element_type=jnp.float32)
                    + cb1_ref[...], 0.0)
    sr = jnp.tanh(jnp.dot(h, cw2_ref[...],
                          preferred_element_type=jnp.float32) + cb2_ref[...])
    s = jnp.maximum(jnp.dot(sr, sw1_ref[...],
                            preferred_element_type=jnp.float32)
                    + sb1_ref[...], 0.0)
    score = jax.nn.sigmoid(jnp.dot(s, sw2_ref[...],
                                   preferred_element_type=jnp.float32)
                           + sb2_ref[...])

    cols = []
    for t in range(_TN):
        wt = wt3_ref[t * _F3:(t + 1) * _F3, :]
        tmp = jnp.dot(qf, wt, preferred_element_type=jnp.float32)
        cols.append(jnp.sum(tmp * cf, axis=1, keepdims=True))
    ntn_s = jnp.concatenate(cols, axis=1)
    blk = (jnp.dot(qf, wbt_ref[:_F3, :], preferred_element_type=jnp.float32)
           + jnp.dot(cf, wbt_ref[_F3:, :], preferred_element_type=jnp.float32))
    sim_rep = jnp.maximum(ntn_s + blk + nb_ref[...], 0.0)
    t1 = jnp.maximum(jnp.dot(sim_rep, tw1_ref[...],
                             preferred_element_type=jnp.float32)
                     + tb1_ref[...], 0.0)
    sim = jax.nn.sigmoid(jnp.dot(t1, tw2_ref[...],
                                 preferred_element_type=jnp.float32)
                         + tb2_ref[...])
    o_ref[...] = jnp.concatenate([score, sim], axis=1)


_head = pl.pallas_call(
    _head_body,
    out_shape=jax.ShapeDtypeStruct((_B, 2), jnp.float32),
)


def kernel(query_x, query_edge_index, query_graph_idx, corpus_x,
           corpus_edge_index, corpus_graph_idx, batch_size, params):
    p = params
    pad = ((0, _NP - _N), (0, 0))
    X = jnp.concatenate([jnp.pad(query_x, pad), jnp.pad(corpus_x, pad)],
                        axis=0)
    pad_dst = jnp.broadcast_to(
        (_N + jnp.arange(_TILES, dtype=jnp.int32))[:, None],
        (_TILES, _EPTP - _EPT))

    def prep(a, fill):
        if fill is None:
            return jnp.concatenate([a.reshape(_TILES, _EPT), pad_dst], axis=1)
        return jnp.pad(a.reshape(_TILES, _EPT),
                       ((0, 0), (0, _EPTP - _EPT)), constant_values=fill)

    src = jnp.concatenate([prep(query_edge_index[0], 0),
                           prep(corpus_edge_index[0] + _NP, 0)]
                          ).reshape(-1, _K)
    dst = jnp.concatenate([prep(query_edge_index[1], None),
                           prep(corpus_edge_index[1], None)]
                          ).reshape(-1, _K)
    g3 = jnp.concatenate([
        jnp.pad(query_graph_idx, (0, _NP - _N), constant_values=2 * _B),
        jnp.pad(corpus_graph_idx + _B, (0, _NP - _N),
                constant_values=2 * _B)]).reshape(_G, 1, _R)
    zero_tile = jnp.zeros((_RPT, _D), jnp.float32)

    def v(a):
        return a.reshape(1, -1)

    z = _pre(X, p['gin_w1_0'])
    edge_agg = _get_edge_agg()
    pooled = []
    for i in range(3):
        aggz = edge_agg(z, src, dst, zero_tile)
        argv = [z, aggz, g3, v(p['gin_b1_%d' % i]), p['gin_w2_%d' % i],
                v(p['gin_b2_%d' % i]), v(p['bn_g_%d' % i]),
                v(p['bn_b_%d' % i]), p['inner_w_%d' % i],
                v(p['inner_b_%d' % i])]
        if i < 2:
            pl_i, z = _layer_mid(*argv, p['gin_w1_%d' % (i + 1)])
        else:
            (pl_i,) = _layer_last(*argv)
        pooled.append(pl_i)

    wt3 = p['ntn_W'].transpose(2, 0, 1).reshape(_TN * _F3, _F3)
    o = _head(pooled[0], pooled[1], pooled[2],
              p['outer_w_0'], v(p['outer_b_0']),
              p['outer_w_1'], v(p['outer_b_1']),
              p['outer_w_2'], v(p['outer_b_2']),
              wt3, p['ntn_Wb'].T, v(p['ntn_bias']),
              p['cs_w1'], v(p['cs_b1']), p['cs_w2'], v(p['cs_b2']),
              p['sl_w1'], v(p['sl_b1']), p['sl_w2'], v(p['sl_b2']),
              p['ssl_w1'], v(p['ssl_b1']), p['ssl_w2'], v(p['ssl_b2']))
    return p['alpha'] * o[:, 0] + p['beta'] * o[:, 1]

# --- scband reference (transcript-rebuilt; emitter-appended) ---
"""Pipeline reference for scband-eric-33277406610158 (READ-ONLY COPY).

The authoritative reference and input builder live on the scoring server;
editing this copy changes nothing except your own understanding.
"""

import jax, jax.numpy as jnp
import numpy as np

FILTERS = [64, 64, 64]
IN_DIM = 128
TN = 16
RED = 2
BATCH = 128


def _lin(x, w, b):
    return x @ w + b


def _encode(x, edge_index, graph_idx, batch_size, p):
    # GIN message passing + per-layer graph pooling (ERIC EncodingLayer)
    src = edge_index[0]
    dst = edge_index[1]
    feats = []
    for i in range(len(FILTERS)):
        # GINConv: MLP((1+eps)*x + sum_{j in N(i)} x_j), eps=0, eval-mode BN (running stats identity)
        agg = jnp.zeros_like(x).at[dst].add(x[src])
        h = x + agg
        h = jax.nn.relu(_lin(h, p['gin_w1_%d' % i], p['gin_b1_%d' % i]))
        h = _lin(h, p['gin_w2_%d' % i], p['gin_b2_%d' % i])
        h = h * p['bn_g_%d' % i] + p['bn_b_%d' % i]
        x = jax.nn.relu(h)
        y = jax.nn.relu(_lin(x, p['inner_w_%d' % i], p['inner_b_%d' % i]))
        pooled = jax.ops.segment_sum(y, graph_idx, num_segments=batch_size)
        pooled = jax.nn.relu(_lin(pooled, p['outer_w_%d' % i], p['outer_b_%d' % i]))
        feats.append(pooled)
    return jnp.concatenate(feats, axis=1)


def _ntn(e1, e2, p):
    # TensorNetworkModule
    B, F_ = e1.shape
    T = p['ntn_bias'].shape[0]
    s = e1 @ p['ntn_W'].reshape(F_, F_ * T)
    s = s.reshape(B, F_, T).transpose(0, 2, 1)
    s = jnp.matmul(s, e2.reshape(B, F_, 1)).reshape(B, T)
    comb = jnp.concatenate([e1, e2], axis=1)
    block = (p['ntn_Wb'] @ comb.T).T
    return jax.nn.relu(s + block + p['ntn_bias'])


def _forward(query_x, corpus_x, params, query_edge_index, query_graph_idx,
             corpus_edge_index, corpus_graph_idx, batch_size):
    qf = _encode(query_x, query_edge_index, query_graph_idx, BATCH, params)
    cf = _encode(corpus_x, corpus_edge_index, corpus_graph_idx, BATCH, params)
    # similarity branch 1: elementwise RBF + conv_stack + score_layer
    diff = jnp.exp(-jnp.square(qf - cf))
    h = jax.nn.relu(_lin(diff, params['cs_w1'], params['cs_b1']))
    sr = jnp.tanh(_lin(h, params['cs_w2'], params['cs_b2']))
    s = jax.nn.relu(_lin(sr, params['sl_w1'], params['sl_b1']))
    score = jax.nn.sigmoid(_lin(s, params['sl_w2'], params['sl_b2'])).reshape(-1)
    # similarity branch 2: NTN interaction
    sim_rep = _ntn(qf, cf, params)
    t = jax.nn.relu(_lin(sim_rep, params['ssl_w1'], params['ssl_b1']))
    sim = jax.nn.sigmoid(_lin(t, params['ssl_w2'], params['ssl_b2'])).reshape(-1)
    out = params['alpha'] * score + params['beta'] * sim
    return out + jnp.zeros((), jnp.float32) * batch_size


def setup_inputs(seed: int = 0):
    key = jax.random.key(seed)
    N = 10000
    E = 320000
    B = 128
    ks = jax.random.split(key, 8)
    query_x = jax.random.normal(ks[0], (N, IN_DIM), jnp.float32)
    corpus_x = jax.random.normal(ks[1], (N, IN_DIM), jnp.float32)
    query_edge_index = jax.random.randint(ks[2], (2, E), 0, N)
    corpus_edge_index = jax.random.randint(ks[3], (2, E), 0, N)
    query_graph_idx = jnp.sort(jax.random.randint(ks[4], (N,), 0, B))
    corpus_graph_idx = jnp.sort(jax.random.randint(ks[5], (N,), 0, B))

    c = [0]

    def rand(shape, scale=0.1):
        c[0] += 1
        return scale * jax.random.normal(jax.random.fold_in(key, 1000 + c[0]), shape, jnp.float32)

    dims = [IN_DIM] + FILTERS
    p = {}
    for i in range(len(FILTERS)):
        p['gin_w1_%d' % i] = rand((dims[i], dims[i + 1]))
        p['gin_b1_%d' % i] = jnp.zeros((dims[i + 1],), jnp.float32)
        p['gin_w2_%d' % i] = rand((dims[i + 1], dims[i + 1]))
        p['gin_b2_%d' % i] = jnp.zeros((dims[i + 1],), jnp.float32)
        p['bn_g_%d' % i] = jnp.ones((dims[i + 1],), jnp.float32)
        p['bn_b_%d' % i] = jnp.zeros((dims[i + 1],), jnp.float32)
        p['inner_w_%d' % i] = rand((FILTERS[i], FILTERS[i]))
        p['inner_b_%d' % i] = jnp.zeros((FILTERS[i],), jnp.float32)
        p['outer_w_%d' % i] = rand((FILTERS[i], FILTERS[i]))
        p['outer_b_%d' % i] = jnp.zeros((FILTERS[i],), jnp.float32)
    CD = sum(FILTERS)
    p['ntn_W'] = rand((CD, CD, TN))
    p['ntn_Wb'] = rand((TN, 2 * CD))
    p['ntn_bias'] = jnp.zeros((TN,), jnp.float32)
    p['ssl_w1'] = rand((TN, TN))
    p['ssl_b1'] = jnp.zeros((TN,), jnp.float32)
    p['ssl_w2'] = rand((TN, 1))
    p['ssl_b2'] = jnp.zeros((1,), jnp.float32)
    H = CD // RED
    p['cs_w1'] = rand((CD, H))
    p['cs_b1'] = jnp.zeros((H,), jnp.float32)
    p['cs_w2'] = rand((H, H))
    p['cs_b2'] = jnp.zeros((H,), jnp.float32)
    p['sl_w1'] = rand((H, 16))
    p['sl_b1'] = jnp.zeros((16,), jnp.float32)
    p['sl_w2'] = rand((16, 1))
    p['sl_b2'] = jnp.zeros((1,), jnp.float32)
    p['alpha'] = jnp.array(0.5, jnp.float32)
    p['beta'] = jnp.array(0.5, jnp.float32)

    return {
        'query_x': query_x,
        'query_edge_index': query_edge_index,
        'query_graph_idx': query_graph_idx,
        'corpus_x': corpus_x,
        'corpus_edge_index': corpus_edge_index,
        'corpus_graph_idx': corpus_graph_idx,
        'batch_size': B,
        'params': p,
    }


def reference(query_x, query_edge_index, query_graph_idx, corpus_x,
              corpus_edge_index, corpus_graph_idx, batch_size, params):
    return _forward(query_x, corpus_x, params, query_edge_index, query_graph_idx,
                    corpus_edge_index, corpus_graph_idx, batch_size)

if __name__ == "__main__":
    import jax
    _d = setup_inputs()
    print(jax.jit(kernel)(*tuple(_d.values())))

</pallas_src>

<mosaic_0001>
#map = affine_map<(d0, d1) -> (0, 0)>
module attributes {stable_mosaic.version = 14 : i64} {
  func.func @_edge_agg_body(%arg0: i32, %arg1: i32, %arg2: memref<20480x64xf32, #tpu.memory_space<hbm>>, %arg3: memref<8000x80xi32, #tpu.memory_space<hbm>>, %arg4: memref<8000x80xi32, #tpu.memory_space<hbm>>, %arg5: memref<640x64xf32, #tpu.memory_space<hbm>>, %arg6: memref<20480x64xf32, #tpu.memory_space<hbm>>, %arg7: memref<10x80xi32, #tpu.memory_space<vmem>>, %arg8: memref<10x80xi32, #tpu.memory_space<vmem>>, %arg9: memref<10x80x64xf32, #tpu.memory_space<vmem>>, %arg10: memref<10240x64xf32, #tpu.memory_space<vmem_shared>>, %arg11: memref<!tpu.dma_semaphore, #tpu.memory_space<semaphore_mem>>, %arg12: memref<10x!tpu.dma_semaphore, #tpu.memory_space<semaphore_mem>>, %arg13: memref<10x!tpu.dma_semaphore, #tpu.memory_space<semaphore_mem>>) attributes {dimension_semantics = [#tpu.dimension_semantics<core_parallel>, #tpu.dimension_semantics<subcore_parallel>], iteration_bounds = array<i64: 2, 16>, scalar_prefetch = 0 : i64, scratch_operands = 7 : i64, tpu.core_type = #tpu.core_type<sc_vector_subcore>, window_params = [{transform_indices = #map}, {transform_indices = #map}, {transform_indices = #map}, {transform_indices = #map}, {transform_indices = #map}]} {
    %mul3A = arith.constant 640 : i32
    %mul3A_0 = arith.muli %arg1, %mul3A : i32
    "tpu.region"() ({
      %run_scoped3A = tpu.sem_alloc : memref<!tpu.dma_semaphore, #tpu.memory_space<semaphore_mem>>
      %dma_start3A = arith.constant 0 : i32
      %dma_start3A_16 = tpu.memref_slice %arg10[%mul3A_0, %dma_start3A] : memref<10240x64xf32, #tpu.memory_space<vmem_shared>> -> memref<640x64xf32, #tpu.memory_space<vmem_shared>>
      tpu.enqueue_dma source(%arg5 : memref<640x64xf32, #tpu.memory_space<hbm>>) target(%dma_start3A_16 : memref<640x64xf32, #tpu.memory_space<vmem_shared>>) target_semaphore(%run_scoped3A : memref<!tpu.dma_semaphore, #tpu.memory_space<semaphore_mem>>)
      %dma_wait3A = arith.constant 0 : i32
      %dma_wait3A_17 = tpu.memref_slice %arg10[%mul3A_0, %dma_wait3A] : memref<10240x64xf32, #tpu.memory_space<vmem_shared>> -> memref<640x64xf32, #tpu.memory_space<vmem_shared>>
      tpu.wait_dma2 semaphore(%run_scoped3A : memref<!tpu.dma_semaphore, #tpu.memory_space<semaphore_mem>>) src(%arg5 : memref<640x64xf32, #tpu.memory_space<hbm>>) dst(%dma_wait3A_17 : memref<640x64xf32, #tpu.memory_space<vmem_shared>>)
      tpu.yield
    }) : () -> ()
    %barrier3A = arith.constant 0 : index
    tpu.barrier barrier_id(%barrier3A)
    %mul3A_1 = arith.constant 16 : i32
    %mul3A_2 = arith.muli %arg0, %mul3A_1 : i32
    %add3A = arith.addi %mul3A_2, %arg1 : i32
    %mul3A_3 = arith.constant 250 : i32
    %mul3A_4 = arith.muli %add3A, %mul3A_3 : i32
    %scan3A = arith.constant 0 : i32
    %scan3A_5 = arith.constant 0 : i32
    %scan3A_6 = arith.constant 25 : i32
    %scan3A_7 = arith.addi %scan3A_5, %scan3A_6 : i32
    %scan3A_8 = arith.constant 1 : i32
    scf.for %scan3A_16 = %scan3A_5 to %scan3A_7 step %scan3A_8  : i32 {
      %mul3A_17 = arith.constant 10 : i32
      %mul3A_18 = arith.muli %scan3A_16, %mul3A_17 : i32
      %add3A_19 = arith.addi %mul3A_4, %mul3A_18 : i32
      %multiple_of3A = tpu.assume_multiple %add3A_19, 10 : i32
      %dma_start3A = arith.constant 0 : i32
      %dma_start3A_20 = tpu.memref_slice %arg3[%multiple_of3A, %dma_start3A] : memref<8000x80xi32, #tpu.memory_space<hbm>> -> memref<10x80xi32, #tpu.memory_space<hbm>>
      %dma_start3A_21 = arith.constant 0 : i32
      %dma_start3A_22 = tpu.memref_slice %arg3[%multiple_of3A, %dma_start3A_21] : memref<8000x80xi32, #tpu.memory_space<hbm>> -> memref<10x80xi32, #tpu.memory_space<hbm>>
      tpu.enqueue_dma source(%dma_start3A_22 : memref<10x80xi32, #tpu.memory_space<hbm>>) target(%arg7 : memref<10x80xi32, #tpu.memory_space<vmem>>) target_semaphore(%arg11 : memref<!tpu.dma_semaphore, #tpu.memory_space<semaphore_mem>>)
      %dma_start3A_23 = arith.constant 0 : i32
      %dma_start3A_24 = tpu.memref_slice %arg4[%multiple_of3A, %dma_start3A_23] : memref<8000x80xi32, #tpu.memory_space<hbm>> -> memref<10x80xi32, #tpu.memory_space<hbm>>
      %dma_start3A_25 = arith.constant 0 : i32
      %dma_start3A_26 = tpu.memref_slice %arg4[%multiple_of3A, %dma_start3A_25] : memref<8000x80xi32, #tpu.memory_space<hbm>> -> memref<10x80xi32, #tpu.memory_space<hbm>>
      tpu.enqueue_dma source(%dma_start3A_26 : memref<10x80xi32, #tpu.memory_space<hbm>>) target(%arg8 : memref<10x80xi32, #tpu.memory_space<vmem>>) target_semaphore(%arg11 : memref<!tpu.dma_semaphore, #tpu.memory_space<semaphore_mem>>)
      %dma_wait3A = arith.constant 0 : i32
      %dma_wait3A_27 = tpu.memref_slice %arg3[%multiple_of3A, %dma_wait3A] : memref<8000x80xi32, #tpu.memory_space<hbm>> -> memref<10x80xi32, #tpu.memory_space<hbm>>
      %dma_wait3A_28 = arith.constant 0 : i32
      %dma_wait3A_29 = tpu.memref_slice %arg3[%multiple_of3A, %dma_wait3A_28] : memref<8000x80xi32, #tpu.memory_space<hbm>> -> memref<10x80xi32, #tpu.memory_space<hbm>>
      tpu.wait_dma2 semaphore(%arg11 : memref<!tpu.dma_semaphore, #tpu.memory_space<semaphore_mem>>) src(%dma_wait3A_29 : memref<10x80xi32, #tpu.memory_space<hbm>>) dst(%arg7 : memref<10x80xi32, #tpu.memory_space<vmem>>)
      %dma_wait3A_30 = arith.constant 0 : i32
      %dma_wait3A_31 = tpu.memref_slice %arg4[%multiple_of3A, %dma_wait3A_30] : memref<8000x80xi32, #tpu.memory_space<hbm>> -> memref<10x80xi32, #tpu.memory_space<hbm>>
      %dma_wait3A_32 = arith.constant 0 : i32
      %dma_wait3A_33 = tpu.memref_slice %arg4[%multiple_of3A, %dma_wait3A_32] : memref<8000x80xi32, #tpu.memory_space<hbm>> -> memref<10x80xi32, #tpu.memory_space<hbm>>
      tpu.wait_dma2 semaphore(%arg11 : memref<!tpu.dma_semaphore, #tpu.memory_space<semaphore_mem>>) src(%dma_wait3A_33 : memref<10x80xi32, #tpu.memory_space<hbm>>) dst(%arg8 : memref<10x80xi32, #tpu.memory_space<vmem>>)
      %dma_start3A_34 = arith.constant 0 : i32
      %dma_start3A_35 = arith.constant 0 : i32
      %dma_start3A_36 = arith.constant 0 : i32
      %dma_start3A_37 = arith.constant 0 : i32
      %dma_start3A_38 = arith.constant 0 : i32
      %dma_start3A_39 = tpu.memref_slice %arg9[%dma_start3A_35, %dma_start3A_37, %dma_start3A_38] : memref<10x80x64xf32, #tpu.memory_space<vmem>> -> memref<1x80x64xf32, #tpu.memory_space<vmem>>
      %dma_start3A_40 = tpu.memref_squeeze %dma_start3A_39 : memref<1x80x64xf32, #tpu.memory_space<vmem>> -> memref<80x64xf32, #tpu.memory_space<vmem>>
      %dma_start3A_41 = arith.constant 0 : i32
      %dma_start3A_42 = tpu.memref_slice %arg7[%dma_start3A_34, %dma_start3A_41] : memref<10x80xi32, #tpu.memory_space<vmem>> -> memref<1x80xi32, #tpu.memory_space<vmem>>
      %dma_start3A_43 = tpu.memref_squeeze %dma_start3A_42 : memref<1x80xi32, #tpu.memory_space<vmem>> -> memref<80xi32, #tpu.memory_space<vmem>>
      %dma_start3A_44 = arith.constant 0 : i32
      %dma_start3A_45 = arith.constant 0 : i32
      %dma_start3A_46 = tpu.memref_slice %arg2[%dma_start3A_44, %dma_start3A_45] : memref<20480x64xf32, #tpu.memory_space<hbm>> -> memref<20480x64xf32, #tpu.memory_space<hbm>>
      %dma_start3A_47 = tpu.memref_slice %arg12[%dma_start3A_36] : memref<10x!tpu.dma_semaphore, #tpu.memory_space<semaphore_mem>> -> memref<1x!tpu.dma_semaphore, #tpu.memory_space<semaphore_mem>>
      %dma_start3A_48 = tpu.memref_squeeze %dma_start3A_47 : memref<1x!tpu.dma_semaphore, #tpu.memory_space<semaphore_mem>> -> memref<!tpu.dma_semaphore, #tpu.memory_space<semaphore_mem>>
      tpu.enqueue_indirect_dma source(%dma_start3A_46 : memref<20480x64xf32, #tpu.memory_space<hbm>>) target(%dma_start3A_40 : memref<80x64xf32, #tpu.memory_space<vmem>>) offsets(%dma_start3A_43 : memref<80xi32, #tpu.memory_space<vmem>>) semaphore(%dma_start3A_48 : memref<!tpu.dma_semaphore, #tpu.memory_space<semaphore_mem>>)
      %dma_start3A_49 = arith.constant 1 : i32
      %dma_start3A_50 = arith.constant 1 : i32
      %dma_start3A_51 = arith.constant 1 : i32
      %dma_start3A_52 = arith.constant 0 : i32
      %dma_start3A_53 = arith.constant 0 : i32
      %dma_start3A_54 = tpu.memref_slice %arg9[%dma_start3A_50, %dma_start3A_52, %dma_start3A_53] : memref<10x80x64xf32, #tpu.memory_space<vmem>> -> memref<1x80x64xf32, #tpu.memory_space<vmem>>
      %dma_start3A_55 = tpu.memref_squeeze %dma_start3A_54 : memref<1x80x64xf32, #tpu.memory_space<vmem>> -> memref<80x64xf32, #tpu.memory_space<vmem>>
      %dma_start3A_56 = arith.constant 0 : i32
      %dma_start3A_57 = tpu.memref_slice %arg7[%dma_start3A_49, %dma_start3A_56] : memref<10x80xi32, #tpu.memory_space<vmem>> -> memref<1x80xi32, #tpu.memory_space<vmem>>
      %dma_start3A_58 = tpu.memref_squeeze %dma_start3A_57 : memref<1x80xi32, #tpu.memory_space<vmem>> -> memref<80xi32, #tpu.memory_space<vmem>>
      %dma_start3A_59 = arith.constant 0 : i32
      %dma_start3A_60 = arith.constant 0 : i32
      %dma_start3A_61 = tpu.memref_slice %arg2[%dma_start3A_59, %dma_start3A_60] : memref<20480x64xf32, #tpu.memory_space<hbm>> -> memref<20480x64xf32, #tpu.memory_space<hbm>>
      %dma_start3A_62 = tpu.memref_slice %arg12[%dma_start3A_51] : memref<10x!tpu.dma_semaphore, #tpu.memory_space<semaphore_mem>> -> memref<1x!tpu.dma_semaphore, #tpu.memory_space<semaphore_mem>>
      %dma_start3A_63 = tpu.memref_squeeze %dma_start3A_62 : memref<1x!tpu.dma_semaphore, #tpu.memory_space<semaphore_mem>> -> memref<!tpu.dma_semaphore, #tpu.memory_space<semaphore_mem>>
      tpu.enqueue_indirect_dma source(%dma_start3A_61 : memref<20480x64xf32, #tpu.memory_space<hbm>>) target(%dma_start3A_55 : memref<80x64xf32, #tpu.memory_space<vmem>>) offsets(%dma_start3A_58 : memref<80xi32, #tpu.memory_space<vmem>>) semaphore(%dma_start3A_63 : memref<!tpu.dma_semaphore, #tpu.memory_space<semaphore_mem>>)
      %dma_start3A_64 = arith.constant 2 : i32
      %dma_start3A_65 = arith.constant 2 : i32
      %dma_start3A_66 = arith.constant 2 : i32
      %dma_start3A_67 = arith.constant 0 : i32
      %dma_start3A_68 = arith.constant 0 : i32
      %dma_start3A_69 = tpu.memref_slice %arg9[%dma_start3A_65, %dma_start3A_67, %dma_start3A_68] : memref<10x80x64xf32, #tpu.memory_space<vmem>> -> memref<1x80x64xf32, #tpu.memory_space<vmem>>
      %dma_start3A_70 = tpu.memref_squeeze %dma_start3A_69 : memref<1x80x64xf32, #tpu.memory_space<vmem>> -> memref<80x64xf32, #tpu.memory_space<vmem>>
      %dma_start3A_71 = arith.constant 0 : i32
      %dma_start3A_72 = tpu.memref_slice %arg7[%dma_start3A_64, %dma_start3A_71] : memref<10x80xi32, #tpu.memory_space<vmem>> -> memref<1x80xi32, #tpu.memory_space<vmem>>
      %dma_start3A_73 = tpu.memref_squeeze %dma_start3A_72 : memref<1x80xi32, #tpu.memory_space<vmem>> -> memref<80xi32, #tpu.memory_space<vmem>>
      %dma_start3A_74 = arith.constant 0 : i32
      %dma_start3A_75 = arith.constant 0 : i32
      %dma_start3A_76 = tpu.memref_slice %arg2[%dma_start3A_74, %dma_start3A_75] : memref<20480x64xf32, #tpu.memory_space<hbm>> -> memref<20480x64xf32, #tpu.memory_space<hbm>>
      %dma_start3A_77 = tpu.memref_slice %arg12[%dma_start3A_66] : memref<10x!tpu.dma_semaphore, #tpu.memory_space<semaphore_mem>> -> memref<1x!tpu.dma_semaphore, #tpu.memory_space<semaphore_mem>>
      %dma_start3A_78 = tpu.memref_squeeze %dma_start3A_77 : memref<1x!tpu.dma_semaphore, #tpu.memory_space<semaphore_mem>> -> memref<!tpu.dma_semaphore, #tpu.memory_space<semaphore_mem>>
      tpu.enqueue_indirect_dma source(%dma_start3A_76 : memref<20480x64xf32, #tpu.memory_space<hbm>>) target(%dma_start3A_70 : memref<80x64xf32, #tpu.memory_space<vmem>>) offsets(%dma_start3A_73 : memref<80xi32, #tpu.memory_space<vmem>>) semaphore(%dma_start3A_78 : memref<!tpu.dma_semaphore, #tpu.memory_space<semaphore_mem>>)
      %dma_start3A_79 = arith.constant 3 : i32
      %dma_start3A_80 = arith.constant 3 : i32
      %dma_start3A_81 = arith.constant 3 : i32
      %dma_start3A_82 = arith.constant 0 : i32
      %dma_start3A_83 = arith.constant 0 : i32
      %dma_start3A_84 = tpu.memref_slice %arg9[%dma_start3A_80, %dma_start3A_82, %dma_start3A_83] : memref<10x80x64xf32, #tpu.memory_space<vmem>> -> memref<1x80x64xf32, #tpu.memory_space<vmem>>
      %dma_start3A_85 = tpu.memref_squeeze %dma_start3A_84 : memref<1x80x64xf32, #tpu.memory_space<vmem>> -> memref<80x64xf32, #tpu.memory_space<vmem>>
      %dma_start3A_86 = arith.constant 0 : i32
      %dma_start3A_87 = tpu.memref_slice %arg7[%dma_start3A_79, %dma_start3A_86] : memref<10x80xi32, #tpu.memory_space<vmem>> -> memref<1x80xi32, #tpu.memory_space<vmem>>
      %dma_start3A_88 = tpu.memref_squeeze %dma_start3A_87 : memref<1x80xi32, #tpu.memory_space<vmem>> -> memref<80xi32, #tpu.memory_space<vmem>>
      %dma_start3A_89 = arith.constant 0 : i32
      %dma_start3A_90 = arith.constant 0 : i32
      %dma_start3A_91 = tpu.memref_slice %arg2[%dma_start3A_89, %dma_start3A_90] : memref<20480x64xf32, #tpu.memory_space<hbm>> -> memref<20480x64xf32, #tpu.memory_space<hbm>>
      %dma_start3A_92 = tpu.memref_slice %arg12[%dma_start3A_81] : memref<10x!tpu.dma_semaphore, #tpu.memory_space<semaphore_mem>> -> memref<1x!tpu.dma_semaphore, #tpu.memory_space<semaphore_mem>>
      %dma_start3A_93 = tpu.memref_squeeze %dma_start3A_92 : memref<1x!tpu.dma_semaphore, #tpu.memory_space<semaphore_mem>> -> memref<!tpu.dma_semaphore, #tpu.memory_space<semaphore_mem>>
      tpu.enqueue_indirect_dma source(%dma_start3A_91 : memref<20480x64xf32, #tpu.memory_space<hbm>>) target(%dma_start3A_85 : memref<80x64xf32, #tpu.memory_space<vmem>>) offsets(%dma_start3A_88 : memref<80xi32, #tpu.memory_space<vmem>>) semaphore(%dma_start3A_93 : memref<!tpu.dma_semaphore, #tpu.memory_space<semaphore_mem>>)
      %dma_start3A_94 = arith.constant 4 : i32
      %dma_start3A_95 = arith.constant 4 : i32
      %dma_start3A_96 = arith.constant 4 : i32
      %dma_start3A_97 = arith.constant 0 : i32
      %dma_start3A_98 = arith.constant 0 : i32
      %dma_start3A_99 = tpu.memref_slice %arg9[%dma_start3A_95, %dma_start3A_97, %dma_start3A_98] : memref<10x80x64xf32, #tpu.memory_space<vmem>> -> memref<1x80x64xf32, #tpu.memory_space<vmem>>
      %dma_start3A_100 = tpu.memref_squeeze %dma_start3A_99 : memref<1x80x64xf32, #tpu.memory_space<vmem>> -> memref<80x64xf32, #tpu.memory_space<vmem>>
      %dma_start3A_101 = arith.constant 0 : i32
      %dma_start3A_102 = tpu.memref_slice %arg7[%dma_start3A_94, %dma_start3A_101] : memref<10x80xi32, #tpu.memory_space<vmem>> -> memref<1x80xi32, #tpu.memory_space<vmem>>
      %dma_start3A_103 = tpu.memref_squeeze %dma_start3A_102 : memref<1x80xi32, #tpu.memory_space<vmem>> -> memref<80xi32, #tpu.memory_space<vmem>>
      %dma_start3A_104 = arith.constant 0 : i32
      %dma_start3A_105 = arith.constant 0 : i32
      %dma_start3A_106 = tpu.memref_slice %arg2[%dma_start3A_104, %dma_start3A_105] : memref<20480x64xf32, #tpu.memory_space<hbm>> -> memref<20480x64xf32, #tpu.memory_space<hbm>>
      %dma_start3A_107 = tpu.memref_slice %arg12[%dma_start3A_96] : memref<10x!tpu.dma_semaphore, #tpu.memory_space<semaphore_mem>> -> memref<1x!tpu.dma_semaphore, #tpu.memory_space<semaphore_mem>>
      %dma_start3A_108 = tpu.memref_squeeze %dma_start3A_107 : memref<1x!tpu.dma_semaphore, #tpu.memory_space<semaphore_mem>> -> memref<!tpu.dma_semaphore, #tpu.memory_space<semaphore_mem>>
      tpu.enqueue_indirect_dma source(%dma_start3A_106 : memref<20480x64xf32, #tpu.memory_space<hbm>>) target(%dma_start3A_100 : memref<80x64xf32, #tpu.memory_space<vmem>>) offsets(%dma_start3A_103 : memref<80xi32, #tpu.memory_space<vmem>>) semaphore(%dma_start3A_108 : memref<!tpu.dma_semaphore, #tpu.memory_space<semaphore_mem>>)
      %dma_start3A_109 = arith.constant 5 : i32
      %dma_start3A_110 = arith.constant 5 : i32
      %dma_start3A_111 = arith.constant 5 : i32
      %dma_start3A_112 = arith.constant 0 : i32
      %dma_start3A_113 = arith.constant 0 : i32
      %dma_start3A_114 = tpu.memref_slice %arg9[%dma_start3A_110, %dma_start3A_112, %dma_start3A_113] : memref<10x80x64xf32, #tpu.memory_space<vmem>> -> memref<1x80x64xf32, #tpu.memory_space<vmem>>
      %dma_start3A_115 = tpu.memref_squeeze %dma_start3A_114 : memref<1x80x64xf32, #tpu.memory_space<vmem>> -> memref<80x64xf32, #tpu.memory_space<vmem>>
      %dma_start3A_116 = arith.constant 0 : i32
      %dma_start3A_117 = tpu.memref_slice %arg7[%dma_start3A_109, %dma_start3A_116] : memref<10x80xi32, #tpu.memory_space<vmem>> -> memref<1x80xi32, #tpu.memory_space<vmem>>
      %dma_start3A_118 = tpu.memref_squeeze %dma_start3A_117 : memref<1x80xi32, #tpu.memory_space<vmem>> -> memref<80xi32, #tpu.memory_space<vmem>>
      %dma_start3A_119 = arith.constant 0 : i32
      %dma_start3A_120 = arith.constant 0 : i32
      %dma_start3A_121 = tpu.memref_slice %arg2[%dma_start3A_119, %dma_start3A_120] : memref<20480x64xf32, #tpu.memory_space<hbm>> -> memref<20480x64xf32, #tpu.memory_space<hbm>>
      %dma_start3A_122 = tpu.memref_slice %arg12[%dma_start3A_111] : memref<10x!tpu.dma_semaphore, #tpu.memory_space<semaphore_mem>> -> memref<1x!tpu.dma_semaphore, #tpu.memory_space<semaphore_mem>>
      %dma_start3A_123 = tpu.memref_squeeze %dma_start3A_122 : memref<1x!tpu.dma_semaphore, #tpu.memory_space<semaphore_mem>> -> memref<!tpu.dma_semaphore, #tpu.memory_space<semaphore_mem>>
      tpu.enqueue_indirect_dma source(%dma_start3A_121 : memref<20480x64xf32, #tpu.memory_space<hbm>>) target(%dma_start3A_115 : memref<80x64xf32, #tpu.memory_space<vmem>>) offsets(%dma_start3A_118 : memref<80xi32, #tpu.memory_space<vmem>>) semaphore(%dma_start3A_123 : memref<!tpu.dma_semaphore, #tpu.memory_space<semaphore_mem>>)
      %dma_start3A_124 = arith.constant 6 : i32
      %dma_start3A_125 = arith.constant 6 : i32
      %dma_start3A_126 = arith.constant 6 : i32
      %dma_start3A_127 = arith.constant 0 : i32
      %dma_start3A_128 = arith.constant 0 : i32
      %dma_start3A_129 = tpu.memref_slice %arg9[%dma_start3A_125, %dma_start3A_127, %dma_start3A_128] : memref<10x80x64xf32, #tpu.memory_space<vmem>> -> memref<1x80x64xf32, #tpu.memory_space<vmem>>
      %dma_start3A_130 = tpu.memref_squeeze %dma_start3A_129 : memref<1x80x64xf32, #tpu.memory_space<vmem>> -> memref<80x64xf32, #tpu.memory_space<vmem>>
      %dma_start3A_131 = arith.constant 0 : i32
      %dma_start3A_132 = tpu.memref_slice %arg7[%dma_start3A_124, %dma_start3A_131] : memref<10x80xi32, #tpu.memory_space<vmem>> -> memref<1x80xi32, #tpu.memory_space<vmem>>
      %dma_start3A_133 = tpu.memref_squeeze %dma_start3A_132 : memref<1x80xi32, #tpu.memory_space<vmem>> -> memref<80xi32, #tpu.memory_space<vmem>>
      %dma_start3A_134 = arith.constant 0 : i32
      %dma_start3A_135 = arith.constant 0 : i32
      %dma_start3A_136 = tpu.memref_slice %arg2[%dma_start3A_134, %dma_start3A_135] : memref<20480x64xf32, #tpu.memory_space<hbm>> -> memref<20480x64xf32, #tpu.memory_space<hbm>>
      %dma_start3A_137 = tpu.memref_slice %arg12[%dma_start3A_126] : memref<10x!tpu.dma_semaphore, #tpu.memory_space<semaphore_mem>> -> memref<1x!tpu.dma_semaphore, #tpu.memory_space<semaphore_mem>>
      %dma_start3A_138 = tpu.memref_squeeze %dma_start3A_137 : memref<1x!tpu.dma_semaphore, #tpu.memory_space<semaphore_mem>> -> memref<!tpu.dma_semaphore, #tpu.memory_space<semaphore_mem>>
      tpu.enqueue_indirect_dma source(%dma_start3A_136 : memref<20480x64xf32, #tpu.memory_space<hbm>>) target(%dma_start3A_130 : memref<80x64xf32, #tpu.memory_space<vmem>>) offsets(%dma_start3A_133 : memref<80xi32, #tpu.memory_space<vmem>>) semaphore(%dma_start3A_138 : memref<!tpu.dma_semaphore, #tpu.memory_space<semaphore_mem>>)
      %dma_start3A_139 = arith.constant 7 : i32
      %dma_start3A_140 = arith.constant 7 : i32
      %dma_start3A_141 = arith.constant 7 : i32
      %dma_start3A_142 = arith.constant 0 : i32
      %dma_start3A_143 = arith.constant 0 : i32
      %dma_start3A_144 = tpu.memref_slice %arg9[%dma_start3A_140, %dma_start3A_142, %dma_start3A_143] : memref<10x80x64xf32, #tpu.memory_space<vmem>> -> memref<1x80x64xf32, #tpu.memory_space<vmem>>
      %dma_start3A_145 = tpu.memref_squeeze %dma_start3A_144 : memref<1x80x64xf32, #tpu.memory_space<vmem>> -> memref<80x64xf32, #tpu.memory_space<vmem>>
      %dma_start3A_146 = arith.constant 0 : i32
      %dma_start3A_147 = tpu.memref_slice %arg7[%dma_start3A_139, %dma_start3A_146] : memref<10x80xi32, #tpu.memory_space<vmem>> -> memref<1x80xi32, #tpu.memory_space<vmem>>
      %dma_start3A_148 = tpu.memref_squeeze %dma_start3A_147 : memref<1x80xi32, #tpu.memory_space<vmem>> -> memref<80xi32, #tpu.memory_space<vmem>>
      %dma_start3A_149 = arith.constant 0 : i32
      %dma_start3A_150 = arith.constant 0 : i32
      %dma_start3A_151 = tpu.memref_slice %arg2[%dma_start3A_149, %dma_start3A_150] : memref<20480x64xf32, #tpu.memory_space<hbm>> -> memref<20480x64xf32, #tpu.memory_space<hbm>>
      %dma_start3A_152 = tpu.memref_slice %arg12[%dma_start3A_141] : memref<10x!tpu.dma_semaphore, #tpu.memory_space<semaphore_mem>> -> memref<1x!tpu.dma_semaphore, #tpu.memory_space<semaphore_mem>>
      %dma_start3A_153 = tpu.memref_squeeze %dma_start3A_152 : memref<1x!tpu.dma_semaphore, #tpu.memory_space<semaphore_mem>> -> memref<!tpu.dma_semaphore, #tpu.memory_space<semaphore_mem>>
      tpu.enqueue_indirect_dma source(%dma_start3A_151 : memref<20480x64xf32, #tpu.memory_space<hbm>>) target(%dma_start3A_145 : memref<80x64xf32, #tpu.memory_space<vmem>>) offsets(%dma_start3A_148 : memref<80xi32, #tpu.memory_space<vmem>>) semaphore(%dma_start3A_153 : memref<!tpu.dma_semaphore, #tpu.memory_space<semaphore_mem>>)
      %dma_start3A_154 = arith.constant 8 : i32
      %dma_start3A_155 = arith.constant 8 : i32
      %dma_start3A_156 = arith.constant 8 : i32
      %dma_start3A_157 = arith.constant 0 : i32
      %dma_start3A_158 = arith.constant 0 : i32
      %dma_start3A_159 = tpu.memref_slice %arg9[%dma_start3A_155, %dma_start3A_157, %dma_start3A_158] : memref<10x80x64xf32, #tpu.memory_space<vmem>> -> memref<1x80x64xf32, #tpu.memory_space<vmem>>
      %dma_start3A_160 = tpu.memref_squeeze %dma_start3A_159 : memref<1x80x64xf32, #tpu.memory_space<vmem>> -> memref<80x64xf32, #tpu.memory_space<vmem>>
      %dma_start3A_161 = arith.constant 0 : i32
      %dma_start3A_162 = tpu.memref_slice %arg7[%dma_start3A_154, %dma_start3A_161] : memref<10x80xi32, #tpu.memory_space<vmem>> -> memref<1x80xi32, #tpu.memory_space<vmem>>
      %dma_start3A_163 = tpu.memref_squeeze %dma_start3A_162 : memref<1x80xi32, #tpu.memory_space<vmem>> -> memref<80xi32, #tpu.memory_space<vmem>>
      %dma_start3A_164 = arith.constant 0 : i32
      %dma_start3A_165 = arith.constant 0 : i32
      %dma_start3A_166 = tpu.memref_slice %arg2[%dma_start3A_164, %dma_start3A_165] : memref<20480x64xf32, #tpu.memory_space<hbm>> -> memref<20480x64xf32, #tpu.memory_space<hbm>>
      %dma_start3A_167 = tpu.memref_slice %arg12[%dma_start3A_156] : memref<10x!tpu.dma_semaphore, #tpu.memory_space<semaphore_mem>> -> memref<1x!tpu.dma_semaphore, #tpu.memory_space<semaphore_mem>>
      %dma_start3A_168 = tpu.memref_squeeze %dma_start3A_167 : memref<1x!tpu.dma_semaphore, #tpu.memory_space<semaphore_mem>> -> memref<!tpu.dma_semaphore, #tpu.memory_space<semaphore_mem>>
      tpu.enqueue_indirect_dma source(%dma_start3A_166 : memref<20480x64xf32, #tpu.memory_space<hbm>>) target(%dma_start3A_160 : memref<80x64xf32, #tpu.memory_space<vmem>>) offsets(%dma_start3A_163 : memref<80xi32, #tpu.memory_space<vmem>>) semaphore(%dma_start3A_168 : memref<!tpu.dma_semaphore, #tpu.memory_space<semaphore_mem>>)
      %dma_start3A_169 = arith.constant 9 : i32
      %dma_start3A_170 = arith.constant 9 : i32
      %dma_start3A_171 = arith.constant 9 : i32
      %dma_start3A_172 = arith.constant 0 : i32
      %dma_start3A_173 = arith.constant 0 : i32
      %dma_start3A_174 = tpu.memref_slice %arg9[%dma_start3A_170, %dma_start3A_172, %dma_start3A_173] : memref<10x80x64xf32, #tpu.memory_space<vmem>> -> memref<1x80x64xf32, #tpu.memory_space<vmem>>
      %dma_start3A_175 = tpu.memref_squeeze %dma_start3A_174 : memref<1x80x64xf32, #tpu.memory_space<vmem>> -> memref<80x64xf32, #tpu.memory_space<vmem>>
      %dma_start3A_176 = arith.constant 0 : i32
      %dma_start3A_177 = tpu.memref_slice %arg7[%dma_start3A_169, %dma_start3A_176] : memref<10x80xi32, #tpu.memory_space<vmem>> -> memref<1x80xi32, #tpu.memory_space<vmem>>
      %dma_start3A_178 = tpu.memref_squeeze %dma_start3A_177 : memref<1x80xi32, #tpu.memory_space<vmem>> -> memref<80xi32, #tpu.memory_space<vmem>>
      %dma_start3A_179 = arith.constant 0 : i32
      %dma_start3A_180 = arith.constant 0 : i32
      %dma_start3A_181 = tpu.memref_slice %arg2[%dma_start3A_179, %dma_start3A_180] : memref<20480x64xf32, #tpu.memory_space<hbm>> -> memref<20480x64xf32, #tpu.memory_space<hbm>>
      %dma_start3A_182 = tpu.memref_slice %arg12[%dma_start3A_171] : memref<10x!tpu.dma_semaphore, #tpu.memory_space<semaphore_mem>> -> memref<1x!tpu.dma_semaphore, #tpu.memory_space<semaphore_mem>>
      %dma_start3A_183 = tpu.memref_squeeze %dma_start3A_182 : memref<1x!tpu.dma_semaphore, #tpu.memory_space<semaphore_mem>> -> memref<!tpu.dma_semaphore, #tpu.memory_space<semaphore_mem>>
      tpu.enqueue_indirect_dma source(%dma_start3A_181 : memref<20480x64xf32, #tpu.memory_space<hbm>>) target(%dma_start3A_175 : memref<80x64xf32, #tpu.memory_space<vmem>>) offsets(%dma_start3A_178 : memref<80xi32, #tpu.memory_space<vmem>>) semaphore(%dma_start3A_183 : memref<!tpu.dma_semaphore, #tpu.memory_space<semaphore_mem>>)
      %dma_wait3A_184 = arith.constant 0 : i32
      %dma_wait3A_185 = arith.constant 0 : i32
      %dma_wait3A_186 = arith.constant 0 : i32
      %dma_wait3A_187 = arith.constant 0 : i32
      %dma_wait3A_188 = arith.constant 0 : i32
      %dma_wait3A_189 = tpu.memref_slice %arg9[%dma_wait3A_185, %dma_wait3A_187, %dma_wait3A_188] : memref<10x80x64xf32, #tpu.memory_space<vmem>> -> memref<1x80x64xf32, #tpu.memory_space<vmem>>
      %dma_wait3A_190 = tpu.memref_squeeze %dma_wait3A_189 : memref<1x80x64xf32, #tpu.memory_space<vmem>> -> memref<80x64xf32, #tpu.memory_space<vmem>>
      %dma_wait3A_191 = arith.constant 0 : i32
      %dma_wait3A_192 = tpu.memref_slice %arg7[%dma_wait3A_184, %dma_wait3A_191] : memref<10x80xi32, #tpu.memory_space<vmem>> -> memref<1x80xi32, #tpu.memory_space<vmem>>
      %dma_wait3A_193 = tpu.memref_squeeze %dma_wait3A_192 : memref<1x80xi32, #tpu.memory_space<vmem>> -> memref<80xi32, #tpu.memory_space<vmem>>
      %dma_wait3A_194 = arith.constant 0 : i32
      %dma_wait3A_195 = arith.constant 0 : i32
      %dma_wait3A_196 = tpu.memref_slice %arg2[%dma_wait3A_194, %dma_wait3A_195] : memref<20480x64xf32, #tpu.memory_space<hbm>> -> memref<20480x64xf32, #tpu.memory_space<hbm>>
      %dma_wait3A_197 = tpu.memref_slice %arg12[%dma_wait3A_186] : memref<10x!tpu.dma_semaphore, #tpu.memory_space<semaphore_mem>> -> memref<1x!tpu.dma_semaphore, #tpu.memory_space<semaphore_mem>>
      %dma_wait3A_198 = tpu.memref_squeeze %dma_wait3A_197 : memref<1x!tpu.dma_semaphore, #tpu.memory_space<semaphore_mem>> -> memref<!tpu.dma_semaphore, #tpu.memory_space<semaphore_mem>>
      tpu.wait_indirect_dma semaphore(%dma_wait3A_198 : memref<!tpu.dma_semaphore, #tpu.memory_space<semaphore_mem>>) src(%dma_wait3A_196 : memref<20480x64xf32, #tpu.memory_space<hbm>>) dst(%dma_wait3A_190 : memref<80x64xf32, #tpu.memory_space<vmem>>)
      %dma_start3A_199 = arith.constant 0 : i32
      %dma_start3A_200 = arith.constant 0 : i32
      %dma_start3A_201 = arith.constant 0 : i32
      %dma_start3A_202 = arith.constant 0 : i32
      %dma_start3A_203 = arith.constant 0 : i32
      %dma_start3A_204 = tpu.memref_slice %arg9[%dma_start3A_199, %dma_start3A_202, %dma_start3A_203] : memref<10x80x64xf32, #tpu.memory_space<vmem>> -> memref<1x80x64xf32, #tpu.memory_space<vmem>>
      %dma_start3A_205 = tpu.memref_squeeze %dma_start3A_204 : memref<1x80x64xf32, #tpu.memory_space<vmem>> -> memref<80x64xf32, #tpu.memory_space<vmem>>
      %dma_start3A_206 = arith.constant 0 : i32
      %dma_start3A_207 = tpu.memref_slice %arg8[%dma_start3A_200, %dma_start3A_206] : memref<10x80xi32, #tpu.memory_space<vmem>> -> memref<1x80xi32, #tpu.memory_space<vmem>>
      %dma_start3A_208 = tpu.memref_squeeze %dma_start3A_207 : memref<1x80xi32, #tpu.memory_space<vmem>> -> memref<80xi32, #tpu.memory_space<vmem>>
      %dma_start3A_209 = arith.constant 0 : i32
      %dma_start3A_210 = arith.constant 0 : i32
      %dma_start3A_211 = tpu.memref_slice %arg10[%dma_start3A_209, %dma_start3A_210] : memref<10240x64xf32, #tpu.memory_space<vmem_shared>> -> memref<10240x64xf32, #tpu.memory_space<vmem_shared>>
      %dma_start3A_212 = tpu.memref_slice %arg13[%dma_start3A_201] : memref<10x!tpu.dma_semaphore, #tpu.memory_space<semaphore_mem>> -> memref<1x!tpu.dma_semaphore, #tpu.memory_space<semaphore_mem>>
      %dma_start3A_213 = tpu.memref_squeeze %dma_start3A_212 : memref<1x!tpu.dma_semaphore, #tpu.memory_space<semaphore_mem>> -> memref<!tpu.dma_semaphore, #tpu.memory_space<semaphore_mem>>
      tpu.enqueue_indirect_dma source(%dma_start3A_205 : memref<80x64xf32, #tpu.memory_space<vmem>>) target(%dma_start3A_211 : memref<10240x64xf32, #tpu.memory_space<vmem_shared>>) offsets(%dma_start3A_208 : memref<80xi32, #tpu.memory_space<vmem>>) semaphore(%dma_start3A_213 : memref<!tpu.dma_semaphore, #tpu.memory_space<semaphore_mem>>) {add = true}
      %dma_wait3A_214 = arith.constant 1 : i32
      %dma_wait3A_215 = arith.constant 1 : i32
      %dma_wait3A_216 = arith.constant 1 : i32
      %dma_wait3A_217 = arith.constant 0 : i32
      %dma_wait3A_218 = arith.constant 0 : i32
      %dma_wait3A_219 = tpu.memref_slice %arg9[%dma_wait3A_215, %dma_wait3A_217, %dma_wait3A_218] : memref<10x80x64xf32, #tpu.memory_space<vmem>> -> memref<1x80x64xf32, #tpu.memory_space<vmem>>
      %dma_wait3A_220 = tpu.memref_squeeze %dma_wait3A_219 : memref<1x80x64xf32, #tpu.memory_space<vmem>> -> memref<80x64xf32, #tpu.memory_space<vmem>>
      %dma_wait3A_221 = arith.constant 0 : i32
      %dma_wait3A_222 = tpu.memref_slice %arg7[%dma_wait3A_214, %dma_wait3A_221] : memref<10x80xi32, #tpu.memory_space<vmem>> -> memref<1x80xi32, #tpu.memory_space<vmem>>
      %dma_wait3A_223 = tpu.memref_squeeze %dma_wait3A_222 : memref<1x80xi32, #tpu.memory_space<vmem>> -> memref<80xi32, #tpu.memory_space<vmem>>
      %dma_wait3A_224 = arith.constant 0 : i32
      %dma_wait3A_225 = arith.constant 0 : i32
      %dma_wait3A_226 = tpu.memref_slice %arg2[%dma_wait3A_224, %dma_wait3A_225] : memref<20480x64xf32, #tpu.memory_space<hbm>> -> memref<20480x64xf32, #tpu.memory_space<hbm>>
      %dma_wait3A_227 = tpu.memref_slice %arg12[%dma_wait3A_216] : memref<10x!tpu.dma_semaphore, #tpu.memory_space<semaphore_mem>> -> memref<1x!tpu.dma_semaphore, #tpu.memory_space<semaphore_mem>>
      %dma_wait3A_228 = tpu.memref_squeeze %dma_wait3A_227 : memref<1x!tpu.dma_semaphore, #tpu.memory_space<semaphore_mem>> -> memref<!tpu.dma_semaphore, #tpu.memory_space<semaphore_mem>>
      tpu.wait_indirect_dma semaphore(%dma_wait3A_228 : memref<!tpu.dma_semaphore, #tpu.memory_space<semaphore_mem>>) src(%dma_wait3A_226 : memref<20480x64xf32, #tpu.memory_space<hbm>>) dst(%dma_wait3A_220 : memref<80x64xf32, #tpu.memory_space<vmem>>)
      %dma_start3A_229 = arith.constant 1 : i32
      %dma_start3A_230 = arith.constant 1 : i32
      %dma_start3A_231 = arith.constant 1 : i32
      %dma_start3A_232 = arith.constant 0 : i32
      %dma_start3A_233 = arith.constant 0 : i32
      %dma_start3A_234 = tpu.memref_slice %arg9[%dma_start3A_229, %dma_start3A_232, %dma_start3A_233] : memref<10x80x64xf32, #tpu.memory_space<vmem>> -> memref<1x80x64xf32, #tpu.memory_space<vmem>>
      %dma_start3A_235 = tpu.memref_squeeze %dma_start3A_234 : memref<1x80x64xf32, #tpu.memory_space<vmem>> -> memref<80x64xf32, #tpu.memory_space<vmem>>
      %dma_start3A_236 = arith.constant 0 : i32
      %dma_start3A_237 = tpu.memref_slice %arg8[%dma_start3A_230, %dma_start3A_236] : memref<10x80xi32, #tpu.memory_space<vmem>> -> memref<1x80xi32, #tpu.memory_space<vmem>>
      %dma_start3A_238 = tpu.memref_squeeze %dma_start3A_237 : memref<1x80xi32, #tpu.memory_space<vmem>> -> memref<80xi32, #tpu.memory_space<vmem>>
      %dma_start3A_239 = arith.constant 0 : i32
      %dma_start3A_240 = arith.constant 0 : i32
      %dma_start3A_241 = tpu.memref_slice %arg10[%dma_start3A_239, %dma_start3A_240] : memref<10240x64xf32, #tpu.memory_space<vmem_shared>> -> memref<10240x64xf32, #tpu.memory_space<vmem_shared>>
      %dma_start3A_242 = tpu.memref_slice %arg13[%dma_start3A_231] : memref<10x!tpu.dma_semaphore, #tpu.memory_space<semaphore_mem>> -> memref<1x!tpu.dma_semaphore, #tpu.memory_space<semaphore_mem>>
      %dma_start3A_243 = tpu.memref_squeeze %dma_start3A_242 : memref<1x!tpu.dma_semaphore, #tpu.memory_space<semaphore_mem>> -> memref<!tpu.dma_semaphore, #tpu.memory_space<semaphore_mem>>
      tpu.enqueue_indirect_dma source(%dma_start3A_235 : memref<80x64xf32, #tpu.memory_space<vmem>>) target(%dma_start3A_241 : memref<10240x64xf32, #tpu.memory_space<vmem_shared>>) offsets(%dma_start3A_238 : memref<80xi32, #tpu.memory_space<vmem>>) semaphore(%dma_start3A_243 : memref<!tpu.dma_semaphore, #tpu.memory_space<semaphore_mem>>) {add = true}
      %dma_wait3A_244 = arith.constant 2 : i32
      %dma_wait3A_245 = arith.constant 2 : i32
      %dma_wait3A_246 = arith.constant 2 : i32
      %dma_wait3A_247 = arith.constant 0 : i32
      %dma_wait3A_248 = arith.constant 0 : i32
      %dma_wait3A_249 = tpu.memref_slice %arg9[%dma_wait3A_245, %dma_wait3A_247, %dma_wait3A_248] : memref<10x80x64xf32, #tpu.memory_space<vmem>> -> memref<1x80x64xf32, #tpu.memory_space<vmem>>
      %dma_wait3A_250 = tpu.memref_squeeze %dma_wait3A_249 : memref<1x80x64xf32, #tpu.memory_space<vmem>> -> memref<80x64xf32, #tpu.memory_space<vmem>>
      %dma_wait3A_251 = arith.constant 0 : i32
      %dma_wait3A_252 = tpu.memref_slice %arg7[%dma_wait3A_244, %dma_wait3A_251] : memref<10x80xi32, #tpu.memory_space<vmem>> -> memref<1x80xi32, #tpu.memory_space<vmem>>
      %dma_wait3A_253 = tpu.memref_squeeze %dma_wait3A_252 : memref<1x80xi32, #tpu.memory_space<vmem>> -> memref<80xi32, #tpu.memory_space<vmem>>
      %dma_wait3A_254 = arith.constant 0 : i32
      %dma_wait3A_255 = arith.constant 0 : i32
      %dma_wait3A_256 = tpu.memref_slice %arg2[%dma_wait3A_254, %dma_wait3A_255] : memref<20480x64xf32, #tpu.memory_space<hbm>> -> memref<20480x64xf32, #tpu.memory_space<hbm>>
      %dma_wait3A_257 = tpu.memref_slice %arg12[%dma_wait3A_246] : memref<10x!tpu.dma_semaphore, #tpu.memory_space<semaphore_mem>> -> memref<1x!tpu.dma_semaphore, #tpu.memory_space<semaphore_mem>>
      %dma_wait3A_258 = tpu.memref_squeeze %dma_wait3A_257 : memref<1x!tpu.dma_semaphore, #tpu.memory_space<semaphore_mem>> -> memref<!tpu.dma_semaphore, #tpu.memory_space<semaphore_mem>>
      tpu.wait_indirect_dma semaphore(%dma_wait3A_258 : memref<!tpu.dma_semaphore, #tpu.memory_space<semaphore_mem>>) src(%dma_wait3A_256 : memref<20480x64xf32, #tpu.memory_space<hbm>>) dst(%dma_wait3A_250 : memref<80x64xf32, #tpu.memory_space<vmem>>)
      %dma_start3A_259 = arith.constant 2 : i32
      %dma_start3A_260 = arith.constant 2 : i32
      %dma_start3A_261 = arith.constant 2 : i32
      %dma_start3A_262 = arith.constant 0 : i32
      %dma_start3A_263 = arith.constant 0 : i32
      %dma_start3A_264 = tpu.memref_slice %arg9[%dma_start3A_259, %dma_start3A_262, %dma_start3A_263] : memref<10x80x64xf32, #tpu.memory_space<vmem>> -> memref<1x80x64xf32, #tpu.memory_space<vmem>>
      %dma_start3A_265 = tpu.memref_squeeze %dma_start3A_264 : memref<1x80x64xf32, #tpu.memory_space<vmem>> -> memref<80x64xf32, #tpu.memory_space<vmem>>
      %dma_start3A_266 = arith.constant 0 : i32
      %dma_start3A_267 = tpu.memref_slice %arg8[%dma_start3A_260, %dma_start3A_266] : memref<10x80xi32, #tpu.memory_space<vmem>> -> memref<1x80xi32, #tpu.memory_space<vmem>>
      %dma_start3A_268 = tpu.memref_squeeze %dma_start3A_267 : memref<1x80xi32, #tpu.memory_space<vmem>> -> memref<80xi32, #tpu.memory_space<vmem>>
      %dma_start3A_269 = arith.constant 0 : i32
      %dma_start3A_270 = arith.constant 0 : i32
      %dma_start3A_271 = tpu.memref_slice %arg10[%dma_start3A_269, %dma_start3A_270] : memref<10240x64xf32, #tpu.memory_space<vmem_shared>> -> memref<10240x64xf32, #tpu.memory_space<vmem_shared>>
      %dma_start3A_272 = tpu.memref_slice %arg13[%dma_start3A_261] : memref<10x!tpu.dma_semaphore, #tpu.memory_space<semaphore_mem>> -> memref<1x!tpu.dma_semaphore, #tpu.memory_space<semaphore_mem>>
      %dma_start3A_273 = tpu.memref_squeeze %dma_start3A_272 : memref<1x!tpu.dma_semaphore, #tpu.memory_space<semaphore_mem>> -> memref<!tpu.dma_semaphore, #tpu.memory_space<semaphore_mem>>
      tpu.enqueue_indirect_dma source(%dma_start3A_265 : memref<80x64xf32, #tpu.memory_space<vmem>>) target(%dma_start3A_271 : memref<10240x64xf32, #tpu.memory_space<vmem_shared>>) offsets(%dma_start3A_268 : memref<80xi32, #tpu.memory_space<vmem>>) semaphore(%dma_start3A_273 : memref<!tpu.dma_semaphore, #tpu.memory_space<semaphore_mem>>) {add = true}
      %dma_wait3A_274 = arith.constant 3 : i32
      %dma_wait3A_275 = arith.constant 3 : i32
      %dma_wait3A_276 = arith.constant 3 : i32
      %dma_wait3A_277 = arith.constant 0 : i32
      %dma_wait3A_278 = arith.constant 0 : i32
      %dma_wait3A_279 = tpu.memref_slice %arg9[%dma_wait3A_275, %dma_wait3A_277, %dma_wait3A_278] : memref<10x80x64xf32, #tpu.memory_space<vmem>> -> memref<1x80x64xf32, #tpu.memory_space<vmem>>
      %dma_wait3A_280 = tpu.memref_squeeze %dma_wait3A_279 : memref<1x80x64xf32, #tpu.memory_space<vmem>> -> memref<80x64xf32, #tpu.memory_space<vmem>>
      %dma_wait3A_281 = arith.constant 0 : i32
      %dma_wait3A_282 = tpu.memref_slice %arg7[%dma_wait3A_274, %dma_wait3A_281] : memref<10x80xi32, #tpu.memory_space<vmem>> -> memref<1x80xi32, #tpu.memory_space<vmem>>
      %dma_wait3A_283 = tpu.memref_squeeze %dma_wait3A_282 : memref<1x80xi32, #tpu.memory_space<vmem>> -> memref<80xi32, #tpu.memory_space<vmem>>
      %dma_wait3A_284 = arith.constant 0 : i32
      %dma_wait3A_285 = arith.constant 0 : i32
      %dma_wait3A_286 = tpu.memref_slice %arg2[%dma_wait3A_284, %dma_wait3A_285] : memref<20480x64xf32, #tpu.memory_space<hbm>> -> memref<20480x64xf32, #tpu.memory_space<hbm>>
      %dma_wait3A_287 = tpu.memref_slice %arg12[%dma_wait3A_276] : memref<10x!tpu.dma_semaphore, #tpu.memory_space<semaphore_mem>> -> memref<1x!tpu.dma_semaphore, #tpu.memory_space<semaphore_mem>>
      %dma_wait3A_288 = tpu.memref_squeeze %dma_wait3A_287 : memref<1x!tpu.dma_semaphore, #tpu.memory_space<semaphore_mem>> -> memref<!tpu.dma_semaphore, #tpu.memory_space<semaphore_mem>>
      tpu.wait_indirect_dma semaphore(%dma_wait3A_288 : memref<!tpu.dma_semaphore, #tpu.memory_space<semaphore_mem>>) src(%dma_wait3A_286 : memref<20480x64xf32, #tpu.memory_space<hbm>>) dst(%dma_wait3A_280 : memref<80x64xf32, #tpu.memory_space<vmem>>)
      %dma_start3A_289 = arith.constant 3 : i32
      %dma_start3A_290 = arith.constant 3 : i32
      %dma_start3A_291 = arith.constant 3 : i32
      %dma_start3A_292 = arith.constant 0 : i32
      %dma_start3A_293 = arith.constant 0 : i32
      %dma_start3A_294 = tpu.memref_slice %arg9[%dma_start3A_289, %dma_start3A_292, %dma_start3A_293] : memref<10x80x64xf32, #tpu.memory_space<vmem>> -> memref<1x80x64xf32, #tpu.memory_space<vmem>>
      %dma_start3A_295 = tpu.memref_squeeze %dma_start3A_294 : memref<1x80x64xf32, #tpu.memory_space<vmem>> -> memref<80x64xf32, #tpu.memory_space<vmem>>
      %dma_start3A_296 = arith.constant 0 : i32
      %dma_start3A_297 = tpu.memref_slice %arg8[%dma_start3A_290, %dma_start3A_296] : memref<10x80xi32, #tpu.memory_space<vmem>> -> memref<1x80xi32, #tpu.memory_space<vmem>>
      %dma_start3A_298 = tpu.memref_squeeze %dma_start3A_297 : memref<1x80xi32, #tpu.memory_space<vmem>> -> memref<80xi32, #tpu.memory_space<vmem>>
      %dma_start3A_299 = arith.constant 0 : i32
      %dma_start3A_300 = arith.constant 0 : i32
      %dma_start3A_301 = tpu.memref_slice %arg10[%dma_start3A_299, %dma_start3A_300] : memref<10240x64xf32, #tpu.memory_space<vmem_shared>> -> memref<10240x64xf32, #tpu.memory_space<vmem_shared>>
      %dma_start3A_302 = tpu.memref_slice %arg13[%dma_start3A_291] : memref<10x!tpu.dma_semaphore, #tpu.memory_space<semaphore_mem>> -> memref<1x!tpu.dma_semaphore, #tpu.memory_space<semaphore_mem>>
      %dma_start3A_303 = tpu.memref_squeeze %dma_start3A_302 : memref<1x!tpu.dma_semaphore, #tpu.memory_space<semaphore_mem>> -> memref<!tpu.dma_semaphore, #tpu.memory_space<semaphore_mem>>
      tpu.enqueue_indirect_dma source(%dma_start3A_295 : memref<80x64xf32, #tpu.memory_space<vmem>>) target(%dma_start3A_301 : memref<10240x64xf32, #tpu.memory_space<vmem_shared>>) offsets(%dma_start3A_298 : memref<80xi32, #tpu.memory_space<vmem>>) semaphore(%dma_start3A_303 : memref<!tpu.dma_semaphore, #tpu.memory_space<semaphore_mem>>) {add = true}
      %dma_wait3A_304 = arith.constant 4 : i32
      %dma_wait3A_305 = arith.constant 4 : i32
      %dma_wait3A_306 = arith.constant 4 : i32
      %dma_wait3A_307 = arith.constant 0 : i32
      %dma_wait3A_308 = arith.constant 0 : i32
      %dma_wait3A_309 = tpu.memref_slice %arg9[%dma_wait3A_305, %dma_wait3A_307, %dma_wait3A_308] : memref<10x80x64xf32, #tpu.memory_space<vmem>> -> memref<1x80x64xf32, #tpu.memory_space<vmem>>
      %dma_wait3A_310 = tpu.memref_squeeze %dma_wait3A_309 : memref<1x80x64xf32, #tpu.memory_space<vmem>> -> memref<80x64xf32, #tpu.memory_space<vmem>>
      %dma_wait3A_311 = arith.constant 0 : i32
      %dma_wait3A_312 = tpu.memref_slice %arg7[%dma_wait3A_304, %dma_wait3A_311] : memref<10x80xi32, #tpu.memory_space<vmem>> -> memref<1x80xi32, #tpu.memory_space<vmem>>
      %dma_wait3A_313 = tpu.memref_squeeze %dma_wait3A_312 : memref<1x80xi32, #tpu.memory_space<vmem>> -> memref<80xi32, #tpu.memory_space<vmem>>
      %dma_wait3A_314 = arith.constant 0 : i32
      %dma_wait3A_315 = arith.constant 0 : i32
      %dma_wait3A_316 = tpu.memref_slice %arg2[%dma_wait3A_314, %dma_wait3A_315] : memref<20480x64xf32, #tpu.memory_space<hbm>> -> memref<20480x64xf32, #tpu.memory_space<hbm>>
      %dma_wait3A_317 = tpu.memref_slice %arg12[%dma_wait3A_306] : memref<10x!tpu.dma_semaphore, #tpu.memory_space<semaphore_mem>> -> memref<1x!tpu.dma_semaphore, #tpu.memory_space<semaphore_mem>>
      %dma_wait3A_318 = tpu.memref_squeeze %dma_wait3A_317 : memref<1x!tpu.dma_semaphore, #tpu.memory_space<semaphore_mem>> -> memref<!tpu.dma_semaphore, #tpu.memory_space<semaphore_mem>>
      tpu.wait_indirect_dma semaphore(%dma_wait3A_318 : memref<!tpu.dma_semaphore, #tpu.memory_space<semaphore_mem>>) src(%dma_wait3A_316 : memref<20480x64xf32, #tpu.memory_space<hbm>>) dst(%dma_wait3A_310 : memref<80x64xf32, #tpu.memory_space<vmem>>)
      %dma_start3A_319 = arith.constant 4 : i32
      %dma_start3A_320 = arith.constant 4 : i32
      %dma_start3A_321 = arith.constant 4 : i32
      %dma_start3A_322 = arith.constant 0 : i32
      %dma_start3A_323 = arith.constant 0 : i32
      %dma_start3A_324 = tpu.memref_slice %arg9[%dma_start3A_319, %dma_start3A_322, %dma_start3A_323] : memref<10x80x64xf32, #tpu.memory_space<vmem>> -> memref<1x80x64xf32, #tpu.memory_space<vmem>>
      %dma_start3A_325 = tpu.memref_squeeze %dma_start3A_324 : memref<1x80x64xf32, #tpu.memory_space<vmem>> -> memref<80x64xf32, #tpu.memory_space<vmem>>
      %dma_start3A_326 = arith.constant 0 : i32
      %dma_start3A_327 = tpu.memref_slice %arg8[%dma_start3A_320, %dma_start3A_326] : memref<10x80xi32, #tpu.memory_space<vmem>> -> memref<1x80xi32, #tpu.memory_space<vmem>>
      %dma_start3A_328 = tpu.memref_squeeze %dma_start3A_327 : memref<1x80xi32, #tpu.memory_space<vmem>> -> memref<80xi32, #tpu.memory_space<vmem>>
      %dma_start3A_329 = arith.constant 0 : i32
      %dma_start3A_330 = arith.constant 0 : i32
      %dma_start3A_331 = tpu.memref_slice %arg10[%dma_start3A_329, %dma_start3A_330] : memref<10240x64xf32, #tpu.memory_space<vmem_shared>> -> memref<10240x64xf32, #tpu.memory_space<vmem_shared>>
      %dma_start3A_332 = tpu.memref_slice %arg13[%dma_start3A_321] : memref<10x!tpu.dma_semaphore, #tpu.memory_space<semaphore_mem>> -> memref<1x!tpu.dma_semaphore, #tpu.memory_space<semaphore_mem>>
      %dma_start3A_333 = tpu.memref_squeeze %dma_start3A_332 : memref<1x!tpu.dma_semaphore, #tpu.memory_space<semaphore_mem>> -> memref<!tpu.dma_semaphore, #tpu.memory_space<semaphore_mem>>
      tpu.enqueue_indirect_dma source(%dma_start3A_325 : memref<80x64xf32, #tpu.memory_space<vmem>>) target(%dma_start3A_331 : memref<10240x64xf32, #tpu.memory_space<vmem_shared>>) offsets(%dma_start3A_328 : memref<80xi32, #tpu.memory_space<vmem>>) semaphore(%dma_start3A_333 : memref<!tpu.dma_semaphore, #tpu.memory_space<semaphore_mem>>) {add = true}
      %dma_wait3A_334 = arith.constant 5 : i32
      %dma_wait3A_335 = arith.constant 5 : i32
      %dma_wait3A_336 = arith.constant 5 : i32
      %dma_wait3A_337 = arith.constant 0 : i32
      %dma_wait3A_338 = arith.constant 0 : i32
      %dma_wait3A_339 = tpu.memref_slice %arg9[%dma_wait3A_335, %dma_wait3A_337, %dma_wait3A_338] : memref<10x80x64xf32, #tpu.memory_space<vmem>> -> memref<1x80x64xf32, #tpu.memory_space<vmem>>
      %dma_wait3A_340 = tpu.memref_squeeze %dma_wait3A_339 : memref<1x80x64xf32, #tpu.memory_space<vmem>> -> memref<80x64xf32, #tpu.memory_space<vmem>>
      %dma_wait3A_341 = arith.constant 0 : i32
      %dma_wait3A_342 = tpu.memref_slice %arg7[%dma_wait3A_334, %dma_wait3A_341] : memref<10x80xi32, #tpu.memory_space<vmem>> -> memref<1x80xi32, #tpu.memory_space<vmem>>
      %dma_wait3A_343 = tpu.memref_squeeze %dma_wait3A_342 : memref<1x80xi32, #tpu.memory_space<vmem>> -> memref<80xi32, #tpu.memory_space<vmem>>
      %dma_wait3A_344 = arith.constant 0 : i32
      %dma_wait3A_345 = arith.constant 0 : i32
      %dma_wait3A_346 = tpu.memref_slice %arg2[%dma_wait3A_344, %dma_wait3A_345] : memref<20480x64xf32, #tpu.memory_space<hbm>> -> memref<20480x64xf32, #tpu.memory_space<hbm>>
      %dma_wait3A_347 = tpu.memref_slice %arg12[%dma_wait3A_336] : memref<10x!tpu.dma_semaphore, #tpu.memory_space<semaphore_mem>> -> memref<1x!tpu.dma_semaphore, #tpu.memory_space<semaphore_mem>>
      %dma_wait3A_348 = tpu.memref_squeeze %dma_wait3A_347 : memref<1x!tpu.dma_semaphore, #tpu.memory_space<semaphore_mem>> -> memref<!tpu.dma_semaphore, #tpu.memory_space<semaphore_mem>>
      tpu.wait_indirect_dma semaphore(%dma_wait3A_348 : memref<!tpu.dma_semaphore, #tpu.memory_space<semaphore_mem>>) src(%dma_wait3A_346 : memref<20480x64xf32, #tpu.memory_space<hbm>>) dst(%dma_wait3A_340 : memref<80x64xf32, #tpu.memory_space<vmem>>)
      %dma_start3A_349 = arith.constant 5 : i32
      %dma_start3A_350 = arith.constant 5 : i32
      %dma_start3A_351 = arith.constant 5 : i32
      %dma_start3A_352 = arith.constant 0 : i32
      %dma_start3A_353 = arith.constant 0 : i32
      %dma_start3A_354 = tpu.memref_slice %arg9[%dma_start3A_349, %dma_start3A_352, %dma_start3A_353] : memref<10x80x64xf32, #tpu.memory_space<vmem>> -> memref<1x80x64xf32, #tpu.memory_space<vmem>>
      %dma_start3A_355 = tpu.memref_squeeze %dma_start3A_354 : memref<1x80x64xf32, #tpu.memory_space<vmem>> -> memref<80x64xf32, #tpu.memory_space<vmem>>
      %dma_start3A_356 = arith.constant 0 : i32
      %dma_start3A_357 = tpu.memref_slice %arg8[%dma_start3A_350, %dma_start3A_356] : memref<10x80xi32, #tpu.memory_space<vmem>> -> memref<1x80xi32, #tpu.memory_space<vmem>>
      %dma_start3A_358 = tpu.memref_squeeze %dma_start3A_357 : memref<1x80xi32, #tpu.memory_space<vmem>> -> memref<80xi32, #tpu.memory_space<vmem>>
      %dma_start3A_359 = arith.constant 0 : i32
      %dma_start3A_360 = arith.constant 0 : i32
      %dma_start3A_361 = tpu.memref_slice %arg10[%dma_start3A_359, %dma_start3A_360] : memref<10240x64xf32, #tpu.memory_space<vmem_shared>> -> memref<10240x64xf32, #tpu.memory_space<vmem_shared>>
      %dma_start3A_362 = tpu.memref_slice %arg13[%dma_start3A_351] : memref<10x!tpu.dma_semaphore, #tpu.memory_space<semaphore_mem>> -> memref<1x!tpu.dma_semaphore, #tpu.memory_space<semaphore_mem>>
      %dma_start3A_363 = tpu.memref_squeeze %dma_start3A_362 : memref<1x!tpu.dma_semaphore, #tpu.memory_space<semaphore_mem>> -> memref<!tpu.dma_semaphore, #tpu.memory_space<semaphore_mem>>
      tpu.enqueue_indirect_dma source(%dma_start3A_355 : memref<80x64xf32, #tpu.memory_space<vmem>>) target(%dma_start3A_361 : memref<10240x64xf32, #tpu.memory_space<vmem_shared>>) offsets(%dma_start3A_358 : memref<80xi32, #tpu.memory_space<vmem>>) semaphore(%dma_start3A_363 : memref<!tpu.dma_semaphore, #tpu.memory_space<semaphore_mem>>) {add = true}
      %dma_wait3A_364 = arith.constant 6 : i32
      %dma_wait3A_365 = arith.constant 6 : i32
      %dma_wait3A_366 = arith.constant 6 : i32
      %dma_wait3A_367 = arith.constant 0 : i32
      %dma_wait3A_368 = arith.constant 0 : i32
      %dma_wait3A_369 = tpu.memref_slice %arg9[%dma_wait3A_365, %dma_wait3A_367, %dma_wait3A_368] : memref<10x80x64xf32, #tpu.memory_space<vmem>> -> memref<1x80x64xf32, #tpu.memory_space<vmem>>
      %dma_wait3A_370 = tpu.memref_squeeze %dma_wait3A_369 : memref<1x80x64xf32, #tpu.memory_space<vmem>> -> memref<80x64xf32, #tpu.memory_space<vmem>>
      %dma_wait3A_371 = arith.constant 0 : i32
      %dma_wait3A_372 = tpu.memref_slice %arg7[%dma_wait3A_364, %dma_wait3A_371] : memref<10x80xi32, #tpu.memory_space<vmem>> -> memref<1x80xi32, #tpu.memory_space<vmem>>
      %dma_wait3A_373 = tpu.memref_squeeze %dma_wait3A_372 : memref<1x80xi32, #tpu.memory_space<vmem>> -> memref<80xi32, #tpu.memory_space<vmem>>
      %dma_wait3A_374 = arith.constant 0 : i32
      %dma_wait3A_375 = arith.constant 0 : i32
      %dma_wait3A_376 = tpu.memref_slice %arg2[%dma_wait3A_374, %dma_wait3A_375] : memref<20480x64xf32, #tpu.memory_space<hbm>> -> memref<20480x64xf32, #tpu.memory_space<hbm>>
      %dma_wait3A_377 = tpu.memref_slice %arg12[%dma_wait3A_366] : memref<10x!tpu.dma_semaphore, #tpu.memory_space<semaphore_mem>> -> memref<1x!tpu.dma_semaphore, #tpu.memory_space<semaphore_mem>>
      %dma_wait3A_378 = tpu.memref_squeeze %dma_wait3A_377 : memref<1x!tpu.dma_semaphore, #tpu.memory_space<semaphore_mem>> -> memref<!tpu.dma_semaphore, #tpu.memory_space<semaphore_mem>>
      tpu.wait_indirect_dma semaphore(%dma_wait3A_378 : memref<!tpu.dma_semaphore, #tpu.memory_space<semaphore_mem>>) src(%dma_wait3A_376 : memref<20480x64xf32, #tpu.memory_space<hbm>>) dst(%dma_wait3A_370 : memref<80x64xf32, #tpu.memory_space<vmem>>)
      %dma_start3A_379 = arith.constant 6 : i32
      %dma_start3A_380 = arith.constant 6 : i32
      %dma_start3A_381 = arith.constant 6 : i32
      %dma_start3A_382 = arith.constant 0 : i32
      %dma_start3A_383 = arith.constant 0 : i32
      %dma_start3A_384 = tpu.memref_slice %arg9[%dma_start3A_379, %dma_start3A_382, %dma_start3A_383] : memref<10x80x64xf32, #tpu.memory_space<vmem>> -> memref<1x80x64xf32, #tpu.memory_space<vmem>>
      %dma_start3A_385 = tpu.memref_squeeze %dma_start3A_384 : memref<1x80x64xf32, #tpu.memory_space<vmem>> -> memref<80x64xf32, #tpu.memory_space<vmem>>
      %dma_start3A_386 = arith.constant 0 : i32
      %dma_start3A_387 = tpu.memref_slice %arg8[%dma_start3A_380, %dma_start3A_386] : memref<10x80xi32, #tpu.memory_space<vmem>> -> memref<1x80xi32, #tpu.memory_space<vmem>>
      %dma_start3A_388 = tpu.memref_squeeze %dma_start3A_387 : memref<1x80xi32, #tpu.memory_space<vmem>> -> memref<80xi32, #tpu.memory_space<vmem>>
      %dma_start3A_389 = arith.constant 0 : i32
      %dma_start3A_390 = arith.constant 0 : i32
      %dma_start3A_391 = tpu.memref_slice %arg10[%dma_start3A_389, %dma_start3A_390] : memref<10240x64xf32, #tpu.memory_space<vmem_shared>> -> memref<10240x64xf32, #tpu.memory_space<vmem_shared>>
      %dma_start3A_392 = tpu.memref_slice %arg13[%dma_start3A_381] : memref<10x!tpu.dma_semaphore, #tpu.memory_space<semaphore_mem>> -> memref<1x!tpu.dma_semaphore, #tpu.memory_space<semaphore_mem>>
      %dma_start3A_393 = tpu.memref_squeeze %dma_start3A_392 : memref<1x!tpu.dma_semaphore, #tpu.memory_space<semaphore_mem>> -> memref<!tpu.dma_semaphore, #tpu.memory_space<semaphore_mem>>
      tpu.enqueue_indirect_dma source(%dma_start3A_385 : memref<80x64xf32, #tpu.memory_space<vmem>>) target(%dma_start3A_391 : memref<10240x64xf32, #tpu.memory_space<vmem_shared>>) offsets(%dma_start3A_388 : memref<80xi32, #tpu.memory_space<vmem>>) semaphore(%dma_start3A_393 : memref<!tpu.dma_semaphore, #tpu.memory_space<semaphore_mem>>) {add = true}
      %dma_wait3A_394 = arith.constant 7 : i32
      %dma_wait3A_395 = arith.constant 7 : i32
      %dma_wait3A_396 = arith.constant 7 : i32
      %dma_wait3A_397 = arith.constant 0 : i32
      %dma_wait3A_398 = arith.constant 0 : i32
      %dma_wait3A_399 = tpu.memref_slice %arg9[%dma_wait3A_395, %dma_wait3A_397, %dma_wait3A_398] : memref<10x80x64xf32, #tpu.memory_space<vmem>> -> memref<1x80x64xf32, #tpu.memory_space<vmem>>
      %dma_wait3A_400 = tpu.memref_squeeze %dma_wait3A_399 : memref<1x80x64xf32, #tpu.memory_space<vmem>> -> memref<80x64xf32, #tpu.memory_space<vmem>>
      %dma_wait3A_401 = arith.constant 0 : i32
      %dma_wait3A_402 = tpu.memref_slice %arg7[%dma_wait3A_394, %dma_wait3A_401] : memref<10x80xi32, #tpu.memory_space<vmem>> -> memref<1x80xi32, #tpu.memory_space<vmem>>
      %dma_wait3A_403 = tpu.memref_squeeze %dma_wait3A_402 : memref<1x80xi32, #tpu.memory_space<vmem>> -> memref<80xi32, #tpu.memory_space<vmem>>
      %dma_wait3A_404 = arith.constant 0 : i32
      %dma_wait3A_405 = arith.constant 0 : i32
      %dma_wait3A_406 = tpu.memref_slice %arg2[%dma_wait3A_404, %dma_wait3A_405] : memref<20480x64xf32, #tpu.memory_space<hbm>> -> memref<20480x64xf32, #tpu.memory_space<hbm>>
      %dma_wait3A_407 = tpu.memref_slice %arg12[%dma_wait3A_396] : memref<10x!tpu.dma_semaphore, #tpu.memory_space<semaphore_mem>> -> memref<1x!tpu.dma_semaphore, #tpu.memory_space<semaphore_mem>>
      %dma_wait3A_408 = tpu.memref_squeeze %dma_wait3A_407 : memref<1x!tpu.dma_semaphore, #tpu.memory_space<semaphore_mem>> -> memref<!tpu.dma_semaphore, #tpu.memory_space<semaphore_mem>>
      tpu.wait_indirect_dma semaphore(%dma_wait3A_408 : memref<!tpu.dma_semaphore, #tpu.memory_space<semaphore_mem>>) src(%dma_wait3A_406 : memref<20480x64xf32, #tpu.memory_space<hbm>>) dst(%dma_wait3A_400 : memref<80x64xf32, #tpu.memory_space<vmem>>)
      %dma_start3A_409 = arith.constant 7 : i32
      %dma_start3A_410 = arith.constant 7 : i32
      %dma_start3A_411 = arith.constant 7 : i32
      %dma_start3A_412 = arith.constant 0 : i32
      %dma_start3A_413 = arith.constant 0 : i32
      %dma_start3A_414 = tpu.memref_slice %arg9[%dma_start3A_409, %dma_start3A_412, %dma_start3A_413] : memref<10x80x64xf32, #tpu.memory_space<vmem>> -> memref<1x80x64xf32, #tpu.memory_space<vmem>>
      %dma_start3A_415 = tpu.memref_squeeze %dma_start3A_414 : memref<1x80x64xf32, #tpu.memory_space<vmem>> -> memref<80x64xf32, #tpu.memory_space<vmem>>
      %dma_start3A_416 = arith.constant 0 : i32
      %dma_start3A_417 = tpu.memref_slice %arg8[%dma_start3A_410, %dma_start3A_416] : memref<10x80xi32, #tpu.memory_space<vmem>> -> memref<1x80xi32, #tpu.memory_space<vmem>>
      %dma_start3A_418 = tpu.memref_squeeze %dma_start3A_417 : memref<1x80xi32, #tpu.memory_space<vmem>> -> memref<80xi32, #tpu.memory_space<vmem>>
      %dma_start3A_419 = arith.constant 0 : i32
      %dma_start3A_420 = arith.constant 0 : i32
      %dma_start3A_421 = tpu.memref_slice %arg10[%dma_start3A_419, %dma_start3A_420] : memref<10240x64xf32, #tpu.memory_space<vmem_shared>> -> memref<10240x64xf32, #tpu.memory_space<vmem_shared>>
      %dma_start3A_422 = tpu.memref_slice %arg13[%dma_start3A_411] : memref<10x!tpu.dma_semaphore, #tpu.memory_space<semaphore_mem>> -> memref<1x!tpu.dma_semaphore, #tpu.memory_space<semaphore_mem>>
      %dma_start3A_423 = tpu.memref_squeeze %dma_start3A_422 : memref<1x!tpu.dma_semaphore, #tpu.memory_space<semaphore_mem>> -> memref<!tpu.dma_semaphore, #tpu.memory_space<semaphore_mem>>
      tpu.enqueue_indirect_dma source(%dma_start3A_415 : memref<80x64xf32, #tpu.memory_space<vmem>>) target(%dma_start3A_421 : memref<10240x64xf32, #tpu.memory_space<vmem_shared>>) offsets(%dma_start3A_418 : memref<80xi32, #tpu.memory_space<vmem>>) semaphore(%dma_start3A_423 : memref<!tpu.dma_semaphore, #tpu.memory_space<semaphore_mem>>) {add = true}
      %dma_wait3A_424 = arith.constant 8 : i32
      %dma_wait3A_425 = arith.constant 8 : i32
      %dma_wait3A_426 = arith.constant 8 : i32
      %dma_wait3A_427 = arith.constant 0 : i32
      %dma_wait3A_428 = arith.constant 0 : i32
      %dma_wait3A_429 = tpu.memref_slice %arg9[%dma_wait3A_425, %dma_wait3A_427, %dma_wait3A_428] : memref<10x80x64xf32, #tpu.memory_space<vmem>> -> memref<1x80x64xf32, #tpu.memory_space<vmem>>
      %dma_wait3A_430 = tpu.memref_squeeze %dma_wait3A_429 : memref<1x80x64xf32, #tpu.memory_space<vmem>> -> memref<80x64xf32, #tpu.memory_space<vmem>>
      %dma_wait3A_431 = arith.constant 0 : i32
      %dma_wait3A_432 = tpu.memref_slice %arg7[%dma_wait3A_424, %dma_wait3A_431] : memref<10x80xi32, #tpu.memory_space<vmem>> -> memref<1x80xi32, #tpu.memory_space<vmem>>
      %dma_wait3A_433 = tpu.memref_squeeze %dma_wait3A_432 : memref<1x80xi32, #tpu.memory_space<vmem>> -> memref<80xi32, #tpu.memory_space<vmem>>
      %dma_wait3A_434 = arith.constant 0 : i32
      %dma_wait3A_435 = arith.constant 0 : i32
      %dma_wait3A_436 = tpu.memref_slice %arg2[%dma_wait3A_434, %dma_wait3A_435] : memref<20480x64xf32, #tpu.memory_space<hbm>> -> memref<20480x64xf32, #tpu.memory_space<hbm>>
      %dma_wait3A_437 = tpu.memref_slice %arg12[%dma_wait3A_426] : memref<10x!tpu.dma_semaphore, #tpu.memory_space<semaphore_mem>> -> memref<1x!tpu.dma_semaphore, #tpu.memory_space<semaphore_mem>>
      %dma_wait3A_438 = tpu.memref_squeeze %dma_wait3A_437 : memref<1x!tpu.dma_semaphore, #tpu.memory_space<semaphore_mem>> -> memref<!tpu.dma_semaphore, #tpu.memory_space<semaphore_mem>>
      tpu.wait_indirect_dma semaphore(%dma_wait3A_438 : memref<!tpu.dma_semaphore, #tpu.memory_space<semaphore_mem>>) src(%dma_wait3A_436 : memref<20480x64xf32, #tpu.memory_space<hbm>>) dst(%dma_wait3A_430 : memref<80x64xf32, #tpu.memory_space<vmem>>)
      %dma_start3A_439 = arith.constant 8 : i32
      %dma_start3A_440 = arith.constant 8 : i32
      %dma_start3A_441 = arith.constant 8 : i32
      %dma_start3A_442 = arith.constant 0 : i32
      %dma_start3A_443 = arith.constant 0 : i32
      %dma_start3A_444 = tpu.memref_slice %arg9[%dma_start3A_439, %dma_start3A_442, %dma_start3A_443] : memref<10x80x64xf32, #tpu.memory_space<vmem>> -> memref<1x80x64xf32, #tpu.memory_space<vmem>>
      %dma_start3A_445 = tpu.memref_squeeze %dma_start3A_444 : memref<1x80x64xf32, #tpu.memory_space<vmem>> -> memref<80x64xf32, #tpu.memory_space<vmem>>
      %dma_start3A_446 = arith.constant 0 : i32
      %dma_start3A_447 = tpu.memref_slice %arg8[%dma_start3A_440, %dma_start3A_446] : memref<10x80xi32, #tpu.memory_space<vmem>> -> memref<1x80xi32, #tpu.memory_space<vmem>>
      %dma_start3A_448 = tpu.memref_squeeze %dma_start3A_447 : memref<1x80xi32, #tpu.memory_space<vmem>> -> memref<80xi32, #tpu.memory_space<vmem>>
      %dma_start3A_449 = arith.constant 0 : i32
      %dma_start3A_450 = arith.constant 0 : i32
      %dma_start3A_451 = tpu.memref_slice %arg10[%dma_start3A_449, %dma_start3A_450] : memref<10240x64xf32, #tpu.memory_space<vmem_shared>> -> memref<10240x64xf32, #tpu.memory_space<vmem_shared>>
      %dma_start3A_452 = tpu.memref_slice %arg13[%dma_start3A_441] : memref<10x!tpu.dma_semaphore, #tpu.memory_space<semaphore_mem>> -> memref<1x!tpu.dma_semaphore, #tpu.memory_space<semaphore_mem>>
      %dma_start3A_453 = tpu.memref_squeeze %dma_start3A_452 : memref<1x!tpu.dma_semaphore, #tpu.memory_space<semaphore_mem>> -> memref<!tpu.dma_semaphore, #tpu.memory_space<semaphore_mem>>
      tpu.enqueue_indirect_dma source(%dma_start3A_445 : memref<80x64xf32, #tpu.memory_space<vmem>>) target(%dma_start3A_451 : memref<10240x64xf32, #tpu.memory_space<vmem_shared>>) offsets(%dma_start3A_448 : memref<80xi32, #tpu.memory_space<vmem>>) semaphore(%dma_start3A_453 : memref<!tpu.dma_semaphore, #tpu.memory_space<semaphore_mem>>) {add = true}
      %dma_wait3A_454 = arith.constant 9 : i32
      %dma_wait3A_455 = arith.constant 9 : i32
      %dma_wait3A_456 = arith.constant 9 : i32
      %dma_wait3A_457 = arith.constant 0 : i32
      %dma_wait3A_458 = arith.constant 0 : i32
      %dma_wait3A_459 = tpu.memref_slice %arg9[%dma_wait3A_455, %dma_wait3A_457, %dma_wait3A_458] : memref<10x80x64xf32, #tpu.memory_space<vmem>> -> memref<1x80x64xf32, #tpu.memory_space<vmem>>
      %dma_wait3A_460 = tpu.memref_squeeze %dma_wait3A_459 : memref<1x80x64xf32, #tpu.memory_space<vmem>> -> memref<80x64xf32, #tpu.memory_space<vmem>>
      %dma_wait3A_461 = arith.constant 0 : i32
      %dma_wait3A_462 = tpu.memref_slice %arg7[%dma_wait3A_454, %dma_wait3A_461] : memref<10x80xi32, #tpu.memory_space<vmem>> -> memref<1x80xi32, #tpu.memory_space<vmem>>
      %dma_wait3A_463 = tpu.memref_squeeze %dma_wait3A_462 : memref<1x80xi32, #tpu.memory_space<vmem>> -> memref<80xi32, #tpu.memory_space<vmem>>
      %dma_wait3A_464 = arith.constant 0 : i32
      %dma_wait3A_465 = arith.constant 0 : i32
      %dma_wait3A_466 = tpu.memref_slice %arg2[%dma_wait3A_464, %dma_wait3A_465] : memref<20480x64xf32, #tpu.memory_space<hbm>> -> memref<20480x64xf32, #tpu.memory_space<hbm>>
      %dma_wait3A_467 = tpu.memref_slice %arg12[%dma_wait3A_456] : memref<10x!tpu.dma_semaphore, #tpu.memory_space<semaphore_mem>> -> memref<1x!tpu.dma_semaphore, #tpu.memory_space<semaphore_mem>>
      %dma_wait3A_468 = tpu.memref_squeeze %dma_wait3A_467 : memref<1x!tpu.dma_semaphore, #tpu.memory_space<semaphore_mem>> -> memref<!tpu.dma_semaphore, #tpu.memory_space<semaphore_mem>>
      tpu.wait_indirect_dma semaphore(%dma_wait3A_468 : memref<!tpu.dma_semaphore, #tpu.memory_space<semaphore_mem>>) src(%dma_wait3A_466 : memref<20480x64xf32, #tpu.memory_space<hbm>>) dst(%dma_wait3A_460 : memref<80x64xf32, #tpu.memory_space<vmem>>)
      %dma_start3A_469 = arith.constant 9 : i32
      %dma_start3A_470 = arith.constant 9 : i32
      %dma_start3A_471 = arith.constant 9 : i32
      %dma_start3A_472 = arith.constant 0 : i32
      %dma_start3A_473 = arith.constant 0 : i32
      %dma_start3A_474 = tpu.memref_slice %arg9[%dma_start3A_469, %dma_start3A_472, %dma_start3A_473] : memref<10x80x64xf32, #tpu.memory_space<vmem>> -> memref<1x80x64xf32, #tpu.memory_space<vmem>>
      %dma_start3A_475 = tpu.memref_squeeze %dma_start3A_474 : memref<1x80x64xf32, #tpu.memory_space<vmem>> -> memref<80x64xf32, #tpu.memory_space<vmem>>
      %dma_start3A_476 = arith.constant 0 : i32
      %dma_start3A_477 = tpu.memref_slice %arg8[%dma_start3A_470, %dma_start3A_476] : memref<10x80xi32, #tpu.memory_space<vmem>> -> memref<1x80xi32, #tpu.memory_space<vmem>>
      %dma_start3A_478 = tpu.memref_squeeze %dma_start3A_477 : memref<1x80xi32, #tpu.memory_space<vmem>> -> memref<80xi32, #tpu.memory_space<vmem>>
      %dma_start3A_479 = arith.constant 0 : i32
      %dma_start3A_480 = arith.constant 0 : i32
      %dma_start3A_481 = tpu.memref_slice %arg10[%dma_start3A_479, %dma_start3A_480] : memref<10240x64xf32, #tpu.memory_space<vmem_shared>> -> memref<10240x64xf32, #tpu.memory_space<vmem_shared>>
      %dma_start3A_482 = tpu.memref_slice %arg13[%dma_start3A_471] : memref<10x!tpu.dma_semaphore, #tpu.memory_space<semaphore_mem>> -> memref<1x!tpu.dma_semaphore, #tpu.memory_space<semaphore_mem>>
      %dma_start3A_483 = tpu.memref_squeeze %dma_start3A_482 : memref<1x!tpu.dma_semaphore, #tpu.memory_space<semaphore_mem>> -> memref<!tpu.dma_semaphore, #tpu.memory_space<semaphore_mem>>
      tpu.enqueue_indirect_dma source(%dma_start3A_475 : memref<80x64xf32, #tpu.memory_space<vmem>>) target(%dma_start3A_481 : memref<10240x64xf32, #tpu.memory_space<vmem_shared>>) offsets(%dma_start3A_478 : memref<80xi32, #tpu.memory_space<vmem>>) semaphore(%dma_start3A_483 : memref<!tpu.dma_semaphore, #tpu.memory_space<semaphore_mem>>) {add = true}
      %dma_wait3A_484 = arith.constant 0 : i32
      %dma_wait3A_485 = arith.constant 0 : i32
      %dma_wait3A_486 = arith.constant 0 : i32
      %dma_wait3A_487 = arith.constant 0 : i32
      %dma_wait3A_488 = arith.constant 0 : i32
      %dma_wait3A_489 = tpu.memref_slice %arg9[%dma_wait3A_484, %dma_wait3A_487, %dma_wait3A_488] : memref<10x80x64xf32, #tpu.memory_space<vmem>> -> memref<1x80x64xf32, #tpu.memory_space<vmem>>
      %dma_wait3A_490 = tpu.memref_squeeze %dma_wait3A_489 : memref<1x80x64xf32, #tpu.memory_space<vmem>> -> memref<80x64xf32, #tpu.memory_space<vmem>>
      %dma_wait3A_491 = arith.constant 0 : i32
      %dma_wait3A_492 = tpu.memref_slice %arg8[%dma_wait3A_485, %dma_wait3A_491] : memref<10x80xi32, #tpu.memory_space<vmem>> -> memref<1x80xi32, #tpu.memory_space<vmem>>
      %dma_wait3A_493 = tpu.memref_squeeze %dma_wait3A_492 : memref<1x80xi32, #tpu.memory_space<vmem>> -> memref<80xi32, #tpu.memory_space<vmem>>
      %dma_wait3A_494 = arith.constant 0 : i32
      %dma_wait3A_495 = arith.constant 0 : i32
      %dma_wait3A_496 = tpu.memref_slice %arg10[%dma_wait3A_494, %dma_wait3A_495] : memref<10240x64xf32, #tpu.memory_space<vmem_shared>> -> memref<10240x64xf32, #tpu.memory_space<vmem_shared>>
      %dma_wait3A_497 = tpu.memref_slice %arg13[%dma_wait3A_486] : memref<10x!tpu.dma_semaphore, #tpu.memory_space<semaphore_mem>> -> memref<1x!tpu.dma_semaphore, #tpu.memory_space<semaphore_mem>>
      %dma_wait3A_498 = tpu.memref_squeeze %dma_wait3A_497 : memref<1x!tpu.dma_semaphore, #tpu.memory_space<semaphore_mem>> -> memref<!tpu.dma_semaphore, #tpu.memory_space<semaphore_mem>>
      tpu.wait_indirect_dma semaphore(%dma_wait3A_498 : memref<!tpu.dma_semaphore, #tpu.memory_space<semaphore_mem>>) src(%dma_wait3A_490 : memref<80x64xf32, #tpu.memory_space<vmem>>) dst(%dma_wait3A_496 : memref<10240x64xf32, #tpu.memory_space<vmem_shared>>)
      %dma_wait3A_499 = arith.constant 1 : i32
      %dma_wait3A_500 = arith.constant 1 : i32
      %dma_wait3A_501 = arith.constant 1 : i32
      %dma_wait3A_502 = arith.constant 0 : i32
      %dma_wait3A_503 = arith.constant 0 : i32
      %dma_wait3A_504 = tpu.memref_slice %arg9[%dma_wait3A_499, %dma_wait3A_502, %dma_wait3A_503] : memref<10x80x64xf32, #tpu.memory_space<vmem>> -> memref<1x80x64xf32, #tpu.memory_space<vmem>>
      %dma_wait3A_505 = tpu.memref_squeeze %dma_wait3A_504 : memref<1x80x64xf32, #tpu.memory_space<vmem>> -> memref<80x64xf32, #tpu.memory_space<vmem>>
      %dma_wait3A_506 = arith.constant 0 : i32
      %dma_wait3A_507 = tpu.memref_slice %arg8[%dma_wait3A_500, %dma_wait3A_506] : memref<10x80xi32, #tpu.memory_space<vmem>> -> memref<1x80xi32, #tpu.memory_space<vmem>>
      %dma_wait3A_508 = tpu.memref_squeeze %dma_wait3A_507 : memref<1x80xi32, #tpu.memory_space<vmem>> -> memref<80xi32, #tpu.memory_space<vmem>>
      %dma_wait3A_509 = arith.constant 0 : i32
      %dma_wait3A_510 = arith.constant 0 : i32
      %dma_wait3A_511 = tpu.memref_slice %arg10[%dma_wait3A_509, %dma_wait3A_510] : memref<10240x64xf32, #tpu.memory_space<vmem_shared>> -> memref<10240x64xf32, #tpu.memory_space<vmem_shared>>
      %dma_wait3A_512 = tpu.memref_slice %arg13[%dma_wait3A_501] : memref<10x!tpu.dma_semaphore, #tpu.memory_space<semaphore_mem>> -> memref<1x!tpu.dma_semaphore, #tpu.memory_space<semaphore_mem>>
      %dma_wait3A_513 = tpu.memref_squeeze %dma_wait3A_512 : memref<1x!tpu.dma_semaphore, #tpu.memory_space<semaphore_mem>> -> memref<!tpu.dma_semaphore, #tpu.memory_space<semaphore_mem>>
      tpu.wait_indirect_dma semaphore(%dma_wait3A_513 : memref<!tpu.dma_semaphore, #tpu.memory_space<semaphore_mem>>) src(%dma_wait3A_505 : memref<80x64xf32, #tpu.memory_space<vmem>>) dst(%dma_wait3A_511 : memref<10240x64xf32, #tpu.memory_space<vmem_shared>>)
      %dma_wait3A_514 = arith.constant 2 : i32
      %dma_wait3A_515 = arith.constant 2 : i32
      %dma_wait3A_516 = arith.constant 2 : i32
      %dma_wait3A_517 = arith.constant 0 : i32
      %dma_wait3A_518 = arith.constant 0 : i32
      %dma_wait3A_519 = tpu.memref_slice %arg9[%dma_wait3A_514, %dma_wait3A_517, %dma_wait3A_518] : memref<10x80x64xf32, #tpu.memory_space<vmem>> -> memref<1x80x64xf32, #tpu.memory_space<vmem>>
      %dma_wait3A_520 = tpu.memref_squeeze %dma_wait3A_519 : memref<1x80x64xf32, #tpu.memory_space<vmem>> -> memref<80x64xf32, #tpu.memory_space<vmem>>
      %dma_wait3A_521 = arith.constant 0 : i32
      %dma_wait3A_522 = tpu.memref_slice %arg8[%dma_wait3A_515, %dma_wait3A_521] : memref<10x80xi32, #tpu.memory_space<vmem>> -> memref<1x80xi32, #tpu.memory_space<vmem>>
      %dma_wait3A_523 = tpu.memref_squeeze %dma_wait3A_522 : memref<1x80xi32, #tpu.memory_space<vmem>> -> memref<80xi32, #tpu.memory_space<vmem>>
      %dma_wait3A_524 = arith.constant 0 : i32
      %dma_wait3A_525 = arith.constant 0 : i32
      %dma_wait3A_526 = tpu.memref_slice %arg10[%dma_wait3A_524, %dma_wait3A_525] : memref<10240x64xf32, #tpu.memory_space<vmem_shared>> -> memref<10240x64xf32, #tpu.memory_space<vmem_shared>>
      %dma_wait3A_527 = tpu.memref_slice %arg13[%dma_wait3A_516] : memref<10x!tpu.dma_semaphore, #tpu.memory_space<semaphore_mem>> -> memref<1x!tpu.dma_semaphore, #tpu.memory_space<semaphore_mem>>
      %dma_wait3A_528 = tpu.memref_squeeze %dma_wait3A_527 : memref<1x!tpu.dma_semaphore, #tpu.memory_space<semaphore_mem>> -> memref<!tpu.dma_semaphore, #tpu.memory_space<semaphore_mem>>
      tpu.wait_indirect_dma semaphore(%dma_wait3A_528 : memref<!tpu.dma_semaphore, #tpu.memory_space<semaphore_mem>>) src(%dma_wait3A_520 : memref<80x64xf32, #tpu.memory_space<vmem>>) dst(%dma_wait3A_526 : memref<10240x64xf32, #tpu.memory_space<vmem_shared>>)
      %dma_wait3A_529 = arith.constant 3 : i32
      %dma_wait3A_530 = arith.constant 3 : i32
      %dma_wait3A_531 = arith.constant 3 : i32
      %dma_wait3A_532 = arith.constant 0 : i32
      %dma_wait3A_533 = arith.constant 0 : i32
      %dma_wait3A_534 = tpu.memref_slice %arg9[%dma_wait3A_529, %dma_wait3A_532, %dma_wait3A_533] : memref<10x80x64xf32, #tpu.memory_space<vmem>> -> memref<1x80x64xf32, #tpu.memory_space<vmem>>
      %dma_wait3A_535 = tpu.memref_squeeze %dma_wait3A_534 : memref<1x80x64xf32, #tpu.memory_space<vmem>> -> memref<80x64xf32, #tpu.memory_space<vmem>>
      %dma_wait3A_536 = arith.constant 0 : i32
      %dma_wait3A_537 = tpu.memref_slice %arg8[%dma_wait3A_530, %dma_wait3A_536] : memref<10x80xi32, #tpu.memory_space<vmem>> -> memref<1x80xi32, #tpu.memory_space<vmem>>
      %dma_wait3A_538 = tpu.memref_squeeze %dma_wait3A_537 : memref<1x80xi32, #tpu.memory_space<vmem>> -> memref<80xi32, #tpu.memory_space<vmem>>
      %dma_wait3A_539 = arith.constant 0 : i32
      %dma_wait3A_540 = arith.constant 0 : i32
      %dma_wait3A_541 = tpu.memref_slice %arg10[%dma_wait3A_539, %dma_wait3A_540] : memref<10240x64xf32, #tpu.memory_space<vmem_shared>> -> memref<10240x64xf32, #tpu.memory_space<vmem_shared>>
      %dma_wait3A_542 = tpu.memref_slice %arg13[%dma_wait3A_531] : memref<10x!tpu.dma_semaphore, #tpu.memory_space<semaphore_mem>> -> memref<1x!tpu.dma_semaphore, #tpu.memory_space<semaphore_mem>>
      %dma_wait3A_543 = tpu.memref_squeeze %dma_wait3A_542 : memref<1x!tpu.dma_semaphore, #tpu.memory_space<semaphore_mem>> -> memref<!tpu.dma_semaphore, #tpu.memory_space<semaphore_mem>>
      tpu.wait_indirect_dma semaphore(%dma_wait3A_543 : memref<!tpu.dma_semaphore, #tpu.memory_space<semaphore_mem>>) src(%dma_wait3A_535 : memref<80x64xf32, #tpu.memory_space<vmem>>) dst(%dma_wait3A_541 : memref<10240x64xf32, #tpu.memory_space<vmem_shared>>)
      %dma_wait3A_544 = arith.constant 4 : i32
      %dma_wait3A_545 = arith.constant 4 : i32
      %dma_wait3A_546 = arith.constant 4 : i32
      %dma_wait3A_547 = arith.constant 0 : i32
      %dma_wait3A_548 = arith.constant 0 : i32
      %dma_wait3A_549 = tpu.memref_slice %arg9[%dma_wait3A_544, %dma_wait3A_547, %dma_wait3A_548] : memref<10x80x64xf32, #tpu.memory_space<vmem>> -> memref<1x80x64xf32, #tpu.memory_space<vmem>>
      %dma_wait3A_550 = tpu.memref_squeeze %dma_wait3A_549 : memref<1x80x64xf32, #tpu.memory_space<vmem>> -> memref<80x64xf32, #tpu.memory_space<vmem>>
      %dma_wait3A_551 = arith.constant 0 : i32
      %dma_wait3A_552 = tpu.memref_slice %arg8[%dma_wait3A_545, %dma_wait3A_551] : memref<10x80xi32, #tpu.memory_space<vmem>> -> memref<1x80xi32, #tpu.memory_space<vmem>>
      %dma_wait3A_553 = tpu.memref_squeeze %dma_wait3A_552 : memref<1x80xi32, #tpu.memory_space<vmem>> -> memref<80xi32, #tpu.memory_space<vmem>>
      %dma_wait3A_554 = arith.constant 0 : i32
      %dma_wait3A_555 = arith.constant 0 : i32
      %dma_wait3A_556 = tpu.memref_slice %arg10[%dma_wait3A_554, %dma_wait3A_555] : memref<10240x64xf32, #tpu.memory_space<vmem_shared>> -> memref<10240x64xf32, #tpu.memory_space<vmem_shared>>
      %dma_wait3A_557 = tpu.memref_slice %arg13[%dma_wait3A_546] : memref<10x!tpu.dma_semaphore, #tpu.memory_space<semaphore_mem>> -> memref<1x!tpu.dma_semaphore, #tpu.memory_space<semaphore_mem>>
      %dma_wait3A_558 = tpu.memref_squeeze %dma_wait3A_557 : memref<1x!tpu.dma_semaphore, #tpu.memory_space<semaphore_mem>> -> memref<!tpu.dma_semaphore, #tpu.memory_space<semaphore_mem>>
      tpu.wait_indirect_dma semaphore(%dma_wait3A_558 : memref<!tpu.dma_semaphore, #tpu.memory_space<semaphore_mem>>) src(%dma_wait3A_550 : memref<80x64xf32, #tpu.memory_space<vmem>>) dst(%dma_wait3A_556 : memref<10240x64xf32, #tpu.memory_space<vmem_shared>>)
      %dma_wait3A_559 = arith.constant 5 : i32
      %dma_wait3A_560 = arith.constant 5 : i32
      %dma_wait3A_561 = arith.constant 5 : i32
      %dma_wait3A_562 = arith.constant 0 : i32
      %dma_wait3A_563 = arith.constant 0 : i32
      %dma_wait3A_564 = tpu.memref_slice %arg9[%dma_wait3A_559, %dma_wait3A_562, %dma_wait3A_563] : memref<10x80x64xf32, #tpu.memory_space<vmem>> -> memref<1x80x64xf32, #tpu.memory_space<vmem>>
      %dma_wait3A_565 = tpu.memref_squeeze %dma_wait3A_564 : memref<1x80x64xf32, #tpu.memory_space<vmem>> -> memref<80x64xf32, #tpu.memory_space<vmem>>
      %dma_wait3A_566 = arith.constant 0 : i32
      %dma_wait3A_567 = tpu.memref_slice %arg8[%dma_wait3A_560, %dma_wait3A_566] : memref<10x80xi32, #tpu.memory_space<vmem>> -> memref<1x80xi32, #tpu.memory_space<vmem>>
      %dma_wait3A_568 = tpu.memref_squeeze %dma_wait3A_567 : memref<1x80xi32, #tpu.memory_space<vmem>> -> memref<80xi32, #tpu.memory_space<vmem>>
      %dma_wait3A_569 = arith.constant 0 : i32
      %dma_wait3A_570 = arith.constant 0 : i32
      %dma_wait3A_571 = tpu.memref_slice %arg10[%dma_wait3A_569, %dma_wait3A_570] : memref<10240x64xf32, #tpu.memory_space<vmem_shared>> -> memref<10240x64xf32, #tpu.memory_space<vmem_shared>>
      %dma_wait3A_572 = tpu.memref_slice %arg13[%dma_wait3A_561] : memref<10x!tpu.dma_semaphore, #tpu.memory_space<semaphore_mem>> -> memref<1x!tpu.dma_semaphore, #tpu.memory_space<semaphore_mem>>
      %dma_wait3A_573 = tpu.memref_squeeze %dma_wait3A_572 : memref<1x!tpu.dma_semaphore, #tpu.memory_space<semaphore_mem>> -> memref<!tpu.dma_semaphore, #tpu.memory_space<semaphore_mem>>
      tpu.wait_indirect_dma semaphore(%dma_wait3A_573 : memref<!tpu.dma_semaphore, #tpu.memory_space<semaphore_mem>>) src(%dma_wait3A_565 : memref<80x64xf32, #tpu.memory_space<vmem>>) dst(%dma_wait3A_571 : memref<10240x64xf32, #tpu.memory_space<vmem_shared>>)
      %dma_wait3A_574 = arith.constant 6 : i32
      %dma_wait3A_575 = arith.constant 6 : i32
      %dma_wait3A_576 = arith.constant 6 : i32
      %dma_wait3A_577 = arith.constant 0 : i32
      %dma_wait3A_578 = arith.constant 0 : i32
      %dma_wait3A_579 = tpu.memref_slice %arg9[%dma_wait3A_574, %dma_wait3A_577, %dma_wait3A_578] : memref<10x80x64xf32, #tpu.memory_space<vmem>> -> memref<1x80x64xf32, #tpu.memory_space<vmem>>
      %dma_wait3A_580 = tpu.memref_squeeze %dma_wait3A_579 : memref<1x80x64xf32, #tpu.memory_space<vmem>> -> memref<80x64xf32, #tpu.memory_space<vmem>>
      %dma_wait3A_581 = arith.constant 0 : i32
      %dma_wait3A_582 = tpu.memref_slice %arg8[%dma_wait3A_575, %dma_wait3A_581] : memref<10x80xi32, #tpu.memory_space<vmem>> -> memref<1x80xi32, #tpu.memory_space<vmem>>
      %dma_wait3A_583 = tpu.memref_squeeze %dma_wait3A_582 : memref<1x80xi32, #tpu.memory_space<vmem>> -> memref<80xi32, #tpu.memory_space<vmem>>
      %dma_wait3A_584 = arith.constant 0 : i32
      %dma_wait3A_585 = arith.constant 0 : i32
      %dma_wait3A_586 = tpu.memref_slice %arg10[%dma_wait3A_584, %dma_wait3A_585] : memref<10240x64xf32, #tpu.memory_space<vmem_shared>> -> memref<10240x64xf32, #tpu.memory_space<vmem_shared>>
      %dma_wait3A_587 = tpu.memref_slice %arg13[%dma_wait3A_576] : memref<10x!tpu.dma_semaphore, #tpu.memory_space<semaphore_mem>> -> memref<1x!tpu.dma_semaphore, #tpu.memory_space<semaphore_mem>>
      %dma_wait3A_588 = tpu.memref_squeeze %dma_wait3A_587 : memref<1x!tpu.dma_semaphore, #tpu.memory_space<semaphore_mem>> -> memref<!tpu.dma_semaphore, #tpu.memory_space<semaphore_mem>>
      tpu.wait_indirect_dma semaphore(%dma_wait3A_588 : memref<!tpu.dma_semaphore, #tpu.memory_space<semaphore_mem>>) src(%dma_wait3A_580 : memref<80x64xf32, #tpu.memory_space<vmem>>) dst(%dma_wait3A_586 : memref<10240x64xf32, #tpu.memory_space<vmem_shared>>)
      %dma_wait3A_589 = arith.constant 7 : i32
      %dma_wait3A_590 = arith.constant 7 : i32
      %dma_wait3A_591 = arith.constant 7 : i32
      %dma_wait3A_592 = arith.constant 0 : i32
      %dma_wait3A_593 = arith.constant 0 : i32
      %dma_wait3A_594 = tpu.memref_slice %arg9[%dma_wait3A_589, %dma_wait3A_592, %dma_wait3A_593] : memref<10x80x64xf32, #tpu.memory_space<vmem>> -> memref<1x80x64xf32, #tpu.memory_space<vmem>>
      %dma_wait3A_595 = tpu.memref_squeeze %dma_wait3A_594 : memref<1x80x64xf32, #tpu.memory_space<vmem>> -> memref<80x64xf32, #tpu.memory_space<vmem>>
      %dma_wait3A_596 = arith.constant 0 : i32
      %dma_wait3A_597 = tpu.memref_slice %arg8[%dma_wait3A_590, %dma_wait3A_596] : memref<10x80xi32, #tpu.memory_space<vmem>> -> memref<1x80xi32, #tpu.memory_space<vmem>>
      %dma_wait3A_598 = tpu.memref_squeeze %dma_wait3A_597 : memref<1x80xi32, #tpu.memory_space<vmem>> -> memref<80xi32, #tpu.memory_space<vmem>>
      %dma_wait3A_599 = arith.constant 0 : i32
      %dma_wait3A_600 = arith.constant 0 : i32
      %dma_wait3A_601 = tpu.memref_slice %arg10[%dma_wait3A_599, %dma_wait3A_600] : memref<10240x64xf32, #tpu.memory_space<vmem_shared>> -> memref<10240x64xf32, #tpu.memory_space<vmem_shared>>
      %dma_wait3A_602 = tpu.memref_slice %arg13[%dma_wait3A_591] : memref<10x!tpu.dma_semaphore, #tpu.memory_space<semaphore_mem>> -> memref<1x!tpu.dma_semaphore, #tpu.memory_space<semaphore_mem>>
      %dma_wait3A_603 = tpu.memref_squeeze %dma_wait3A_602 : memref<1x!tpu.dma_semaphore, #tpu.memory_space<semaphore_mem>> -> memref<!tpu.dma_semaphore, #tpu.memory_space<semaphore_mem>>
      tpu.wait_indirect_dma semaphore(%dma_wait3A_603 : memref<!tpu.dma_semaphore, #tpu.memory_space<semaphore_mem>>) src(%dma_wait3A_595 : memref<80x64xf32, #tpu.memory_space<vmem>>) dst(%dma_wait3A_601 : memref<10240x64xf32, #tpu.memory_space<vmem_shared>>)
      %dma_wait3A_604 = arith.constant 8 : i32
      %dma_wait3A_605 = arith.constant 8 : i32
      %dma_wait3A_606 = arith.constant 8 : i32
      %dma_wait3A_607 = arith.constant 0 : i32
      %dma_wait3A_608 = arith.constant 0 : i32
      %dma_wait3A_609 = tpu.memref_slice %arg9[%dma_wait3A_604, %dma_wait3A_607, %dma_wait3A_608] : memref<10x80x64xf32, #tpu.memory_space<vmem>> -> memref<1x80x64xf32, #tpu.memory_space<vmem>>
      %dma_wait3A_610 = tpu.memref_squeeze %dma_wait3A_609 : memref<1x80x64xf32, #tpu.memory_space<vmem>> -> memref<80x64xf32, #tpu.memory_space<vmem>>
      %dma_wait3A_611 = arith.constant 0 : i32
      %dma_wait3A_612 = tpu.memref_slice %arg8[%dma_wait3A_605, %dma_wait3A_611] : memref<10x80xi32, #tpu.memory_space<vmem>> -> memref<1x80xi32, #tpu.memory_space<vmem>>
      %dma_wait3A_613 = tpu.memref_squeeze %dma_wait3A_612 : memref<1x80xi32, #tpu.memory_space<vmem>> -> memref<80xi32, #tpu.memory_space<vmem>>
      %dma_wait3A_614 = arith.constant 0 : i32
      %dma_wait3A_615 = arith.constant 0 : i32
      %dma_wait3A_616 = tpu.memref_slice %arg10[%dma_wait3A_614, %dma_wait3A_615] : memref<10240x64xf32, #tpu.memory_space<vmem_shared>> -> memref<10240x64xf32, #tpu.memory_space<vmem_shared>>
      %dma_wait3A_617 = tpu.memref_slice %arg13[%dma_wait3A_606] : memref<10x!tpu.dma_semaphore, #tpu.memory_space<semaphore_mem>> -> memref<1x!tpu.dma_semaphore, #tpu.memory_space<semaphore_mem>>
      %dma_wait3A_618 = tpu.memref_squeeze %dma_wait3A_617 : memref<1x!tpu.dma_semaphore, #tpu.memory_space<semaphore_mem>> -> memref<!tpu.dma_semaphore, #tpu.memory_space<semaphore_mem>>
      tpu.wait_indirect_dma semaphore(%dma_wait3A_618 : memref<!tpu.dma_semaphore, #tpu.memory_space<semaphore_mem>>) src(%dma_wait3A_610 : memref<80x64xf32, #tpu.memory_space<vmem>>) dst(%dma_wait3A_616 : memref<10240x64xf32, #tpu.memory_space<vmem_shared>>)
      %dma_wait3A_619 = arith.constant 9 : i32
      %dma_wait3A_620 = arith.constant 9 : i32
      %dma_wait3A_621 = arith.constant 9 : i32
      %dma_wait3A_622 = arith.constant 0 : i32
      %dma_wait3A_623 = arith.constant 0 : i32
      %dma_wait3A_624 = tpu.memref_slice %arg9[%dma_wait3A_619, %dma_wait3A_622, %dma_wait3A_623] : memref<10x80x64xf32, #tpu.memory_space<vmem>> -> memref<1x80x64xf32, #tpu.memory_space<vmem>>
      %dma_wait3A_625 = tpu.memref_squeeze %dma_wait3A_624 : memref<1x80x64xf32, #tpu.memory_space<vmem>> -> memref<80x64xf32, #tpu.memory_space<vmem>>
      %dma_wait3A_626 = arith.constant 0 : i32
      %dma_wait3A_627 = tpu.memref_slice %arg8[%dma_wait3A_620, %dma_wait3A_626] : memref<10x80xi32, #tpu.memory_space<vmem>> -> memref<1x80xi32, #tpu.memory_space<vmem>>
      %dma_wait3A_628 = tpu.memref_squeeze %dma_wait3A_627 : memref<1x80xi32, #tpu.memory_space<vmem>> -> memref<80xi32, #tpu.memory_space<vmem>>
      %dma_wait3A_629 = arith.constant 0 : i32
      %dma_wait3A_630 = arith.constant 0 : i32
      %dma_wait3A_631 = tpu.memref_slice %arg10[%dma_wait3A_629, %dma_wait3A_630] : memref<10240x64xf32, #tpu.memory_space<vmem_shared>> -> memref<10240x64xf32, #tpu.memory_space<vmem_shared>>
      %dma_wait3A_632 = tpu.memref_slice %arg13[%dma_wait3A_621] : memref<10x!tpu.dma_semaphore, #tpu.memory_space<semaphore_mem>> -> memref<1x!tpu.dma_semaphore, #tpu.memory_space<semaphore_mem>>
      %dma_wait3A_633 = tpu.memref_squeeze %dma_wait3A_632 : memref<1x!tpu.dma_semaphore, #tpu.memory_space<semaphore_mem>> -> memref<!tpu.dma_semaphore, #tpu.memory_space<semaphore_mem>>
      tpu.wait_indirect_dma semaphore(%dma_wait3A_633 : memref<!tpu.dma_semaphore, #tpu.memory_space<semaphore_mem>>) src(%dma_wait3A_625 : memref<80x64xf32, #tpu.memory_space<vmem>>) dst(%dma_wait3A_631 : memref<10240x64xf32, #tpu.memory_space<vmem_shared>>)
    }
    %scan3A_9 = arith.constant 25 : i32
    %barrier3A_10 = arith.constant 0 : index
    tpu.barrier barrier_id(%barrier3A_10)
    %mul3A_11 = arith.constant 640 : i32
    %mul3A_12 = arith.muli %arg1, %mul3A_11 : i32
    %mul3A_13 = arith.constant 10240 : i32
    %mul3A_14 = arith.muli %arg0, %mul3A_13 : i32
    %add3A_15 = arith.addi %mul3A_14, %mul3A_12 : i32
    "tpu.region"() ({
      %run_scoped3A = tpu.sem_alloc : memref<!tpu.dma_semaphore, #tpu.memory_space<semaphore_mem>>
      %dma_start3A = arith.constant 0 : i32
      %dma_start3A_16 = tpu.memref_slice %arg6[%add3A_15, %dma_start3A] : memref<20480x64xf32, #tpu.memory_space<hbm>> -> memref<640x64xf32, #tpu.memory_space<hbm>>
      %dma_start3A_17 = arith.constant 0 : i32
      %dma_start3A_18 = tpu.memref_slice %arg10[%mul3A_12, %dma_start3A_17] : memref<10240x64xf32, #tpu.memory_space<vmem_shared>> -> memref<640x64xf32, #tpu.memory_space<vmem_shared>>
      tpu.enqueue_dma source(%dma_start3A_18 : memref<640x64xf32, #tpu.memory_space<vmem_shared>>) target(%dma_start3A_16 : memref<640x64xf32, #tpu.memory_space<hbm>>) target_semaphore(%run_scoped3A : memref<!tpu.dma_semaphore, #tpu.memory_space<semaphore_mem>>)
      %dma_wait3A = arith.constant 0 : i32
      %dma_wait3A_19 = tpu.memref_slice %arg6[%add3A_15, %dma_wait3A] : memref<20480x64xf32, #tpu.memory_space<hbm>> -> memref<640x64xf32, #tpu.memory_space<hbm>>
      %dma_wait3A_20 = arith.constant 0 : i32
      %dma_wait3A_21 = tpu.memref_slice %arg10[%mul3A_12, %dma_wait3A_20] : memref<10240x64xf32, #tpu.memory_space<vmem_shared>> -> memref<640x64xf32, #tpu.memory_space<vmem_shared>>
      tpu.wait_dma2 semaphore(%run_scoped3A : memref<!tpu.dma_semaphore, #tpu.memory_space<semaphore_mem>>) src(%dma_wait3A_21 : memref<640x64xf32, #tpu.memory_space<vmem_shared>>) dst(%dma_wait3A_19 : memref<640x64xf32, #tpu.memory_space<hbm>>)
      tpu.yield
    }) : () -> ()
    return
  }
}

#map = affine_map<(d0, d1) -> (0, 0)>
module attributes {stable_mosaic.version = 14 : i64} {
  func.func @_edge_agg_body(%arg0: i32, %arg1: i32, %arg2: memref<20480x64xf32, #tpu.memory_space<hbm>>, %arg3: memref<8000x80xi32, #tpu.memory_space<hbm>>, %arg4: memref<8000x80xi32, #tpu.memory_space<hbm>>, %arg5: memref<640x64xf32, #tpu.memory_space<hbm>>, %arg6: memref<20480x64xf32, #tpu.memory_space<hbm>>, %arg7: memref<10x80xi32, #tpu.memory_space<vmem>>, %arg8: memref<10x80xi32, #tpu.memory_space<vmem>>, %arg9: memref<10x80x64xf32, #tpu.memory_space<vmem>>, %arg10: memref<10240x64xf32, #tpu.memory_space<vmem_shared>>, %arg11: memref<!tpu.dma_semaphore, #tpu.memory_space<semaphore_mem>>, %arg12: memref<10x!tpu.dma_semaphore, #tpu.memory_space<semaphore_mem>>, %arg13: memref<10x!tpu.dma_semaphore, #tpu.memory_space<semaphore_mem>>) attributes {dimension_semantics = [#tpu.dimension_semantics<core_parallel>, #tpu.dimension_semantics<subcore_parallel>], iteration_bounds = array<i64: 2, 16>, scalar_prefetch = 0 : i64, scratch_operands = 7 : i64, tpu.core_type = #tpu.core_type<sc_vector_subcore>, window_params = [{transform_indices = #map}, {transform_indices = #map}, {transform_indices = #map}, {transform_indices = #map}, {transform_indices = #map}]} {
    %mul3A = arith.constant 640 : i32
    %mul3A_0 = arith.muli %arg1, %mul3A : i32
    "tpu.region"() ({
      %run_scoped3A = tpu.sem_alloc : memref<!tpu.dma_semaphore, #tpu.memory_space<semaphore_mem>>
      %dma_start3A = arith.constant 0 : i32
      %dma_start3A_16 = tpu.memref_slice %arg10[%mul3A_0, %dma_start3A] : memref<10240x64xf32, #tpu.memory_space<vmem_shared>> -> memref<640x64xf32, #tpu.memory_space<vmem_shared>>
      tpu.enqueue_dma source(%arg5 : memref<640x64xf32, #tpu.memory_space<hbm>>) target(%dma_start3A_16 : memref<640x64xf32, #tpu.memory_space<vmem_shared>>) target_semaphore(%run_scoped3A : memref<!tpu.dma_semaphore, #tpu.memory_space<semaphore_mem>>)
      %dma_wait3A = arith.constant 0 : i32
      %dma_wait3A_17 = tpu.memref_slice %arg10[%mul3A_0, %dma_wait3A] : memref<10240x64xf32, #tpu.memory_space<vmem_shared>> -> memref<640x64xf32, #tpu.memory_space<vmem_shared>>
      tpu.wait_dma2 semaphore(%run_scoped3A : memref<!tpu.dma_semaphore, #tpu.memory_space<semaphore_mem>>) src(%arg5 : memref<640x64xf32, #tpu.memory_space<hbm>>) dst(%dma_wait3A_17 : memref<640x64xf32, #tpu.memory_space<vmem_shared>>)
      tpu.yield
    }) : () -> ()
    %barrier3A = arith.constant 0 : index
    tpu.barrier barrier_id(%barrier3A)
    %mul3A_1 = arith.constant 16 : i32
    %mul3A_2 = arith.muli %arg0, %mul3A_1 : i32
    %add3A = arith.addi %mul3A_2, %arg1 : i32
    %mul3A_3 = arith.constant 250 : i32
    %mul3A_4 = arith.muli %add3A, %mul3A_3 : i32
    %scan3A = arith.constant 0 : i32
    %scan3A_5 = arith.constant 0 : i32
    %scan3A_6 = arith.constant 25 : i32
    %scan3A_7 = arith.addi %scan3A_5, %scan3A_6 : i32
    %scan3A_8 = arith.constant 1 : i32
    scf.for %scan3A_16 = %scan3A_5 to %scan3A_7 step %scan3A_8  : i32 {
      %mul3A_17 = arith.constant 10 : i32
      %mul3A_18 = arith.muli %scan3A_16, %mul3A_17 : i32
      %add3A_19 = arith.addi %mul3A_4, %mul3A_18 : i32
      %multiple_of3A = tpu.assume_multiple %add3A_19, 10 : i32
      %dma_start3A = arith.constant 0 : i32
      %dma_start3A_20 = tpu.memref_slice %arg3[%multiple_of3A, %dma_start3A] : memref<8000x80xi32, #tpu.memory_space<hbm>> -> memref<10x80xi32, #tpu.memory_space<hbm>>
      %dma_start3A_21 = arith.constant 0 : i32
      %dma_start3A_22 = tpu.memref_slice %arg3[%multiple_of3A, %dma_start3A_21] : memref<8000x80xi32, #tpu.memory_space<hbm>> -> memref<10x80xi32, #tpu.memory_space<hbm>>
      tpu.enqueue_dma source(%dma_start3A_22 : memref<10x80xi32, #tpu.memory_space<hbm>>) target(%arg7 : memref<10x80xi32, #tpu.memory_space<vmem>>) target_semaphore(%arg11 : memref<!tpu.dma_semaphore, #tpu.memory_space<semaphore_mem>>)
      %dma_start3A_23 = arith.constant 0 : i32
      %dma_start3A_24 = tpu.memref_slice %arg4[%multiple_of3A, %dma_start3A_23] : memref<8000x80xi32, #tpu.memory_space<hbm>> -> memref<10x80xi32, #tpu.memory_space<hbm>>
      %dma_start3A_25 = arith.constant 0 : i32
      %dma_start3A_26 = tpu.memref_slice %arg4[%multiple_of3A, %dma_start3A_25] : memref<8000x80xi32, #tpu.memory_space<hbm>> -> memref<10x80xi32, #tpu.memory_space<hbm>>
      tpu.enqueue_dma source(%dma_start3A_26 : memref<10x80xi32, #tpu.memory_space<hbm>>) target(%arg8 : memref<10x80xi32, #tpu.memory_space<vmem>>) target_semaphore(%arg11 : memref<!tpu.dma_semaphore, #tpu.memory_space<semaphore_mem>>)
      %dma_wait3A = arith.constant 0 : i32
      %dma_wait3A_27 = tpu.memref_slice %arg3[%multiple_of3A, %dma_wait3A] : memref<8000x80xi32, #tpu.memory_space<hbm>> -> memref<10x80xi32, #tpu.memory_space<hbm>>
      %dma_wait3A_28 = arith.constant 0 : i32
      %dma_wait3A_29 = tpu.memref_slice %arg3[%multiple_of3A, %dma_wait3A_28] : memref<8000x80xi32, #tpu.memory_space<hbm>> -> memref<10x80xi32, #tpu.memory_space<hbm>>
      tpu.wait_dma2 semaphore(%arg11 : memref<!tpu.dma_semaphore, #tpu.memory_space<semaphore_mem>>) src(%dma_wait3A_29 : memref<10x80xi32, #tpu.memory_space<hbm>>) dst(%arg7 : memref<10x80xi32, #tpu.memory_space<vmem>>)
      %dma_wait3A_30 = arith.constant 0 : i32
      %dma_wait3A_31 = tpu.memref_slice %arg4[%multiple_of3A, %dma_wait3A_30] : memref<8000x80xi32, #tpu.memory_space<hbm>> -> memref<10x80xi32, #tpu.memory_space<hbm>>
      %dma_wait3A_32 = arith.constant 0 : i32
      %dma_wait3A_33 = tpu.memref_slice %arg4[%multiple_of3A, %dma_wait3A_32] : memref<8000x80xi32, #tpu.memory_space<hbm>> -> memref<10x80xi32, #tpu.memory_space<hbm>>
      tpu.wait_dma2 semaphore(%arg11 : memref<!tpu.dma_semaphore, #tpu.memory_space<semaphore_mem>>) src(%dma_wait3A_33 : memref<10x80xi32, #tpu.memory_space<hbm>>) dst(%arg8 : memref<10x80xi32, #tpu.memory_space<vmem>>)
      %dma_start3A_34 = arith.constant 0 : i32
      %dma_start3A_35 = arith.constant 0 : i32
      %dma_start3A_36 = arith.constant 0 : i32
      %dma_start3A_37 = arith.constant 0 : i32
      %dma_start3A_38 = arith.constant 0 : i32
      %dma_start3A_39 = tpu.memref_slice %arg9[%dma_start3A_35, %dma_start3A_37, %dma_start3A_38] : memref<10x80x64xf32, #tpu.memory_space<vmem>> -> memref<1x80x64xf32, #tpu.memory_space<vmem>>
      %dma_start3A_40 = tpu.memref_squeeze %dma_start3A_39 : memref<1x80x64xf32, #tpu.memory_space<vmem>> -> memref<80x64xf32, #tpu.memory_space<vmem>>
      %dma_start3A_41 = arith.constant 0 : i32
      %dma_start3A_42 = tpu.memref_slice %arg7[%dma_start3A_34, %dma_start3A_41] : memref<10x80xi32, #tpu.memory_space<vmem>> -> memref<1x80xi32, #tpu.memory_space<vmem>>
      %dma_start3A_43 = tpu.memref_squeeze %dma_start3A_42 : memref<1x80xi32, #tpu.memory_space<vmem>> -> memref<80xi32, #tpu.memory_space<vmem>>
      %dma_start3A_44 = arith.constant 0 : i32
      %dma_start3A_45 = arith.constant 0 : i32
      %dma_start3A_46 = tpu.memref_slice %arg2[%dma_start3A_44, %dma_start3A_45] : memref<20480x64xf32, #tpu.memory_space<hbm>> -> memref<20480x64xf32, #tpu.memory_space<hbm>>
      %dma_start3A_47 = tpu.memref_slice %arg12[%dma_start3A_36] : memref<10x!tpu.dma_semaphore, #tpu.memory_space<semaphore_mem>> -> memref<1x!tpu.dma_semaphore, #tpu.memory_space<semaphore_mem>>
      %dma_start3A_48 = tpu.memref_squeeze %dma_start3A_47 : memref<1x!tpu.dma_semaphore, #tpu.memory_space<semaphore_mem>> -> memref<!tpu.dma_semaphore, #tpu.memory_space<semaphore_mem>>
      tpu.enqueue_indirect_dma source(%dma_start3A_46 : memref<20480x64xf32, #tpu.memory_space<hbm>>) target(%dma_start3A_40 : memref<80x64xf32, #tpu.memory_space<vmem>>) offsets(%dma_start3A_43 : memref<80xi32, #tpu.memory_space<vmem>>) semaphore(%dma_start3A_48 : memref<!tpu.dma_semaphore, #tpu.memory_space<semaphore_mem>>)
      %dma_start3A_49 = arith.constant 1 : i32
      %dma_start3A_50 = arith.constant 1 : i32
      %dma_start3A_51 = arith.constant 1 : i32
      %dma_start3A_52 = arith.constant 0 : i32
      %dma_start3A_53 = arith.constant 0 : i32
      %dma_start3A_54 = tpu.memref_slice %arg9[%dma_start3A_50, %dma_start3A_52, %dma_start3A_53] : memref<10x80x64xf32, #tpu.memory_space<vmem>> -> memref<1x80x64xf32, #tpu.memory_space<vmem>>
      %dma_start3A_55 = tpu.memref_squeeze %dma_start3A_54 : memref<1x80x64xf32, #tpu.memory_space<vmem>> -> memref<80x64xf32, #tpu.memory_space<vmem>>
      %dma_start3A_56 = arith.constant 0 : i32
      %dma_start3A_57 = tpu.memref_slice %arg7[%dma_start3A_49, %dma_start3A_56] : memref<10x80xi32, #tpu.memory_space<vmem>> -> memref<1x80xi32, #tpu.memory_space<vmem>>
      %dma_start3A_58 = tpu.memref_squeeze %dma_start3A_57 : memref<1x80xi32, #tpu.memory_space<vmem>> -> memref<80xi32, #tpu.memory_space<vmem>>
      %dma_start3A_59 = arith.constant 0 : i32
      %dma_start3A_60 = arith.constant 0 : i32
      %dma_start3A_61 = tpu.memref_slice %arg2[%dma_start3A_59, %dma_start3A_60] : memref<20480x64xf32, #tpu.memory_space<hbm>> -> memref<20480x64xf32, #tpu.memory_space<hbm>>
      %dma_start3A_62 = tpu.memref_slice %arg12[%dma_start3A_51] : memref<10x!tpu.dma_semaphore, #tpu.memory_space<semaphore_mem>> -> memref<1x!tpu.dma_semaphore, #tpu.memory_space<semaphore_mem>>
      %dma_start3A_63 = tpu.memref_squeeze %dma_start3A_62 : memref<1x!tpu.dma_semaphore, #tpu.memory_space<semaphore_mem>> -> memref<!tpu.dma_semaphore, #tpu.memory_space<semaphore_mem>>
      tpu.enqueue_indirect_dma source(%dma_start3A_61 : memref<20480x64xf32, #tpu.memory_space<hbm>>) target(%dma_start3A_55 : memref<80x64xf32, #tpu.memory_space<vmem>>) offsets(%dma_start3A_58 : memref<80xi32, #tpu.memory_space<vmem>>) semaphore(%dma_start3A_63 : memref<!tpu.dma_semaphore, #tpu.memory_space<semaphore_mem>>)
      %dma_start3A_64 = arith.constant 2 : i32
      %dma_start3A_65 = arith.constant 2 : i32
      %dma_start3A_66 = arith.constant 2 : i32
      %dma_start3A_67 = arith.constant 0 : i32
      %dma_start3A_68 = arith.constant 0 : i32
      %dma_start3A_69 = tpu.memref_slice %arg9[%dma_start3A_65, %dma_start3A_67, %dma_start3A_68] : memref<10x80x64xf32, #tpu.memory_space<vmem>> -> memref<1x80x64xf32, #tpu.memory_space<vmem>>
      %dma_start3A_70 = tpu.memref_squeeze %dma_start3A_69 : memref<1x80x64xf32, #tpu.memory_space<vmem>> -> memref<80x64xf32, #tpu.memory_space<vmem>>
      %dma_start3A_71 = arith.constant 0 : i32
      %dma_start3A_72 = tpu.memref_slice %arg7[%dma_start3A_64, %dma_start3A_71] : memref<10x80xi32, #tpu.memory_space<vmem>> -> memref<1x80xi32, #tpu.memory_space<vmem>>
      %dma_start3A_73 = tpu.memref_squeeze %dma_start3A_72 : memref<1x80xi32, #tpu.memory_space<vmem>> -> memref<80xi32, #tpu.memory_space<vmem>>
      %dma_start3A_74 = arith.constant 0 : i32
      %dma_start3A_75 = arith.constant 0 : i32
      %dma_start3A_76 = tpu.memref_slice %arg2[%dma_start3A_74, %dma_start3A_75] : memref<20480x64xf32, #tpu.memory_space<hbm>> -> memref<20480x64xf32, #tpu.memory_space<hbm>>
      %dma_start3A_77 = tpu.memref_slice %arg12[%dma_start3A_66] : memref<10x!tpu.dma_semaphore, #tpu.memory_space<semaphore_mem>> -> memref<1x!tpu.dma_semaphore, #tpu.memory_space<semaphore_mem>>
      %dma_start3A_78 = tpu.memref_squeeze %dma_start3A_77 : memref<1x!tpu.dma_semaphore, #tpu.memory_space<semaphore_mem>> -> memref<!tpu.dma_semaphore, #tpu.memory_space<semaphore_mem>>
      tpu.enqueue_indirect_dma source(%dma_start3A_76 : memref<20480x64xf32, #tpu.memory_space<hbm>>) target(%dma_start3A_70 : memref<80x64xf32, #tpu.memory_space<vmem>>) offsets(%dma_start3A_73 : memref<80xi32, #tpu.memory_space<vmem>>) semaphore(%dma_start3A_78 : memref<!tpu.dma_semaphore, #tpu.memory_space<semaphore_mem>>)
      %dma_start3A_79 = arith.constant 3 : i32
      %dma_start3A_80 = arith.constant 3 : i32
      %dma_start3A_81 = arith.constant 3 : i32
      %dma_start3A_82 = arith.constant 0 : i32
      %dma_start3A_83 = arith.constant 0 : i32
      %dma_start3A_84 = tpu.memref_slice %arg9[%dma_start3A_80, %dma_start3A_82, %dma_start3A_83] : memref<10x80x64xf32, #tpu.memory_space<vmem>> -> memref<1x80x64xf32, #tpu.memory_space<vmem>>
      %dma_start3A_85 = tpu.memref_squeeze %dma_start3A_84 : memref<1x80x64xf32, #tpu.memory_space<vmem>> -> memref<80x64xf32, #tpu.memory_space<vmem>>
      %dma_start3A_86 = arith.constant 0 : i32
      %dma_start3A_87 = tpu.memref_slice %arg7[%dma_start3A_79, %dma_start3A_86] : memref<10x80xi32, #tpu.memory_space<vmem>> -> memref<1x80xi32, #tpu.memory_space<vmem>>
      %dma_start3A_88 = tpu.memref_squeeze %dma_start3A_87 : memref<1x80xi32, #tpu.memory_space<vmem>> -> memref<80xi32, #tpu.memory_space<vmem>>
      %dma_start3A_89 = arith.constant 0 : i32
      %dma_start3A_90 = arith.constant 0 : i32
      %dma_start3A_91 = tpu.memref_slice %arg2[%dma_start3A_89, %dma_start3A_90] : memref<20480x64xf32, #tpu.memory_space<hbm>> -> memref<20480x64xf32, #tpu.memory_space<hbm>>
      %dma_start3A_92 = tpu.memref_slice %arg12[%dma_start3A_81] : memref<10x!tpu.dma_semaphore, #tpu.memory_space<semaphore_mem>> -> memref<1x!tpu.dma_semaphore, #tpu.memory_space<semaphore_mem>>
      %dma_start3A_93 = tpu.memref_squeeze %dma_start3A_92 : memref<1x!tpu.dma_semaphore, #tpu.memory_space<semaphore_mem>> -> memref<!tpu.dma_semaphore, #tpu.memory_space<semaphore_mem>>
      tpu.enqueue_indirect_dma source(%dma_start3A_91 : memref<20480x64xf32, #tpu.memory_space<hbm>>) target(%dma_start3A_85 : memref<80x64xf32, #tpu.memory_space<vmem>>) offsets(%dma_start3A_88 : memref<80xi32, #tpu.memory_space<vmem>>) semaphore(%dma_start3A_93 : memref<!tpu.dma_semaphore, #tpu.memory_space<semaphore_mem>>)
      %dma_start3A_94 = arith.constant 4 : i32
      %dma_start3A_95 = arith.constant 4 : i32
      %dma_start3A_96 = arith.constant 4 : i32
      %dma_start3A_97 = arith.constant 0 : i32
      %dma_start3A_98 = arith.constant 0 : i32
      %dma_start3A_99 = tpu.memref_slice %arg9[%dma_start3A_95, %dma_start3A_97, %dma_start3A_98] : memref<10x80x64xf32, #tpu.memory_space<vmem>> -> memref<1x80x64xf32, #tpu.memory_space<vmem>>
      %dma_start3A_100 = tpu.memref_squeeze %dma_start3A_99 : memref<1x80x64xf32, #tpu.memory_space<vmem>> -> memref<80x64xf32, #tpu.memory_space<vmem>>
      %dma_start3A_101 = arith.constant 0 : i32
      %dma_start3A_102 = tpu.memref_slice %arg7[%dma_start3A_94, %dma_start3A_101] : memref<10x80xi32, #tpu.memory_space<vmem>> -> memref<1x80xi32, #tpu.memory_space<vmem>>
      %dma_start3A_103 = tpu.memref_squeeze %dma_start3A_102 : memref<1x80xi32, #tpu.memory_space<vmem>> -> memref<80xi32, #tpu.memory_space<vmem>>
      %dma_start3A_104 = arith.constant 0 : i32
      %dma_start3A_105 = arith.constant 0 : i32
      %dma_start3A_106 = tpu.memref_slice %arg2[%dma_start3A_104, %dma_start3A_105] : memref<20480x64xf32, #tpu.memory_space<hbm>> -> memref<20480x64xf32, #tpu.memory_space<hbm>>
      %dma_start3A_107 = tpu.memref_slice %arg12[%dma_start3A_96] : memref<10x!tpu.dma_semaphore, #tpu.memory_space<semaphore_mem>> -> memref<1x!tpu.dma_semaphore, #tpu.memory_space<semaphore_mem>>
      %dma_start3A_108 = tpu.memref_squeeze %dma_start3A_107 : memref<1x!tpu.dma_semaphore, #tpu.memory_space<semaphore_mem>> -> memref<!tpu.dma_semaphore, #tpu.memory_space<semaphore_mem>>
      tpu.enqueue_indirect_dma source(%dma_start3A_106 : memref<20480x64xf32, #tpu.memory_space<hbm>>) target(%dma_start3A_100 : memref<80x64xf32, #tpu.memory_space<vmem>>) offsets(%dma_start3A_103 : memref<80xi32, #tpu.memory_space<vmem>>) semaphore(%dma_start3A_108 : memref<!tpu.dma_semaphore, #tpu.memory_space<semaphore_mem>>)
      %dma_start3A_109 = arith.constant 5 : i32
      %dma_start3A_110 = arith.constant 5 : i32
      %dma_start3A_111 = arith.constant 5 : i32
      %dma_start3A_112 = arith.constant 0 : i32
      %dma_start3A_113 = arith.constant 0 : i32
      %dma_start3A_114 = tpu.memref_slice %arg9[%dma_start3A_110, %dma_start3A_112, %dma_start3A_113] : memref<10x80x64xf32, #tpu.memory_space<vmem>> -> memref<1x80x64xf32, #tpu.memory_space<vmem>>
      %dma_start3A_115 = tpu.memref_squeeze %dma_start3A_114 : memref<1x80x64xf32, #tpu.memory_space<vmem>> -> memref<80x64xf32, #tpu.memory_space<vmem>>
      %dma_start3A_116 = arith.constant 0 : i32
      %dma_start3A_117 = tpu.memref_slice %arg7[%dma_start3A_109, %dma_start3A_116] : memref<10x80xi32, #tpu.memory_space<vmem>> -> memref<1x80xi32, #tpu.memory_space<vmem>>
      %dma_start3A_118 = tpu.memref_squeeze %dma_start3A_117 : memref<1x80xi32, #tpu.memory_space<vmem>> -> memref<80xi32, #tpu.memory_space<vmem>>
      %dma_start3A_119 = arith.constant 0 : i32
      %dma_start3A_120 = arith.constant 0 : i32
      %dma_start3A_121 = tpu.memref_slice %arg2[%dma_start3A_119, %dma_start3A_120] : memref<20480x64xf32, #tpu.memory_space<hbm>> -> memref<20480x64xf32, #tpu.memory_space<hbm>>
      %dma_start3A_122 = tpu.memref_slice %arg12[%dma_start3A_111] : memref<10x!tpu.dma_semaphore, #tpu.memory_space<semaphore_mem>> -> memref<1x!tpu.dma_semaphore, #tpu.memory_space<semaphore_mem>>
      %dma_start3A_123 = tpu.memref_squeeze %dma_start3A_122 : memref<1x!tpu.dma_semaphore, #tpu.memory_space<semaphore_mem>> -> memref<!tpu.dma_semaphore, #tpu.memory_space<semaphore_mem>>
      tpu.enqueue_indirect_dma source(%dma_start3A_121 : memref<20480x64xf32, #tpu.memory_space<hbm>>) target(%dma_start3A_115 : memref<80x64xf32, #tpu.memory_space<vmem>>) offsets(%dma_start3A_118 : memref<80xi32, #tpu.memory_space<vmem>>) semaphore(%dma_start3A_123 : memref<!tpu.dma_semaphore, #tpu.memory_space<semaphore_mem>>)
      %dma_start3A_124 = arith.constant 6 : i32
      %dma_start3A_125 = arith.constant 6 : i32
      %dma_start3A_126 = arith.constant 6 : i32
      %dma_start3A_127 = arith.constant 0 : i32
      %dma_start3A_128 = arith.constant 0 : i32
      %dma_start3A_129 = tpu.memref_slice %arg9[%dma_start3A_125, %dma_start3A_127, %dma_start3A_128] : memref<10x80x64xf32, #tpu.memory_space<vmem>> -> memref<1x80x64xf32, #tpu.memory_space<vmem>>
      %dma_start3A_130 = tpu.memref_squeeze %dma_start3A_129 : memref<1x80x64xf32, #tpu.memory_space<vmem>> -> memref<80x64xf32, #tpu.memory_space<vmem>>
      %dma_start3A_131 = arith.constant 0 : i32
      %dma_start3A_132 = tpu.memref_slice %arg7[%dma_start3A_124, %dma_start3A_131] : memref<10x80xi32, #tpu.memory_space<vmem>> -> memref<1x80xi32, #tpu.memory_space<vmem>>
      %dma_start3A_133 = tpu.memref_squeeze %dma_start3A_132 : memref<1x80xi32, #tpu.memory_space<vmem>> -> memref<80xi32, #tpu.memory_space<vmem>>
      %dma_start3A_134 = arith.constant 0 : i32
      %dma_start3A_135 = arith.constant 0 : i32
      %dma_start3A_136 = tpu.memref_slice %arg2[%dma_start3A_134, %dma_start3A_135] : memref<20480x64xf32, #tpu.memory_space<hbm>> -> memref<20480x64xf32, #tpu.memory_space<hbm>>
      %dma_start3A_137 = tpu.memref_slice %arg12[%dma_start3A_126] : memref<10x!tpu.dma_semaphore, #tpu.memory_space<semaphore_mem>> -> memref<1x!tpu.dma_semaphore, #tpu.memory_space<semaphore_mem>>
      %dma_start3A_138 = tpu.memref_squeeze %dma_start3A_137 : memref<1x!tpu.dma_semaphore, #tpu.memory_space<semaphore_mem>> -> memref<!tpu.dma_semaphore, #tpu.memory_space<semaphore_mem>>
      tpu.enqueue_indirect_dma source(%dma_start3A_136 : memref<20480x64xf32, #tpu.memory_space<hbm>>) target(%dma_start3A_130 : memref<80x64xf32, #tpu.memory_space<vmem>>) offsets(%dma_start3A_133 : memref<80xi32, #tpu.memory_space<vmem>>) semaphore(%dma_start3A_138 : memref<!tpu.dma_semaphore, #tpu.memory_space<semaphore_mem>>)
      %dma_start3A_139 = arith.constant 7 : i32
      %dma_start3A_140 = arith.constant 7 : i32
      %dma_start3A_141 = arith.constant 7 : i32
      %dma_start3A_142 = arith.constant 0 : i32
      %dma_start3A_143 = arith.constant 0 : i32
      %dma_start3A_144 = tpu.memref_slice %arg9[%dma_start3A_140, %dma_start3A_142, %dma_start3A_143] : memref<10x80x64xf32, #tpu.memory_space<vmem>> -> memref<1x80x64xf32, #tpu.memory_space<vmem>>
      %dma_start3A_145 = tpu.memref_squeeze %dma_start3A_144 : memref<1x80x64xf32, #tpu.memory_space<vmem>> -> memref<80x64xf32, #tpu.memory_space<vmem>>
      %dma_start3A_146 = arith.constant 0 : i32
      %dma_start3A_147 = tpu.memref_slice %arg7[%dma_start3A_139, %dma_start3A_146] : memref<10x80xi32, #tpu.memory_space<vmem>> -> memref<1x80xi32, #tpu.memory_space<vmem>>
      %dma_start3A_148 = tpu.memref_squeeze %dma_start3A_147 : memref<1x80xi32, #tpu.memory_space<vmem>> -> memref<80xi32, #tpu.memory_space<vmem>>
      %dma_start3A_149 = arith.constant 0 : i32
      %dma_start3A_150 = arith.constant 0 : i32
      %dma_start3A_151 = tpu.memref_slice %arg2[%dma_start3A_149, %dma_start3A_150] : memref<20480x64xf32, #tpu.memory_space<hbm>> -> memref<20480x64xf32, #tpu.memory_space<hbm>>
      %dma_start3A_152 = tpu.memref_slice %arg12[%dma_start3A_141] : memref<10x!tpu.dma_semaphore, #tpu.memory_space<semaphore_mem>> -> memref<1x!tpu.dma_semaphore, #tpu.memory_space<semaphore_mem>>
      %dma_start3A_153 = tpu.memref_squeeze %dma_start3A_152 : memref<1x!tpu.dma_semaphore, #tpu.memory_space<semaphore_mem>> -> memref<!tpu.dma_semaphore, #tpu.memory_space<semaphore_mem>>
      tpu.enqueue_indirect_dma source(%dma_start3A_151 : memref<20480x64xf32, #tpu.memory_space<hbm>>) target(%dma_start3A_145 : memref<80x64xf32, #tpu.memory_space<vmem>>) offsets(%dma_start3A_148 : memref<80xi32, #tpu.memory_space<vmem>>) semaphore(%dma_start3A_153 : memref<!tpu.dma_semaphore, #tpu.memory_space<semaphore_mem>>)
      %dma_start3A_154 = arith.constant 8 : i32
      %dma_start3A_155 = arith.constant 8 : i32
      %dma_start3A_156 = arith.constant 8 : i32
      %dma_start3A_157 = arith.constant 0 : i32
      %dma_start3A_158 = arith.constant 0 : i32
      %dma_start3A_159 = tpu.memref_slice %arg9[%dma_start3A_155, %dma_start3A_157, %dma_start3A_158] : memref<10x80x64xf32, #tpu.memory_space<vmem>> -> memref<1x80x64xf32, #tpu.memory_space<vmem>>
      %dma_start3A_160 = tpu.memref_squeeze %dma_start3A_159 : memref<1x80x64xf32, #tpu.memory_space<vmem>> -> memref<80x64xf32, #tpu.memory_space<vmem>>
      %dma_start3A_161 = arith.constant 0 : i32
      %dma_start3A_162 = tpu.memref_slice %arg7[%dma_start3A_154, %dma_start3A_161] : memref<10x80xi32, #tpu.memory_space<vmem>> -> memref<1x80xi32, #tpu.memory_space<vmem>>
      %dma_start3A_163 = tpu.memref_squeeze %dma_start3A_162 : memref<1x80xi32, #tpu.memory_space<vmem>> -> memref<80xi32, #tpu.memory_space<vmem>>
      %dma_start3A_164 = arith.constant 0 : i32
      %dma_start3A_165 = arith.constant 0 : i32
      %dma_start3A_166 = tpu.memref_slice %arg2[%dma_start3A_164, %dma_start3A_165] : memref<20480x64xf32, #tpu.memory_space<hbm>> -> memref<20480x64xf32, #tpu.memory_space<hbm>>
      %dma_start3A_167 = tpu.memref_slice %arg12[%dma_start3A_156] : memref<10x!tpu.dma_semaphore, #tpu.memory_space<semaphore_mem>> -> memref<1x!tpu.dma_semaphore, #tpu.memory_space<semaphore_mem>>
      %dma_start3A_168 = tpu.memref_squeeze %dma_start3A_167 : memref<1x!tpu.dma_semaphore, #tpu.memory_space<semaphore_mem>> -> memref<!tpu.dma_semaphore, #tpu.memory_space<semaphore_mem>>
      tpu.enqueue_indirect_dma source(%dma_start3A_166 : memref<20480x64xf32, #tpu.memory_space<hbm>>) target(%dma_start3A_160 : memref<80x64xf32, #tpu.memory_space<vmem>>) offsets(%dma_start3A_163 : memref<80xi32, #tpu.memory_space<vmem>>) semaphore(%dma_start3A_168 : memref<!tpu.dma_semaphore, #tpu.memory_space<semaphore_mem>>)
      %dma_start3A_169 = arith.constant 9 : i32
      %dma_start3A_170 = arith.constant 9 : i32
      %dma_start3A_171 = arith.constant 9 : i32
      %dma_start3A_172 = arith.constant 0 : i32
      %dma_start3A_173 = arith.constant 0 : i32
      %dma_start3A_174 = tpu.memref_slice %arg9[%dma_start3A_170, %dma_start3A_172, %dma_start3A_173] : memref<10x80x64xf32, #tpu.memory_space<vmem>> -> memref<1x80x64xf32, #tpu.memory_space<vmem>>
      %dma_start3A_175 = tpu.memref_squeeze %dma_start3A_174 : memref<1x80x64xf32, #tpu.memory_space<vmem>> -> memref<80x64xf32, #tpu.memory_space<vmem>>
      %dma_start3A_176 = arith.constant 0 : i32
      %dma_start3A_177 = tpu.memref_slice %arg7[%dma_start3A_169, %dma_start3A_176] : memref<10x80xi32, #tpu.memory_space<vmem>> -> memref<1x80xi32, #tpu.memory_space<vmem>>
      %dma_start3A_178 = tpu.memref_squeeze %dma_start3A_177 : memref<1x80xi32, #tpu.memory_space<vmem>> -> memref<80xi32, #tpu.memory_space<vmem>>
      %dma_start3A_179 = arith.constant 0 : i32
      %dma_start3A_180 = arith.constant 0 : i32
      %dma_start3A_181 = tpu.memref_slice %arg2[%dma_start3A_179, %dma_start3A_180] : memref<20480x64xf32, #tpu.memory_space<hbm>> -> memref<20480x64xf32, #tpu.memory_space<hbm>>
      %dma_start3A_182 = tpu.memref_slice %arg12[%dma_start3A_171] : memref<10x!tpu.dma_semaphore, #tpu.memory_space<semaphore_mem>> -> memref<1x!tpu.dma_semaphore, #tpu.memory_space<semaphore_mem>>
      %dma_start3A_183 = tpu.memref_squeeze %dma_start3A_182 : memref<1x!tpu.dma_semaphore, #tpu.memory_space<semaphore_mem>> -> memref<!tpu.dma_semaphore, #tpu.memory_space<semaphore_mem>>
      tpu.enqueue_indirect_dma source(%dma_start3A_181 : memref<20480x64xf32, #tpu.memory_space<hbm>>) target(%dma_start3A_175 : memref<80x64xf32, #tpu.memory_space<vmem>>) offsets(%dma_start3A_178 : memref<80xi32, #tpu.memory_space<vmem>>) semaphore(%dma_start3A_183 : memref<!tpu.dma_semaphore, #tpu.memory_space<semaphore_mem>>)
      %dma_wait3A_184 = arith.constant 0 : i32
      %dma_wait3A_185 = arith.constant 0 : i32
      %dma_wait3A_186 = arith.constant 0 : i32
      %dma_wait3A_187 = arith.constant 0 : i32
      %dma_wait3A_188 = arith.constant 0 : i32
      %dma_wait3A_189 = tpu.memref_slice %arg9[%dma_wait3A_185, %dma_wait3A_187, %dma_wait3A_188] : memref<10x80x64xf32, #tpu.memory_space<vmem>> -> memref<1x80x64xf32, #tpu.memory_space<vmem>>
      %dma_wait3A_190 = tpu.memref_squeeze %dma_wait3A_189 : memref<1x80x64xf32, #tpu.memory_space<vmem>> -> memref<80x64xf32, #tpu.memory_space<vmem>>
      %dma_wait3A_191 = arith.constant 0 : i32
      %dma_wait3A_192 = tpu.memref_slice %arg7[%dma_wait3A_184, %dma_wait3A_191] : memref<10x80xi32, #tpu.memory_space<vmem>> -> memref<1x80xi32, #tpu.memory_space<vmem>>
      %dma_wait3A_193 = tpu.memref_squeeze %dma_wait3A_192 : memref<1x80xi32, #tpu.memory_space<vmem>> -> memref<80xi32, #tpu.memory_space<vmem>>
      %dma_wait3A_194 = arith.constant 0 : i32
      %dma_wait3A_195 = arith.constant 0 : i32
      %dma_wait3A_196 = tpu.memref_slice %arg2[%dma_wait3A_194, %dma_wait3A_195] : memref<20480x64xf32, #tpu.memory_space<hbm>> -> memref<20480x64xf32, #tpu.memory_space<hbm>>
      %dma_wait3A_197 = tpu.memref_slice %arg12[%dma_wait3A_186] : memref<10x!tpu.dma_semaphore, #tpu.memory_space<semaphore_mem>> -> memref<1x!tpu.dma_semaphore, #tpu.memory_space<semaphore_mem>>
      %dma_wait3A_198 = tpu.memref_squeeze %dma_wait3A_197 : memref<1x!tpu.dma_semaphore, #tpu.memory_space<semaphore_mem>> -> memref<!tpu.dma_semaphore, #tpu.memory_space<semaphore_mem>>
      tpu.wait_indirect_dma semaphore(%dma_wait3A_198 : memref<!tpu.dma_semaphore, #tpu.memory_space<semaphore_mem>>) src(%dma_wait3A_196 : memref<20480x64xf32, #tpu.memory_space<hbm>>) dst(%dma_wait3A_190 : memref<80x64xf32, #tpu.memory_space<vmem>>)
      %dma_start3A_199 = arith.constant 0 : i32
      %dma_start3A_200 = arith.constant 0 : i32
      %dma_start3A_201 = arith.constant 0 : i32
      %dma_start3A_202 = arith.constant 0 : i32
      %dma_start3A_203 = arith.constant 0 : i32
      %dma_start3A_204 = tpu.memref_slice %arg9[%dma_start3A_199, %dma_start3A_202, %dma_start3A_203] : memref<10x80x64xf32, #tpu.memory_space<vmem>> -> memref<1x80x64xf32, #tpu.memory_space<vmem>>
      %dma_start3A_205 = tpu.memref_squeeze %dma_start3A_204 : memref<1x80x64xf32, #tpu.memory_space<vmem>> -> memref<80x64xf32, #tpu.memory_space<vmem>>
      %dma_start3A_206 = arith.constant 0 : i32
      %dma_start3A_207 = tpu.memref_slice %arg8[%dma_start3A_200, %dma_start3A_206] : memref<10x80xi32, #tpu.memory_space<vmem>> -> memref<1x80xi32, #tpu.memory_space<vmem>>
      %dma_start3A_208 = tpu.memref_squeeze %dma_start3A_207 : memref<1x80xi32, #tpu.memory_space<vmem>> -> memref<80xi32, #tpu.memory_space<vmem>>
      %dma_start3A_209 = arith.constant 0 : i32
      %dma_start3A_210 = arith.constant 0 : i32
      %dma_start3A_211 = tpu.memref_slice %arg10[%dma_start3A_209, %dma_start3A_210] : memref<10240x64xf32, #tpu.memory_space<vmem_shared>> -> memref<10240x64xf32, #tpu.memory_space<vmem_shared>>
      %dma_start3A_212 = tpu.memref_slice %arg13[%dma_start3A_201] : memref<10x!tpu.dma_semaphore, #tpu.memory_space<semaphore_mem>> -> memref<1x!tpu.dma_semaphore, #tpu.memory_space<semaphore_mem>>
      %dma_start3A_213 = tpu.memref_squeeze %dma_start3A_212 : memref<1x!tpu.dma_semaphore, #tpu.memory_space<semaphore_mem>> -> memref<!tpu.dma_semaphore, #tpu.memory_space<semaphore_mem>>
      tpu.enqueue_indirect_dma source(%dma_start3A_205 : memref<80x64xf32, #tpu.memory_space<vmem>>) target(%dma_start3A_211 : memref<10240x64xf32, #tpu.memory_space<vmem_shared>>) offsets(%dma_start3A_208 : memref<80xi32, #tpu.memory_space<vmem>>) semaphore(%dma_start3A_213 : memref<!tpu.dma_semaphore, #tpu.memory_space<semaphore_mem>>) {add = true}
      %dma_wait3A_214 = arith.constant 1 : i32
      %dma_wait3A_215 = arith.constant 1 : i32
      %dma_wait3A_216 = arith.constant 1 : i32
      %dma_wait3A_217 = arith.constant 0 : i32
      %dma_wait3A_218 = arith.constant 0 : i32
      %dma_wait3A_219 = tpu.memref_slice %arg9[%dma_wait3A_215, %dma_wait3A_217, %dma_wait3A_218] : memref<10x80x64xf32, #tpu.memory_space<vmem>> -> memref<1x80x64xf32, #tpu.memory_space<vmem>>
      %dma_wait3A_220 = tpu.memref_squeeze %dma_wait3A_219 : memref<1x80x64xf32, #tpu.memory_space<vmem>> -> memref<80x64xf32, #tpu.memory_space<vmem>>
      %dma_wait3A_221 = arith.constant 0 : i32
      %dma_wait3A_222 = tpu.memref_slice %arg7[%dma_wait3A_214, %dma_wait3A_221] : memref<10x80xi32, #tpu.memory_space<vmem>> -> memref<1x80xi32, #tpu.memory_space<vmem>>
      %dma_wait3A_223 = tpu.memref_squeeze %dma_wait3A_222 : memref<1x80xi32, #tpu.memory_space<vmem>> -> memref<80xi32, #tpu.memory_space<vmem>>
      %dma_wait3A_224 = arith.constant 0 : i32
      %dma_wait3A_225 = arith.constant 0 : i32
      %dma_wait3A_226 = tpu.memref_slice %arg2[%dma_wait3A_224, %dma_wait3A_225] : memref<20480x64xf32, #tpu.memory_space<hbm>> -> memref<20480x64xf32, #tpu.memory_space<hbm>>
      %dma_wait3A_227 = tpu.memref_slice %arg12[%dma_wait3A_216] : memref<10x!tpu.dma_semaphore, #tpu.memory_space<semaphore_mem>> -> memref<1x!tpu.dma_semaphore, #tpu.memory_space<semaphore_mem>>
      %dma_wait3A_228 = tpu.memref_squeeze %dma_wait3A_227 : memref<1x!tpu.dma_semaphore, #tpu.memory_space<semaphore_mem>> -> memref<!tpu.dma_semaphore, #tpu.memory_space<semaphore_mem>>
      tpu.wait_indirect_dma semaphore(%dma_wait3A_228 : memref<!tpu.dma_semaphore, #tpu.memory_space<semaphore_mem>>) src(%dma_wait3A_226 : memref<20480x64xf32, #tpu.memory_space<hbm>>) dst(%dma_wait3A_220 : memref<80x64xf32, #tpu.memory_space<vmem>>)
      %dma_start3A_229 = arith.constant 1 : i32
      %dma_start3A_230 = arith.constant 1 : i32
      %dma_start3A_231 = arith.constant 1 : i32
      %dma_start3A_232 = arith.constant 0 : i32
      %dma_start3A_233 = arith.constant 0 : i32
      %dma_start3A_234 = tpu.memref_slice %arg9[%dma_start3A_229, %dma_start3A_232, %dma_start3A_233] : memref<10x80x64xf32, #tpu.memory_space<vmem>> -> memref<1x80x64xf32, #tpu.memory_space<vmem>>
      %dma_start3A_235 = tpu.memref_squeeze %dma_start3A_234 : memref<1x80x64xf32, #tpu.memory_space<vmem>> -> memref<80x64xf32, #tpu.memory_space<vmem>>
      %dma_start3A_236 = arith.constant 0 : i32
      %dma_start3A_237 = tpu.memref_slice %arg8[%dma_start3A_230, %dma_start3A_236] : memref<10x80xi32, #tpu.memory_space<vmem>> -> memref<1x80xi32, #tpu.memory_space<vmem>>
      %dma_start3A_238 = tpu.memref_squeeze %dma_start3A_237 : memref<1x80xi32, #tpu.memory_space<vmem>> -> memref<80xi32, #tpu.memory_space<vmem>>
      %dma_start3A_239 = arith.constant 0 : i32
      %dma_start3A_240 = arith.constant 0 : i32
      %dma_start3A_241 = tpu.memref_slice %arg10[%dma_start3A_239, %dma_start3A_240] : memref<10240x64xf32, #tpu.memory_space<vmem_shared>> -> memref<10240x64xf32, #tpu.memory_space<vmem_shared>>
      %dma_start3A_242 = tpu.memref_slice %arg13[%dma_start3A_231] : memref<10x!tpu.dma_semaphore, #tpu.memory_space<semaphore_mem>> -> memref<1x!tpu.dma_semaphore, #tpu.memory_space<semaphore_mem>>
      %dma_start3A_243 = tpu.memref_squeeze %dma_start3A_242 : memref<1x!tpu.dma_semaphore, #tpu.memory_space<semaphore_mem>> -> memref<!tpu.dma_semaphore, #tpu.memory_space<semaphore_mem>>
      tpu.enqueue_indirect_dma source(%dma_start3A_235 : memref<80x64xf32, #tpu.memory_space<vmem>>) target(%dma_start3A_241 : memref<10240x64xf32, #tpu.memory_space<vmem_shared>>) offsets(%dma_start3A_238 : memref<80xi32, #tpu.memory_space<vmem>>) semaphore(%dma_start3A_243 : memref<!tpu.dma_semaphore, #tpu.memory_space<semaphore_mem>>) {add = true}
      %dma_wait3A_244 = arith.constant 2 : i32
      %dma_wait3A_245 = arith.constant 2 : i32
      %dma_wait3A_246 = arith.constant 2 : i32
      %dma_wait3A_247 = arith.constant 0 : i32
      %dma_wait3A_248 = arith.constant 0 : i32
      %dma_wait3A_249 = tpu.memref_slice %arg9[%dma_wait3A_245, %dma_wait3A_247, %dma_wait3A_248] : memref<10x80x64xf32, #tpu.memory_space<vmem>> -> memref<1x80x64xf32, #tpu.memory_space<vmem>>
      %dma_wait3A_250 = tpu.memref_squeeze %dma_wait3A_249 : memref<1x80x64xf32, #tpu.memory_space<vmem>> -> memref<80x64xf32, #tpu.memory_space<vmem>>
      %dma_wait3A_251 = arith.constant 0 : i32
      %dma_wait3A_252 = tpu.memref_slice %arg7[%dma_wait3A_244, %dma_wait3A_251] : memref<10x80xi32, #tpu.memory_space<vmem>> -> memref<1x80xi32, #tpu.memory_space<vmem>>
      %dma_wait3A_253 = tpu.memref_squeeze %dma_wait3A_252 : memref<1x80xi32, #tpu.memory_space<vmem>> -> memref<80xi32, #tpu.memory_space<vmem>>
      %dma_wait3A_254 = arith.constant 0 : i32
      %dma_wait3A_255 = arith.constant 0 : i32
      %dma_wait3A_256 = tpu.memref_slice %arg2[%dma_wait3A_254, %dma_wait3A_255] : memref<20480x64xf32, #tpu.memory_space<hbm>> -> memref<20480x64xf32, #tpu.memory_space<hbm>>
      %dma_wait3A_257 = tpu.memref_slice %arg12[%dma_wait3A_246] : memref<10x!tpu.dma_semaphore, #tpu.memory_space<semaphore_mem>> -> memref<1x!tpu.dma_semaphore, #tpu.memory_space<semaphore_mem>>
      %dma_wait3A_258 = tpu.memref_squeeze %dma_wait3A_257 : memref<1x!tpu.dma_semaphore, #tpu.memory_space<semaphore_mem>> -> memref<!tpu.dma_semaphore, #tpu.memory_space<semaphore_mem>>
      tpu.wait_indirect_dma semaphore(%dma_wait3A_258 : memref<!tpu.dma_semaphore, #tpu.memory_space<semaphore_mem>>) src(%dma_wait3A_256 : memref<20480x64xf32, #tpu.memory_space<hbm>>) dst(%dma_wait3A_250 : memref<80x64xf32, #tpu.memory_space<vmem>>)
      %dma_start3A_259 = arith.constant 2 : i32
      %dma_start3A_260 = arith.constant 2 : i32
      %dma_start3A_261 = arith.constant 2 : i32
      %dma_start3A_262 = arith.constant 0 : i32
      %dma_start3A_263 = arith.constant 0 : i32
      %dma_start3A_264 = tpu.memref_slice %arg9[%dma_start3A_259, %dma_start3A_262, %dma_start3A_263] : memref<10x80x64xf32, #tpu.memory_space<vmem>> -> memref<1x80x64xf32, #tpu.memory_space<vmem>>
      %dma_start3A_265 = tpu.memref_squeeze %dma_start3A_264 : memref<1x80x64xf32, #tpu.memory_space<vmem>> -> memref<80x64xf32, #tpu.memory_space<vmem>>
      %dma_start3A_266 = arith.constant 0 : i32
      %dma_start3A_267 = tpu.memref_slice %arg8[%dma_start3A_260, %dma_start3A_266] : memref<10x80xi32, #tpu.memory_space<vmem>> -> memref<1x80xi32, #tpu.memory_space<vmem>>
      %dma_start3A_268 = tpu.memref_squeeze %dma_start3A_267 : memref<1x80xi32, #tpu.memory_space<vmem>> -> memref<80xi32, #tpu.memory_space<vmem>>
      %dma_start3A_269 = arith.constant 0 : i32
      %dma_start3A_270 = arith.constant 0 : i32
      %dma_start3A_271 = tpu.memref_slice %arg10[%dma_start3A_269, %dma_start3A_270] : memref<10240x64xf32, #tpu.memory_space<vmem_shared>> -> memref<10240x64xf32, #tpu.memory_space<vmem_shared>>
      %dma_start3A_272 = tpu.memref_slice %arg13[%dma_start3A_261] : memref<10x!tpu.dma_semaphore, #tpu.memory_space<semaphore_mem>> -> memref<1x!tpu.dma_semaphore, #tpu.memory_space<semaphore_mem>>
      %dma_start3A_273 = tpu.memref_squeeze %dma_start3A_272 : memref<1x!tpu.dma_semaphore, #tpu.memory_space<semaphore_mem>> -> memref<!tpu.dma_semaphore, #tpu.memory_space<semaphore_mem>>
      tpu.enqueue_indirect_dma source(%dma_start3A_265 : memref<80x64xf32, #tpu.memory_space<vmem>>) target(%dma_start3A_271 : memref<10240x64xf32, #tpu.memory_space<vmem_shared>>) offsets(%dma_start3A_268 : memref<80xi32, #tpu.memory_space<vmem>>) semaphore(%dma_start3A_273 : memref<!tpu.dma_semaphore, #tpu.memory_space<semaphore_mem>>) {add = true}
      %dma_wait3A_274 = arith.constant 3 : i32
      %dma_wait3A_275 = arith.constant 3 : i32
      %dma_wait3A_276 = arith.constant 3 : i32
      %dma_wait3A_277 = arith.constant 0 : i32
      %dma_wait3A_278 = arith.constant 0 : i32
      %dma_wait3A_279 = tpu.memref_slice %arg9[%dma_wait3A_275, %dma_wait3A_277, %dma_wait3A_278] : memref<10x80x64xf32, #tpu.memory_space<vmem>> -> memref<1x80x64xf32, #tpu.memory_space<vmem>>
      %dma_wait3A_280 = tpu.memref_squeeze %dma_wait3A_279 : memref<1x80x64xf32, #tpu.memory_space<vmem>> -> memref<80x64xf32, #tpu.memory_space<vmem>>
      %dma_wait3A_281 = arith.constant 0 : i32
      %dma_wait3A_282 = tpu.memref_slice %arg7[%dma_wait3A_274, %dma_wait3A_281] : memref<10x80xi32, #tpu.memory_space<vmem>> -> memref<1x80xi32, #tpu.memory_space<vmem>>
      %dma_wait3A_283 = tpu.memref_squeeze %dma_wait3A_282 : memref<1x80xi32, #tpu.memory_space<vmem>> -> memref<80xi32, #tpu.memory_space<vmem>>
      %dma_wait3A_284 = arith.constant 0 : i32
      %dma_wait3A_285 = arith.constant 0 : i32
      %dma_wait3A_286 = tpu.memref_slice %arg2[%dma_wait3A_284, %dma_wait3A_285] : memref<20480x64xf32, #tpu.memory_space<hbm>> -> memref<20480x64xf32, #tpu.memory_space<hbm>>
      %dma_wait3A_287 = tpu.memref_slice %arg12[%dma_wait3A_276] : memref<10x!tpu.dma_semaphore, #tpu.memory_space<semaphore_mem>> -> memref<1x!tpu.dma_semaphore, #tpu.memory_space<semaphore_mem>>
      %dma_wait3A_288 = tpu.memref_squeeze %dma_wait3A_287 : memref<1x!tpu.dma_semaphore, #tpu.memory_space<semaphore_mem>> -> memref<!tpu.dma_semaphore, #tpu.memory_space<semaphore_mem>>
      tpu.wait_indirect_dma semaphore(%dma_wait3A_288 : memref<!tpu.dma_semaphore, #tpu.memory_space<semaphore_mem>>) src(%dma_wait3A_286 : memref<20480x64xf32, #tpu.memory_space<hbm>>) dst(%dma_wait3A_280 : memref<80x64xf32, #tpu.memory_space<vmem>>)
      %dma_start3A_289 = arith.constant 3 : i32
      %dma_start3A_290 = arith.constant 3 : i32
      %dma_start3A_291 = arith.constant 3 : i32
      %dma_start3A_292 = arith.constant 0 : i32
      %dma_start3A_293 = arith.constant 0 : i32
      %dma_start3A_294 = tpu.memref_slice %arg9[%dma_start3A_289, %dma_start3A_292, %dma_start3A_293] : memref<10x80x64xf32, #tpu.memory_space<vmem>> -> memref<1x80x64xf32, #tpu.memory_space<vmem>>
      %dma_start3A_295 = tpu.memref_squeeze %dma_start3A_294 : memref<1x80x64xf32, #tpu.memory_space<vmem>> -> memref<80x64xf32, #tpu.memory_space<vmem>>
      %dma_start3A_296 = arith.constant 0 : i32
      %dma_start3A_297 = tpu.memref_slice %arg8[%dma_start3A_290, %dma_start3A_296] : memref<10x80xi32, #tpu.memory_space<vmem>> -> memref<1x80xi32, #tpu.memory_space<vmem>>
      %dma_start3A_298 = tpu.memref_squeeze %dma_start3A_297 : memref<1x80xi32, #tpu.memory_space<vmem>> -> memref<80xi32, #tpu.memory_space<vmem>>
      %dma_start3A_299 = arith.constant 0 : i32
      %dma_start3A_300 = arith.constant 0 : i32
      %dma_start3A_301 = tpu.memref_slice %arg10[%dma_start3A_299, %dma_start3A_300] : memref<10240x64xf32, #tpu.memory_space<vmem_shared>> -> memref<10240x64xf32, #tpu.memory_space<vmem_shared>>
      %dma_start3A_302 = tpu.memref_slice %arg13[%dma_start3A_291] : memref<10x!tpu.dma_semaphore, #tpu.memory_space<semaphore_mem>> -> memref<1x!tpu.dma_semaphore, #tpu.memory_space<semaphore_mem>>
      %dma_start3A_303 = tpu.memref_squeeze %dma_start3A_302 : memref<1x!tpu.dma_semaphore, #tpu.memory_space<semaphore_mem>> -> memref<!tpu.dma_semaphore, #tpu.memory_space<semaphore_mem>>
      tpu.enqueue_indirect_dma source(%dma_start3A_295 : memref<80x64xf32, #tpu.memory_space<vmem>>) target(%dma_start3A_301 : memref<10240x64xf32, #tpu.memory_space<vmem_shared>>) offsets(%dma_start3A_298 : memref<80xi32, #tpu.memory_space<vmem>>) semaphore(%dma_start3A_303 : memref<!tpu.dma_semaphore, #tpu.memory_space<semaphore_mem>>) {add = true}
      %dma_wait3A_304 = arith.constant 4 : i32
      %dma_wait3A_305 = arith.constant 4 : i32
      %dma_wait3A_306 = arith.constant 4 : i32
      %dma_wait3A_307 = arith.constant 0 : i32
      %dma_wait3A_308 = arith.constant 0 : i32
      %dma_wait3A_309 = tpu.memref_slice %arg9[%dma_wait3A_305, %dma_wait3A_307, %dma_wait3A_308] : memref<10x80x64xf32, #tpu.memory_space<vmem>> -> memref<1x80x64xf32, #tpu.memory_space<vmem>>
      %dma_wait3A_310 = tpu.memref_squeeze %dma_wait3A_309 : memref<1x80x64xf32, #tpu.memory_space<vmem>> -> memref<80x64xf32, #tpu.memory_space<vmem>>
      %dma_wait3A_311 = arith.constant 0 : i32
      %dma_wait3A_312 = tpu.memref_slice %arg7[%dma_wait3A_304, %dma_wait3A_311] : memref<10x80xi32, #tpu.memory_space<vmem>> -> memref<1x80xi32, #tpu.memory_space<vmem>>
      %dma_wait3A_313 = tpu.memref_squeeze %dma_wait3A_312 : memref<1x80xi32, #tpu.memory_space<vmem>> -> memref<80xi32, #tpu.memory_space<vmem>>
      %dma_wait3A_314 = arith.constant 0 : i32
      %dma_wait3A_315 = arith.constant 0 : i32
      %dma_wait3A_316 = tpu.memref_slice %arg2[%dma_wait3A_314, %dma_wait3A_315] : memref<20480x64xf32, #tpu.memory_space<hbm>> -> memref<20480x64xf32, #tpu.memory_space<hbm>>
      %dma_wait3A_317 = tpu.memref_slice %arg12[%dma_wait3A_306] : memref<10x!tpu.dma_semaphore, #tpu.memory_space<semaphore_mem>> -> memref<1x!tpu.dma_semaphore, #tpu.memory_space<semaphore_mem>>
      %dma_wait3A_318 = tpu.memref_squeeze %dma_wait3A_317 : memref<1x!tpu.dma_semaphore, #tpu.memory_space<semaphore_mem>> -> memref<!tpu.dma_semaphore, #tpu.memory_space<semaphore_mem>>
      tpu.wait_indirect_dma semaphore(%dma_wait3A_318 : memref<!tpu.dma_semaphore, #tpu.memory_space<semaphore_mem>>) src(%dma_wait3A_316 : memref<20480x64xf32, #tpu.memory_space<hbm>>) dst(%dma_wait3A_310 : memref<80x64xf32, #tpu.memory_space<vmem>>)
      %dma_start3A_319 = arith.constant 4 : i32
      %dma_start3A_320 = arith.constant 4 : i32
      %dma_start3A_321 = arith.constant 4 : i32
      %dma_start3A_322 = arith.constant 0 : i32
      %dma_start3A_323 = arith.constant 0 : i32
      %dma_start3A_324 = tpu.memref_slice %arg9[%dma_start3A_319, %dma_start3A_322, %dma_start3A_323] : memref<10x80x64xf32, #tpu.memory_space<vmem>> -> memref<1x80x64xf32, #tpu.memory_space<vmem>>
      %dma_start3A_325 = tpu.memref_squeeze %dma_start3A_324 : memref<1x80x64xf32, #tpu.memory_space<vmem>> -> memref<80x64xf32, #tpu.memory_space<vmem>>
      %dma_start3A_326 = arith.constant 0 : i32
      %dma_start3A_327 = tpu.memref_slice %arg8[%dma_start3A_320, %dma_start3A_326] : memref<10x80xi32, #tpu.memory_space<vmem>> -> memref<1x80xi32, #tpu.memory_space<vmem>>
      %dma_start3A_328 = tpu.memref_squeeze %dma_start3A_327 : memref<1x80xi32, #tpu.memory_space<vmem>> -> memref<80xi32, #tpu.memory_space<vmem>>
      %dma_start3A_329 = arith.constant 0 : i32
      %dma_start3A_330 = arith.constant 0 : i32
      %dma_start3A_331 = tpu.memref_slice %arg10[%dma_start3A_329, %dma_start3A_330] : memref<10240x64xf32, #tpu.memory_space<vmem_shared>> -> memref<10240x64xf32, #tpu.memory_space<vmem_shared>>
      %dma_start3A_332 = tpu.memref_slice %arg13[%dma_start3A_321] : memref<10x!tpu.dma_semaphore, #tpu.memory_space<semaphore_mem>> -> memref<1x!tpu.dma_semaphore, #tpu.memory_space<semaphore_mem>>
      %dma_start3A_333 = tpu.memref_squeeze %dma_start3A_332 : memref<1x!tpu.dma_semaphore, #tpu.memory_space<semaphore_mem>> -> memref<!tpu.dma_semaphore, #tpu.memory_space<semaphore_mem>>
      tpu.enqueue_indirect_dma source(%dma_start3A_325 : memref<80x64xf32, #tpu.memory_space<vmem>>) target(%dma_start3A_331 : memref<10240x64xf32, #tpu.memory_space<vmem_shared>>) offsets(%dma_start3A_328 : memref<80xi32, #tpu.memory_space<vmem>>) semaphore(%dma_start3A_333 : memref<!tpu.dma_semaphore, #tpu.memory_space<semaphore_mem>>) {add = true}
      %dma_wait3A_334 = arith.constant 5 : i32
      %dma_wait3A_335 = arith.constant 5 : i32
      %dma_wait3A_336 = arith.constant 5 : i32
      %dma_wait3A_337 = arith.constant 0 : i32
      %dma_wait3A_338 = arith.constant 0 : i32
      %dma_wait3A_339 = tpu.memref_slice %arg9[%dma_wait3A_335, %dma_wait3A_337, %dma_wait3A_338] : memref<10x80x64xf32, #tpu.memory_space<vmem>> -> memref<1x80x64xf32, #tpu.memory_space<vmem>>
      %dma_wait3A_340 = tpu.memref_squeeze %dma_wait3A_339 : memref<1x80x64xf32, #tpu.memory_space<vmem>> -> memref<80x64xf32, #tpu.memory_space<vmem>>
      %dma_wait3A_341 = arith.constant 0 : i32
      %dma_wait3A_342 = tpu.memref_slice %arg7[%dma_wait3A_334, %dma_wait3A_341] : memref<10x80xi32, #tpu.memory_space<vmem>> -> memref<1x80xi32, #tpu.memory_space<vmem>>
      %dma_wait3A_343 = tpu.memref_squeeze %dma_wait3A_342 : memref<1x80xi32, #tpu.memory_space<vmem>> -> memref<80xi32, #tpu.memory_space<vmem>>
      %dma_wait3A_344 = arith.constant 0 : i32
      %dma_wait3A_345 = arith.constant 0 : i32
      %dma_wait3A_346 = tpu.memref_slice %arg2[%dma_wait3A_344, %dma_wait3A_345] : memref<20480x64xf32, #tpu.memory_space<hbm>> -> memref<20480x64xf32, #tpu.memory_space<hbm>>
      %dma_wait3A_347 = tpu.memref_slice %arg12[%dma_wait3A_336] : memref<10x!tpu.dma_semaphore, #tpu.memory_space<semaphore_mem>> -> memref<1x!tpu.dma_semaphore, #tpu.memory_space<semaphore_mem>>
      %dma_wait3A_348 = tpu.memref_squeeze %dma_wait3A_347 : memref<1x!tpu.dma_semaphore, #tpu.memory_space<semaphore_mem>> -> memref<!tpu.dma_semaphore, #tpu.memory_space<semaphore_mem>>
      tpu.wait_indirect_dma semaphore(%dma_wait3A_348 : memref<!tpu.dma_semaphore, #tpu.memory_space<semaphore_mem>>) src(%dma_wait3A_346 : memref<20480x64xf32, #tpu.memory_space<hbm>>) dst(%dma_wait3A_340 : memref<80x64xf32, #tpu.memory_space<vmem>>)
      %dma_start3A_349 = arith.constant 5 : i32
      %dma_start3A_350 = arith.constant 5 : i32
      %dma_start3A_351 = arith.constant 5 : i32
      %dma_start3A_352 = arith.constant 0 : i32
      %dma_start3A_353 = arith.constant 0 : i32
      %dma_start3A_354 = tpu.memref_slice %arg9[%dma_start3A_349, %dma_start3A_352, %dma_start3A_353] : memref<10x80x64xf32, #tpu.memory_space<vmem>> -> memref<1x80x64xf32, #tpu.memory_space<vmem>>
      %dma_start3A_355 = tpu.memref_squeeze %dma_start3A_354 : memref<1x80x64xf32, #tpu.memory_space<vmem>> -> memref<80x64xf32, #tpu.memory_space<vmem>>
      %dma_start3A_356 = arith.constant 0 : i32
      %dma_start3A_357 = tpu.memref_slice %arg8[%dma_start3A_350, %dma_start3A_356] : memref<10x80xi32, #tpu.memory_space<vmem>> -> memref<1x80xi32, #tpu.memory_space<vmem>>
      %dma_start3A_358 = tpu.memref_squeeze %dma_start3A_357 : memref<1x80xi32, #tpu.memory_space<vmem>> -> memref<80xi32, #tpu.memory_space<vmem>>
      %dma_start3A_359 = arith.constant 0 : i32
      %dma_start3A_360 = arith.constant 0 : i32
      %dma_start3A_361 = tpu.memref_slice %arg10[%dma_start3A_359, %dma_start3A_360] : memref<10240x64xf32, #tpu.memory_space<vmem_shared>> -> memref<10240x64xf32, #tpu.memory_space<vmem_shared>>
      %dma_start3A_362 = tpu.memref_slice %arg13[%dma_start3A_351] : memref<10x!tpu.dma_semaphore, #tpu.memory_space<semaphore_mem>> -> memref<1x!tpu.dma_semaphore, #tpu.memory_space<semaphore_mem>>
      %dma_start3A_363 = tpu.memref_squeeze %dma_start3A_362 : memref<1x!tpu.dma_semaphore, #tpu.memory_space<semaphore_mem>> -> memref<!tpu.dma_semaphore, #tpu.memory_space<semaphore_mem>>
      tpu.enqueue_indirect_dma source(%dma_start3A_355 : memref<80x64xf32, #tpu.memory_space<vmem>>) target(%dma_start3A_361 : memref<10240x64xf32, #tpu.memory_space<vmem_shared>>) offsets(%dma_start3A_358 : memref<80xi32, #tpu.memory_space<vmem>>) semaphore(%dma_start3A_363 : memref<!tpu.dma_semaphore, #tpu.memory_space<semaphore_mem>>) {add = true}
      %dma_wait3A_364 = arith.constant 6 : i32
      %dma_wait3A_365 = arith.constant 6 : i32
      %dma_wait3A_366 = arith.constant 6 : i32
      %dma_wait3A_367 = arith.constant 0 : i32
      %dma_wait3A_368 = arith.constant 0 : i32
      %dma_wait3A_369 = tpu.memref_slice %arg9[%dma_wait3A_365, %dma_wait3A_367, %dma_wait3A_368] : memref<10x80x64xf32, #tpu.memory_space<vmem>> -> memref<1x80x64xf32, #tpu.memory_space<vmem>>
      %dma_wait3A_370 = tpu.memref_squeeze %dma_wait3A_369 : memref<1x80x64xf32, #tpu.memory_space<vmem>> -> memref<80x64xf32, #tpu.memory_space<vmem>>
      %dma_wait3A_371 = arith.constant 0 : i32
      %dma_wait3A_372 = tpu.memref_slice %arg7[%dma_wait3A_364, %dma_wait3A_371] : memref<10x80xi32, #tpu.memory_space<vmem>> -> memref<1x80xi32, #tpu.memory_space<vmem>>
      %dma_wait3A_373 = tpu.memref_squeeze %dma_wait3A_372 : memref<1x80xi32, #tpu.memory_space<vmem>> -> memref<80xi32, #tpu.memory_space<vmem>>
      %dma_wait3A_374 = arith.constant 0 : i32
      %dma_wait3A_375 = arith.constant 0 : i32
      %dma_wait3A_376 = tpu.memref_slice %arg2[%dma_wait3A_374, %dma_wait3A_375] : memref<20480x64xf32, #tpu.memory_space<hbm>> -> memref<20480x64xf32, #tpu.memory_space<hbm>>
      %dma_wait3A_377 = tpu.memref_slice %arg12[%dma_wait3A_366] : memref<10x!tpu.dma_semaphore, #tpu.memory_space<semaphore_mem>> -> memref<1x!tpu.dma_semaphore, #tpu.memory_space<semaphore_mem>>
      %dma_wait3A_378 = tpu.memref_squeeze %dma_wait3A_377 : memref<1x!tpu.dma_semaphore, #tpu.memory_space<semaphore_mem>> -> memref<!tpu.dma_semaphore, #tpu.memory_space<semaphore_mem>>
      tpu.wait_indirect_dma semaphore(%dma_wait3A_378 : memref<!tpu.dma_semaphore, #tpu.memory_space<semaphore_mem>>) src(%dma_wait3A_376 : memref<20480x64xf32, #tpu.memory_space<hbm>>) dst(%dma_wait3A_370 : memref<80x64xf32, #tpu.memory_space<vmem>>)
      %dma_start3A_379 = arith.constant 6 : i32
      %dma_start3A_380 = arith.constant 6 : i32
      %dma_start3A_381 = arith.constant 6 : i32
      %dma_start3A_382 = arith.constant 0 : i32
      %dma_start3A_383 = arith.constant 0 : i32
      %dma_start3A_384 = tpu.memref_slice %arg9[%dma_start3A_379, %dma_start3A_382, %dma_start3A_383] : memref<10x80x64xf32, #tpu.memory_space<vmem>> -> memref<1x80x64xf32, #tpu.memory_space<vmem>>
      %dma_start3A_385 = tpu.memref_squeeze %dma_start3A_384 : memref<1x80x64xf32, #tpu.memory_space<vmem>> -> memref<80x64xf32, #tpu.memory_space<vmem>>
      %dma_start3A_386 = arith.constant 0 : i32
      %dma_start3A_387 = tpu.memref_slice %arg8[%dma_start3A_380, %dma_start3A_386] : memref<10x80xi32, #tpu.memory_space<vmem>> -> memref<1x80xi32, #tpu.memory_space<vmem>>
      %dma_start3A_388 = tpu.memref_squeeze %dma_start3A_387 : memref<1x80xi32, #tpu.memory_space<vmem>> -> memref<80xi32, #tpu.memory_space<vmem>>
      %dma_start3A_389 = arith.constant 0 : i32
      %dma_start3A_390 = arith.constant 0 : i32
      %dma_start3A_391 = tpu.memref_slice %arg10[%dma_start3A_389, %dma_start3A_390] : memref<10240x64xf32, #tpu.memory_space<vmem_shared>> -> memref<10240x64xf32, #tpu.memory_space<vmem_shared>>
      %dma_start3A_392 = tpu.memref_slice %arg13[%dma_start3A_381] : memref<10x!tpu.dma_semaphore, #tpu.memory_space<semaphore_mem>> -> memref<1x!tpu.dma_semaphore, #tpu.memory_space<semaphore_mem>>
      %dma_start3A_393 = tpu.memref_squeeze %dma_start3A_392 : memref<1x!tpu.dma_semaphore, #tpu.memory_space<semaphore_mem>> -> memref<!tpu.dma_semaphore, #tpu.memory_space<semaphore_mem>>
      tpu.enqueue_indirect_dma source(%dma_start3A_385 : memref<80x64xf32, #tpu.memory_space<vmem>>) target(%dma_start3A_391 : memref<10240x64xf32, #tpu.memory_space<vmem_shared>>) offsets(%dma_start3A_388 : memref<80xi32, #tpu.memory_space<vmem>>) semaphore(%dma_start3A_393 : memref<!tpu.dma_semaphore, #tpu.memory_space<semaphore_mem>>) {add = true}
      %dma_wait3A_394 = arith.constant 7 : i32
      %dma_wait3A_395 = arith.constant 7 : i32
      %dma_wait3A_396 = arith.constant 7 : i32
      %dma_wait3A_397 = arith.constant 0 : i32
      %dma_wait3A_398 = arith.constant 0 : i32
      %dma_wait3A_399 = tpu.memref_slice %arg9[%dma_wait3A_395, %dma_wait3A_397, %dma_wait3A_398] : memref<10x80x64xf32, #tpu.memory_space<vmem>> -> memref<1x80x64xf32, #tpu.memory_space<vmem>>
      %dma_wait3A_400 = tpu.memref_squeeze %dma_wait3A_399 : memref<1x80x64xf32, #tpu.memory_space<vmem>> -> memref<80x64xf32, #tpu.memory_space<vmem>>
      %dma_wait3A_401 = arith.constant 0 : i32
      %dma_wait3A_402 = tpu.memref_slice %arg7[%dma_wait3A_394, %dma_wait3A_401] : memref<10x80xi32, #tpu.memory_space<vmem>> -> memref<1x80xi32, #tpu.memory_space<vmem>>
      %dma_wait3A_403 = tpu.memref_squeeze %dma_wait3A_402 : memref<1x80xi32, #tpu.memory_space<vmem>> -> memref<80xi32, #tpu.memory_space<vmem>>
      %dma_wait3A_404 = arith.constant 0 : i32
      %dma_wait3A_405 = arith.constant 0 : i32
      %dma_wait3A_406 = tpu.memref_slice %arg2[%dma_wait3A_404, %dma_wait3A_405] : memref<20480x64xf32, #tpu.memory_space<hbm>> -> memref<20480x64xf32, #tpu.memory_space<hbm>>
      %dma_wait3A_407 = tpu.memref_slice %arg12[%dma_wait3A_396] : memref<10x!tpu.dma_semaphore, #tpu.memory_space<semaphore_mem>> -> memref<1x!tpu.dma_semaphore, #tpu.memory_space<semaphore_mem>>
      %dma_wait3A_408 = tpu.memref_squeeze %dma_wait3A_407 : memref<1x!tpu.dma_semaphore, #tpu.memory_space<semaphore_mem>> -> memref<!tpu.dma_semaphore, #tpu.memory_space<semaphore_mem>>
      tpu.wait_indirect_dma semaphore(%dma_wait3A_408 : memref<!tpu.dma_semaphore, #tpu.memory_space<semaphore_mem>>) src(%dma_wait3A_406 : memref<20480x64xf32, #tpu.memory_space<hbm>>) dst(%dma_wait3A_400 : memref<80x64xf32, #tpu.memory_space<vmem>>)
      %dma_start3A_409 = arith.constant 7 : i32
      %dma_start3A_410 = arith.constant 7 : i32
      %dma_start3A_411 = arith.constant 7 : i32
      %dma_start3A_412 = arith.constant 0 : i32
      %dma_start3A_413 = arith.constant 0 : i32
      %dma_start3A_414 = tpu.memref_slice %arg9[%dma_start3A_409, %dma_start3A_412, %dma_start3A_413] : memref<10x80x64xf32, #tpu.memory_space<vmem>> -> memref<1x80x64xf32, #tpu.memory_space<vmem>>
      %dma_start3A_415 = tpu.memref_squeeze %dma_start3A_414 : memref<1x80x64xf32, #tpu.memory_space<vmem>> -> memref<80x64xf32, #tpu.memory_space<vmem>>
      %dma_start3A_416 = arith.constant 0 : i32
      %dma_start3A_417 = tpu.memref_slice %arg8[%dma_start3A_410, %dma_start3A_416] : memref<10x80xi32, #tpu.memory_space<vmem>> -> memref<1x80xi32, #tpu.memory_space<vmem>>
      %dma_start3A_418 = tpu.memref_squeeze %dma_start3A_417 : memref<1x80xi32, #tpu.memory_space<vmem>> -> memref<80xi32, #tpu.memory_space<vmem>>
      %dma_start3A_419 = arith.constant 0 : i32
      %dma_start3A_420 = arith.constant 0 : i32
      %dma_start3A_421 = tpu.memref_slice %arg10[%dma_start3A_419, %dma_start3A_420] : memref<10240x64xf32, #tpu.memory_space<vmem_shared>> -> memref<10240x64xf32, #tpu.memory_space<vmem_shared>>
      %dma_start3A_422 = tpu.memref_slice %arg13[%dma_start3A_411] : memref<10x!tpu.dma_semaphore, #tpu.memory_space<semaphore_mem>> -> memref<1x!tpu.dma_semaphore, #tpu.memory_space<semaphore_mem>>
      %dma_start3A_423 = tpu.memref_squeeze %dma_start3A_422 : memref<1x!tpu.dma_semaphore, #tpu.memory_space<semaphore_mem>> -> memref<!tpu.dma_semaphore, #tpu.memory_space<semaphore_mem>>
      tpu.enqueue_indirect_dma source(%dma_start3A_415 : memref<80x64xf32, #tpu.memory_space<vmem>>) target(%dma_start3A_421 : memref<10240x64xf32, #tpu.memory_space<vmem_shared>>) offsets(%dma_start3A_418 : memref<80xi32, #tpu.memory_space<vmem>>) semaphore(%dma_start3A_423 : memref<!tpu.dma_semaphore, #tpu.memory_space<semaphore_mem>>) {add = true}
      %dma_wait3A_424 = arith.constant 8 : i32
      %dma_wait3A_425 = arith.constant 8 : i32
      %dma_wait3A_426 = arith.constant 8 : i32
      %dma_wait3A_427 = arith.constant 0 : i32
      %dma_wait3A_428 = arith.constant 0 : i32
      %dma_wait3A_429 = tpu.memref_slice %arg9[%dma_wait3A_425, %dma_wait3A_427, %dma_wait3A_428] : memref<10x80x64xf32, #tpu.memory_space<vmem>> -> memref<1x80x64xf32, #tpu.memory_space<vmem>>
      %dma_wait3A_430 = tpu.memref_squeeze %dma_wait3A_429 : memref<1x80x64xf32, #tpu.memory_space<vmem>> -> memref<80x64xf32, #tpu.memory_space<vmem>>
      %dma_wait3A_431 = arith.constant 0 : i32
      %dma_wait3A_432 = tpu.memref_slice %arg7[%dma_wait3A_424, %dma_wait3A_431] : memref<10x80xi32, #tpu.memory_space<vmem>> -> memref<1x80xi32, #tpu.memory_space<vmem>>
      %dma_wait3A_433 = tpu.memref_squeeze %dma_wait3A_432 : memref<1x80xi32, #tpu.memory_space<vmem>> -> memref<80xi32, #tpu.memory_space<vmem>>
      %dma_wait3A_434 = arith.constant 0 : i32
      %dma_wait3A_435 = arith.constant 0 : i32
      %dma_wait3A_436 = tpu.memref_slice %arg2[%dma_wait3A_434, %dma_wait3A_435] : memref<20480x64xf32, #tpu.memory_space<hbm>> -> memref<20480x64xf32, #tpu.memory_space<hbm>>
      %dma_wait3A_437 = tpu.memref_slice %arg12[%dma_wait3A_426] : memref<10x!tpu.dma_semaphore, #tpu.memory_space<semaphore_mem>> -> memref<1x!tpu.dma_semaphore, #tpu.memory_space<semaphore_mem>>
      %dma_wait3A_438 = tpu.memref_squeeze %dma_wait3A_437 : memref<1x!tpu.dma_semaphore, #tpu.memory_space<semaphore_mem>> -> memref<!tpu.dma_semaphore, #tpu.memory_space<semaphore_mem>>
      tpu.wait_indirect_dma semaphore(%dma_wait3A_438 : memref<!tpu.dma_semaphore, #tpu.memory_space<semaphore_mem>>) src(%dma_wait3A_436 : memref<20480x64xf32, #tpu.memory_space<hbm>>) dst(%dma_wait3A_430 : memref<80x64xf32, #tpu.memory_space<vmem>>)
      %dma_start3A_439 = arith.constant 8 : i32
      %dma_start3A_440 = arith.constant 8 : i32
      %dma_start3A_441 = arith.constant 8 : i32
      %dma_start3A_442 = arith.constant 0 : i32
      %dma_start3A_443 = arith.constant 0 : i32
      %dma_start3A_444 = tpu.memref_slice %arg9[%dma_start3A_439, %dma_start3A_442, %dma_start3A_443] : memref<10x80x64xf32, #tpu.memory_space<vmem>> -> memref<1x80x64xf32, #tpu.memory_space<vmem>>
      %dma_start3A_445 = tpu.memref_squeeze %dma_start3A_444 : memref<1x80x64xf32, #tpu.memory_space<vmem>> -> memref<80x64xf32, #tpu.memory_space<vmem>>
      %dma_start3A_446 = arith.constant 0 : i32
      %dma_start3A_447 = tpu.memref_slice %arg8[%dma_start3A_440, %dma_start3A_446] : memref<10x80xi32, #tpu.memory_space<vmem>> -> memref<1x80xi32, #tpu.memory_space<vmem>>
      %dma_start3A_448 = tpu.memref_squeeze %dma_start3A_447 : memref<1x80xi32, #tpu.memory_space<vmem>> -> memref<80xi32, #tpu.memory_space<vmem>>
      %dma_start3A_449 = arith.constant 0 : i32
      %dma_start3A_450 = arith.constant 0 : i32
      %dma_start3A_451 = tpu.memref_slice %arg10[%dma_start3A_449, %dma_start3A_450] : memref<10240x64xf32, #tpu.memory_space<vmem_shared>> -> memref<10240x64xf32, #tpu.memory_space<vmem_shared>>
      %dma_start3A_452 = tpu.memref_slice %arg13[%dma_start3A_441] : memref<10x!tpu.dma_semaphore, #tpu.memory_space<semaphore_mem>> -> memref<1x!tpu.dma_semaphore, #tpu.memory_space<semaphore_mem>>
      %dma_start3A_453 = tpu.memref_squeeze %dma_start3A_452 : memref<1x!tpu.dma_semaphore, #tpu.memory_space<semaphore_mem>> -> memref<!tpu.dma_semaphore, #tpu.memory_space<semaphore_mem>>
      tpu.enqueue_indirect_dma source(%dma_start3A_445 : memref<80x64xf32, #tpu.memory_space<vmem>>) target(%dma_start3A_451 : memref<10240x64xf32, #tpu.memory_space<vmem_shared>>) offsets(%dma_start3A_448 : memref<80xi32, #tpu.memory_space<vmem>>) semaphore(%dma_start3A_453 : memref<!tpu.dma_semaphore, #tpu.memory_space<semaphore_mem>>) {add = true}
      %dma_wait3A_454 = arith.constant 9 : i32
      %dma_wait3A_455 = arith.constant 9 : i32
      %dma_wait3A_456 = arith.constant 9 : i32
      %dma_wait3A_457 = arith.constant 0 : i32
      %dma_wait3A_458 = arith.constant 0 : i32
      %dma_wait3A_459 = tpu.memref_slice %arg9[%dma_wait3A_455, %dma_wait3A_457, %dma_wait3A_458] : memref<10x80x64xf32, #tpu.memory_space<vmem>> -> memref<1x80x64xf32, #tpu.memory_space<vmem>>
      %dma_wait3A_460 = tpu.memref_squeeze %dma_wait3A_459 : memref<1x80x64xf32, #tpu.memory_space<vmem>> -> memref<80x64xf32, #tpu.memory_space<vmem>>
      %dma_wait3A_461 = arith.constant 0 : i32
      %dma_wait3A_462 = tpu.memref_slice %arg7[%dma_wait3A_454, %dma_wait3A_461] : memref<10x80xi32, #tpu.memory_space<vmem>> -> memref<1x80xi32, #tpu.memory_space<vmem>>
      %dma_wait3A_463 = tpu.memref_squeeze %dma_wait3A_462 : memref<1x80xi32, #tpu.memory_space<vmem>> -> memref<80xi32, #tpu.memory_space<vmem>>
      %dma_wait3A_464 = arith.constant 0 : i32
      %dma_wait3A_465 = arith.constant 0 : i32
      %dma_wait3A_466 = tpu.memref_slice %arg2[%dma_wait3A_464, %dma_wait3A_465] : memref<20480x64xf32, #tpu.memory_space<hbm>> -> memref<20480x64xf32, #tpu.memory_space<hbm>>
      %dma_wait3A_467 = tpu.memref_slice %arg12[%dma_wait3A_456] : memref<10x!tpu.dma_semaphore, #tpu.memory_space<semaphore_mem>> -> memref<1x!tpu.dma_semaphore, #tpu.memory_space<semaphore_mem>>
      %dma_wait3A_468 = tpu.memref_squeeze %dma_wait3A_467 : memref<1x!tpu.dma_semaphore, #tpu.memory_space<semaphore_mem>> -> memref<!tpu.dma_semaphore, #tpu.memory_space<semaphore_mem>>
      tpu.wait_indirect_dma semaphore(%dma_wait3A_468 : memref<!tpu.dma_semaphore, #tpu.memory_space<semaphore_mem>>) src(%dma_wait3A_466 : memref<20480x64xf32, #tpu.memory_space<hbm>>) dst(%dma_wait3A_460 : memref<80x64xf32, #tpu.memory_space<vmem>>)
      %dma_start3A_469 = arith.constant 9 : i32
      %dma_start3A_470 = arith.constant 9 : i32
      %dma_start3A_471 = arith.constant 9 : i32
      %dma_start3A_472 = arith.constant 0 : i32
      %dma_start3A_473 = arith.constant 0 : i32
      %dma_start3A_474 = tpu.memref_slice %arg9[%dma_start3A_469, %dma_start3A_472, %dma_start3A_473] : memref<10x80x64xf32, #tpu.memory_space<vmem>> -> memref<1x80x64xf32, #tpu.memory_space<vmem>>
      %dma_start3A_475 = tpu.memref_squeeze %dma_start3A_474 : memref<1x80x64xf32, #tpu.memory_space<vmem>> -> memref<80x64xf32, #tpu.memory_space<vmem>>
      %dma_start3A_476 = arith.constant 0 : i32
      %dma_start3A_477 = tpu.memref_slice %arg8[%dma_start3A_470, %dma_start3A_476] : memref<10x80xi32, #tpu.memory_space<vmem>> -> memref<1x80xi32, #tpu.memory_space<vmem>>
      %dma_start3A_478 = tpu.memref_squeeze %dma_start3A_477 : memref<1x80xi32, #tpu.memory_space<vmem>> -> memref<80xi32, #tpu.memory_space<vmem>>
      %dma_start3A_479 = arith.constant 0 : i32
      %dma_start3A_480 = arith.constant 0 : i32
      %dma_start3A_481 = tpu.memref_slice %arg10[%dma_start3A_479, %dma_start3A_480] : memref<10240x64xf32, #tpu.memory_space<vmem_shared>> -> memref<10240x64xf32, #tpu.memory_space<vmem_shared>>
      %dma_start3A_482 = tpu.memref_slice %arg13[%dma_start3A_471] : memref<10x!tpu.dma_semaphore, #tpu.memory_space<semaphore_mem>> -> memref<1x!tpu.dma_semaphore, #tpu.memory_space<semaphore_mem>>
      %dma_start3A_483 = tpu.memref_squeeze %dma_start3A_482 : memref<1x!tpu.dma_semaphore, #tpu.memory_space<semaphore_mem>> -> memref<!tpu.dma_semaphore, #tpu.memory_space<semaphore_mem>>
      tpu.enqueue_indirect_dma source(%dma_start3A_475 : memref<80x64xf32, #tpu.memory_space<vmem>>) target(%dma_start3A_481 : memref<10240x64xf32, #tpu.memory_space<vmem_shared>>) offsets(%dma_start3A_478 : memref<80xi32, #tpu.memory_space<vmem>>) semaphore(%dma_start3A_483 : memref<!tpu.dma_semaphore, #tpu.memory_space<semaphore_mem>>) {add = true}
      %dma_wait3A_484 = arith.constant 0 : i32
      %dma_wait3A_485 = arith.constant 0 : i32
      %dma_wait3A_486 = arith.constant 0 : i32
      %dma_wait3A_487 = arith.constant 0 : i32
      %dma_wait3A_488 = arith.constant 0 : i32
      %dma_wait3A_489 = tpu.memref_slice %arg9[%dma_wait3A_484, %dma_wait3A_487, %dma_wait3A_488] : memref<10x80x64xf32, #tpu.memory_space<vmem>> -> memref<1x80x64xf32, #tpu.memory_space<vmem>>
      %dma_wait3A_490 = tpu.memref_squeeze %dma_wait3A_489 : memref<1x80x64xf32, #tpu.memory_space<vmem>> -> memref<80x64xf32, #tpu.memory_space<vmem>>
      %dma_wait3A_491 = arith.constant 0 : i32
      %dma_wait3A_492 = tpu.memref_slice %arg8[%dma_wait3A_485, %dma_wait3A_491] : memref<10x80xi32, #tpu.memory_space<vmem>> -> memref<1x80xi32, #tpu.memory_space<vmem>>
      %dma_wait3A_493 = tpu.memref_squeeze %dma_wait3A_492 : memref<1x80xi32, #tpu.memory_space<vmem>> -> memref<80xi32, #tpu.memory_space<vmem>>
      %dma_wait3A_494 = arith.constant 0 : i32
      %dma_wait3A_495 = arith.constant 0 : i32
      %dma_wait3A_496 = tpu.memref_slice %arg10[%dma_wait3A_494, %dma_wait3A_495] : memref<10240x64xf32, #tpu.memory_space<vmem_shared>> -> memref<10240x64xf32, #tpu.memory_space<vmem_shared>>
      %dma_wait3A_497 = tpu.memref_slice %arg13[%dma_wait3A_486] : memref<10x!tpu.dma_semaphore, #tpu.memory_space<semaphore_mem>> -> memref<1x!tpu.dma_semaphore, #tpu.memory_space<semaphore_mem>>
      %dma_wait3A_498 = tpu.memref_squeeze %dma_wait3A_497 : memref<1x!tpu.dma_semaphore, #tpu.memory_space<semaphore_mem>> -> memref<!tpu.dma_semaphore, #tpu.memory_space<semaphore_mem>>
      tpu.wait_indirect_dma semaphore(%dma_wait3A_498 : memref<!tpu.dma_semaphore, #tpu.memory_space<semaphore_mem>>) src(%dma_wait3A_490 : memref<80x64xf32, #tpu.memory_space<vmem>>) dst(%dma_wait3A_496 : memref<10240x64xf32, #tpu.memory_space<vmem_shared>>)
      %dma_wait3A_499 = arith.constant 1 : i32
      %dma_wait3A_500 = arith.constant 1 : i32
      %dma_wait3A_501 = arith.constant 1 : i32
      %dma_wait3A_502 = arith.constant 0 : i32
      %dma_wait3A_503 = arith.constant 0 : i32
      %dma_wait3A_504 = tpu.memref_slice %arg9[%dma_wait3A_499, %dma_wait3A_502, %dma_wait3A_503] : memref<10x80x64xf32, #tpu.memory_space<vmem>> -> memref<1x80x64xf32, #tpu.memory_space<vmem>>
      %dma_wait3A_505 = tpu.memref_squeeze %dma_wait3A_504 : memref<1x80x64xf32, #tpu.memory_space<vmem>> -> memref<80x64xf32, #tpu.memory_space<vmem>>
      %dma_wait3A_506 = arith.constant 0 : i32
      %dma_wait3A_507 = tpu.memref_slice %arg8[%dma_wait3A_500, %dma_wait3A_506] : memref<10x80xi32, #tpu.memory_space<vmem>> -> memref<1x80xi32, #tpu.memory_space<vmem>>
      %dma_wait3A_508 = tpu.memref_squeeze %dma_wait3A_507 : memref<1x80xi32, #tpu.memory_space<vmem>> -> memref<80xi32, #tpu.memory_space<vmem>>
      %dma_wait3A_509 = arith.constant 0 : i32
      %dma_wait3A_510 = arith.constant 0 : i32
      %dma_wait3A_511 = tpu.memref_slice %arg10[%dma_wait3A_509, %dma_wait3A_510] : memref<10240x64xf32, #tpu.memory_space<vmem_shared>> -> memref<10240x64xf32, #tpu.memory_space<vmem_shared>>
      %dma_wait3A_512 = tpu.memref_slice %arg13[%dma_wait3A_501] : memref<10x!tpu.dma_semaphore, #tpu.memory_space<semaphore_mem>> -> memref<1x!tpu.dma_semaphore, #tpu.memory_space<semaphore_mem>>
      %dma_wait3A_513 = tpu.memref_squeeze %dma_wait3A_512 : memref<1x!tpu.dma_semaphore, #tpu.memory_space<semaphore_mem>> -> memref<!tpu.dma_semaphore, #tpu.memory_space<semaphore_mem>>
      tpu.wait_indirect_dma semaphore(%dma_wait3A_513 : memref<!tpu.dma_semaphore, #tpu.memory_space<semaphore_mem>>) src(%dma_wait3A_505 : memref<80x64xf32, #tpu.memory_space<vmem>>) dst(%dma_wait3A_511 : memref<10240x64xf32, #tpu.memory_space<vmem_shared>>)
      %dma_wait3A_514 = arith.constant 2 : i32
      %dma_wait3A_515 = arith.constant 2 : i32
      %dma_wait3A_516 = arith.constant 2 : i32
      %dma_wait3A_517 = arith.constant 0 : i32
      %dma_wait3A_518 = arith.constant 0 : i32
      %dma_wait3A_519 = tpu.memref_slice %arg9[%dma_wait3A_514, %dma_wait3A_517, %dma_wait3A_518] : memref<10x80x64xf32, #tpu.memory_space<vmem>> -> memref<1x80x64xf32, #tpu.memory_space<vmem>>
      %dma_wait3A_520 = tpu.memref_squeeze %dma_wait3A_519 : memref<1x80x64xf32, #tpu.memory_space<vmem>> -> memref<80x64xf32, #tpu.memory_space<vmem>>
      %dma_wait3A_521 = arith.constant 0 : i32
      %dma_wait3A_522 = tpu.memref_slice %arg8[%dma_wait3A_515, %dma_wait3A_521] : memref<10x80xi32, #tpu.memory_space<vmem>> -> memref<1x80xi32, #tpu.memory_space<vmem>>
      %dma_wait3A_523 = tpu.memref_squeeze %dma_wait3A_522 : memref<1x80xi32, #tpu.memory_space<vmem>> -> memref<80xi32, #tpu.memory_space<vmem>>
      %dma_wait3A_524 = arith.constant 0 : i32
      %dma_wait3A_525 = arith.constant 0 : i32
      %dma_wait3A_526 = tpu.memref_slice %arg10[%dma_wait3A_524, %dma_wait3A_525] : memref<10240x64xf32, #tpu.memory_space<vmem_shared>> -> memref<10240x64xf32, #tpu.memory_space<vmem_shared>>
      %dma_wait3A_527 = tpu.memref_slice %arg13[%dma_wait3A_516] : memref<10x!tpu.dma_semaphore, #tpu.memory_space<semaphore_mem>> -> memref<1x!tpu.dma_semaphore, #tpu.memory_space<semaphore_mem>>
      %dma_wait3A_528 = tpu.memref_squeeze %dma_wait3A_527 : memref<1x!tpu.dma_semaphore, #tpu.memory_space<semaphore_mem>> -> memref<!tpu.dma_semaphore, #tpu.memory_space<semaphore_mem>>
      tpu.wait_indirect_dma semaphore(%dma_wait3A_528 : memref<!tpu.dma_semaphore, #tpu.memory_space<semaphore_mem>>) src(%dma_wait3A_520 : memref<80x64xf32, #tpu.memory_space<vmem>>) dst(%dma_wait3A_526 : memref<10240x64xf32, #tpu.memory_space<vmem_shared>>)
      %dma_wait3A_529 = arith.constant 3 : i32
      %dma_wait3A_530 = arith.constant 3 : i32
      %dma_wait3A_531 = arith.constant 3 : i32
      %dma_wait3A_532 = arith.constant 0 : i32
      %dma_wait3A_533 = arith.constant 0 : i32
      %dma_wait3A_534 = tpu.memref_slice %arg9[%dma_wait3A_529, %dma_wait3A_532, %dma_wait3A_533] : memref<10x80x64xf32, #tpu.memory_space<vmem>> -> memref<1x80x64xf32, #tpu.memory_space<vmem>>
      %dma_wait3A_535 = tpu.memref_squeeze %dma_wait3A_534 : memref<1x80x64xf32, #tpu.memory_space<vmem>> -> memref<80x64xf32, #tpu.memory_space<vmem>>
      %dma_wait3A_536 = arith.constant 0 : i32
      %dma_wait3A_537 = tpu.memref_slice %arg8[%dma_wait3A_530, %dma_wait3A_536] : memref<10x80xi32, #tpu.memory_space<vmem>> -> memref<1x80xi32, #tpu.memory_space<vmem>>
      %dma_wait3A_538 = tpu.memref_squeeze %dma_wait3A_537 : memref<1x80xi32, #tpu.memory_space<vmem>> -> memref<80xi32, #tpu.memory_space<vmem>>
      %dma_wait3A_539 = arith.constant 0 : i32
      %dma_wait3A_540 = arith.constant 0 : i32
      %dma_wait3A_541 = tpu.memref_slice %arg10[%dma_wait3A_539, %dma_wait3A_540] : memref<10240x64xf32, #tpu.memory_space<vmem_shared>> -> memref<10240x64xf32, #tpu.memory_space<vmem_shared>>
      %dma_wait3A_542 = tpu.memref_slice %arg13[%dma_wait3A_531] : memref<10x!tpu.dma_semaphore, #tpu.memory_space<semaphore_mem>> -> memref<1x!tpu.dma_semaphore, #tpu.memory_space<semaphore_mem>>
      %dma_wait3A_543 = tpu.memref_squeeze %dma_wait3A_542 : memref<1x!tpu.dma_semaphore, #tpu.memory_space<semaphore_mem>> -> memref<!tpu.dma_semaphore, #tpu.memory_space<semaphore_mem>>
      tpu.wait_indirect_dma semaphore(%dma_wait3A_543 : memref<!tpu.dma_semaphore, #tpu.memory_space<semaphore_mem>>) src(%dma_wait3A_535 : memref<80x64xf32, #tpu.memory_space<vmem>>) dst(%dma_wait3A_541 : memref<10240x64xf32, #tpu.memory_space<vmem_shared>>)
      %dma_wait3A_544 = arith.constant 4 : i32
      %dma_wait3A_545 = arith.constant 4 : i32
      %dma_wait3A_546 = arith.constant 4 : i32
      %dma_wait3A_547 = arith.constant 0 : i32
      %dma_wait3A_548 = arith.constant 0 : i32
      %dma_wait3A_549 = tpu.memref_slice %arg9[%dma_wait3A_544, %dma_wait3A_547, %dma_wait3A_548] : memref<10x80x64xf32, #tpu.memory_space<vmem>> -> memref<1x80x64xf32, #tpu.memory_space<vmem>>
      %dma_wait3A_550 = tpu.memref_squeeze %dma_wait3A_549 : memref<1x80x64xf32, #tpu.memory_space<vmem>> -> memref<80x64xf32, #tpu.memory_space<vmem>>
      %dma_wait3A_551 = arith.constant 0 : i32
      %dma_wait3A_552 = tpu.memref_slice %arg8[%dma_wait3A_545, %dma_wait3A_551] : memref<10x80xi32, #tpu.memory_space<vmem>> -> memref<1x80xi32, #tpu.memory_space<vmem>>
      %dma_wait3A_553 = tpu.memref_squeeze %dma_wait3A_552 : memref<1x80xi32, #tpu.memory_space<vmem>> -> memref<80xi32, #tpu.memory_space<vmem>>
      %dma_wait3A_554 = arith.constant 0 : i32
      %dma_wait3A_555 = arith.constant 0 : i32
      %dma_wait3A_556 = tpu.memref_slice %arg10[%dma_wait3A_554, %dma_wait3A_555] : memref<10240x64xf32, #tpu.memory_space<vmem_shared>> -> memref<10240x64xf32, #tpu.memory_space<vmem_shared>>
      %dma_wait3A_557 = tpu.memref_slice %arg13[%dma_wait3A_546] : memref<10x!tpu.dma_semaphore, #tpu.memory_space<semaphore_mem>> -> memref<1x!tpu.dma_semaphore, #tpu.memory_space<semaphore_mem>>
      %dma_wait3A_558 = tpu.memref_squeeze %dma_wait3A_557 : memref<1x!tpu.dma_semaphore, #tpu.memory_space<semaphore_mem>> -> memref<!tpu.dma_semaphore, #tpu.memory_space<semaphore_mem>>
      tpu.wait_indirect_dma semaphore(%dma_wait3A_558 : memref<!tpu.dma_semaphore, #tpu.memory_space<semaphore_mem>>) src(%dma_wait3A_550 : memref<80x64xf32, #tpu.memory_space<vmem>>) dst(%dma_wait3A_556 : memref<10240x64xf32, #tpu.memory_space<vmem_shared>>)
      %dma_wait3A_559 = arith.constant 5 : i32
      %dma_wait3A_560 = arith.constant 5 : i32
      %dma_wait3A_561 = arith.constant 5 : i32
      %dma_wait3A_562 = arith.constant 0 : i32
      %dma_wait3A_563 = arith.constant 0 : i32
      %dma_wait3A_564 = tpu.memref_slice %arg9[%dma_wait3A_559, %dma_wait3A_562, %dma_wait3A_563] : memref<10x80x64xf32, #tpu.memory_space<vmem>> -> memref<1x80x64xf32, #tpu.memory_space<vmem>>
      %dma_wait3A_565 = tpu.memref_squeeze %dma_wait3A_564 : memref<1x80x64xf32, #tpu.memory_space<vmem>> -> memref<80x64xf32, #tpu.memory_space<vmem>>
      %dma_wait3A_566 = arith.constant 0 : i32
      %dma_wait3A_567 = tpu.memref_slice %arg8[%dma_wait3A_560, %dma_wait3A_566] : memref<10x80xi32, #tpu.memory_space<vmem>> -> memref<1x80xi32, #tpu.memory_space<vmem>>
      %dma_wait3A_568 = tpu.memref_squeeze %dma_wait3A_567 : memref<1x80xi32, #tpu.memory_space<vmem>> -> memref<80xi32, #tpu.memory_space<vmem>>
      %dma_wait3A_569 = arith.constant 0 : i32
      %dma_wait3A_570 = arith.constant 0 : i32
      %dma_wait3A_571 = tpu.memref_slice %arg10[%dma_wait3A_569, %dma_wait3A_570] : memref<10240x64xf32, #tpu.memory_space<vmem_shared>> -> memref<10240x64xf32, #tpu.memory_space<vmem_shared>>
      %dma_wait3A_572 = tpu.memref_slice %arg13[%dma_wait3A_561] : memref<10x!tpu.dma_semaphore, #tpu.memory_space<semaphore_mem>> -> memref<1x!tpu.dma_semaphore, #tpu.memory_space<semaphore_mem>>
      %dma_wait3A_573 = tpu.memref_squeeze %dma_wait3A_572 : memref<1x!tpu.dma_semaphore, #tpu.memory_space<semaphore_mem>> -> memref<!tpu.dma_semaphore, #tpu.memory_space<semaphore_mem>>
      tpu.wait_indirect_dma semaphore(%dma_wait3A_573 : memref<!tpu.dma_semaphore, #tpu.memory_space<semaphore_mem>>) src(%dma_wait3A_565 : memref<80x64xf32, #tpu.memory_space<vmem>>) dst(%dma_wait3A_571 : memref<10240x64xf32, #tpu.memory_space<vmem_shared>>)
      %dma_wait3A_574 = arith.constant 6 : i32
      %dma_wait3A_575 = arith.constant 6 : i32
      %dma_wait3A_576 = arith.constant 6 : i32
      %dma_wait3A_577 = arith.constant 0 : i32
      %dma_wait3A_578 = arith.constant 0 : i32
      %dma_wait3A_579 = tpu.memref_slice %arg9[%dma_wait3A_574, %dma_wait3A_577, %dma_wait3A_578] : memref<10x80x64xf32, #tpu.memory_space<vmem>> -> memref<1x80x64xf32, #tpu.memory_space<vmem>>
      %dma_wait3A_580 = tpu.memref_squeeze %dma_wait3A_579 : memref<1x80x64xf32, #tpu.memory_space<vmem>> -> memref<80x64xf32, #tpu.memory_space<vmem>>
      %dma_wait3A_581 = arith.constant 0 : i32
      %dma_wait3A_582 = tpu.memref_slice %arg8[%dma_wait3A_575, %dma_wait3A_581] : memref<10x80xi32, #tpu.memory_space<vmem>> -> memref<1x80xi32, #tpu.memory_space<vmem>>
      %dma_wait3A_583 = tpu.memref_squeeze %dma_wait3A_582 : memref<1x80xi32, #tpu.memory_space<vmem>> -> memref<80xi32, #tpu.memory_space<vmem>>
      %dma_wait3A_584 = arith.constant 0 : i32
      %dma_wait3A_585 = arith.constant 0 : i32
      %dma_wait3A_586 = tpu.memref_slice %arg10[%dma_wait3A_584, %dma_wait3A_585] : memref<10240x64xf32, #tpu.memory_space<vmem_shared>> -> memref<10240x64xf32, #tpu.memory_space<vmem_shared>>
      %dma_wait3A_587 = tpu.memref_slice %arg13[%dma_wait3A_576] : memref<10x!tpu.dma_semaphore, #tpu.memory_space<semaphore_mem>> -> memref<1x!tpu.dma_semaphore, #tpu.memory_space<semaphore_mem>>
      %dma_wait3A_588 = tpu.memref_squeeze %dma_wait3A_587 : memref<1x!tpu.dma_semaphore, #tpu.memory_space<semaphore_mem>> -> memref<!tpu.dma_semaphore, #tpu.memory_space<semaphore_mem>>
      tpu.wait_indirect_dma semaphore(%dma_wait3A_588 : memref<!tpu.dma_semaphore, #tpu.memory_space<semaphore_mem>>) src(%dma_wait3A_580 : memref<80x64xf32, #tpu.memory_space<vmem>>) dst(%dma_wait3A_586 : memref<10240x64xf32, #tpu.memory_space<vmem_shared>>)
      %dma_wait3A_589 = arith.constant 7 : i32
      %dma_wait3A_590 = arith.constant 7 : i32
      %dma_wait3A_591 = arith.constant 7 : i32
      %dma_wait3A_592 = arith.constant 0 : i32
      %dma_wait3A_593 = arith.constant 0 : i32
      %dma_wait3A_594 = tpu.memref_slice %arg9[%dma_wait3A_589, %dma_wait3A_592, %dma_wait3A_593] : memref<10x80x64xf32, #tpu.memory_space<vmem>> -> memref<1x80x64xf32, #tpu.memory_space<vmem>>
      %dma_wait3A_595 = tpu.memref_squeeze %dma_wait3A_594 : memref<1x80x64xf32, #tpu.memory_space<vmem>> -> memref<80x64xf32, #tpu.memory_space<vmem>>
      %dma_wait3A_596 = arith.constant 0 : i32
      %dma_wait3A_597 = tpu.memref_slice %arg8[%dma_wait3A_590, %dma_wait3A_596] : memref<10x80xi32, #tpu.memory_space<vmem>> -> memref<1x80xi32, #tpu.memory_space<vmem>>
      %dma_wait3A_598 = tpu.memref_squeeze %dma_wait3A_597 : memref<1x80xi32, #tpu.memory_space<vmem>> -> memref<80xi32, #tpu.memory_space<vmem>>
      %dma_wait3A_599 = arith.constant 0 : i32
      %dma_wait3A_600 = arith.constant 0 : i32
      %dma_wait3A_601 = tpu.memref_slice %arg10[%dma_wait3A_599, %dma_wait3A_600] : memref<10240x64xf32, #tpu.memory_space<vmem_shared>> -> memref<10240x64xf32, #tpu.memory_space<vmem_shared>>
      %dma_wait3A_602 = tpu.memref_slice %arg13[%dma_wait3A_591] : memref<10x!tpu.dma_semaphore, #tpu.memory_space<semaphore_mem>> -> memref<1x!tpu.dma_semaphore, #tpu.memory_space<semaphore_mem>>
      %dma_wait3A_603 = tpu.memref_squeeze %dma_wait3A_602 : memref<1x!tpu.dma_semaphore, #tpu.memory_space<semaphore_mem>> -> memref<!tpu.dma_semaphore, #tpu.memory_space<semaphore_mem>>
      tpu.wait_indirect_dma semaphore(%dma_wait3A_603 : memref<!tpu.dma_semaphore, #tpu.memory_space<semaphore_mem>>) src(%dma_wait3A_595 : memref<80x64xf32, #tpu.memory_space<vmem>>) dst(%dma_wait3A_601 : memref<10240x64xf32, #tpu.memory_space<vmem_shared>>)
      %dma_wait3A_604 = arith.constant 8 : i32
      %dma_wait3A_605 = arith.constant 8 : i32
      %dma_wait3A_606 = arith.constant 8 : i32
      %dma_wait3A_607 = arith.constant 0 : i32
      %dma_wait3A_608 = arith.constant 0 : i32
      %dma_wait3A_609 = tpu.memref_slice %arg9[%dma_wait3A_604, %dma_wait3A_607, %dma_wait3A_608] : memref<10x80x64xf32, #tpu.memory_space<vmem>> -> memref<1x80x64xf32, #tpu.memory_space<vmem>>
      %dma_wait3A_610 = tpu.memref_squeeze %dma_wait3A_609 : memref<1x80x64xf32, #tpu.memory_space<vmem>> -> memref<80x64xf32, #tpu.memory_space<vmem>>
      %dma_wait3A_611 = arith.constant 0 : i32
      %dma_wait3A_612 = tpu.memref_slice %arg8[%dma_wait3A_605, %dma_wait3A_611] : memref<10x80xi32, #tpu.memory_space<vmem>> -> memref<1x80xi32, #tpu.memory_space<vmem>>
      %dma_wait3A_613 = tpu.memref_squeeze %dma_wait3A_612 : memref<1x80xi32, #tpu.memory_space<vmem>> -> memref<80xi32, #tpu.memory_space<vmem>>
      %dma_wait3A_614 = arith.constant 0 : i32
      %dma_wait3A_615 = arith.constant 0 : i32
      %dma_wait3A_616 = tpu.memref_slice %arg10[%dma_wait3A_614, %dma_wait3A_615] : memref<10240x64xf32, #tpu.memory_space<vmem_shared>> -> memref<10240x64xf32, #tpu.memory_space<vmem_shared>>
      %dma_wait3A_617 = tpu.memref_slice %arg13[%dma_wait3A_606] : memref<10x!tpu.dma_semaphore, #tpu.memory_space<semaphore_mem>> -> memref<1x!tpu.dma_semaphore, #tpu.memory_space<semaphore_mem>>
      %dma_wait3A_618 = tpu.memref_squeeze %dma_wait3A_617 : memref<1x!tpu.dma_semaphore, #tpu.memory_space<semaphore_mem>> -> memref<!tpu.dma_semaphore, #tpu.memory_space<semaphore_mem>>
      tpu.wait_indirect_dma semaphore(%dma_wait3A_618 : memref<!tpu.dma_semaphore, #tpu.memory_space<semaphore_mem>>) src(%dma_wait3A_610 : memref<80x64xf32, #tpu.memory_space<vmem>>) dst(%dma_wait3A_616 : memref<10240x64xf32, #tpu.memory_space<vmem_shared>>)
      %dma_wait3A_619 = arith.constant 9 : i32
      %dma_wait3A_620 = arith.constant 9 : i32
      %dma_wait3A_621 = arith.constant 9 : i32
      %dma_wait3A_622 = arith.constant 0 : i32
      %dma_wait3A_623 = arith.constant 0 : i32
      %dma_wait3A_624 = tpu.memref_slice %arg9[%dma_wait3A_619, %dma_wait3A_622, %dma_wait3A_623] : memref<10x80x64xf32, #tpu.memory_space<vmem>> -> memref<1x80x64xf32, #tpu.memory_space<vmem>>
      %dma_wait3A_625 = tpu.memref_squeeze %dma_wait3A_624 : memref<1x80x64xf32, #tpu.memory_space<vmem>> -> memref<80x64xf32, #tpu.memory_space<vmem>>
      %dma_wait3A_626 = arith.constant 0 : i32
      %dma_wait3A_627 = tpu.memref_slice %arg8[%dma_wait3A_620, %dma_wait3A_626] : memref<10x80xi32, #tpu.memory_space<vmem>> -> memref<1x80xi32, #tpu.memory_space<vmem>>
      %dma_wait3A_628 = tpu.memref_squeeze %dma_wait3A_627 : memref<1x80xi32, #tpu.memory_space<vmem>> -> memref<80xi32, #tpu.memory_space<vmem>>
      %dma_wait3A_629 = arith.constant 0 : i32
      %dma_wait3A_630 = arith.constant 0 : i32
      %dma_wait3A_631 = tpu.memref_slice %arg10[%dma_wait3A_629, %dma_wait3A_630] : memref<10240x64xf32, #tpu.memory_space<vmem_shared>> -> memref<10240x64xf32, #tpu.memory_space<vmem_shared>>
      %dma_wait3A_632 = tpu.memref_slice %arg13[%dma_wait3A_621] : memref<10x!tpu.dma_semaphore, #tpu.memory_space<semaphore_mem>> -> memref<1x!tpu.dma_semaphore, #tpu.memory_space<semaphore_mem>>
      %dma_wait3A_633 = tpu.memref_squeeze %dma_wait3A_632 : memref<1x!tpu.dma_semaphore, #tpu.memory_space<semaphore_mem>> -> memref<!tpu.dma_semaphore, #tpu.memory_space<semaphore_mem>>
      tpu.wait_indirect_dma semaphore(%dma_wait3A_633 : memref<!tpu.dma_semaphore, #tpu.memory_space<semaphore_mem>>) src(%dma_wait3A_625 : memref<80x64xf32, #tpu.memory_space<vmem>>) dst(%dma_wait3A_631 : memref<10240x64xf32, #tpu.memory_space<vmem_shared>>)
    }
    %scan3A_9 = arith.constant 25 : i32
    %barrier3A_10 = arith.constant 0 : index
    tpu.barrier barrier_id(%barrier3A_10)
    %mul3A_11 = arith.constant 640 : i32
    %mul3A_12 = arith.muli %arg1, %mul3A_11 : i32
    %mul3A_13 = arith.constant 10240 : i32
    %mul3A_14 = arith.muli %arg0, %mul3A_13 : i32
    %add3A_15 = arith.addi %mul3A_14, %mul3A_12 : i32
    "tpu.region"() ({
      %run_scoped3A = tpu.sem_alloc : memref<!tpu.dma_semaphore, #tpu.memory_space<semaphore_mem>>
      %dma_start3A = arith.constant 0 : i32
      %dma_start3A_16 = tpu.memref_slice %arg6[%add3A_15, %dma_start3A] : memref<20480x64xf32, #tpu.memory_space<hbm>> -> memref<640x64xf32, #tpu.memory_space<hbm>>
      %dma_start3A_17 = arith.constant 0 : i32
      %dma_start3A_18 = tpu.memref_slice %arg10[%mul3A_12, %dma_start3A_17] : memref<10240x64xf32, #tpu.memory_space<vmem_shared>> -> memref<640x64xf32, #tpu.memory_space<vmem_shared>>
      tpu.enqueue_dma source(%dma_start3A_18 : memref<640x64xf32, #tpu.memory_space<vmem_shared>>) target(%dma_start3A_16 : memref<640x64xf32, #tpu.memory_space<hbm>>) target_semaphore(%run_scoped3A : memref<!tpu.dma_semaphore, #tpu.memory_space<semaphore_mem>>)
      %dma_wait3A = arith.constant 0 : i32
      %dma_wait3A_19 = tpu.memref_slice %arg6[%add3A_15, %dma_wait3A] : memref<20480x64xf32, #tpu.memory_space<hbm>> -> memref<640x64xf32, #tpu.memory_space<hbm>>
      %dma_wait3A_20 = arith.constant 0 : i32
      %dma_wait3A_21 = tpu.memref_slice %arg10[%mul3A_12, %dma_wait3A_20] : memref<10240x64xf32, #tpu.memory_space<vmem_shared>> -> memref<640x64xf32, #tpu.memory_space<vmem_shared>>
      tpu.wait_dma2 semaphore(%run_scoped3A : memref<!tpu.dma_semaphore, #tpu.memory_space<semaphore_mem>>) src(%dma_wait3A_21 : memref<640x64xf32, #tpu.memory_space<vmem_shared>>) dst(%dma_wait3A_19 : memref<640x64xf32, #tpu.memory_space<hbm>>)
      tpu.yield
    }) : () -> ()
    return
  }
}

#map = affine_map<(d0, d1) -> (0, 0)>
module attributes {stable_mosaic.version = 14 : i64} {
  func.func @_edge_agg_body(%arg0: i32, %arg1: i32, %arg2: memref<20480x64xf32, #tpu.memory_space<hbm>>, %arg3: memref<8000x80xi32, #tpu.memory_space<hbm>>, %arg4: memref<8000x80xi32, #tpu.memory_space<hbm>>, %arg5: memref<640x64xf32, #tpu.memory_space<hbm>>, %arg6: memref<20480x64xf32, #tpu.memory_space<hbm>>, %arg7: memref<10x80xi32, #tpu.memory_space<vmem>>, %arg8: memref<10x80xi32, #tpu.memory_space<vmem>>, %arg9: memref<10x80x64xf32, #tpu.memory_space<vmem>>, %arg10: memref<10240x64xf32, #tpu.memory_space<vmem_shared>>, %arg11: memref<!tpu.dma_semaphore, #tpu.memory_space<semaphore_mem>>, %arg12: memref<10x!tpu.dma_semaphore, #tpu.memory_space<semaphore_mem>>, %arg13: memref<10x!tpu.dma_semaphore, #tpu.memory_space<semaphore_mem>>) attributes {dimension_semantics = [#tpu.dimension_semantics<core_parallel>, #tpu.dimension_semantics<subcore_parallel>], iteration_bounds = array<i64: 2, 16>, scalar_prefetch = 0 : i64, scratch_operands = 7 : i64, tpu.core_type = #tpu.core_type<sc_vector_subcore>, window_params = [{transform_indices = #map}, {transform_indices = #map}, {transform_indices = #map}, {transform_indices = #map}, {transform_indices = #map}]} {
    %mul3A = arith.constant 640 : i32
    %mul3A_0 = arith.muli %arg1, %mul3A : i32
    "tpu.region"() ({
      %run_scoped3A = tpu.sem_alloc : memref<!tpu.dma_semaphore, #tpu.memory_space<semaphore_mem>>
      %dma_start3A = arith.constant 0 : i32
      %dma_start3A_16 = tpu.memref_slice %arg10[%mul3A_0, %dma_start3A] : memref<10240x64xf32, #tpu.memory_space<vmem_shared>> -> memref<640x64xf32, #tpu.memory_space<vmem_shared>>
      tpu.enqueue_dma source(%arg5 : memref<640x64xf32, #tpu.memory_space<hbm>>) target(%dma_start3A_16 : memref<640x64xf32, #tpu.memory_space<vmem_shared>>) target_semaphore(%run_scoped3A : memref<!tpu.dma_semaphore, #tpu.memory_space<semaphore_mem>>)
      %dma_wait3A = arith.constant 0 : i32
      %dma_wait3A_17 = tpu.memref_slice %arg10[%mul3A_0, %dma_wait3A] : memref<10240x64xf32, #tpu.memory_space<vmem_shared>> -> memref<640x64xf32, #tpu.memory_space<vmem_shared>>
      tpu.wait_dma2 semaphore(%run_scoped3A : memref<!tpu.dma_semaphore, #tpu.memory_space<semaphore_mem>>) src(%arg5 : memref<640x64xf32, #tpu.memory_space<hbm>>) dst(%dma_wait3A_17 : memref<640x64xf32, #tpu.memory_space<vmem_shared>>)
      tpu.yield
    }) : () -> ()
    %barrier3A = arith.constant 0 : index
    tpu.barrier barrier_id(%barrier3A)
    %mul3A_1 = arith.constant 16 : i32
    %mul3A_2 = arith.muli %arg0, %mul3A_1 : i32
    %add3A = arith.addi %mul3A_2, %arg1 : i32
    %mul3A_3 = arith.constant 250 : i32
    %mul3A_4 = arith.muli %add3A, %mul3A_3 : i32
    %scan3A = arith.constant 0 : i32
    %scan3A_5 = arith.constant 0 : i32
    %scan3A_6 = arith.constant 25 : i32
    %scan3A_7 = arith.addi %scan3A_5, %scan3A_6 : i32
    %scan3A_8 = arith.constant 1 : i32
    scf.for %scan3A_16 = %scan3A_5 to %scan3A_7 step %scan3A_8  : i32 {
      %mul3A_17 = arith.constant 10 : i32
      %mul3A_18 = arith.muli %scan3A_16, %mul3A_17 : i32
      %add3A_19 = arith.addi %mul3A_4, %mul3A_18 : i32
      %multiple_of3A = tpu.assume_multiple %add3A_19, 10 : i32
      %dma_start3A = arith.constant 0 : i32
      %dma_start3A_20 = tpu.memref_slice %arg3[%multiple_of3A, %dma_start3A] : memref<8000x80xi32, #tpu.memory_space<hbm>> -> memref<10x80xi32, #tpu.memory_space<hbm>>
      %dma_start3A_21 = arith.constant 0 : i32
      %dma_start3A_22 = tpu.memref_slice %arg3[%multiple_of3A, %dma_start3A_21] : memref<8000x80xi32, #tpu.memory_space<hbm>> -> memref<10x80xi32, #tpu.memory_space<hbm>>
      tpu.enqueue_dma source(%dma_start3A_22 : memref<10x80xi32, #tpu.memory_space<hbm>>) target(%arg7 : memref<10x80xi32, #tpu.memory_space<vmem>>) target_semaphore(%arg11 : memref<!tpu.dma_semaphore, #tpu.memory_space<semaphore_mem>>)
      %dma_start3A_23 = arith.constant 0 : i32
      %dma_start3A_24 = tpu.memref_slice %arg4[%multiple_of3A, %dma_start3A_23] : memref<8000x80xi32, #tpu.memory_space<hbm>> -> memref<10x80xi32, #tpu.memory_space<hbm>>
      %dma_start3A_25 = arith.constant 0 : i32
      %dma_start3A_26 = tpu.memref_slice %arg4[%multiple_of3A, %dma_start3A_25] : memref<8000x80xi32, #tpu.memory_space<hbm>> -> memref<10x80xi32, #tpu.memory_space<hbm>>
      tpu.enqueue_dma source(%dma_start3A_26 : memref<10x80xi32, #tpu.memory_space<hbm>>) target(%arg8 : memref<10x80xi32, #tpu.memory_space<vmem>>) target_semaphore(%arg11 : memref<!tpu.dma_semaphore, #tpu.memory_space<semaphore_mem>>)
      %dma_wait3A = arith.constant 0 : i32
      %dma_wait3A_27 = tpu.memref_slice %arg3[%multiple_of3A, %dma_wait3A] : memref<8000x80xi32, #tpu.memory_space<hbm>> -> memref<10x80xi32, #tpu.memory_space<hbm>>
      %dma_wait3A_28 = arith.constant 0 : i32
      %dma_wait3A_29 = tpu.memref_slice %arg3[%multiple_of3A, %dma_wait3A_28] : memref<8000x80xi32, #tpu.memory_space<hbm>> -> memref<10x80xi32, #tpu.memory_space<hbm>>
      tpu.wait_dma2 semaphore(%arg11 : memref<!tpu.dma_semaphore, #tpu.memory_space<semaphore_mem>>) src(%dma_wait3A_29 : memref<10x80xi32, #tpu.memory_space<hbm>>) dst(%arg7 : memref<10x80xi32, #tpu.memory_space<vmem>>)
      %dma_wait3A_30 = arith.constant 0 : i32
      %dma_wait3A_31 = tpu.memref_slice %arg4[%multiple_of3A, %dma_wait3A_30] : memref<8000x80xi32, #tpu.memory_space<hbm>> -> memref<10x80xi32, #tpu.memory_space<hbm>>
      %dma_wait3A_32 = arith.constant 0 : i32
      %dma_wait3A_33 = tpu.memref_slice %arg4[%multiple_of3A, %dma_wait3A_32] : memref<8000x80xi32, #tpu.memory_space<hbm>> -> memref<10x80xi32, #tpu.memory_space<hbm>>
      tpu.wait_dma2 semaphore(%arg11 : memref<!tpu.dma_semaphore, #tpu.memory_space<semaphore_mem>>) src(%dma_wait3A_33 : memref<10x80xi32, #tpu.memory_space<hbm>>) dst(%arg8 : memref<10x80xi32, #tpu.memory_space<vmem>>)
      %dma_start3A_34 = arith.constant 0 : i32
      %dma_start3A_35 = arith.constant 0 : i32
      %dma_start3A_36 = arith.constant 0 : i32
      %dma_start3A_37 = arith.constant 0 : i32
      %dma_start3A_38 = arith.constant 0 : i32
      %dma_start3A_39 = tpu.memref_slice %arg9[%dma_start3A_35, %dma_start3A_37, %dma_start3A_38] : memref<10x80x64xf32, #tpu.memory_space<vmem>> -> memref<1x80x64xf32, #tpu.memory_space<vmem>>
      %dma_start3A_40 = tpu.memref_squeeze %dma_start3A_39 : memref<1x80x64xf32, #tpu.memory_space<vmem>> -> memref<80x64xf32, #tpu.memory_space<vmem>>
      %dma_start3A_41 = arith.constant 0 : i32
      %dma_start3A_42 = tpu.memref_slice %arg7[%dma_start3A_34, %dma_start3A_41] : memref<10x80xi32, #tpu.memory_space<vmem>> -> memref<1x80xi32, #tpu.memory_space<vmem>>
      %dma_start3A_43 = tpu.memref_squeeze %dma_start3A_42 : memref<1x80xi32, #tpu.memory_space<vmem>> -> memref<80xi32, #tpu.memory_space<vmem>>
      %dma_start3A_44 = arith.constant 0 : i32
      %dma_start3A_45 = arith.constant 0 : i32
      %dma_start3A_46 = tpu.memref_slice %arg2[%dma_start3A_44, %dma_start3A_45] : memref<20480x64xf32, #tpu.memory_space<hbm>> -> memref<20480x64xf32, #tpu.memory_space<hbm>>
      %dma_start3A_47 = tpu.memref_slice %arg12[%dma_start3A_36] : memref<10x!tpu.dma_semaphore, #tpu.memory_space<semaphore_mem>> -> memref<1x!tpu.dma_semaphore, #tpu.memory_space<semaphore_mem>>
      %dma_start3A_48 = tpu.memref_squeeze %dma_start3A_47 : memref<1x!tpu.dma_semaphore, #tpu.memory_space<semaphore_mem>> -> memref<!tpu.dma_semaphore, #tpu.memory_space<semaphore_mem>>
      tpu.enqueue_indirect_dma source(%dma_start3A_46 : memref<20480x64xf32, #tpu.memory_space<hbm>>) target(%dma_start3A_40 : memref<80x64xf32, #tpu.memory_space<vmem>>) offsets(%dma_start3A_43 : memref<80xi32, #tpu.memory_space<vmem>>) semaphore(%dma_start3A_48 : memref<!tpu.dma_semaphore, #tpu.memory_space<semaphore_mem>>)
      %dma_start3A_49 = arith.constant 1 : i32
      %dma_start3A_50 = arith.constant 1 : i32
      %dma_start3A_51 = arith.constant 1 : i32
      %dma_start3A_52 = arith.constant 0 : i32
      %dma_start3A_53 = arith.constant 0 : i32
      %dma_start3A_54 = tpu.memref_slice %arg9[%dma_start3A_50, %dma_start3A_52, %dma_start3A_53] : memref<10x80x64xf32, #tpu.memory_space<vmem>> -> memref<1x80x64xf32, #tpu.memory_space<vmem>>
      %dma_start3A_55 = tpu.memref_squeeze %dma_start3A_54 : memref<1x80x64xf32, #tpu.memory_space<vmem>> -> memref<80x64xf32, #tpu.memory_space<vmem>>
      %dma_start3A_56 = arith.constant 0 : i32
      %dma_start3A_57 = tpu.memref_slice %arg7[%dma_start3A_49, %dma_start3A_56] : memref<10x80xi32, #tpu.memory_space<vmem>> -> memref<1x80xi32, #tpu.memory_space<vmem>>
      %dma_start3A_58 = tpu.memref_squeeze %dma_start3A_57 : memref<1x80xi32, #tpu.memory_space<vmem>> -> memref<80xi32, #tpu.memory_space<vmem>>
      %dma_start3A_59 = arith.constant 0 : i32
      %dma_start3A_60 = arith.constant 0 : i32
      %dma_start3A_61 = tpu.memref_slice %arg2[%dma_start3A_59, %dma_start3A_60] : memref<20480x64xf32, #tpu.memory_space<hbm>> -> memref<20480x64xf32, #tpu.memory_space<hbm>>
      %dma_start3A_62 = tpu.memref_slice %arg12[%dma_start3A_51] : memref<10x!tpu.dma_semaphore, #tpu.memory_space<semaphore_mem>> -> memref<1x!tpu.dma_semaphore, #tpu.memory_space<semaphore_mem>>
      %dma_start3A_63 = tpu.memref_squeeze %dma_start3A_62 : memref<1x!tpu.dma_semaphore, #tpu.memory_space<semaphore_mem>> -> memref<!tpu.dma_semaphore, #tpu.memory_space<semaphore_mem>>
      tpu.enqueue_indirect_dma source(%dma_start3A_61 : memref<20480x64xf32, #tpu.memory_space<hbm>>) target(%dma_start3A_55 : memref<80x64xf32, #tpu.memory_space<vmem>>) offsets(%dma_start3A_58 : memref<80xi32, #tpu.memory_space<vmem>>) semaphore(%dma_start3A_63 : memref<!tpu.dma_semaphore, #tpu.memory_space<semaphore_mem>>)
      %dma_start3A_64 = arith.constant 2 : i32
      %dma_start3A_65 = arith.constant 2 : i32
      %dma_start3A_66 = arith.constant 2 : i32
      %dma_start3A_67 = arith.constant 0 : i32
      %dma_start3A_68 = arith.constant 0 : i32
      %dma_start3A_69 = tpu.memref_slice %arg9[%dma_start3A_65, %dma_start3A_67, %dma_start3A_68] : memref<10x80x64xf32, #tpu.memory_space<vmem>> -> memref<1x80x64xf32, #tpu.memory_space<vmem>>
      %dma_start3A_70 = tpu.memref_squeeze %dma_start3A_69 : memref<1x80x64xf32, #tpu.memory_space<vmem>> -> memref<80x64xf32, #tpu.memory_space<vmem>>
      %dma_start3A_71 = arith.constant 0 : i32
      %dma_start3A_72 = tpu.memref_slice %arg7[%dma_start3A_64, %dma_start3A_71] : memref<10x80xi32, #tpu.memory_space<vmem>> -> memref<1x80xi32, #tpu.memory_space<vmem>>
      %dma_start3A_73 = tpu.memref_squeeze %dma_start3A_72 : memref<1x80xi32, #tpu.memory_space<vmem>> -> memref<80xi32, #tpu.memory_space<vmem>>
      %dma_start3A_74 = arith.constant 0 : i32
      %dma_start3A_75 = arith.constant 0 : i32
      %dma_start3A_76 = tpu.memref_slice %arg2[%dma_start3A_74, %dma_start3A_75] : memref<20480x64xf32, #tpu.memory_space<hbm>> -> memref<20480x64xf32, #tpu.memory_space<hbm>>
      %dma_start3A_77 = tpu.memref_slice %arg12[%dma_start3A_66] : memref<10x!tpu.dma_semaphore, #tpu.memory_space<semaphore_mem>> -> memref<1x!tpu.dma_semaphore, #tpu.memory_space<semaphore_mem>>
      %dma_start3A_78 = tpu.memref_squeeze %dma_start3A_77 : memref<1x!tpu.dma_semaphore, #tpu.memory_space<semaphore_mem>> -> memref<!tpu.dma_semaphore, #tpu.memory_space<semaphore_mem>>
      tpu.enqueue_indirect_dma source(%dma_start3A_76 : memref<20480x64xf32, #tpu.memory_space<hbm>>) target(%dma_start3A_70 : memref<80x64xf32, #tpu.memory_space<vmem>>) offsets(%dma_start3A_73 : memref<80xi32, #tpu.memory_space<vmem>>) semaphore(%dma_start3A_78 : memref<!tpu.dma_semaphore, #tpu.memory_space<semaphore_mem>>)
      %dma_start3A_79 = arith.constant 3 : i32
      %dma_start3A_80 = arith.constant 3 : i32
      %dma_start3A_81 = arith.constant 3 : i32
      %dma_start3A_82 = arith.constant 0 : i32
      %dma_start3A_83 = arith.constant 0 : i32
      %dma_start3A_84 = tpu.memref_slice %arg9[%dma_start3A_80, %dma_start3A_82, %dma_start3A_83] : memref<10x80x64xf32, #tpu.memory_space<vmem>> -> memref<1x80x64xf32, #tpu.memory_space<vmem>>
      %dma_start3A_85 = tpu.memref_squeeze %dma_start3A_84 : memref<1x80x64xf32, #tpu.memory_space<vmem>> -> memref<80x64xf32, #tpu.memory_space<vmem>>
      %dma_start3A_86 = arith.constant 0 : i32
      %dma_start3A_87 = tpu.memref_slice %arg7[%dma_start3A_79, %dma_start3A_86] : memref<10x80xi32, #tpu.memory_space<vmem>> -> memref<1x80xi32, #tpu.memory_space<vmem>>
      %dma_start3A_88 = tpu.memref_squeeze %dma_start3A_87 : memref<1x80xi32, #tpu.memory_space<vmem>> -> memref<80xi32, #tpu.memory_space<vmem>>
      %dma_start3A_89 = arith.constant 0 : i32
      %dma_start3A_90 = arith.constant 0 : i32
      %dma_start3A_91 = tpu.memref_slice %arg2[%dma_start3A_89, %dma_start3A_90] : memref<20480x64xf32, #tpu.memory_space<hbm>> -> memref<20480x64xf32, #tpu.memory_space<hbm>>
      %dma_start3A_92 = tpu.memref_slice %arg12[%dma_start3A_81] : memref<10x!tpu.dma_semaphore, #tpu.memory_space<semaphore_mem>> -> memref<1x!tpu.dma_semaphore, #tpu.memory_space<semaphore_mem>>
      %dma_start3A_93 = tpu.memref_squeeze %dma_start3A_92 : memref<1x!tpu.dma_semaphore, #tpu.memory_space<semaphore_mem>> -> memref<!tpu.dma_semaphore, #tpu.memory_space<semaphore_mem>>
      tpu.enqueue_indirect_dma source(%dma_start3A_91 : memref<20480x64xf32, #tpu.memory_space<hbm>>) target(%dma_start3A_85 : memref<80x64xf32, #tpu.memory_space<vmem>>) offsets(%dma_start3A_88 : memref<80xi32, #tpu.memory_space<vmem>>) semaphore(%dma_start3A_93 : memref<!tpu.dma_semaphore, #tpu.memory_space<semaphore_mem>>)
      %dma_start3A_94 = arith.constant 4 : i32
      %dma_start3A_95 = arith.constant 4 : i32
      %dma_start3A_96 = arith.constant 4 : i32
      %dma_start3A_97 = arith.constant 0 : i32
      %dma_start3A_98 = arith.constant 0 : i32
      %dma_start3A_99 = tpu.memref_slice %arg9[%dma_start3A_95, %dma_start3A_97, %dma_start3A_98] : memref<10x80x64xf32, #tpu.memory_space<vmem>> -> memref<1x80x64xf32, #tpu.memory_space<vmem>>
      %dma_start3A_100 = tpu.memref_squeeze %dma_start3A_99 : memref<1x80x64xf32, #tpu.memory_space<vmem>> -> memref<80x64xf32, #tpu.memory_space<vmem>>
      %dma_start3A_101 = arith.constant 0 : i32
      %dma_start3A_102 = tpu.memref_slice %arg7[%dma_start3A_94, %dma_start3A_101] : memref<10x80xi32, #tpu.memory_space<vmem>> -> memref<1x80xi32, #tpu.memory_space<vmem>>
      %dma_start3A_103 = tpu.memref_squeeze %dma_start3A_102 : memref<1x80xi32, #tpu.memory_space<vmem>> -> memref<80xi32, #tpu.memory_space<vmem>>
      %dma_start3A_104 = arith.constant 0 : i32
      %dma_start3A_105 = arith.constant 0 : i32
      %dma_start3A_106 = tpu.memref_slice %arg2[%dma_start3A_104, %dma_start3A_105] : memref<20480x64xf32, #tpu.memory_space<hbm>> -> memref<20480x64xf32, #tpu.memory_space<hbm>>
      %dma_start3A_107 = tpu.memref_slice %arg12[%dma_start3A_96] : memref<10x!tpu.dma_semaphore, #tpu.memory_space<semaphore_mem>> -> memref<1x!tpu.dma_semaphore, #tpu.memory_space<semaphore_mem>>
      %dma_start3A_108 = tpu.memref_squeeze %dma_start3A_107 : memref<1x!tpu.dma_semaphore, #tpu.memory_space<semaphore_mem>> -> memref<!tpu.dma_semaphore, #tpu.memory_space<semaphore_mem>>
      tpu.enqueue_indirect_dma source(%dma_start3A_106 : memref<20480x64xf32, #tpu.memory_space<hbm>>) target(%dma_start3A_100 : memref<80x64xf32, #tpu.memory_space<vmem>>) offsets(%dma_start3A_103 : memref<80xi32, #tpu.memory_space<vmem>>) semaphore(%dma_start3A_108 : memref<!tpu.dma_semaphore, #tpu.memory_space<semaphore_mem>>)
      %dma_start3A_109 = arith.constant 5 : i32
      %dma_start3A_110 = arith.constant 5 : i32
      %dma_start3A_111 = arith.constant 5 : i32
      %dma_start3A_112 = arith.constant 0 : i32
      %dma_start3A_113 = arith.constant 0 : i32
      %dma_start3A_114 = tpu.memref_slice %arg9[%dma_start3A_110, %dma_start3A_112, %dma_start3A_113] : memref<10x80x64xf32, #tpu.memory_space<vmem>> -> memref<1x80x64xf32, #tpu.memory_space<vmem>>
      %dma_start3A_115 = tpu.memref_squeeze %dma_start3A_114 : memref<1x80x64xf32, #tpu.memory_space<vmem>> -> memref<80x64xf32, #tpu.memory_space<vmem>>
      %dma_start3A_116 = arith.constant 0 : i32
      %dma_start3A_117 = tpu.memref_slice %arg7[%dma_start3A_109, %dma_start3A_116] : memref<10x80xi32, #tpu.memory_space<vmem>> -> memref<1x80xi32, #tpu.memory_space<vmem>>
      %dma_start3A_118 = tpu.memref_squeeze %dma_start3A_117 : memref<1x80xi32, #tpu.memory_space<vmem>> -> memref<80xi32, #tpu.memory_space<vmem>>
      %dma_start3A_119 = arith.constant 0 : i32
      %dma_start3A_120 = arith.constant 0 : i32
      %dma_start3A_121 = tpu.memref_slice %arg2[%dma_start3A_119, %dma_start3A_120] : memref<20480x64xf32, #tpu.memory_space<hbm>> -> memref<20480x64xf32, #tpu.memory_space<hbm>>
      %dma_start3A_122 = tpu.memref_slice %arg12[%dma_start3A_111] : memref<10x!tpu.dma_semaphore, #tpu.memory_space<semaphore_mem>> -> memref<1x!tpu.dma_semaphore, #tpu.memory_space<semaphore_mem>>
      %dma_start3A_123 = tpu.memref_squeeze %dma_start3A_122 : memref<1x!tpu.dma_semaphore, #tpu.memory_space<semaphore_mem>> -> memref<!tpu.dma_semaphore, #tpu.memory_space<semaphore_mem>>
      tpu.enqueue_indirect_dma source(%dma_start3A_121 : memref<20480x64xf32, #tpu.memory_space<hbm>>) target(%dma_start3A_115 : memref<80x64xf32, #tpu.memory_space<vmem>>) offsets(%dma_start3A_118 : memref<80xi32, #tpu.memory_space<vmem>>) semaphore(%dma_start3A_123 : memref<!tpu.dma_semaphore, #tpu.memory_space<semaphore_mem>>)
      %dma_start3A_124 = arith.constant 6 : i32
      %dma_start3A_125 = arith.constant 6 : i32
      %dma_start3A_126 = arith.constant 6 : i32
      %dma_start3A_127 = arith.constant 0 : i32
      %dma_start3A_128 = arith.constant 0 : i32
      %dma_start3A_129 = tpu.memref_slice %arg9[%dma_start3A_125, %dma_start3A_127, %dma_start3A_128] : memref<10x80x64xf32, #tpu.memory_space<vmem>> -> memref<1x80x64xf32, #tpu.memory_space<vmem>>
      %dma_start3A_130 = tpu.memref_squeeze %dma_start3A_129 : memref<1x80x64xf32, #tpu.memory_space<vmem>> -> memref<80x64xf32, #tpu.memory_space<vmem>>
      %dma_start3A_131 = arith.constant 0 : i32
      %dma_start3A_132 = tpu.memref_slice %arg7[%dma_start3A_124, %dma_start3A_131] : memref<10x80xi32, #tpu.memory_space<vmem>> -> memref<1x80xi32, #tpu.memory_space<vmem>>
      %dma_start3A_133 = tpu.memref_squeeze %dma_start3A_132 : memref<1x80xi32, #tpu.memory_space<vmem>> -> memref<80xi32, #tpu.memory_space<vmem>>
      %dma_start3A_134 = arith.constant 0 : i32
      %dma_start3A_135 = arith.constant 0 : i32
      %dma_start3A_136 = tpu.memref_slice %arg2[%dma_start3A_134, %dma_start3A_135] : memref<20480x64xf32, #tpu.memory_space<hbm>> -> memref<20480x64xf32, #tpu.memory_space<hbm>>
      %dma_start3A_137 = tpu.memref_slice %arg12[%dma_start3A_126] : memref<10x!tpu.dma_semaphore, #tpu.memory_space<semaphore_mem>> -> memref<1x!tpu.dma_semaphore, #tpu.memory_space<semaphore_mem>>
      %dma_start3A_138 = tpu.memref_squeeze %dma_start3A_137 : memref<1x!tpu.dma_semaphore, #tpu.memory_space<semaphore_mem>> -> memref<!tpu.dma_semaphore, #tpu.memory_space<semaphore_mem>>
      tpu.enqueue_indirect_dma source(%dma_start3A_136 : memref<20480x64xf32, #tpu.memory_space<hbm>>) target(%dma_start3A_130 : memref<80x64xf32, #tpu.memory_space<vmem>>) offsets(%dma_start3A_133 : memref<80xi32, #tpu.memory_space<vmem>>) semaphore(%dma_start3A_138 : memref<!tpu.dma_semaphore, #tpu.memory_space<semaphore_mem>>)
      %dma_start3A_139 = arith.constant 7 : i32
      %dma_start3A_140 = arith.constant 7 : i32
      %dma_start3A_141 = arith.constant 7 : i32
      %dma_start3A_142 = arith.constant 0 : i32
      %dma_start3A_143 = arith.constant 0 : i32
      %dma_start3A_144 = tpu.memref_slice %arg9[%dma_start3A_140, %dma_start3A_142, %dma_start3A_143] : memref<10x80x64xf32, #tpu.memory_space<vmem>> -> memref<1x80x64xf32, #tpu.memory_space<vmem>>
      %dma_start3A_145 = tpu.memref_squeeze %dma_start3A_144 : memref<1x80x64xf32, #tpu.memory_space<vmem>> -> memref<80x64xf32, #tpu.memory_space<vmem>>
      %dma_start3A_146 = arith.constant 0 : i32
      %dma_start3A_147 = tpu.memref_slice %arg7[%dma_start3A_139, %dma_start3A_146] : memref<10x80xi32, #tpu.memory_space<vmem>> -> memref<1x80xi32, #tpu.memory_space<vmem>>
      %dma_start3A_148 = tpu.memref_squeeze %dma_start3A_147 : memref<1x80xi32, #tpu.memory_space<vmem>> -> memref<80xi32, #tpu.memory_space<vmem>>
      %dma_start3A_149 = arith.constant 0 : i32
      %dma_start3A_150 = arith.constant 0 : i32
      %dma_start3A_151 = tpu.memref_slice %arg2[%dma_start3A_149, %dma_start3A_150] : memref<20480x64xf32, #tpu.memory_space<hbm>> -> memref<20480x64xf32, #tpu.memory_space<hbm>>
      %dma_start3A_152 = tpu.memref_slice %arg12[%dma_start3A_141] : memref<10x!tpu.dma_semaphore, #tpu.memory_space<semaphore_mem>> -> memref<1x!tpu.dma_semaphore, #tpu.memory_space<semaphore_mem>>
      %dma_start3A_153 = tpu.memref_squeeze %dma_start3A_152 : memref<1x!tpu.dma_semaphore, #tpu.memory_space<semaphore_mem>> -> memref<!tpu.dma_semaphore, #tpu.memory_space<semaphore_mem>>
      tpu.enqueue_indirect_dma source(%dma_start3A_151 : memref<20480x64xf32, #tpu.memory_space<hbm>>) target(%dma_start3A_145 : memref<80x64xf32, #tpu.memory_space<vmem>>) offsets(%dma_start3A_148 : memref<80xi32, #tpu.memory_space<vmem>>) semaphore(%dma_start3A_153 : memref<!tpu.dma_semaphore, #tpu.memory_space<semaphore_mem>>)
      %dma_start3A_154 = arith.constant 8 : i32
      %dma_start3A_155 = arith.constant 8 : i32
      %dma_start3A_156 = arith.constant 8 : i32
      %dma_start3A_157 = arith.constant 0 : i32
      %dma_start3A_158 = arith.constant 0 : i32
      %dma_start3A_159 = tpu.memref_slice %arg9[%dma_start3A_155, %dma_start3A_157, %dma_start3A_158] : memref<10x80x64xf32, #tpu.memory_space<vmem>> -> memref<1x80x64xf32, #tpu.memory_space<vmem>>
      %dma_start3A_160 = tpu.memref_squeeze %dma_start3A_159 : memref<1x80x64xf32, #tpu.memory_space<vmem>> -> memref<80x64xf32, #tpu.memory_space<vmem>>
      %dma_start3A_161 = arith.constant 0 : i32
      %dma_start3A_162 = tpu.memref_slice %arg7[%dma_start3A_154, %dma_start3A_161] : memref<10x80xi32, #tpu.memory_space<vmem>> -> memref<1x80xi32, #tpu.memory_space<vmem>>
      %dma_start3A_163 = tpu.memref_squeeze %dma_start3A_162 : memref<1x80xi32, #tpu.memory_space<vmem>> -> memref<80xi32, #tpu.memory_space<vmem>>
      %dma_start3A_164 = arith.constant 0 : i32
      %dma_start3A_165 = arith.constant 0 : i32
      %dma_start3A_166 = tpu.memref_slice %arg2[%dma_start3A_164, %dma_start3A_165] : memref<20480x64xf32, #tpu.memory_space<hbm>> -> memref<20480x64xf32, #tpu.memory_space<hbm>>
      %dma_start3A_167 = tpu.memref_slice %arg12[%dma_start3A_156] : memref<10x!tpu.dma_semaphore, #tpu.memory_space<semaphore_mem>> -> memref<1x!tpu.dma_semaphore, #tpu.memory_space<semaphore_mem>>
      %dma_start3A_168 = tpu.memref_squeeze %dma_start3A_167 : memref<1x!tpu.dma_semaphore, #tpu.memory_space<semaphore_mem>> -> memref<!tpu.dma_semaphore, #tpu.memory_space<semaphore_mem>>
      tpu.enqueue_indirect_dma source(%dma_start3A_166 : memref<20480x64xf32, #tpu.memory_space<hbm>>) target(%dma_start3A_160 : memref<80x64xf32, #tpu.memory_space<vmem>>) offsets(%dma_start3A_163 : memref<80xi32, #tpu.memory_space<vmem>>) semaphore(%dma_start3A_168 : memref<!tpu.dma_semaphore, #tpu.memory_space<semaphore_mem>>)
      %dma_start3A_169 = arith.constant 9 : i32
      %dma_start3A_170 = arith.constant 9 : i32
      %dma_start3A_171 = arith.constant 9 : i32
      %dma_start3A_172 = arith.constant 0 : i32
      %dma_start3A_173 = arith.constant 0 : i32
      %dma_start3A_174 = tpu.memref_slice %arg9[%dma_start3A_170, %dma_start3A_172, %dma_start3A_173] : memref<10x80x64xf32, #tpu.memory_space<vmem>> -> memref<1x80x64xf32, #tpu.memory_space<vmem>>
      %dma_start3A_175 = tpu.memref_squeeze %dma_start3A_174 : memref<1x80x64xf32, #tpu.memory_space<vmem>> -> memref<80x64xf32, #tpu.memory_space<vmem>>
      %dma_start3A_176 = arith.constant 0 : i32
      %dma_start3A_177 = tpu.memref_slice %arg7[%dma_start3A_169, %dma_start3A_176] : memref<10x80xi32, #tpu.memory_space<vmem>> -> memref<1x80xi32, #tpu.memory_space<vmem>>
      %dma_start3A_178 = tpu.memref_squeeze %dma_start3A_177 : memref<1x80xi32, #tpu.memory_space<vmem>> -> memref<80xi32, #tpu.memory_space<vmem>>
      %dma_start3A_179 = arith.constant 0 : i32
      %dma_start3A_180 = arith.constant 0 : i32
      %dma_start3A_181 = tpu.memref_slice %arg2[%dma_start3A_179, %dma_start3A_180] : memref<20480x64xf32, #tpu.memory_space<hbm>> -> memref<20480x64xf32, #tpu.memory_space<hbm>>
      %dma_start3A_182 = tpu.memref_slice %arg12[%dma_start3A_171] : memref<10x!tpu.dma_semaphore, #tpu.memory_space<semaphore_mem>> -> memref<1x!tpu.dma_semaphore, #tpu.memory_space<semaphore_mem>>
      %dma_start3A_183 = tpu.memref_squeeze %dma_start3A_182 : memref<1x!tpu.dma_semaphore, #tpu.memory_space<semaphore_mem>> -> memref<!tpu.dma_semaphore, #tpu.memory_space<semaphore_mem>>
      tpu.enqueue_indirect_dma source(%dma_start3A_181 : memref<20480x64xf32, #tpu.memory_space<hbm>>) target(%dma_start3A_175 : memref<80x64xf32, #tpu.memory_space<vmem>>) offsets(%dma_start3A_178 : memref<80xi32, #tpu.memory_space<vmem>>) semaphore(%dma_start3A_183 : memref<!tpu.dma_semaphore, #tpu.memory_space<semaphore_mem>>)
      %dma_wait3A_184 = arith.constant 0 : i32
      %dma_wait3A_185 = arith.constant 0 : i32
      %dma_wait3A_186 = arith.constant 0 : i32
      %dma_wait3A_187 = arith.constant 0 : i32
      %dma_wait3A_188 = arith.constant 0 : i32
      %dma_wait3A_189 = tpu.memref_slice %arg9[%dma_wait3A_185, %dma_wait3A_187, %dma_wait3A_188] : memref<10x80x64xf32, #tpu.memory_space<vmem>> -> memref<1x80x64xf32, #tpu.memory_space<vmem>>
      %dma_wait3A_190 = tpu.memref_squeeze %dma_wait3A_189 : memref<1x80x64xf32, #tpu.memory_space<vmem>> -> memref<80x64xf32, #tpu.memory_space<vmem>>
      %dma_wait3A_191 = arith.constant 0 : i32
      %dma_wait3A_192 = tpu.memref_slice %arg7[%dma_wait3A_184, %dma_wait3A_191] : memref<10x80xi32, #tpu.memory_space<vmem>> -> memref<1x80xi32, #tpu.memory_space<vmem>>
      %dma_wait3A_193 = tpu.memref_squeeze %dma_wait3A_192 : memref<1x80xi32, #tpu.memory_space<vmem>> -> memref<80xi32, #tpu.memory_space<vmem>>
      %dma_wait3A_194 = arith.constant 0 : i32
      %dma_wait3A_195 = arith.constant 0 : i32
      %dma_wait3A_196 = tpu.memref_slice %arg2[%dma_wait3A_194, %dma_wait3A_195] : memref<20480x64xf32, #tpu.memory_space<hbm>> -> memref<20480x64xf32, #tpu.memory_space<hbm>>
      %dma_wait3A_197 = tpu.memref_slice %arg12[%dma_wait3A_186] : memref<10x!tpu.dma_semaphore, #tpu.memory_space<semaphore_mem>> -> memref<1x!tpu.dma_semaphore, #tpu.memory_space<semaphore_mem>>
      %dma_wait3A_198 = tpu.memref_squeeze %dma_wait3A_197 : memref<1x!tpu.dma_semaphore, #tpu.memory_space<semaphore_mem>> -> memref<!tpu.dma_semaphore, #tpu.memory_space<semaphore_mem>>
      tpu.wait_indirect_dma semaphore(%dma_wait3A_198 : memref<!tpu.dma_semaphore, #tpu.memory_space<semaphore_mem>>) src(%dma_wait3A_196 : memref<20480x64xf32, #tpu.memory_space<hbm>>) dst(%dma_wait3A_190 : memref<80x64xf32, #tpu.memory_space<vmem>>)
      %dma_start3A_199 = arith.constant 0 : i32
      %dma_start3A_200 = arith.constant 0 : i32
      %dma_start3A_201 = arith.constant 0 : i32
      %dma_start3A_202 = arith.constant 0 : i32
      %dma_start3A_203 = arith.constant 0 : i32
      %dma_start3A_204 = tpu.memref_slice %arg9[%dma_start3A_199, %dma_start3A_202, %dma_start3A_203] : memref<10x80x64xf32, #tpu.memory_space<vmem>> -> memref<1x80x64xf32, #tpu.memory_space<vmem>>
      %dma_start3A_205 = tpu.memref_squeeze %dma_start3A_204 : memref<1x80x64xf32, #tpu.memory_space<vmem>> -> memref<80x64xf32, #tpu.memory_space<vmem>>
      %dma_start3A_206 = arith.constant 0 : i32
      %dma_start3A_207 = tpu.memref_slice %arg8[%dma_start3A_200, %dma_start3A_206] : memref<10x80xi32, #tpu.memory_space<vmem>> -> memref<1x80xi32, #tpu.memory_space<vmem>>
      %dma_start3A_208 = tpu.memref_squeeze %dma_start3A_207 : memref<1x80xi32, #tpu.memory_space<vmem>> -> memref<80xi32, #tpu.memory_space<vmem>>
      %dma_start3A_209 = arith.constant 0 : i32
      %dma_start3A_210 = arith.constant 0 : i32
      %dma_start3A_211 = tpu.memref_slice %arg10[%dma_start3A_209, %dma_start3A_210] : memref<10240x64xf32, #tpu.memory_space<vmem_shared>> -> memref<10240x64xf32, #tpu.memory_space<vmem_shared>>
      %dma_start3A_212 = tpu.memref_slice %arg13[%dma_start3A_201] : memref<10x!tpu.dma_semaphore, #tpu.memory_space<semaphore_mem>> -> memref<1x!tpu.dma_semaphore, #tpu.memory_space<semaphore_mem>>
      %dma_start3A_213 = tpu.memref_squeeze %dma_start3A_212 : memref<1x!tpu.dma_semaphore, #tpu.memory_space<semaphore_mem>> -> memref<!tpu.dma_semaphore, #tpu.memory_space<semaphore_mem>>
      tpu.enqueue_indirect_dma source(%dma_start3A_205 : memref<80x64xf32, #tpu.memory_space<vmem>>) target(%dma_start3A_211 : memref<10240x64xf32, #tpu.memory_space<vmem_shared>>) offsets(%dma_start3A_208 : memref<80xi32, #tpu.memory_space<vmem>>) semaphore(%dma_start3A_213 : memref<!tpu.dma_semaphore, #tpu.memory_space<semaphore_mem>>) {add = true}
      %dma_wait3A_214 = arith.constant 1 : i32
      %dma_wait3A_215 = arith.constant 1 : i32
      %dma_wait3A_216 = arith.constant 1 : i32
      %dma_wait3A_217 = arith.constant 0 : i32
      %dma_wait3A_218 = arith.constant 0 : i32
      %dma_wait3A_219 = tpu.memref_slice %arg9[%dma_wait3A_215, %dma_wait3A_217, %dma_wait3A_218] : memref<10x80x64xf32, #tpu.memory_space<vmem>> -> memref<1x80x64xf32, #tpu.memory_space<vmem>>
      %dma_wait3A_220 = tpu.memref_squeeze %dma_wait3A_219 : memref<1x80x64xf32, #tpu.memory_space<vmem>> -> memref<80x64xf32, #tpu.memory_space<vmem>>
      %dma_wait3A_221 = arith.constant 0 : i32
      %dma_wait3A_222 = tpu.memref_slice %arg7[%dma_wait3A_214, %dma_wait3A_221] : memref<10x80xi32, #tpu.memory_space<vmem>> -> memref<1x80xi32, #tpu.memory_space<vmem>>
      %dma_wait3A_223 = tpu.memref_squeeze %dma_wait3A_222 : memref<1x80xi32, #tpu.memory_space<vmem>> -> memref<80xi32, #tpu.memory_space<vmem>>
      %dma_wait3A_224 = arith.constant 0 : i32
      %dma_wait3A_225 = arith.constant 0 : i32
      %dma_wait3A_226 = tpu.memref_slice %arg2[%dma_wait3A_224, %dma_wait3A_225] : memref<20480x64xf32, #tpu.memory_space<hbm>> -> memref<20480x64xf32, #tpu.memory_space<hbm>>
      %dma_wait3A_227 = tpu.memref_slice %arg12[%dma_wait3A_216] : memref<10x!tpu.dma_semaphore, #tpu.memory_space<semaphore_mem>> -> memref<1x!tpu.dma_semaphore, #tpu.memory_space<semaphore_mem>>
      %dma_wait3A_228 = tpu.memref_squeeze %dma_wait3A_227 : memref<1x!tpu.dma_semaphore, #tpu.memory_space<semaphore_mem>> -> memref<!tpu.dma_semaphore, #tpu.memory_space<semaphore_mem>>
      tpu.wait_indirect_dma semaphore(%dma_wait3A_228 : memref<!tpu.dma_semaphore, #tpu.memory_space<semaphore_mem>>) src(%dma_wait3A_226 : memref<20480x64xf32, #tpu.memory_space<hbm>>) dst(%dma_wait3A_220 : memref<80x64xf32, #tpu.memory_space<vmem>>)
      %dma_start3A_229 = arith.constant 1 : i32
      %dma_start3A_230 = arith.constant 1 : i32
      %dma_start3A_231 = arith.constant 1 : i32
      %dma_start3A_232 = arith.constant 0 : i32
      %dma_start3A_233 = arith.constant 0 : i32
      %dma_start3A_234 = tpu.memref_slice %arg9[%dma_start3A_229, %dma_start3A_232, %dma_start3A_233] : memref<10x80x64xf32, #tpu.memory_space<vmem>> -> memref<1x80x64xf32, #tpu.memory_space<vmem>>
      %dma_start3A_235 = tpu.memref_squeeze %dma_start3A_234 : memref<1x80x64xf32, #tpu.memory_space<vmem>> -> memref<80x64xf32, #tpu.memory_space<vmem>>
      %dma_start3A_236 = arith.constant 0 : i32
      %dma_start3A_237 = tpu.memref_slice %arg8[%dma_start3A_230, %dma_start3A_236] : memref<10x80xi32, #tpu.memory_space<vmem>> -> memref<1x80xi32, #tpu.memory_space<vmem>>
      %dma_start3A_238 = tpu.memref_squeeze %dma_start3A_237 : memref<1x80xi32, #tpu.memory_space<vmem>> -> memref<80xi32, #tpu.memory_space<vmem>>
      %dma_start3A_239 = arith.constant 0 : i32
      %dma_start3A_240 = arith.constant 0 : i32
      %dma_start3A_241 = tpu.memref_slice %arg10[%dma_start3A_239, %dma_start3A_240] : memref<10240x64xf32, #tpu.memory_space<vmem_shared>> -> memref<10240x64xf32, #tpu.memory_space<vmem_shared>>
      %dma_start3A_242 = tpu.memref_slice %arg13[%dma_start3A_231] : memref<10x!tpu.dma_semaphore, #tpu.memory_space<semaphore_mem>> -> memref<1x!tpu.dma_semaphore, #tpu.memory_space<semaphore_mem>>
      %dma_start3A_243 = tpu.memref_squeeze %dma_start3A_242 : memref<1x!tpu.dma_semaphore, #tpu.memory_space<semaphore_mem>> -> memref<!tpu.dma_semaphore, #tpu.memory_space<semaphore_mem>>
      tpu.enqueue_indirect_dma source(%dma_start3A_235 : memref<80x64xf32, #tpu.memory_space<vmem>>) target(%dma_start3A_241 : memref<10240x64xf32, #tpu.memory_space<vmem_shared>>) offsets(%dma_start3A_238 : memref<80xi32, #tpu.memory_space<vmem>>) semaphore(%dma_start3A_243 : memref<!tpu.dma_semaphore, #tpu.memory_space<semaphore_mem>>) {add = true}
      %dma_wait3A_244 = arith.constant 2 : i32
      %dma_wait3A_245 = arith.constant 2 : i32
      %dma_wait3A_246 = arith.constant 2 : i32
      %dma_wait3A_247 = arith.constant 0 : i32
      %dma_wait3A_248 = arith.constant 0 : i32
      %dma_wait3A_249 = tpu.memref_slice %arg9[%dma_wait3A_245, %dma_wait3A_247, %dma_wait3A_248] : memref<10x80x64xf32, #tpu.memory_space<vmem>> -> memref<1x80x64xf32, #tpu.memory_space<vmem>>
      %dma_wait3A_250 = tpu.memref_squeeze %dma_wait3A_249 : memref<1x80x64xf32, #tpu.memory_space<vmem>> -> memref<80x64xf32, #tpu.memory_space<vmem>>
      %dma_wait3A_251 = arith.constant 0 : i32
      %dma_wait3A_252 = tpu.memref_slice %arg7[%dma_wait3A_244, %dma_wait3A_251] : memref<10x80xi32, #tpu.memory_space<vmem>> -> memref<1x80xi32, #tpu.memory_space<vmem>>
      %dma_wait3A_253 = tpu.memref_squeeze %dma_wait3A_252 : memref<1x80xi32, #tpu.memory_space<vmem>> -> memref<80xi32, #tpu.memory_space<vmem>>
      %dma_wait3A_254 = arith.constant 0 : i32
      %dma_wait3A_255 = arith.constant 0 : i32
      %dma_wait3A_256 = tpu.memref_slice %arg2[%dma_wait3A_254, %dma_wait3A_255] : memref<20480x64xf32, #tpu.memory_space<hbm>> -> memref<20480x64xf32, #tpu.memory_space<hbm>>
      %dma_wait3A_257 = tpu.memref_slice %arg12[%dma_wait3A_246] : memref<10x!tpu.dma_semaphore, #tpu.memory_space<semaphore_mem>> -> memref<1x!tpu.dma_semaphore, #tpu.memory_space<semaphore_mem>>
      %dma_wait3A_258 = tpu.memref_squeeze %dma_wait3A_257 : memref<1x!tpu.dma_semaphore, #tpu.memory_space<semaphore_mem>> -> memref<!tpu.dma_semaphore, #tpu.memory_space<semaphore_mem>>
      tpu.wait_indirect_dma semaphore(%dma_wait3A_258 : memref<!tpu.dma_semaphore, #tpu.memory_space<semaphore_mem>>) src(%dma_wait3A_256 : memref<20480x64xf32, #tpu.memory_space<hbm>>) dst(%dma_wait3A_250 : memref<80x64xf32, #tpu.memory_space<vmem>>)
      %dma_start3A_259 = arith.constant 2 : i32
      %dma_start3A_260 = arith.constant 2 : i32
      %dma_start3A_261 = arith.constant 2 : i32
      %dma_start3A_262 = arith.constant 0 : i32
      %dma_start3A_263 = arith.constant 0 : i32
      %dma_start3A_264 = tpu.memref_slice %arg9[%dma_start3A_259, %dma_start3A_262, %dma_start3A_263] : memref<10x80x64xf32, #tpu.memory_space<vmem>> -> memref<1x80x64xf32, #tpu.memory_space<vmem>>
      %dma_start3A_265 = tpu.memref_squeeze %dma_start3A_264 : memref<1x80x64xf32, #tpu.memory_space<vmem>> -> memref<80x64xf32, #tpu.memory_space<vmem>>
      %dma_start3A_266 = arith.constant 0 : i32
      %dma_start3A_267 = tpu.memref_slice %arg8[%dma_start3A_260, %dma_start3A_266] : memref<10x80xi32, #tpu.memory_space<vmem>> -> memref<1x80xi32, #tpu.memory_space<vmem>>
      %dma_start3A_268 = tpu.memref_squeeze %dma_start3A_267 : memref<1x80xi32, #tpu.memory_space<vmem>> -> memref<80xi32, #tpu.memory_space<vmem>>
      %dma_start3A_269 = arith.constant 0 : i32
      %dma_start3A_270 = arith.constant 0 : i32
      %dma_start3A_271 = tpu.memref_slice %arg10[%dma_start3A_269, %dma_start3A_270] : memref<10240x64xf32, #tpu.memory_space<vmem_shared>> -> memref<10240x64xf32, #tpu.memory_space<vmem_shared>>
      %dma_start3A_272 = tpu.memref_slice %arg13[%dma_start3A_261] : memref<10x!tpu.dma_semaphore, #tpu.memory_space<semaphore_mem>> -> memref<1x!tpu.dma_semaphore, #tpu.memory_space<semaphore_mem>>
      %dma_start3A_273 = tpu.memref_squeeze %dma_start3A_272 : memref<1x!tpu.dma_semaphore, #tpu.memory_space<semaphore_mem>> -> memref<!tpu.dma_semaphore, #tpu.memory_space<semaphore_mem>>
      tpu.enqueue_indirect_dma source(%dma_start3A_265 : memref<80x64xf32, #tpu.memory_space<vmem>>) target(%dma_start3A_271 : memref<10240x64xf32, #tpu.memory_space<vmem_shared>>) offsets(%dma_start3A_268 : memref<80xi32, #tpu.memory_space<vmem>>) semaphore(%dma_start3A_273 : memref<!tpu.dma_semaphore, #tpu.memory_space<semaphore_mem>>) {add = true}
      %dma_wait3A_274 = arith.constant 3 : i32
      %dma_wait3A_275 = arith.constant 3 : i32
      %dma_wait3A_276 = arith.constant 3 : i32
      %dma_wait3A_277 = arith.constant 0 : i32
      %dma_wait3A_278 = arith.constant 0 : i32
      %dma_wait3A_279 = tpu.memref_slice %arg9[%dma_wait3A_275, %dma_wait3A_277, %dma_wait3A_278] : memref<10x80x64xf32, #tpu.memory_space<vmem>> -> memref<1x80x64xf32, #tpu.memory_space<vmem>>
      %dma_wait3A_280 = tpu.memref_squeeze %dma_wait3A_279 : memref<1x80x64xf32, #tpu.memory_space<vmem>> -> memref<80x64xf32, #tpu.memory_space<vmem>>
      %dma_wait3A_281 = arith.constant 0 : i32
      %dma_wait3A_282 = tpu.memref_slice %arg7[%dma_wait3A_274, %dma_wait3A_281] : memref<10x80xi32, #tpu.memory_space<vmem>> -> memref<1x80xi32, #tpu.memory_space<vmem>>
      %dma_wait3A_283 = tpu.memref_squeeze %dma_wait3A_282 : memref<1x80xi32, #tpu.memory_space<vmem>> -> memref<80xi32, #tpu.memory_space<vmem>>
      %dma_wait3A_284 = arith.constant 0 : i32
      %dma_wait3A_285 = arith.constant 0 : i32
      %dma_wait3A_286 = tpu.memref_slice %arg2[%dma_wait3A_284, %dma_wait3A_285] : memref<20480x64xf32, #tpu.memory_space<hbm>> -> memref<20480x64xf32, #tpu.memory_space<hbm>>
      %dma_wait3A_287 = tpu.memref_slice %arg12[%dma_wait3A_276] : memref<10x!tpu.dma_semaphore, #tpu.memory_space<semaphore_mem>> -> memref<1x!tpu.dma_semaphore, #tpu.memory_space<semaphore_mem>>
      %dma_wait3A_288 = tpu.memref_squeeze %dma_wait3A_287 : memref<1x!tpu.dma_semaphore, #tpu.memory_space<semaphore_mem>> -> memref<!tpu.dma_semaphore, #tpu.memory_space<semaphore_mem>>
      tpu.wait_indirect_dma semaphore(%dma_wait3A_288 : memref<!tpu.dma_semaphore, #tpu.memory_space<semaphore_mem>>) src(%dma_wait3A_286 : memref<20480x64xf32, #tpu.memory_space<hbm>>) dst(%dma_wait3A_280 : memref<80x64xf32, #tpu.memory_space<vmem>>)
      %dma_start3A_289 = arith.constant 3 : i32
      %dma_start3A_290 = arith.constant 3 : i32
      %dma_start3A_291 = arith.constant 3 : i32
      %dma_start3A_292 = arith.constant 0 : i32
      %dma_start3A_293 = arith.constant 0 : i32
      %dma_start3A_294 = tpu.memref_slice %arg9[%dma_start3A_289, %dma_start3A_292, %dma_start3A_293] : memref<10x80x64xf32, #tpu.memory_space<vmem>> -> memref<1x80x64xf32, #tpu.memory_space<vmem>>
      %dma_start3A_295 = tpu.memref_squeeze %dma_start3A_294 : memref<1x80x64xf32, #tpu.memory_space<vmem>> -> memref<80x64xf32, #tpu.memory_space<vmem>>
      %dma_start3A_296 = arith.constant 0 : i32
      %dma_start3A_297 = tpu.memref_slice %arg8[%dma_start3A_290, %dma_start3A_296] : memref<10x80xi32, #tpu.memory_space<vmem>> -> memref<1x80xi32, #tpu.memory_space<vmem>>
      %dma_start3A_298 = tpu.memref_squeeze %dma_start3A_297 : memref<1x80xi32, #tpu.memory_space<vmem>> -> memref<80xi32, #tpu.memory_space<vmem>>
      %dma_start3A_299 = arith.constant 0 : i32
      %dma_start3A_300 = arith.constant 0 : i32
      %dma_start3A_301 = tpu.memref_slice %arg10[%dma_start3A_299, %dma_start3A_300] : memref<10240x64xf32, #tpu.memory_space<vmem_shared>> -> memref<10240x64xf32, #tpu.memory_space<vmem_shared>>
      %dma_start3A_302 = tpu.memref_slice %arg13[%dma_start3A_291] : memref<10x!tpu.dma_semaphore, #tpu.memory_space<semaphore_mem>> -> memref<1x!tpu.dma_semaphore, #tpu.memory_space<semaphore_mem>>
      %dma_start3A_303 = tpu.memref_squeeze %dma_start3A_302 : memref<1x!tpu.dma_semaphore, #tpu.memory_space<semaphore_mem>> -> memref<!tpu.dma_semaphore, #tpu.memory_space<semaphore_mem>>
      tpu.enqueue_indirect_dma source(%dma_start3A_295 : memref<80x64xf32, #tpu.memory_space<vmem>>) target(%dma_start3A_301 : memref<10240x64xf32, #tpu.memory_space<vmem_shared>>) offsets(%dma_start3A_298 : memref<80xi32, #tpu.memory_space<vmem>>) semaphore(%dma_start3A_303 : memref<!tpu.dma_semaphore, #tpu.memory_space<semaphore_mem>>) {add = true}
      %dma_wait3A_304 = arith.constant 4 : i32
      %dma_wait3A_305 = arith.constant 4 : i32
      %dma_wait3A_306 = arith.constant 4 : i32
      %dma_wait3A_307 = arith.constant 0 : i32
      %dma_wait3A_308 = arith.constant 0 : i32
      %dma_wait3A_309 = tpu.memref_slice %arg9[%dma_wait3A_305, %dma_wait3A_307, %dma_wait3A_308] : memref<10x80x64xf32, #tpu.memory_space<vmem>> -> memref<1x80x64xf32, #tpu.memory_space<vmem>>
      %dma_wait3A_310 = tpu.memref_squeeze %dma_wait3A_309 : memref<1x80x64xf32, #tpu.memory_space<vmem>> -> memref<80x64xf32, #tpu.memory_space<vmem>>
      %dma_wait3A_311 = arith.constant 0 : i32
      %dma_wait3A_312 = tpu.memref_slice %arg7[%dma_wait3A_304, %dma_wait3A_311] : memref<10x80xi32, #tpu.memory_space<vmem>> -> memref<1x80xi32, #tpu.memory_space<vmem>>
      %dma_wait3A_313 = tpu.memref_squeeze %dma_wait3A_312 : memref<1x80xi32, #tpu.memory_space<vmem>> -> memref<80xi32, #tpu.memory_space<vmem>>
      %dma_wait3A_314 = arith.constant 0 : i32
      %dma_wait3A_315 = arith.constant 0 : i32
      %dma_wait3A_316 = tpu.memref_slice %arg2[%dma_wait3A_314, %dma_wait3A_315] : memref<20480x64xf32, #tpu.memory_space<hbm>> -> memref<20480x64xf32, #tpu.memory_space<hbm>>
      %dma_wait3A_317 = tpu.memref_slice %arg12[%dma_wait3A_306] : memref<10x!tpu.dma_semaphore, #tpu.memory_space<semaphore_mem>> -> memref<1x!tpu.dma_semaphore, #tpu.memory_space<semaphore_mem>>
      %dma_wait3A_318 = tpu.memref_squeeze %dma_wait3A_317 : memref<1x!tpu.dma_semaphore, #tpu.memory_space<semaphore_mem>> -> memref<!tpu.dma_semaphore, #tpu.memory_space<semaphore_mem>>
      tpu.wait_indirect_dma semaphore(%dma_wait3A_318 : memref<!tpu.dma_semaphore, #tpu.memory_space<semaphore_mem>>) src(%dma_wait3A_316 : memref<20480x64xf32, #tpu.memory_space<hbm>>) dst(%dma_wait3A_310 : memref<80x64xf32, #tpu.memory_space<vmem>>)
      %dma_start3A_319 = arith.constant 4 : i32
      %dma_start3A_320 = arith.constant 4 : i32
      %dma_start3A_321 = arith.constant 4 : i32
      %dma_start3A_322 = arith.constant 0 : i32
      %dma_start3A_323 = arith.constant 0 : i32
      %dma_start3A_324 = tpu.memref_slice %arg9[%dma_start3A_319, %dma_start3A_322, %dma_start3A_323] : memref<10x80x64xf32, #tpu.memory_space<vmem>> -> memref<1x80x64xf32, #tpu.memory_space<vmem>>
      %dma_start3A_325 = tpu.memref_squeeze %dma_start3A_324 : memref<1x80x64xf32, #tpu.memory_space<vmem>> -> memref<80x64xf32, #tpu.memory_space<vmem>>
      %dma_start3A_326 = arith.constant 0 : i32
      %dma_start3A_327 = tpu.memref_slice %arg8[%dma_start3A_320, %dma_start3A_326] : memref<10x80xi32, #tpu.memory_space<vmem>> -> memref<1x80xi32, #tpu.memory_space<vmem>>
      %dma_start3A_328 = tpu.memref_squeeze %dma_start3A_327 : memref<1x80xi32, #tpu.memory_space<vmem>> -> memref<80xi32, #tpu.memory_space<vmem>>
      %dma_start3A_329 = arith.constant 0 : i32
      %dma_start3A_330 = arith.constant 0 : i32
      %dma_start3A_331 = tpu.memref_slice %arg10[%dma_start3A_329, %dma_start3A_330] : memref<10240x64xf32, #tpu.memory_space<vmem_shared>> -> memref<10240x64xf32, #tpu.memory_space<vmem_shared>>
      %dma_start3A_332 = tpu.memref_slice %arg13[%dma_start3A_321] : memref<10x!tpu.dma_semaphore, #tpu.memory_space<semaphore_mem>> -> memref<1x!tpu.dma_semaphore, #tpu.memory_space<semaphore_mem>>
      %dma_start3A_333 = tpu.memref_squeeze %dma_start3A_332 : memref<1x!tpu.dma_semaphore, #tpu.memory_space<semaphore_mem>> -> memref<!tpu.dma_semaphore, #tpu.memory_space<semaphore_mem>>
      tpu.enqueue_indirect_dma source(%dma_start3A_325 : memref<80x64xf32, #tpu.memory_space<vmem>>) target(%dma_start3A_331 : memref<10240x64xf32, #tpu.memory_space<vmem_shared>>) offsets(%dma_start3A_328 : memref<80xi32, #tpu.memory_space<vmem>>) semaphore(%dma_start3A_333 : memref<!tpu.dma_semaphore, #tpu.memory_space<semaphore_mem>>) {add = true}
      %dma_wait3A_334 = arith.constant 5 : i32
      %dma_wait3A_335 = arith.constant 5 : i32
      %dma_wait3A_336 = arith.constant 5 : i32
      %dma_wait3A_337 = arith.constant 0 : i32
      %dma_wait3A_338 = arith.constant 0 : i32
      %dma_wait3A_339 = tpu.memref_slice %arg9[%dma_wait3A_335, %dma_wait3A_337, %dma_wait3A_338] : memref<10x80x64xf32, #tpu.memory_space<vmem>> -> memref<1x80x64xf32, #tpu.memory_space<vmem>>
      %dma_wait3A_340 = tpu.memref_squeeze %dma_wait3A_339 : memref<1x80x64xf32, #tpu.memory_space<vmem>> -> memref<80x64xf32, #tpu.memory_space<vmem>>
      %dma_wait3A_341 = arith.constant 0 : i32
      %dma_wait3A_342 = tpu.memref_slice %arg7[%dma_wait3A_334, %dma_wait3A_341] : memref<10x80xi32, #tpu.memory_space<vmem>> -> memref<1x80xi32, #tpu.memory_space<vmem>>
      %dma_wait3A_343 = tpu.memref_squeeze %dma_wait3A_342 : memref<1x80xi32, #tpu.memory_space<vmem>> -> memref<80xi32, #tpu.memory_space<vmem>>
      %dma_wait3A_344 = arith.constant 0 : i32
      %dma_wait3A_345 = arith.constant 0 : i32
      %dma_wait3A_346 = tpu.memref_slice %arg2[%dma_wait3A_344, %dma_wait3A_345] : memref<20480x64xf32, #tpu.memory_space<hbm>> -> memref<20480x64xf32, #tpu.memory_space<hbm>>
      %dma_wait3A_347 = tpu.memref_slice %arg12[%dma_wait3A_336] : memref<10x!tpu.dma_semaphore, #tpu.memory_space<semaphore_mem>> -> memref<1x!tpu.dma_semaphore, #tpu.memory_space<semaphore_mem>>
      %dma_wait3A_348 = tpu.memref_squeeze %dma_wait3A_347 : memref<1x!tpu.dma_semaphore, #tpu.memory_space<semaphore_mem>> -> memref<!tpu.dma_semaphore, #tpu.memory_space<semaphore_mem>>
      tpu.wait_indirect_dma semaphore(%dma_wait3A_348 : memref<!tpu.dma_semaphore, #tpu.memory_space<semaphore_mem>>) src(%dma_wait3A_346 : memref<20480x64xf32, #tpu.memory_space<hbm>>) dst(%dma_wait3A_340 : memref<80x64xf32, #tpu.memory_space<vmem>>)
      %dma_start3A_349 = arith.constant 5 : i32
      %dma_start3A_350 = arith.constant 5 : i32
      %dma_start3A_351 = arith.constant 5 : i32
      %dma_start3A_352 = arith.constant 0 : i32
      %dma_start3A_353 = arith.constant 0 : i32
      %dma_start3A_354 = tpu.memref_slice %arg9[%dma_start3A_349, %dma_start3A_352, %dma_start3A_353] : memref<10x80x64xf32, #tpu.memory_space<vmem>> -> memref<1x80x64xf32, #tpu.memory_space<vmem>>
      %dma_start3A_355 = tpu.memref_squeeze %dma_start3A_354 : memref<1x80x64xf32, #tpu.memory_space<vmem>> -> memref<80x64xf32, #tpu.memory_space<vmem>>
      %dma_start3A_356 = arith.constant 0 : i32
      %dma_start3A_357 = tpu.memref_slice %arg8[%dma_start3A_350, %dma_start3A_356] : memref<10x80xi32, #tpu.memory_space<vmem>> -> memref<1x80xi32, #tpu.memory_space<vmem>>
      %dma_start3A_358 = tpu.memref_squeeze %dma_start3A_357 : memref<1x80xi32, #tpu.memory_space<vmem>> -> memref<80xi32, #tpu.memory_space<vmem>>
      %dma_start3A_359 = arith.constant 0 : i32
      %dma_start3A_360 = arith.constant 0 : i32
      %dma_start3A_361 = tpu.memref_slice %arg10[%dma_start3A_359, %dma_start3A_360] : memref<10240x64xf32, #tpu.memory_space<vmem_shared>> -> memref<10240x64xf32, #tpu.memory_space<vmem_shared>>
      %dma_start3A_362 = tpu.memref_slice %arg13[%dma_start3A_351] : memref<10x!tpu.dma_semaphore, #tpu.memory_space<semaphore_mem>> -> memref<1x!tpu.dma_semaphore, #tpu.memory_space<semaphore_mem>>
      %dma_start3A_363 = tpu.memref_squeeze %dma_start3A_362 : memref<1x!tpu.dma_semaphore, #tpu.memory_space<semaphore_mem>> -> memref<!tpu.dma_semaphore, #tpu.memory_space<semaphore_mem>>
      tpu.enqueue_indirect_dma source(%dma_start3A_355 : memref<80x64xf32, #tpu.memory_space<vmem>>) target(%dma_start3A_361 : memref<10240x64xf32, #tpu.memory_space<vmem_shared>>) offsets(%dma_start3A_358 : memref<80xi32, #tpu.memory_space<vmem>>) semaphore(%dma_start3A_363 : memref<!tpu.dma_semaphore, #tpu.memory_space<semaphore_mem>>) {add = true}
      %dma_wait3A_364 = arith.constant 6 : i32
      %dma_wait3A_365 = arith.constant 6 : i32
      %dma_wait3A_366 = arith.constant 6 : i32
      %dma_wait3A_367 = arith.constant 0 : i32
      %dma_wait3A_368 = arith.constant 0 : i32
      %dma_wait3A_369 = tpu.memref_slice %arg9[%dma_wait3A_365, %dma_wait3A_367, %dma_wait3A_368] : memref<10x80x64xf32, #tpu.memory_space<vmem>> -> memref<1x80x64xf32, #tpu.memory_space<vmem>>
      %dma_wait3A_370 = tpu.memref_squeeze %dma_wait3A_369 : memref<1x80x64xf32, #tpu.memory_space<vmem>> -> memref<80x64xf32, #tpu.memory_space<vmem>>
      %dma_wait3A_371 = arith.constant 0 : i32
      %dma_wait3A_372 = tpu.memref_slice %arg7[%dma_wait3A_364, %dma_wait3A_371] : memref<10x80xi32, #tpu.memory_space<vmem>> -> memref<1x80xi32, #tpu.memory_space<vmem>>
      %dma_wait3A_373 = tpu.memref_squeeze %dma_wait3A_372 : memref<1x80xi32, #tpu.memory_space<vmem>> -> memref<80xi32, #tpu.memory_space<vmem>>
      %dma_wait3A_374 = arith.constant 0 : i32
      %dma_wait3A_375 = arith.constant 0 : i32
      %dma_wait3A_376 = tpu.memref_slice %arg2[%dma_wait3A_374, %dma_wait3A_375] : memref<20480x64xf32, #tpu.memory_space<hbm>> -> memref<20480x64xf32, #tpu.memory_space<hbm>>
      %dma_wait3A_377 = tpu.memref_slice %arg12[%dma_wait3A_366] : memref<10x!tpu.dma_semaphore, #tpu.memory_space<semaphore_mem>> -> memref<1x!tpu.dma_semaphore, #tpu.memory_space<semaphore_mem>>
      %dma_wait3A_378 = tpu.memref_squeeze %dma_wait3A_377 : memref<1x!tpu.dma_semaphore, #tpu.memory_space<semaphore_mem>> -> memref<!tpu.dma_semaphore, #tpu.memory_space<semaphore_mem>>
      tpu.wait_indirect_dma semaphore(%dma_wait3A_378 : memref<!tpu.dma_semaphore, #tpu.memory_space<semaphore_mem>>) src(%dma_wait3A_376 : memref<20480x64xf32, #tpu.memory_space<hbm>>) dst(%dma_wait3A_370 : memref<80x64xf32, #tpu.memory_space<vmem>>)
      %dma_start3A_379 = arith.constant 6 : i32
      %dma_start3A_380 = arith.constant 6 : i32
      %dma_start3A_381 = arith.constant 6 : i32
      %dma_start3A_382 = arith.constant 0 : i32
      %dma_start3A_383 = arith.constant 0 : i32
      %dma_start3A_384 = tpu.memref_slice %arg9[%dma_start3A_379, %dma_start3A_382, %dma_start3A_383] : memref<10x80x64xf32, #tpu.memory_space<vmem>> -> memref<1x80x64xf32, #tpu.memory_space<vmem>>
      %dma_start3A_385 = tpu.memref_squeeze %dma_start3A_384 : memref<1x80x64xf32, #tpu.memory_space<vmem>> -> memref<80x64xf32, #tpu.memory_space<vmem>>
      %dma_start3A_386 = arith.constant 0 : i32
      %dma_start3A_387 = tpu.memref_slice %arg8[%dma_start3A_380, %dma_start3A_386] : memref<10x80xi32, #tpu.memory_space<vmem>> -> memref<1x80xi32, #tpu.memory_space<vmem>>
      %dma_start3A_388 = tpu.memref_squeeze %dma_start3A_387 : memref<1x80xi32, #tpu.memory_space<vmem>> -> memref<80xi32, #tpu.memory_space<vmem>>
      %dma_start3A_389 = arith.constant 0 : i32
      %dma_start3A_390 = arith.constant 0 : i32
      %dma_start3A_391 = tpu.memref_slice %arg10[%dma_start3A_389, %dma_start3A_390] : memref<10240x64xf32, #tpu.memory_space<vmem_shared>> -> memref<10240x64xf32, #tpu.memory_space<vmem_shared>>
      %dma_start3A_392 = tpu.memref_slice %arg13[%dma_start3A_381] : memref<10x!tpu.dma_semaphore, #tpu.memory_space<semaphore_mem>> -> memref<1x!tpu.dma_semaphore, #tpu.memory_space<semaphore_mem>>
      %dma_start3A_393 = tpu.memref_squeeze %dma_start3A_392 : memref<1x!tpu.dma_semaphore, #tpu.memory_space<semaphore_mem>> -> memref<!tpu.dma_semaphore, #tpu.memory_space<semaphore_mem>>
      tpu.enqueue_indirect_dma source(%dma_start3A_385 : memref<80x64xf32, #tpu.memory_space<vmem>>) target(%dma_start3A_391 : memref<10240x64xf32, #tpu.memory_space<vmem_shared>>) offsets(%dma_start3A_388 : memref<80xi32, #tpu.memory_space<vmem>>) semaphore(%dma_start3A_393 : memref<!tpu.dma_semaphore, #tpu.memory_space<semaphore_mem>>) {add = true}
      %dma_wait3A_394 = arith.constant 7 : i32
      %dma_wait3A_395 = arith.constant 7 : i32
      %dma_wait3A_396 = arith.constant 7 : i32
      %dma_wait3A_397 = arith.constant 0 : i32
      %dma_wait3A_398 = arith.constant 0 : i32
      %dma_wait3A_399 = tpu.memref_slice %arg9[%dma_wait3A_395, %dma_wait3A_397, %dma_wait3A_398] : memref<10x80x64xf32, #tpu.memory_space<vmem>> -> memref<1x80x64xf32, #tpu.memory_space<vmem>>
      %dma_wait3A_400 = tpu.memref_squeeze %dma_wait3A_399 : memref<1x80x64xf32, #tpu.memory_space<vmem>> -> memref<80x64xf32, #tpu.memory_space<vmem>>
      %dma_wait3A_401 = arith.constant 0 : i32
      %dma_wait3A_402 = tpu.memref_slice %arg7[%dma_wait3A_394, %dma_wait3A_401] : memref<10x80xi32, #tpu.memory_space<vmem>> -> memref<1x80xi32, #tpu.memory_space<vmem>>
      %dma_wait3A_403 = tpu.memref_squeeze %dma_wait3A_402 : memref<1x80xi32, #tpu.memory_space<vmem>> -> memref<80xi32, #tpu.memory_space<vmem>>
      %dma_wait3A_404 = arith.constant 0 : i32
      %dma_wait3A_405 = arith.constant 0 : i32
      %dma_wait3A_406 = tpu.memref_slice %arg2[%dma_wait3A_404, %dma_wait3A_405] : memref<20480x64xf32, #tpu.memory_space<hbm>> -> memref<20480x64xf32, #tpu.memory_space<hbm>>
      %dma_wait3A_407 = tpu.memref_slice %arg12[%dma_wait3A_396] : memref<10x!tpu.dma_semaphore, #tpu.memory_space<semaphore_mem>> -> memref<1x!tpu.dma_semaphore, #tpu.memory_space<semaphore_mem>>
      %dma_wait3A_408 = tpu.memref_squeeze %dma_wait3A_407 : memref<1x!tpu.dma_semaphore, #tpu.memory_space<semaphore_mem>> -> memref<!tpu.dma_semaphore, #tpu.memory_space<semaphore_mem>>
      tpu.wait_indirect_dma semaphore(%dma_wait3A_408 : memref<!tpu.dma_semaphore, #tpu.memory_space<semaphore_mem>>) src(%dma_wait3A_406 : memref<20480x64xf32, #tpu.memory_space<hbm>>) dst(%dma_wait3A_400 : memref<80x64xf32, #tpu.memory_space<vmem>>)
      %dma_start3A_409 = arith.constant 7 : i32
      %dma_start3A_410 = arith.constant 7 : i32
      %dma_start3A_411 = arith.constant 7 : i32
      %dma_start3A_412 = arith.constant 0 : i32
      %dma_start3A_413 = arith.constant 0 : i32
      %dma_start3A_414 = tpu.memref_slice %arg9[%dma_start3A_409, %dma_start3A_412, %dma_start3A_413] : memref<10x80x64xf32, #tpu.memory_space<vmem>> -> memref<1x80x64xf32, #tpu.memory_space<vmem>>
      %dma_start3A_415 = tpu.memref_squeeze %dma_start3A_414 : memref<1x80x64xf32, #tpu.memory_space<vmem>> -> memref<80x64xf32, #tpu.memory_space<vmem>>
      %dma_start3A_416 = arith.constant 0 : i32
      %dma_start3A_417 = tpu.memref_slice %arg8[%dma_start3A_410, %dma_start3A_416] : memref<10x80xi32, #tpu.memory_space<vmem>> -> memref<1x80xi32, #tpu.memory_space<vmem>>
      %dma_start3A_418 = tpu.memref_squeeze %dma_start3A_417 : memref<1x80xi32, #tpu.memory_space<vmem>> -> memref<80xi32, #tpu.memory_space<vmem>>
      %dma_start3A_419 = arith.constant 0 : i32
      %dma_start3A_420 = arith.constant 0 : i32
      %dma_start3A_421 = tpu.memref_slice %arg10[%dma_start3A_419, %dma_start3A_420] : memref<10240x64xf32, #tpu.memory_space<vmem_shared>> -> memref<10240x64xf32, #tpu.memory_space<vmem_shared>>
      %dma_start3A_422 = tpu.memref_slice %arg13[%dma_start3A_411] : memref<10x!tpu.dma_semaphore, #tpu.memory_space<semaphore_mem>> -> memref<1x!tpu.dma_semaphore, #tpu.memory_space<semaphore_mem>>
      %dma_start3A_423 = tpu.memref_squeeze %dma_start3A_422 : memref<1x!tpu.dma_semaphore, #tpu.memory_space<semaphore_mem>> -> memref<!tpu.dma_semaphore, #tpu.memory_space<semaphore_mem>>
      tpu.enqueue_indirect_dma source(%dma_start3A_415 : memref<80x64xf32, #tpu.memory_space<vmem>>) target(%dma_start3A_421 : memref<10240x64xf32, #tpu.memory_space<vmem_shared>>) offsets(%dma_start3A_418 : memref<80xi32, #tpu.memory_space<vmem>>) semaphore(%dma_start3A_423 : memref<!tpu.dma_semaphore, #tpu.memory_space<semaphore_mem>>) {add = true}
      %dma_wait3A_424 = arith.constant 8 : i32
      %dma_wait3A_425 = arith.constant 8 : i32
      %dma_wait3A_426 = arith.constant 8 : i32
      %dma_wait3A_427 = arith.constant 0 : i32
      %dma_wait3A_428 = arith.constant 0 : i32
      %dma_wait3A_429 = tpu.memref_slice %arg9[%dma_wait3A_425, %dma_wait3A_427, %dma_wait3A_428] : memref<10x80x64xf32, #tpu.memory_space<vmem>> -> memref<1x80x64xf32, #tpu.memory_space<vmem>>
      %dma_wait3A_430 = tpu.memref_squeeze %dma_wait3A_429 : memref<1x80x64xf32, #tpu.memory_space<vmem>> -> memref<80x64xf32, #tpu.memory_space<vmem>>
      %dma_wait3A_431 = arith.constant 0 : i32
      %dma_wait3A_432 = tpu.memref_slice %arg7[%dma_wait3A_424, %dma_wait3A_431] : memref<10x80xi32, #tpu.memory_space<vmem>> -> memref<1x80xi32, #tpu.memory_space<vmem>>
      %dma_wait3A_433 = tpu.memref_squeeze %dma_wait3A_432 : memref<1x80xi32, #tpu.memory_space<vmem>> -> memref<80xi32, #tpu.memory_space<vmem>>
      %dma_wait3A_434 = arith.constant 0 : i32
      %dma_wait3A_435 = arith.constant 0 : i32
      %dma_wait3A_436 = tpu.memref_slice %arg2[%dma_wait3A_434, %dma_wait3A_435] : memref<20480x64xf32, #tpu.memory_space<hbm>> -> memref<20480x64xf32, #tpu.memory_space<hbm>>
      %dma_wait3A_437 = tpu.memref_slice %arg12[%dma_wait3A_426] : memref<10x!tpu.dma_semaphore, #tpu.memory_space<semaphore_mem>> -> memref<1x!tpu.dma_semaphore, #tpu.memory_space<semaphore_mem>>
      %dma_wait3A_438 = tpu.memref_squeeze %dma_wait3A_437 : memref<1x!tpu.dma_semaphore, #tpu.memory_space<semaphore_mem>> -> memref<!tpu.dma_semaphore, #tpu.memory_space<semaphore_mem>>
      tpu.wait_indirect_dma semaphore(%dma_wait3A_438 : memref<!tpu.dma_semaphore, #tpu.memory_space<semaphore_mem>>) src(%dma_wait3A_436 : memref<20480x64xf32, #tpu.memory_space<hbm>>) dst(%dma_wait3A_430 : memref<80x64xf32, #tpu.memory_space<vmem>>)
      %dma_start3A_439 = arith.constant 8 : i32
      %dma_start3A_440 = arith.constant 8 : i32
      %dma_start3A_441 = arith.constant 8 : i32
      %dma_start3A_442 = arith.constant 0 : i32
      %dma_start3A_443 = arith.constant 0 : i32
      %dma_start3A_444 = tpu.memref_slice %arg9[%dma_start3A_439, %dma_start3A_442, %dma_start3A_443] : memref<10x80x64xf32, #tpu.memory_space<vmem>> -> memref<1x80x64xf32, #tpu.memory_space<vmem>>
      %dma_start3A_445 = tpu.memref_squeeze %dma_start3A_444 : memref<1x80x64xf32, #tpu.memory_space<vmem>> -> memref<80x64xf32, #tpu.memory_space<vmem>>
      %dma_start3A_446 = arith.constant 0 : i32
      %dma_start3A_447 = tpu.memref_slice %arg8[%dma_start3A_440, %dma_start3A_446] : memref<10x80xi32, #tpu.memory_space<vmem>> -> memref<1x80xi32, #tpu.memory_space<vmem>>
      %dma_start3A_448 = tpu.memref_squeeze %dma_start3A_447 : memref<1x80xi32, #tpu.memory_space<vmem>> -> memref<80xi32, #tpu.memory_space<vmem>>
      %dma_start3A_449 = arith.constant 0 : i32
      %dma_start3A_450 = arith.constant 0 : i32
      %dma_start3A_451 = tpu.memref_slice %arg10[%dma_start3A_449, %dma_start3A_450] : memref<10240x64xf32, #tpu.memory_space<vmem_shared>> -> memref<10240x64xf32, #tpu.memory_space<vmem_shared>>
      %dma_start3A_452 = tpu.memref_slice %arg13[%dma_start3A_441] : memref<10x!tpu.dma_semaphore, #tpu.memory_space<semaphore_mem>> -> memref<1x!tpu.dma_semaphore, #tpu.memory_space<semaphore_mem>>
      %dma_start3A_453 = tpu.memref_squeeze %dma_start3A_452 : memref<1x!tpu.dma_semaphore, #tpu.memory_space<semaphore_mem>> -> memref<!tpu.dma_semaphore, #tpu.memory_space<semaphore_mem>>
      tpu.enqueue_indirect_dma source(%dma_start3A_445 : memref<80x64xf32, #tpu.memory_space<vmem>>) target(%dma_start3A_451 : memref<10240x64xf32, #tpu.memory_space<vmem_shared>>) offsets(%dma_start3A_448 : memref<80xi32, #tpu.memory_space<vmem>>) semaphore(%dma_start3A_453 : memref<!tpu.dma_semaphore, #tpu.memory_space<semaphore_mem>>) {add = true}
      %dma_wait3A_454 = arith.constant 9 : i32
      %dma_wait3A_455 = arith.constant 9 : i32
      %dma_wait3A_456 = arith.constant 9 : i32
      %dma_wait3A_457 = arith.constant 0 : i32
      %dma_wait3A_458 = arith.constant 0 : i32
      %dma_wait3A_459 = tpu.memref_slice %arg9[%dma_wait3A_455, %dma_wait3A_457, %dma_wait3A_458] : memref<10x80x64xf32, #tpu.memory_space<vmem>> -> memref<1x80x64xf32, #tpu.memory_space<vmem>>
      %dma_wait3A_460 = tpu.memref_squeeze %dma_wait3A_459 : memref<1x80x64xf32, #tpu.memory_space<vmem>> -> memref<80x64xf32, #tpu.memory_space<vmem>>
      %dma_wait3A_461 = arith.constant 0 : i32
      %dma_wait3A_462 = tpu.memref_slice %arg7[%dma_wait3A_454, %dma_wait3A_461] : memref<10x80xi32, #tpu.memory_space<vmem>> -> memref<1x80xi32, #tpu.memory_space<vmem>>
      %dma_wait3A_463 = tpu.memref_squeeze %dma_wait3A_462 : memref<1x80xi32, #tpu.memory_space<vmem>> -> memref<80xi32, #tpu.memory_space<vmem>>
      %dma_wait3A_464 = arith.constant 0 : i32
      %dma_wait3A_465 = arith.constant 0 : i32
      %dma_wait3A_466 = tpu.memref_slice %arg2[%dma_wait3A_464, %dma_wait3A_465] : memref<20480x64xf32, #tpu.memory_space<hbm>> -> memref<20480x64xf32, #tpu.memory_space<hbm>>
      %dma_wait3A_467 = tpu.memref_slice %arg12[%dma_wait3A_456] : memref<10x!tpu.dma_semaphore, #tpu.memory_space<semaphore_mem>> -> memref<1x!tpu.dma_semaphore, #tpu.memory_space<semaphore_mem>>
      %dma_wait3A_468 = tpu.memref_squeeze %dma_wait3A_467 : memref<1x!tpu.dma_semaphore, #tpu.memory_space<semaphore_mem>> -> memref<!tpu.dma_semaphore, #tpu.memory_space<semaphore_mem>>
      tpu.wait_indirect_dma semaphore(%dma_wait3A_468 : memref<!tpu.dma_semaphore, #tpu.memory_space<semaphore_mem>>) src(%dma_wait3A_466 : memref<20480x64xf32, #tpu.memory_space<hbm>>) dst(%dma_wait3A_460 : memref<80x64xf32, #tpu.memory_space<vmem>>)
      %dma_start3A_469 = arith.constant 9 : i32
      %dma_start3A_470 = arith.constant 9 : i32
      %dma_start3A_471 = arith.constant 9 : i32
      %dma_start3A_472 = arith.constant 0 : i32
      %dma_start3A_473 = arith.constant 0 : i32
      %dma_start3A_474 = tpu.memref_slice %arg9[%dma_start3A_469, %dma_start3A_472, %dma_start3A_473] : memref<10x80x64xf32, #tpu.memory_space<vmem>> -> memref<1x80x64xf32, #tpu.memory_space<vmem>>
      %dma_start3A_475 = tpu.memref_squeeze %dma_start3A_474 : memref<1x80x64xf32, #tpu.memory_space<vmem>> -> memref<80x64xf32, #tpu.memory_space<vmem>>
      %dma_start3A_476 = arith.constant 0 : i32
      %dma_start3A_477 = tpu.memref_slice %arg8[%dma_start3A_470, %dma_start3A_476] : memref<10x80xi32, #tpu.memory_space<vmem>> -> memref<1x80xi32, #tpu.memory_space<vmem>>
      %dma_start3A_478 = tpu.memref_squeeze %dma_start3A_477 : memref<1x80xi32, #tpu.memory_space<vmem>> -> memref<80xi32, #tpu.memory_space<vmem>>
      %dma_start3A_479 = arith.constant 0 : i32
      %dma_start3A_480 = arith.constant 0 : i32
      %dma_start3A_481 = tpu.memref_slice %arg10[%dma_start3A_479, %dma_start3A_480] : memref<10240x64xf32, #tpu.memory_space<vmem_shared>> -> memref<10240x64xf32, #tpu.memory_space<vmem_shared>>
      %dma_start3A_482 = tpu.memref_slice %arg13[%dma_start3A_471] : memref<10x!tpu.dma_semaphore, #tpu.memory_space<semaphore_mem>> -> memref<1x!tpu.dma_semaphore, #tpu.memory_space<semaphore_mem>>
      %dma_start3A_483 = tpu.memref_squeeze %dma_start3A_482 : memref<1x!tpu.dma_semaphore, #tpu.memory_space<semaphore_mem>> -> memref<!tpu.dma_semaphore, #tpu.memory_space<semaphore_mem>>
      tpu.enqueue_indirect_dma source(%dma_start3A_475 : memref<80x64xf32, #tpu.memory_space<vmem>>) target(%dma_start3A_481 : memref<10240x64xf32, #tpu.memory_space<vmem_shared>>) offsets(%dma_start3A_478 : memref<80xi32, #tpu.memory_space<vmem>>) semaphore(%dma_start3A_483 : memref<!tpu.dma_semaphore, #tpu.memory_space<semaphore_mem>>) {add = true}
      %dma_wait3A_484 = arith.constant 0 : i32
      %dma_wait3A_485 = arith.constant 0 : i32
      %dma_wait3A_486 = arith.constant 0 : i32
      %dma_wait3A_487 = arith.constant 0 : i32
      %dma_wait3A_488 = arith.constant 0 : i32
      %dma_wait3A_489 = tpu.memref_slice %arg9[%dma_wait3A_484, %dma_wait3A_487, %dma_wait3A_488] : memref<10x80x64xf32, #tpu.memory_space<vmem>> -> memref<1x80x64xf32, #tpu.memory_space<vmem>>
      %dma_wait3A_490 = tpu.memref_squeeze %dma_wait3A_489 : memref<1x80x64xf32, #tpu.memory_space<vmem>> -> memref<80x64xf32, #tpu.memory_space<vmem>>
      %dma_wait3A_491 = arith.constant 0 : i32
      %dma_wait3A_492 = tpu.memref_slice %arg8[%dma_wait3A_485, %dma_wait3A_491] : memref<10x80xi32, #tpu.memory_space<vmem>> -> memref<1x80xi32, #tpu.memory_space<vmem>>
      %dma_wait3A_493 = tpu.memref_squeeze %dma_wait3A_492 : memref<1x80xi32, #tpu.memory_space<vmem>> -> memref<80xi32, #tpu.memory_space<vmem>>
      %dma_wait3A_494 = arith.constant 0 : i32
      %dma_wait3A_495 = arith.constant 0 : i32
      %dma_wait3A_496 = tpu.memref_slice %arg10[%dma_wait3A_494, %dma_wait3A_495] : memref<10240x64xf32, #tpu.memory_space<vmem_shared>> -> memref<10240x64xf32, #tpu.memory_space<vmem_shared>>
      %dma_wait3A_497 = tpu.memref_slice %arg13[%dma_wait3A_486] : memref<10x!tpu.dma_semaphore, #tpu.memory_space<semaphore_mem>> -> memref<1x!tpu.dma_semaphore, #tpu.memory_space<semaphore_mem>>
      %dma_wait3A_498 = tpu.memref_squeeze %dma_wait3A_497 : memref<1x!tpu.dma_semaphore, #tpu.memory_space<semaphore_mem>> -> memref<!tpu.dma_semaphore, #tpu.memory_space<semaphore_mem>>
      tpu.wait_indirect_dma semaphore(%dma_wait3A_498 : memref<!tpu.dma_semaphore, #tpu.memory_space<semaphore_mem>>) src(%dma_wait3A_490 : memref<80x64xf32, #tpu.memory_space<vmem>>) dst(%dma_wait3A_496 : memref<10240x64xf32, #tpu.memory_space<vmem_shared>>)
      %dma_wait3A_499 = arith.constant 1 : i32
      %dma_wait3A_500 = arith.constant 1 : i32
      %dma_wait3A_501 = arith.constant 1 : i32
      %dma_wait3A_502 = arith.constant 0 : i32
      %dma_wait3A_503 = arith.constant 0 : i32
      %dma_wait3A_504 = tpu.memref_slice %arg9[%dma_wait3A_499, %dma_wait3A_502, %dma_wait3A_503] : memref<10x80x64xf32, #tpu.memory_space<vmem>> -> memref<1x80x64xf32, #tpu.memory_space<vmem>>
      %dma_wait3A_505 = tpu.memref_squeeze %dma_wait3A_504 : memref<1x80x64xf32, #tpu.memory_space<vmem>> -> memref<80x64xf32, #tpu.memory_space<vmem>>
      %dma_wait3A_506 = arith.constant 0 : i32
      %dma_wait3A_507 = tpu.memref_slice %arg8[%dma_wait3A_500, %dma_wait3A_506] : memref<10x80xi32, #tpu.memory_space<vmem>> -> memref<1x80xi32, #tpu.memory_space<vmem>>
      %dma_wait3A_508 = tpu.memref_squeeze %dma_wait3A_507 : memref<1x80xi32, #tpu.memory_space<vmem>> -> memref<80xi32, #tpu.memory_space<vmem>>
      %dma_wait3A_509 = arith.constant 0 : i32
      %dma_wait3A_510 = arith.constant 0 : i32
      %dma_wait3A_511 = tpu.memref_slice %arg10[%dma_wait3A_509, %dma_wait3A_510] : memref<10240x64xf32, #tpu.memory_space<vmem_shared>> -> memref<10240x64xf32, #tpu.memory_space<vmem_shared>>
      %dma_wait3A_512 = tpu.memref_slice %arg13[%dma_wait3A_501] : memref<10x!tpu.dma_semaphore, #tpu.memory_space<semaphore_mem>> -> memref<1x!tpu.dma_semaphore, #tpu.memory_space<semaphore_mem>>
      %dma_wait3A_513 = tpu.memref_squeeze %dma_wait3A_512 : memref<1x!tpu.dma_semaphore, #tpu.memory_space<semaphore_mem>> -> memref<!tpu.dma_semaphore, #tpu.memory_space<semaphore_mem>>
      tpu.wait_indirect_dma semaphore(%dma_wait3A_513 : memref<!tpu.dma_semaphore, #tpu.memory_space<semaphore_mem>>) src(%dma_wait3A_505 : memref<80x64xf32, #tpu.memory_space<vmem>>) dst(%dma_wait3A_511 : memref<10240x64xf32, #tpu.memory_space<vmem_shared>>)
      %dma_wait3A_514 = arith.constant 2 : i32
      %dma_wait3A_515 = arith.constant 2 : i32
      %dma_wait3A_516 = arith.constant 2 : i32
      %dma_wait3A_517 = arith.constant 0 : i32
      %dma_wait3A_518 = arith.constant 0 : i32
      %dma_wait3A_519 = tpu.memref_slice %arg9[%dma_wait3A_514, %dma_wait3A_517, %dma_wait3A_518] : memref<10x80x64xf32, #tpu.memory_space<vmem>> -> memref<1x80x64xf32, #tpu.memory_space<vmem>>
      %dma_wait3A_520 = tpu.memref_squeeze %dma_wait3A_519 : memref<1x80x64xf32, #tpu.memory_space<vmem>> -> memref<80x64xf32, #tpu.memory_space<vmem>>
      %dma_wait3A_521 = arith.constant 0 : i32
      %dma_wait3A_522 = tpu.memref_slice %arg8[%dma_wait3A_515, %dma_wait3A_521] : memref<10x80xi32, #tpu.memory_space<vmem>> -> memref<1x80xi32, #tpu.memory_space<vmem>>
      %dma_wait3A_523 = tpu.memref_squeeze %dma_wait3A_522 : memref<1x80xi32, #tpu.memory_space<vmem>> -> memref<80xi32, #tpu.memory_space<vmem>>
      %dma_wait3A_524 = arith.constant 0 : i32
      %dma_wait3A_525 = arith.constant 0 : i32
      %dma_wait3A_526 = tpu.memref_slice %arg10[%dma_wait3A_524, %dma_wait3A_525] : memref<10240x64xf32, #tpu.memory_space<vmem_shared>> -> memref<10240x64xf32, #tpu.memory_space<vmem_shared>>
      %dma_wait3A_527 = tpu.memref_slice %arg13[%dma_wait3A_516] : memref<10x!tpu.dma_semaphore, #tpu.memory_space<semaphore_mem>> -> memref<1x!tpu.dma_semaphore, #tpu.memory_space<semaphore_mem>>
      %dma_wait3A_528 = tpu.memref_squeeze %dma_wait3A_527 : memref<1x!tpu.dma_semaphore, #tpu.memory_space<semaphore_mem>> -> memref<!tpu.dma_semaphore, #tpu.memory_space<semaphore_mem>>
      tpu.wait_indirect_dma semaphore(%dma_wait3A_528 : memref<!tpu.dma_semaphore, #tpu.memory_space<semaphore_mem>>) src(%dma_wait3A_520 : memref<80x64xf32, #tpu.memory_space<vmem>>) dst(%dma_wait3A_526 : memref<10240x64xf32, #tpu.memory_space<vmem_shared>>)
      %dma_wait3A_529 = arith.constant 3 : i32
      %dma_wait3A_530 = arith.constant 3 : i32
      %dma_wait3A_531 = arith.constant 3 : i32
      %dma_wait3A_532 = arith.constant 0 : i32
      %dma_wait3A_533 = arith.constant 0 : i32
      %dma_wait3A_534 = tpu.memref_slice %arg9[%dma_wait3A_529, %dma_wait3A_532, %dma_wait3A_533] : memref<10x80x64xf32, #tpu.memory_space<vmem>> -> memref<1x80x64xf32, #tpu.memory_space<vmem>>
      %dma_wait3A_535 = tpu.memref_squeeze %dma_wait3A_534 : memref<1x80x64xf32, #tpu.memory_space<vmem>> -> memref<80x64xf32, #tpu.memory_space<vmem>>
      %dma_wait3A_536 = arith.constant 0 : i32
      %dma_wait3A_537 = tpu.memref_slice %arg8[%dma_wait3A_530, %dma_wait3A_536] : memref<10x80xi32, #tpu.memory_space<vmem>> -> memref<1x80xi32, #tpu.memory_space<vmem>>
      %dma_wait3A_538 = tpu.memref_squeeze %dma_wait3A_537 : memref<1x80xi32, #tpu.memory_space<vmem>> -> memref<80xi32, #tpu.memory_space<vmem>>
      %dma_wait3A_539 = arith.constant 0 : i32
      %dma_wait3A_540 = arith.constant 0 : i32
      %dma_wait3A_541 = tpu.memref_slice %arg10[%dma_wait3A_539, %dma_wait3A_540] : memref<10240x64xf32, #tpu.memory_space<vmem_shared>> -> memref<10240x64xf32, #tpu.memory_space<vmem_shared>>
      %dma_wait3A_542 = tpu.memref_slice %arg13[%dma_wait3A_531] : memref<10x!tpu.dma_semaphore, #tpu.memory_space<semaphore_mem>> -> memref<1x!tpu.dma_semaphore, #tpu.memory_space<semaphore_mem>>
      %dma_wait3A_543 = tpu.memref_squeeze %dma_wait3A_542 : memref<1x!tpu.dma_semaphore, #tpu.memory_space<semaphore_mem>> -> memref<!tpu.dma_semaphore, #tpu.memory_space<semaphore_mem>>
      tpu.wait_indirect_dma semaphore(%dma_wait3A_543 : memref<!tpu.dma_semaphore, #tpu.memory_space<semaphore_mem>>) src(%dma_wait3A_535 : memref<80x64xf32, #tpu.memory_space<vmem>>) dst(%dma_wait3A_541 : memref<10240x64xf32, #tpu.memory_space<vmem_shared>>)
      %dma_wait3A_544 = arith.constant 4 : i32
      %dma_wait3A_545 = arith.constant 4 : i32
      %dma_wait3A_546 = arith.constant 4 : i32
      %dma_wait3A_547 = arith.constant 0 : i32
      %dma_wait3A_548 = arith.constant 0 : i32
      %dma_wait3A_549 = tpu.memref_slice %arg9[%dma_wait3A_544, %dma_wait3A_547, %dma_wait3A_548] : memref<10x80x64xf32, #tpu.memory_space<vmem>> -> memref<1x80x64xf32, #tpu.memory_space<vmem>>
      %dma_wait3A_550 = tpu.memref_squeeze %dma_wait3A_549 : memref<1x80x64xf32, #tpu.memory_space<vmem>> -> memref<80x64xf32, #tpu.memory_space<vmem>>
      %dma_wait3A_551 = arith.constant 0 : i32
      %dma_wait3A_552 = tpu.memref_slice %arg8[%dma_wait3A_545, %dma_wait3A_551] : memref<10x80xi32, #tpu.memory_space<vmem>> -> memref<1x80xi32, #tpu.memory_space<vmem>>
      %dma_wait3A_553 = tpu.memref_squeeze %dma_wait3A_552 : memref<1x80xi32, #tpu.memory_space<vmem>> -> memref<80xi32, #tpu.memory_space<vmem>>
      %dma_wait3A_554 = arith.constant 0 : i32
      %dma_wait3A_555 = arith.constant 0 : i32
      %dma_wait3A_556 = tpu.memref_slice %arg10[%dma_wait3A_554, %dma_wait3A_555] : memref<10240x64xf32, #tpu.memory_space<vmem_shared>> -> memref<10240x64xf32, #tpu.memory_space<vmem_shared>>
      %dma_wait3A_557 = tpu.memref_slice %arg13[%dma_wait3A_546] : memref<10x!tpu.dma_semaphore, #tpu.memory_space<semaphore_mem>> -> memref<1x!tpu.dma_semaphore, #tpu.memory_space<semaphore_mem>>
      %dma_wait3A_558 = tpu.memref_squeeze %dma_wait3A_557 : memref<1x!tpu.dma_semaphore, #tpu.memory_space<semaphore_mem>> -> memref<!tpu.dma_semaphore, #tpu.memory_space<semaphore_mem>>
      tpu.wait_indirect_dma semaphore(%dma_wait3A_558 : memref<!tpu.dma_semaphore, #tpu.memory_space<semaphore_mem>>) src(%dma_wait3A_550 : memref<80x64xf32, #tpu.memory_space<vmem>>) dst(%dma_wait3A_556 : memref<10240x64xf32, #tpu.memory_space<vmem_shared>>)
      %dma_wait3A_559 = arith.constant 5 : i32
      %dma_wait3A_560 = arith.constant 5 : i32
      %dma_wait3A_561 = arith.constant 5 : i32
      %dma_wait3A_562 = arith.constant 0 : i32
      %dma_wait3A_563 = arith.constant 0 : i32
      %dma_wait3A_564 = tpu.memref_slice %arg9[%dma_wait3A_559, %dma_wait3A_562, %dma_wait3A_563] : memref<10x80x64xf32, #tpu.memory_space<vmem>> -> memref<1x80x64xf32, #tpu.memory_space<vmem>>
      %dma_wait3A_565 = tpu.memref_squeeze %dma_wait3A_564 : memref<1x80x64xf32, #tpu.memory_space<vmem>> -> memref<80x64xf32, #tpu.memory_space<vmem>>
      %dma_wait3A_566 = arith.constant 0 : i32
      %dma_wait3A_567 = tpu.memref_slice %arg8[%dma_wait3A_560, %dma_wait3A_566] : memref<10x80xi32, #tpu.memory_space<vmem>> -> memref<1x80xi32, #tpu.memory_space<vmem>>
      %dma_wait3A_568 = tpu.memref_squeeze %dma_wait3A_567 : memref<1x80xi32, #tpu.memory_space<vmem>> -> memref<80xi32, #tpu.memory_space<vmem>>
      %dma_wait3A_569 = arith.constant 0 : i32
      %dma_wait3A_570 = arith.constant 0 : i32
      %dma_wait3A_571 = tpu.memref_slice %arg10[%dma_wait3A_569, %dma_wait3A_570] : memref<10240x64xf32, #tpu.memory_space<vmem_shared>> -> memref<10240x64xf32, #tpu.memory_space<vmem_shared>>
      %dma_wait3A_572 = tpu.memref_slice %arg13[%dma_wait3A_561] : memref<10x!tpu.dma_semaphore, #tpu.memory_space<semaphore_mem>> -> memref<1x!tpu.dma_semaphore, #tpu.memory_space<semaphore_mem>>
      %dma_wait3A_573 = tpu.memref_squeeze %dma_wait3A_572 : memref<1x!tpu.dma_semaphore, #tpu.memory_space<semaphore_mem>> -> memref<!tpu.dma_semaphore, #tpu.memory_space<semaphore_mem>>
      tpu.wait_indirect_dma semaphore(%dma_wait3A_573 : memref<!tpu.dma_semaphore, #tpu.memory_space<semaphore_mem>>) src(%dma_wait3A_565 : memref<80x64xf32, #tpu.memory_space<vmem>>) dst(%dma_wait3A_571 : memref<10240x64xf32, #tpu.memory_space<vmem_shared>>)
      %dma_wait3A_574 = arith.constant 6 : i32
      %dma_wait3A_575 = arith.constant 6 : i32
      %dma_wait3A_576 = arith.constant 6 : i32
      %dma_wait3A_577 = arith.constant 0 : i32
      %dma_wait3A_578 = arith.constant 0 : i32
      %dma_wait3A_579 = tpu.memref_slice %arg9[%dma_wait3A_574, %dma_wait3A_577, %dma_wait3A_578] : memref<10x80x64xf32, #tpu.memory_space<vmem>> -> memref<1x80x64xf32, #tpu.memory_space<vmem>>
      %dma_wait3A_580 = tpu.memref_squeeze %dma_wait3A_579 : memref<1x80x64xf32, #tpu.memory_space<vmem>> -> memref<80x64xf32, #tpu.memory_space<vmem>>
      %dma_wait3A_581 = arith.constant 0 : i32
      %dma_wait3A_582 = tpu.memref_slice %arg8[%dma_wait3A_575, %dma_wait3A_581] : memref<10x80xi32, #tpu.memory_space<vmem>> -> memref<1x80xi32, #tpu.memory_space<vmem>>
      %dma_wait3A_583 = tpu.memref_squeeze %dma_wait3A_582 : memref<1x80xi32, #tpu.memory_space<vmem>> -> memref<80xi32, #tpu.memory_space<vmem>>
      %dma_wait3A_584 = arith.constant 0 : i32
      %dma_wait3A_585 = arith.constant 0 : i32
      %dma_wait3A_586 = tpu.memref_slice %arg10[%dma_wait3A_584, %dma_wait3A_585] : memref<10240x64xf32, #tpu.memory_space<vmem_shared>> -> memref<10240x64xf32, #tpu.memory_space<vmem_shared>>
      %dma_wait3A_587 = tpu.memref_slice %arg13[%dma_wait3A_576] : memref<10x!tpu.dma_semaphore, #tpu.memory_space<semaphore_mem>> -> memref<1x!tpu.dma_semaphore, #tpu.memory_space<semaphore_mem>>
      %dma_wait3A_588 = tpu.memref_squeeze %dma_wait3A_587 : memref<1x!tpu.dma_semaphore, #tpu.memory_space<semaphore_mem>> -> memref<!tpu.dma_semaphore, #tpu.memory_space<semaphore_mem>>
      tpu.wait_indirect_dma semaphore(%dma_wait3A_588 : memref<!tpu.dma_semaphore, #tpu.memory_space<semaphore_mem>>) src(%dma_wait3A_580 : memref<80x64xf32, #tpu.memory_space<vmem>>) dst(%dma_wait3A_586 : memref<10240x64xf32, #tpu.memory_space<vmem_shared>>)
      %dma_wait3A_589 = arith.constant 7 : i32
      %dma_wait3A_590 = arith.constant 7 : i32
      %dma_wait3A_591 = arith.constant 7 : i32
      %dma_wait3A_592 = arith.constant 0 : i32
      %dma_wait3A_593 = arith.constant 0 : i32
      %dma_wait3A_594 = tpu.memref_slice %arg9[%dma_wait3A_589, %dma_wait3A_592, %dma_wait3A_593] : memref<10x80x64xf32, #tpu.memory_space<vmem>> -> memref<1x80x64xf32, #tpu.memory_space<vmem>>
      %dma_wait3A_595 = tpu.memref_squeeze %dma_wait3A_594 : memref<1x80x64xf32, #tpu.memory_space<vmem>> -> memref<80x64xf32, #tpu.memory_space<vmem>>
      %dma_wait3A_596 = arith.constant 0 : i32
      %dma_wait3A_597 = tpu.memref_slice %arg8[%dma_wait3A_590, %dma_wait3A_596] : memref<10x80xi32, #tpu.memory_space<vmem>> -> memref<1x80xi32, #tpu.memory_space<vmem>>
      %dma_wait3A_598 = tpu.memref_squeeze %dma_wait3A_597 : memref<1x80xi32, #tpu.memory_space<vmem>> -> memref<80xi32, #tpu.memory_space<vmem>>
      %dma_wait3A_599 = arith.constant 0 : i32
      %dma_wait3A_600 = arith.constant 0 : i32
      %dma_wait3A_601 = tpu.memref_slice %arg10[%dma_wait3A_599, %dma_wait3A_600] : memref<10240x64xf32, #tpu.memory_space<vmem_shared>> -> memref<10240x64xf32, #tpu.memory_space<vmem_shared>>
      %dma_wait3A_602 = tpu.memref_slice %arg13[%dma_wait3A_591] : memref<10x!tpu.dma_semaphore, #tpu.memory_space<semaphore_mem>> -> memref<1x!tpu.dma_semaphore, #tpu.memory_space<semaphore_mem>>
      %dma_wait3A_603 = tpu.memref_squeeze %dma_wait3A_602 : memref<1x!tpu.dma_semaphore, #tpu.memory_space<semaphore_mem>> -> memref<!tpu.dma_semaphore, #tpu.memory_space<semaphore_mem>>
      tpu.wait_indirect_dma semaphore(%dma_wait3A_603 : memref<!tpu.dma_semaphore, #tpu.memory_space<semaphore_mem>>) src(%dma_wait3A_595 : memref<80x64xf32, #tpu.memory_space<vmem>>) dst(%dma_wait3A_601 : memref<10240x64xf32, #tpu.memory_space<vmem_shared>>)
      %dma_wait3A_604 = arith.constant 8 : i32
      %dma_wait3A_605 = arith.constant 8 : i32
      %dma_wait3A_606 = arith.constant 8 : i32
      %dma_wait3A_607 = arith.constant 0 : i32
      %dma_wait3A_608 = arith.constant 0 : i32
      %dma_wait3A_609 = tpu.memref_slice %arg9[%dma_wait3A_604, %dma_wait3A_607, %dma_wait3A_608] : memref<10x80x64xf32, #tpu.memory_space<vmem>> -> memref<1x80x64xf32, #tpu.memory_space<vmem>>
      %dma_wait3A_610 = tpu.memref_squeeze %dma_wait3A_609 : memref<1x80x64xf32, #tpu.memory_space<vmem>> -> memref<80x64xf32, #tpu.memory_space<vmem>>
      %dma_wait3A_611 = arith.constant 0 : i32
      %dma_wait3A_612 = tpu.memref_slice %arg8[%dma_wait3A_605, %dma_wait3A_611] : memref<10x80xi32, #tpu.memory_space<vmem>> -> memref<1x80xi32, #tpu.memory_space<vmem>>
      %dma_wait3A_613 = tpu.memref_squeeze %dma_wait3A_612 : memref<1x80xi32, #tpu.memory_space<vmem>> -> memref<80xi32, #tpu.memory_space<vmem>>
      %dma_wait3A_614 = arith.constant 0 : i32
      %dma_wait3A_615 = arith.constant 0 : i32
      %dma_wait3A_616 = tpu.memref_slice %arg10[%dma_wait3A_614, %dma_wait3A_615] : memref<10240x64xf32, #tpu.memory_space<vmem_shared>> -> memref<10240x64xf32, #tpu.memory_space<vmem_shared>>
      %dma_wait3A_617 = tpu.memref_slice %arg13[%dma_wait3A_606] : memref<10x!tpu.dma_semaphore, #tpu.memory_space<semaphore_mem>> -> memref<1x!tpu.dma_semaphore, #tpu.memory_space<semaphore_mem>>
      %dma_wait3A_618 = tpu.memref_squeeze %dma_wait3A_617 : memref<1x!tpu.dma_semaphore, #tpu.memory_space<semaphore_mem>> -> memref<!tpu.dma_semaphore, #tpu.memory_space<semaphore_mem>>
      tpu.wait_indirect_dma semaphore(%dma_wait3A_618 : memref<!tpu.dma_semaphore, #tpu.memory_space<semaphore_mem>>) src(%dma_wait3A_610 : memref<80x64xf32, #tpu.memory_space<vmem>>) dst(%dma_wait3A_616 : memref<10240x64xf32, #tpu.memory_space<vmem_shared>>)
      %dma_wait3A_619 = arith.constant 9 : i32
      %dma_wait3A_620 = arith.constant 9 : i32
      %dma_wait3A_621 = arith.constant 9 : i32
      %dma_wait3A_622 = arith.constant 0 : i32
      %dma_wait3A_623 = arith.constant 0 : i32
      %dma_wait3A_624 = tpu.memref_slice %arg9[%dma_wait3A_619, %dma_wait3A_622, %dma_wait3A_623] : memref<10x80x64xf32, #tpu.memory_space<vmem>> -> memref<1x80x64xf32, #tpu.memory_space<vmem>>
      %dma_wait3A_625 = tpu.memref_squeeze %dma_wait3A_624 : memref<1x80x64xf32, #tpu.memory_space<vmem>> -> memref<80x64xf32, #tpu.memory_space<vmem>>
      %dma_wait3A_626 = arith.constant 0 : i32
      %dma_wait3A_627 = tpu.memref_slice %arg8[%dma_wait3A_620, %dma_wait3A_626] : memref<10x80xi32, #tpu.memory_space<vmem>> -> memref<1x80xi32, #tpu.memory_space<vmem>>
      %dma_wait3A_628 = tpu.memref_squeeze %dma_wait3A_627 : memref<1x80xi32, #tpu.memory_space<vmem>> -> memref<80xi32, #tpu.memory_space<vmem>>
      %dma_wait3A_629 = arith.constant 0 : i32
      %dma_wait3A_630 = arith.constant 0 : i32
      %dma_wait3A_631 = tpu.memref_slice %arg10[%dma_wait3A_629, %dma_wait3A_630] : memref<10240x64xf32, #tpu.memory_space<vmem_shared>> -> memref<10240x64xf32, #tpu.memory_space<vmem_shared>>
      %dma_wait3A_632 = tpu.memref_slice %arg13[%dma_wait3A_621] : memref<10x!tpu.dma_semaphore, #tpu.memory_space<semaphore_mem>> -> memref<1x!tpu.dma_semaphore, #tpu.memory_space<semaphore_mem>>
      %dma_wait3A_633 = tpu.memref_squeeze %dma_wait3A_632 : memref<1x!tpu.dma_semaphore, #tpu.memory_space<semaphore_mem>> -> memref<!tpu.dma_semaphore, #tpu.memory_space<semaphore_mem>>
      tpu.wait_indirect_dma semaphore(%dma_wait3A_633 : memref<!tpu.dma_semaphore, #tpu.memory_space<semaphore_mem>>) src(%dma_wait3A_625 : memref<80x64xf32, #tpu.memory_space<vmem>>) dst(%dma_wait3A_631 : memref<10240x64xf32, #tpu.memory_space<vmem_shared>>)
    }
    %scan3A_9 = arith.constant 25 : i32
    %barrier3A_10 = arith.constant 0 : index
    tpu.barrier barrier_id(%barrier3A_10)
    %mul3A_11 = arith.constant 640 : i32
    %mul3A_12 = arith.muli %arg1, %mul3A_11 : i32
    %mul3A_13 = arith.constant 10240 : i32
    %mul3A_14 = arith.muli %arg0, %mul3A_13 : i32
    %add3A_15 = arith.addi %mul3A_14, %mul3A_12 : i32
    "tpu.region"() ({
      %run_scoped3A = tpu.sem_alloc : memref<!tpu.dma_semaphore, #tpu.memory_space<semaphore_mem>>
      %dma_start3A = arith.constant 0 : i32
      %dma_start3A_16 = tpu.memref_slice %arg6[%add3A_15, %dma_start3A] : memref<20480x64xf32, #tpu.memory_space<hbm>> -> memref<640x64xf32, #tpu.memory_space<hbm>>
      %dma_start3A_17 = arith.constant 0 : i32
      %dma_start3A_18 = tpu.memref_slice %arg10[%mul3A_12, %dma_start3A_17] : memref<10240x64xf32, #tpu.memory_space<vmem_shared>> -> memref<640x64xf32, #tpu.memory_space<vmem_shared>>
      tpu.enqueue_dma source(%dma_start3A_18 : memref<640x64xf32, #tpu.memory_space<vmem_shared>>) target(%dma_start3A_16 : memref<640x64xf32, #tpu.memory_space<hbm>>) target_semaphore(%run_scoped3A : memref<!tpu.dma_semaphore, #tpu.memory_space<semaphore_mem>>)
      %dma_wait3A = arith.constant 0 : i32
      %dma_wait3A_19 = tpu.memref_slice %arg6[%add3A_15, %dma_wait3A] : memref<20480x64xf32, #tpu.memory_space<hbm>> -> memref<640x64xf32, #tpu.memory_space<hbm>>
      %dma_wait3A_20 = arith.constant 0 : i32
      %dma_wait3A_21 = tpu.memref_slice %arg10[%mul3A_12, %dma_wait3A_20] : memref<10240x64xf32, #tpu.memory_space<vmem_shared>> -> memref<640x64xf32, #tpu.memory_space<vmem_shared>>
      tpu.wait_dma2 semaphore(%run_scoped3A : memref<!tpu.dma_semaphore, #tpu.memory_space<semaphore_mem>>) src(%dma_wait3A_21 : memref<640x64xf32, #tpu.memory_space<vmem_shared>>) dst(%dma_wait3A_19 : memref<640x64xf32, #tpu.memory_space<hbm>>)
      tpu.yield
    }) : () -> ()
    return
  }
}

module attributes {stable_mosaic.version = 14 : i64} {
  func.func @_pre_body(%arg0: i32, %arg1: memref<2048x128xf32, #tpu.memory_space<vmem>>, %arg2: memref<128x64xf32, #tpu.memory_space<vmem>>, %arg3: memref<2048x64xf32, #tpu.memory_space<vmem>>) attributes {dimension_semantics = [#tpu.dimension_semantics<arbitrary>], iteration_bounds = array<i64: 10>, scalar_prefetch = 0 : i64, scratch_operands = 0 : i64, tpu.core_type = #tpu.core_type<tc>, window_params = [{transform_indices = @transform_0, window_bounds = array<i64: 2048, 128>}, {pipeline_mode = #tpu.pipeline_mode<synchronous>, transform_indices = @transform_1, window_bounds = array<i64: 128, 64>}, {transform_indices = @transform_2, window_bounds = array<i64: 2048, 64>}]} {
    %get3A = arith.constant 0 : index
    %get3A_0 = arith.constant 0 : index
    %get3A_1 = vector.load %arg1[%get3A, %get3A_0] : memref<2048x128xf32, #tpu.memory_space<vmem>>, vector<2048x128xf32>
    %get3A_2 = arith.constant 0 : index
    %get3A_3 = arith.constant 0 : index
    %get3A_4 = vector.load %arg2[%get3A_2, %get3A_3] : memref<128x64xf32, #tpu.memory_space<vmem>>, vector<128x64xf32>
    %dot_general3A = arith.constant dense<0.000000e+00> : vector<2048x64xf32>
    %dot_general3A_5 = tpu.matmul %get3A_1, %get3A_4, %dot_general3A {dimension_numbers = #tpu.dot_dimension_numbers<[1], [0], [0], [1], [0, 0, 1, 1], [], []>, transpose_lhs_hint = false} : vector<2048x128xf32>, vector<128x64xf32>, vector<2048x64xf32> -> vector<2048x64xf32>
    %swap3A = arith.constant 0 : index
    %swap3A_6 = arith.constant 0 : index
    %swap3A_7 = vector.load %arg3[%swap3A, %swap3A_6] : memref<2048x64xf32, #tpu.memory_space<vmem>>, vector<2048x64xf32>
    tpu.vector_store %arg3[%swap3A, %swap3A_6], %dot_general3A_5 {strides = array<i32>} : memref<2048x64xf32, #tpu.memory_space<vmem>>, vector<2048x64xf32>,
    return
  }
  func.func @transform_0(%arg0: i32) -> (i32, i32) {
    %c0_i32 = arith.constant 0 : i32
    %c0_i32_0 = arith.constant 0 : i32
    return %arg0, %c0_i32 : i32, i32
  }
  func.func @transform_1(%arg0: i32) -> (i32, i32) {
    %c0_i32 = arith.constant 0 : i32
    %c0_i32_0 = arith.constant 0 : i32
    %c0_i32_1 = arith.constant 0 : i32
    return %c0_i32, %c0_i32_0 : i32, i32
  }
  func.func @transform_2(%arg0: i32) -> (i32, i32) {
    %c0_i32 = arith.constant 0 : i32
    %c0_i32_0 = arith.constant 0 : i32
    return %arg0, %c0_i32 : i32, i32
  }
}

module attributes {stable_mosaic.version = 14 : i64} {
  func.func @body(%arg0: i32, %arg1: memref<2048x64xf32, #tpu.memory_space<vmem>>, %arg2: memref<2048x64xf32, #tpu.memory_space<vmem>>, %arg3: memref<1x1x2048xi32, #tpu.memory_space<vmem>>, %arg4: memref<1x64xf32, #tpu.memory_space<vmem>>, %arg5: memref<64x64xf32, #tpu.memory_space<vmem>>, %arg6: memref<1x64xf32, #tpu.memory_space<vmem>>, %arg7: memref<1x64xf32, #tpu.memory_space<vmem>>, %arg8: memref<1x64xf32, #tpu.memory_space<vmem>>, %arg9: memref<64x64xf32, #tpu.memory_space<vmem>>, %arg10: memref<1x64xf32, #tpu.memory_space<vmem>>, %arg11: memref<64x64xf32, #tpu.memory_space<vmem>>, %arg12: memref<256x64xf32, #tpu.memory_space<vmem>>, %arg13: memref<2048x64xf32, #tpu.memory_space<vmem>>) attributes {dimension_semantics = [#tpu.dimension_semantics<arbitrary>], iteration_bounds = array<i64: 10>, scalar_prefetch = 0 : i64, scratch_operands = 0 : i64, tpu.core_type = #tpu.core_type<tc>, window_params = [{transform_indices = @transform_0, window_bounds = array<i64: 2048, 64>}, {transform_indices = @transform_1, window_bounds = array<i64: 2048, 64>}, {transform_indices = @transform_2, window_bounds = array<i64: 1, 1, 2048>}, {pipeline_mode = #tpu.pipeline_mode<synchronous>, transform_indices = @transform_3, window_bounds = array<i64: 1, 64>}, {pipeline_mode = #tpu.pipeline_mode<synchronous>, transform_indices = @transform_4, window_bounds = array<i64: 64, 64>}, {pipeline_mode = #tpu.pipeline_mode<synchronous>, transform_indices = @transform_5, window_bounds = array<i64: 1, 64>}, {pipeline_mode = #tpu.pipeline_mode<synchronous>, transform_indices = @transform_6, window_bounds = array<i64: 1, 64>}, {pipeline_mode = #tpu.pipeline_mode<synchronous>, transform_indices = @transform_7, window_bounds = array<i64: 1, 64>}, {pipeline_mode = #tpu.pipeline_mode<synchronous>, transform_indices = @transform_8, window_bounds = array<i64: 64, 64>}, {pipeline_mode = #tpu.pipeline_mode<synchronous>, transform_indices = @transform_9, window_bounds = array<i64: 1, 64>}, {pipeline_mode = #tpu.pipeline_mode<synchronous>, transform_indices = @transform_10, window_bounds = array<i64: 64, 64>}, {pipeline_mode = #tpu.pipeline_mode<synchronous>, transform_indices = @transform_11, window_bounds = array<i64: 256, 64>}, {transform_indices = @transform_12, window_bounds = array<i64: 2048, 64>}]} {
    %get3A = arith.constant 0 : index
    %get3A_0 = arith.constant 0 : index
    %get3A_1 = vector.load %arg1[%get3A, %get3A_0] : memref<2048x64xf32, #tpu.memory_space<vmem>>, vector<2048x64xf32>
    %get3A_2 = arith.constant 0 : index
    %get3A_3 = arith.constant 0 : index
    %get3A_4 = vector.load %arg2[%get3A_2, %get3A_3] : memref<2048x64xf32, #tpu.memory_space<vmem>>, vector<2048x64xf32>
    %add3A = arith.addf %get3A_1, %get3A_4 : vector<2048x64xf32>
    %get3A_5 = arith.constant 0 : index
    %get3A_6 = arith.constant 0 : index
    %get3A_7 = vector.load %arg4[%get3A_5, %get3A_6] : memref<1x64xf32, #tpu.memory_space<vmem>>, vector<1x64xf32>
    %add3A_8 = vector.broadcast %get3A_7 : vector<1x64xf32> to vector<2048x64xf32>
    %add3A_9 = arith.addf %add3A, %add3A_8 : vector<2048x64xf32>
    %max3A = arith.constant 0.000000e+00 : f32
    %max3A_10 = vector.broadcast %max3A : f32 to vector<2048x64xf32>
    %max3A_11 = arith.maximumf %add3A_9, %max3A_10 : vector<2048x64xf32>
    %get3A_12 = arith.constant 0 : index
    %get3A_13 = arith.constant 0 : index
    %get3A_14 = vector.load %arg5[%get3A_12, %get3A_13] : memref<64x64xf32, #tpu.memory_space<vmem>>, vector<64x64xf32>
    %dot_general3A = arith.constant dense<0.000000e+00> : vector<2048x64xf32>
    %dot_general3A_15 = tpu.matmul %max3A_11, %get3A_14, %dot_general3A {dimension_numbers = #tpu.dot_dimension_numbers<[1], [0], [0], [1], [0, 0, 1, 1], [], []>, transpose_lhs_hint = false} : vector<2048x64xf32>, vector<64x64xf32>, vector<2048x64xf32> -> vector<2048x64xf32>
    %get3A_16 = arith.constant 0 : index
    %get3A_17 = arith.constant 0 : index
    %get3A_18 = vector.load %arg6[%get3A_16, %get3A_17] : memref<1x64xf32, #tpu.memory_space<vmem>>, vector<1x64xf32>
    %add3A_19 = vector.broadcast %get3A_18 : vector<1x64xf32> to vector<2048x64xf32>
    %add3A_20 = arith.addf %dot_general3A_15, %add3A_19 : vector<2048x64xf32>
    %get3A_21 = arith.constant 0 : index
    %get3A_22 = arith.constant 0 : index
    %get3A_23 = vector.load %arg7[%get3A_21, %get3A_22] : memref<1x64xf32, #tpu.memory_space<vmem>>, vector<1x64xf32>
    %mul3A = vector.broadcast %get3A_23 : vector<1x64xf32> to vector<2048x64xf32>
    %mul3A_24 = arith.mulf %add3A_20, %mul3A : vector<2048x64xf32>
    %get3A_25 = arith.constant 0 : index
    %get3A_26 = arith.constant 0 : index
    %get3A_27 = vector.load %arg8[%get3A_25, %get3A_26] : memref<1x64xf32, #tpu.memory_space<vmem>>, vector<1x64xf32>
    %add3A_28 = vector.broadcast %get3A_27 : vector<1x64xf32> to vector<2048x64xf32>
    %add3A_29 = arith.addf %mul3A_24, %add3A_28 : vector<2048x64xf32>
    %max3A_30 = arith.constant 0.000000e+00 : f32
    %max3A_31 = vector.broadcast %max3A_30 : f32 to vector<2048x64xf32>
    %max3A_32 = arith.maximumf %add3A_29, %max3A_31 : vector<2048x64xf32>
    %get3A_33 = arith.constant 0 : index
    %get3A_34 = arith.constant 0 : index
    %get3A_35 = vector.load %arg9[%get3A_33, %get3A_34] : memref<64x64xf32, #tpu.memory_space<vmem>>, vector<64x64xf32>
    %dot_general3A_36 = arith.constant dense<0.000000e+00> : vector<2048x64xf32>
    %dot_general3A_37 = tpu.matmul %max3A_32, %get3A_35, %dot_general3A_36 {dimension_numbers = #tpu.dot_dimension_numbers<[1], [0], [0], [1], [0, 0, 1, 1], [], []>, transpose_lhs_hint = false} : vector<2048x64xf32>, vector<64x64xf32>, vector<2048x64xf32> -> vector<2048x64xf32>
    %get3A_38 = arith.constant 0 : index
    %get3A_39 = arith.constant 0 : index
    %get3A_40 = vector.load %arg10[%get3A_38, %get3A_39] : memref<1x64xf32, #tpu.memory_space<vmem>>, vector<1x64xf32>
    %add3A_41 = vector.broadcast %get3A_40 : vector<1x64xf32> to vector<2048x64xf32>
    %add3A_42 = arith.addf %dot_general3A_37, %add3A_41 : vector<2048x64xf32>
    %max3A_43 = arith.constant 0.000000e+00 : f32
    %max3A_44 = vector.broadcast %max3A_43 : f32 to vector<2048x64xf32>
    %max3A_45 = arith.maximumf %add3A_42, %max3A_44 : vector<2048x64xf32>
    %get3A_46 = arith.constant 0 : index
    %get3A_47 = arith.constant 0 : index
    %get3A_48 = arith.constant 0 : index
    %get3A_49 = vector.load %arg3[%get3A_46, %get3A_47, %get3A_48] : memref<1x1x2048xi32, #tpu.memory_space<vmem>>, vector<1x1x2048xi32>
    %get3A_50 = vector.shape_cast %get3A_49 : vector<1x1x2048xi32> to vector<2048xi32>
    %broadcast_in_dim3A = vector.shape_cast %get3A_50 : vector<2048xi32> to vector<1x2048xi32>
    %iota3A = tpu.iota {dimensions = array<i32: 0>} : vector<256x2048xi32>
    %eq3A = vector.broadcast %broadcast_in_dim3A : vector<1x2048xi32> to vector<256x2048xi32>
    %eq3A_51 = arith.cmpi eq, %eq3A, %iota3A : vector<256x2048xi32>
    %convert_element_type3A = arith.extui %eq3A_51 : vector<256x2048xi1> to vector<256x2048xi32>
    %convert_element_type3A_52 = arith.sitofp %convert_element_type3A : vector<256x2048xi32> to vector<256x2048xf32>
    %dot_general3A_53 = arith.constant dense<0.000000e+00> : vector<256x64xf32>
    %dot_general3A_54 = tpu.matmul %convert_element_type3A_52, %max3A_45, %dot_general3A_53 {dimension_numbers = #tpu.dot_dimension_numbers<[1], [0], [0], [1], [0, 0, 1, 1], [], []>, transpose_lhs_hint = false} : vector<256x2048xf32>, vector<2048x64xf32>, vector<256x64xf32> -> vector<256x64xf32>
    %eq3A_55 = arith.constant 0 : i32
    %eq3A_56 = arith.cmpi eq, %arg0, %eq3A_55 : i32
    %convert_element_type3A_57 = arith.extui %eq3A_56 : i1 to i32
    %cond3A = arith.constant 0 : i32
    %cond3A_58 = arith.cmpi ne, %convert_element_type3A_57, %cond3A : i32
    scf.if %cond3A_58 {
      %swap3A_70 = arith.constant 0 : index
      %swap3A_71 = arith.constant 0 : index
      %swap3A_72 = vector.load %arg12[%swap3A_70, %swap3A_71] : memref<256x64xf32, #tpu.memory_space<vmem>>, vector<256x64xf32>
      tpu.vector_store %arg12[%swap3A_70, %swap3A_71], %dot_general3A_54 {strides = array<i32>} : memref<256x64xf32, #tpu.memory_space<vmem>>, vector<256x64xf32>,
    } else {
    }
    %gt3A = arith.constant 0 : i32
    %gt3A_59 = arith.cmpi sgt, %arg0, %gt3A : i32
    %convert_element_type3A_60 = arith.extui %gt3A_59 : i1 to i32
    %cond3A_61 = arith.constant 0 : i32
    %cond3A_62 = arith.cmpi ne, %convert_element_type3A_60, %cond3A_61 : i32
    scf.if %cond3A_62 {
      %get3A_70 = arith.constant 0 : index
      %get3A_71 = arith.constant 0 : index
      %get3A_72 = vector.load %arg12[%get3A_70, %get3A_71] : memref<256x64xf32, #tpu.memory_space<vmem>>, vector<256x64xf32>
      %add3A_73 = arith.addf %get3A_72, %dot_general3A_54 : vector<256x64xf32>
      %swap3A_74 = arith.constant 0 : index
      %swap3A_75 = arith.constant 0 : index
      %swap3A_76 = vector.load %arg12[%swap3A_74, %swap3A_75] : memref<256x64xf32, #tpu.memory_space<vmem>>, vector<256x64xf32>
      tpu.vector_store %arg12[%swap3A_74, %swap3A_75], %add3A_73 {strides = array<i32>} : memref<256x64xf32, #tpu.memory_space<vmem>>, vector<256x64xf32>,
    } else {
    }
    %get3A_63 = arith.constant 0 : index
    %get3A_64 = arith.constant 0 : index
    %get3A_65 = vector.load %arg11[%get3A_63, %get3A_64] : memref<64x64xf32, #tpu.memory_space<vmem>>, vector<64x64xf32>
    %dot_general3A_66 = arith.constant dense<0.000000e+00> : vector<2048x64xf32>
    %dot_general3A_67 = tpu.matmul %max3A_32, %get3A_65, %dot_general3A_66 {dimension_numbers = #tpu.dot_dimension_numbers<[1], [0], [0], [1], [0, 0, 1, 1], [], []>, transpose_lhs_hint = false} : vector<2048x64xf32>, vector<64x64xf32>, vector<2048x64xf32> -> vector<2048x64xf32>
    %swap3A = arith.constant 0 : index
    %swap3A_68 = arith.constant 0 : index
    %swap3A_69 = vector.load %arg13[%swap3A, %swap3A_68] : memref<2048x64xf32, #tpu.memory_space<vmem>>, vector<2048x64xf32>
    tpu.vector_store %arg13[%swap3A, %swap3A_68], %dot_general3A_67 {strides = array<i32>} : memref<2048x64xf32, #tpu.memory_space<vmem>>, vector<2048x64xf32>,
    return
  }
  func.func @transform_0(%arg0: i32) -> (i32, i32) {
    %c0_i32 = arith.constant 0 : i32
    %c0_i32_0 = arith.constant 0 : i32
    return %arg0, %c0_i32 : i32, i32
  }
  func.func @transform_1(%arg0: i32) -> (i32, i32) {
    %c0_i32 = arith.constant 0 : i32
    %c0_i32_0 = arith.constant 0 : i32
    return %arg0, %c0_i32 : i32, i32
  }
  func.func @transform_2(%arg0: i32) -> (i32, i32, i32) {
    %c0_i32 = arith.constant 0 : i32
    %c0_i32_0 = arith.constant 0 : i32
    %c0_i32_1 = arith.constant 0 : i32
    return %arg0, %c0_i32, %c0_i32_0 : i32, i32, i32
  }
  func.func @transform_3(%arg0: i32) -> (i32, i32) {
    %c0_i32 = arith.constant 0 : i32
    %c0_i32_0 = arith.constant 0 : i32
    %c0_i32_1 = arith.constant 0 : i32
    return %c0_i32, %c0_i32_0 : i32, i32
  }
  func.func @transform_4(%arg0: i32) -> (i32, i32) {
    %c0_i32 = arith.constant 0 : i32
    %c0_i32_0 = arith.constant 0 : i32
    %c0_i32_1 = arith.constant 0 : i32
    return %c0_i32, %c0_i32_0 : i32, i32
  }
  func.func @transform_5(%arg0: i32) -> (i32, i32) {
    %c0_i32 = arith.constant 0 : i32
    %c0_i32_0 = arith.constant 0 : i32
    %c0_i32_1 = arith.constant 0 : i32
    return %c0_i32, %c0_i32_0 : i32, i32
  }
  func.func @transform_6(%arg0: i32) -> (i32, i32) {
    %c0_i32 = arith.constant 0 : i32
    %c0_i32_0 = arith.constant 0 : i32
    %c0_i32_1 = arith.constant 0 : i32
    return %c0_i32, %c0_i32_0 : i32, i32
  }
  func.func @transform_7(%arg0: i32) -> (i32, i32) {
    %c0_i32 = arith.constant 0 : i32
    %c0_i32_0 = arith.constant 0 : i32
    %c0_i32_1 = arith.constant 0 : i32
    return %c0_i32, %c0_i32_0 : i32, i32
  }
  func.func @transform_8(%arg0: i32) -> (i32, i32) {
    %c0_i32 = arith.constant 0 : i32
    %c0_i32_0 = arith.constant 0 : i32
    %c0_i32_1 = arith.constant 0 : i32
    return %c0_i32, %c0_i32_0 : i32, i32
  }
  func.func @transform_9(%arg0: i32) -> (i32, i32) {
    %c0_i32 = arith.constant 0 : i32
    %c0_i32_0 = arith.constant 0 : i32
    %c0_i32_1 = arith.constant 0 : i32
    return %c0_i32, %c0_i32_0 : i32, i32
  }
  func.func @transform_10(%arg0: i32) -> (i32, i32) {
    %c0_i32 = arith.constant 0 : i32
    %c0_i32_0 = arith.constant 0 : i32
    %c0_i32_1 = arith.constant 0 : i32
    return %c0_i32, %c0_i32_0 : i32, i32
  }
  func.func @transform_11(%arg0: i32) -> (i32, i32) {
    %c0_i32 = arith.constant 0 : i32
    %c0_i32_0 = arith.constant 0 : i32
    %c0_i32_1 = arith.constant 0 : i32
    return %c0_i32, %c0_i32_0 : i32, i32
  }
  func.func @transform_12(%arg0: i32) -> (i32, i32) {
    %c0_i32 = arith.constant 0 : i32
    %c0_i32_0 = arith.constant 0 : i32
    return %arg0, %c0_i32 : i32, i32
  }
}

module attributes {stable_mosaic.version = 14 : i64} {
  func.func @body(%arg0: i32, %arg1: memref<2048x64xf32, #tpu.memory_space<vmem>>, %arg2: memref<2048x64xf32, #tpu.memory_space<vmem>>, %arg3: memref<1x1x2048xi32, #tpu.memory_space<vmem>>, %arg4: memref<1x64xf32, #tpu.memory_space<vmem>>, %arg5: memref<64x64xf32, #tpu.memory_space<vmem>>, %arg6: memref<1x64xf32, #tpu.memory_space<vmem>>, %arg7: memref<1x64xf32, #tpu.memory_space<vmem>>, %arg8: memref<1x64xf32, #tpu.memory_space<vmem>>, %arg9: memref<64x64xf32, #tpu.memory_space<vmem>>, %arg10: memref<1x64xf32, #tpu.memory_space<vmem>>, %arg11: memref<256x64xf32, #tpu.memory_space<vmem>>) attributes {dimension_semantics = [#tpu.dimension_semantics<arbitrary>], iteration_bounds = array<i64: 10>, scalar_prefetch = 0 : i64, scratch_operands = 0 : i64, tpu.core_type = #tpu.core_type<tc>, window_params = [{transform_indices = @transform_0, window_bounds = array<i64: 2048, 64>}, {transform_indices = @transform_1, window_bounds = array<i64: 2048, 64>}, {transform_indices = @transform_2, window_bounds = array<i64: 1, 1, 2048>}, {pipeline_mode = #tpu.pipeline_mode<synchronous>, transform_indices = @transform_3, window_bounds = array<i64: 1, 64>}, {pipeline_mode = #tpu.pipeline_mode<synchronous>, transform_indices = @transform_4, window_bounds = array<i64: 64, 64>}, {pipeline_mode = #tpu.pipeline_mode<synchronous>, transform_indices = @transform_5, window_bounds = array<i64: 1, 64>}, {pipeline_mode = #tpu.pipeline_mode<synchronous>, transform_indices = @transform_6, window_bounds = array<i64: 1, 64>}, {pipeline_mode = #tpu.pipeline_mode<synchronous>, transform_indices = @transform_7, window_bounds = array<i64: 1, 64>}, {pipeline_mode = #tpu.pipeline_mode<synchronous>, transform_indices = @transform_8, window_bounds = array<i64: 64, 64>}, {pipeline_mode = #tpu.pipeline_mode<synchronous>, transform_indices = @transform_9, window_bounds = array<i64: 1, 64>}, {pipeline_mode = #tpu.pipeline_mode<synchronous>, transform_indices = @transform_10, window_bounds = array<i64: 256, 64>}]} {
    %get3A = arith.constant 0 : index
    %get3A_0 = arith.constant 0 : index
    %get3A_1 = vector.load %arg1[%get3A, %get3A_0] : memref<2048x64xf32, #tpu.memory_space<vmem>>, vector<2048x64xf32>
    %get3A_2 = arith.constant 0 : index
    %get3A_3 = arith.constant 0 : index
    %get3A_4 = vector.load %arg2[%get3A_2, %get3A_3] : memref<2048x64xf32, #tpu.memory_space<vmem>>, vector<2048x64xf32>
    %add3A = arith.addf %get3A_1, %get3A_4 : vector<2048x64xf32>
    %get3A_5 = arith.constant 0 : index
    %get3A_6 = arith.constant 0 : index
    %get3A_7 = vector.load %arg4[%get3A_5, %get3A_6] : memref<1x64xf32, #tpu.memory_space<vmem>>, vector<1x64xf32>
    %add3A_8 = vector.broadcast %get3A_7 : vector<1x64xf32> to vector<2048x64xf32>
    %add3A_9 = arith.addf %add3A, %add3A_8 : vector<2048x64xf32>
    %max3A = arith.constant 0.000000e+00 : f32
    %max3A_10 = vector.broadcast %max3A : f32 to vector<2048x64xf32>
    %max3A_11 = arith.maximumf %add3A_9, %max3A_10 : vector<2048x64xf32>
    %get3A_12 = arith.constant 0 : index
    %get3A_13 = arith.constant 0 : index
    %get3A_14 = vector.load %arg5[%get3A_12, %get3A_13] : memref<64x64xf32, #tpu.memory_space<vmem>>, vector<64x64xf32>
    %dot_general3A = arith.constant dense<0.000000e+00> : vector<2048x64xf32>
    %dot_general3A_15 = tpu.matmul %max3A_11, %get3A_14, %dot_general3A {dimension_numbers = #tpu.dot_dimension_numbers<[1], [0], [0], [1], [0, 0, 1, 1], [], []>, transpose_lhs_hint = false} : vector<2048x64xf32>, vector<64x64xf32>, vector<2048x64xf32> -> vector<2048x64xf32>
    %get3A_16 = arith.constant 0 : index
    %get3A_17 = arith.constant 0 : index
    %get3A_18 = vector.load %arg6[%get3A_16, %get3A_17] : memref<1x64xf32, #tpu.memory_space<vmem>>, vector<1x64xf32>
    %add3A_19 = vector.broadcast %get3A_18 : vector<1x64xf32> to vector<2048x64xf32>
    %add3A_20 = arith.addf %dot_general3A_15, %add3A_19 : vector<2048x64xf32>
    %get3A_21 = arith.constant 0 : index
    %get3A_22 = arith.constant 0 : index
    %get3A_23 = vector.load %arg7[%get3A_21, %get3A_22] : memref<1x64xf32, #tpu.memory_space<vmem>>, vector<1x64xf32>
    %mul3A = vector.broadcast %get3A_23 : vector<1x64xf32> to vector<2048x64xf32>
    %mul3A_24 = arith.mulf %add3A_20, %mul3A : vector<2048x64xf32>
    %get3A_25 = arith.constant 0 : index
    %get3A_26 = arith.constant 0 : index
    %get3A_27 = vector.load %arg8[%get3A_25, %get3A_26] : memref<1x64xf32, #tpu.memory_space<vmem>>, vector<1x64xf32>
    %add3A_28 = vector.broadcast %get3A_27 : vector<1x64xf32> to vector<2048x64xf32>
    %add3A_29 = arith.addf %mul3A_24, %add3A_28 : vector<2048x64xf32>
    %max3A_30 = arith.constant 0.000000e+00 : f32
    %max3A_31 = vector.broadcast %max3A_30 : f32 to vector<2048x64xf32>
    %max3A_32 = arith.maximumf %add3A_29, %max3A_31 : vector<2048x64xf32>
    %get3A_33 = arith.constant 0 : index
    %get3A_34 = arith.constant 0 : index
    %get3A_35 = vector.load %arg9[%get3A_33, %get3A_34] : memref<64x64xf32, #tpu.memory_space<vmem>>, vector<64x64xf32>
    %dot_general3A_36 = arith.constant dense<0.000000e+00> : vector<2048x64xf32>
    %dot_general3A_37 = tpu.matmul %max3A_32, %get3A_35, %dot_general3A_36 {dimension_numbers = #tpu.dot_dimension_numbers<[1], [0], [0], [1], [0, 0, 1, 1], [], []>, transpose_lhs_hint = false} : vector<2048x64xf32>, vector<64x64xf32>, vector<2048x64xf32> -> vector<2048x64xf32>
    %get3A_38 = arith.constant 0 : index
    %get3A_39 = arith.constant 0 : index
    %get3A_40 = vector.load %arg10[%get3A_38, %get3A_39] : memref<1x64xf32, #tpu.memory_space<vmem>>, vector<1x64xf32>
    %add3A_41 = vector.broadcast %get3A_40 : vector<1x64xf32> to vector<2048x64xf32>
    %add3A_42 = arith.addf %dot_general3A_37, %add3A_41 : vector<2048x64xf32>
    %max3A_43 = arith.constant 0.000000e+00 : f32
    %max3A_44 = vector.broadcast %max3A_43 : f32 to vector<2048x64xf32>
    %max3A_45 = arith.maximumf %add3A_42, %max3A_44 : vector<2048x64xf32>
    %get3A_46 = arith.constant 0 : index
    %get3A_47 = arith.constant 0 : index
    %get3A_48 = arith.constant 0 : index
    %get3A_49 = vector.load %arg3[%get3A_46, %get3A_47, %get3A_48] : memref<1x1x2048xi32, #tpu.memory_space<vmem>>, vector<1x1x2048xi32>
    %get3A_50 = vector.shape_cast %get3A_49 : vector<1x1x2048xi32> to vector<2048xi32>
    %broadcast_in_dim3A = vector.shape_cast %get3A_50 : vector<2048xi32> to vector<1x2048xi32>
    %iota3A = tpu.iota {dimensions = array<i32: 0>} : vector<256x2048xi32>
    %eq3A = vector.broadcast %broadcast_in_dim3A : vector<1x2048xi32> to vector<256x2048xi32>
    %eq3A_51 = arith.cmpi eq, %eq3A, %iota3A : vector<256x2048xi32>
    %convert_element_type3A = arith.extui %eq3A_51 : vector<256x2048xi1> to vector<256x2048xi32>
    %convert_element_type3A_52 = arith.sitofp %convert_element_type3A : vector<256x2048xi32> to vector<256x2048xf32>
    %dot_general3A_53 = arith.constant dense<0.000000e+00> : vector<256x64xf32>
    %dot_general3A_54 = tpu.matmul %convert_element_type3A_52, %max3A_45, %dot_general3A_53 {dimension_numbers = #tpu.dot_dimension_numbers<[1], [0], [0], [1], [0, 0, 1, 1], [], []>, transpose_lhs_hint = false} : vector<256x2048xf32>, vector<2048x64xf32>, vector<256x64xf32> -> vector<256x64xf32>
    %eq3A_55 = arith.constant 0 : i32
    %eq3A_56 = arith.cmpi eq, %arg0, %eq3A_55 : i32
    %convert_element_type3A_57 = arith.extui %eq3A_56 : i1 to i32
    %cond3A = arith.constant 0 : i32
    %cond3A_58 = arith.cmpi ne, %convert_element_type3A_57, %cond3A : i32
    scf.if %cond3A_58 {
      %swap3A = arith.constant 0 : index
      %swap3A_63 = arith.constant 0 : index
      %swap3A_64 = vector.load %arg11[%swap3A, %swap3A_63] : memref<256x64xf32, #tpu.memory_space<vmem>>, vector<256x64xf32>
      tpu.vector_store %arg11[%swap3A, %swap3A_63], %dot_general3A_54 {strides = array<i32>} : memref<256x64xf32, #tpu.memory_space<vmem>>, vector<256x64xf32>,
    } else {
    }
    %gt3A = arith.constant 0 : i32
    %gt3A_59 = arith.cmpi sgt, %arg0, %gt3A : i32
    %convert_element_type3A_60 = arith.extui %gt3A_59 : i1 to i32
    %cond3A_61 = arith.constant 0 : i32
    %cond3A_62 = arith.cmpi ne, %convert_element_type3A_60, %cond3A_61 : i32
    scf.if %cond3A_62 {
      %get3A_63 = arith.constant 0 : index
      %get3A_64 = arith.constant 0 : index
      %get3A_65 = vector.load %arg11[%get3A_63, %get3A_64] : memref<256x64xf32, #tpu.memory_space<vmem>>, vector<256x64xf32>
      %add3A_66 = arith.addf %get3A_65, %dot_general3A_54 : vector<256x64xf32>
      %swap3A = arith.constant 0 : index
      %swap3A_67 = arith.constant 0 : index
      %swap3A_68 = vector.load %arg11[%swap3A, %swap3A_67] : memref<256x64xf32, #tpu.memory_space<vmem>>, vector<256x64xf32>
      tpu.vector_store %arg11[%swap3A, %swap3A_67], %add3A_66 {strides = array<i32>} : memref<256x64xf32, #tpu.memory_space<vmem>>, vector<256x64xf32>,
    } else {
    }
    return
  }
  func.func @transform_0(%arg0: i32) -> (i32, i32) {
    %c0_i32 = arith.constant 0 : i32
    %c0_i32_0 = arith.constant 0 : i32
    return %arg0, %c0_i32 : i32, i32
  }
  func.func @transform_1(%arg0: i32) -> (i32, i32) {
    %c0_i32 = arith.constant 0 : i32
    %c0_i32_0 = arith.constant 0 : i32
    return %arg0, %c0_i32 : i32, i32
  }
  func.func @transform_2(%arg0: i32) -> (i32, i32, i32) {
    %c0_i32 = arith.constant 0 : i32
    %c0_i32_0 = arith.constant 0 : i32
    %c0_i32_1 = arith.constant 0 : i32
    return %arg0, %c0_i32, %c0_i32_0 : i32, i32, i32
  }
  func.func @transform_3(%arg0: i32) -> (i32, i32) {
    %c0_i32 = arith.constant 0 : i32
    %c0_i32_0 = arith.constant 0 : i32
    %c0_i32_1 = arith.constant 0 : i32
    return %c0_i32, %c0_i32_0 : i32, i32
  }
  func.func @transform_4(%arg0: i32) -> (i32, i32) {
    %c0_i32 = arith.constant 0 : i32
    %c0_i32_0 = arith.constant 0 : i32
    %c0_i32_1 = arith.constant 0 : i32
    return %c0_i32, %c0_i32_0 : i32, i32
  }
  func.func @transform_5(%arg0: i32) -> (i32, i32) {
    %c0_i32 = arith.constant 0 : i32
    %c0_i32_0 = arith.constant 0 : i32
    %c0_i32_1 = arith.constant 0 : i32
    return %c0_i32, %c0_i32_0 : i32, i32
  }
  func.func @transform_6(%arg0: i32) -> (i32, i32) {
    %c0_i32 = arith.constant 0 : i32
    %c0_i32_0 = arith.constant 0 : i32
    %c0_i32_1 = arith.constant 0 : i32
    return %c0_i32, %c0_i32_0 : i32, i32
  }
  func.func @transform_7(%arg0: i32) -> (i32, i32) {
    %c0_i32 = arith.constant 0 : i32
    %c0_i32_0 = arith.constant 0 : i32
    %c0_i32_1 = arith.constant 0 : i32
    return %c0_i32, %c0_i32_0 : i32, i32
  }
  func.func @transform_8(%arg0: i32) -> (i32, i32) {
    %c0_i32 = arith.constant 0 : i32
    %c0_i32_0 = arith.constant 0 : i32
    %c0_i32_1 = arith.constant 0 : i32
    return %c0_i32, %c0_i32_0 : i32, i32
  }
  func.func @transform_9(%arg0: i32) -> (i32, i32) {
    %c0_i32 = arith.constant 0 : i32
    %c0_i32_0 = arith.constant 0 : i32
    %c0_i32_1 = arith.constant 0 : i32
    return %c0_i32, %c0_i32_0 : i32, i32
  }
  func.func @transform_10(%arg0: i32) -> (i32, i32) {
    %c0_i32 = arith.constant 0 : i32
    %c0_i32_0 = arith.constant 0 : i32
    %c0_i32_1 = arith.constant 0 : i32
    return %c0_i32, %c0_i32_0 : i32, i32
  }
}

module attributes {stable_mosaic.version = 14 : i64} {
  func.func @_head_body(%arg0: memref<256x64xf32, #tpu.memory_space<vmem>>, %arg1: memref<256x64xf32, #tpu.memory_space<vmem>>, %arg2: memref<256x64xf32, #tpu.memory_space<vmem>>, %arg3: memref<64x64xf32, #tpu.memory_space<vmem>>, %arg4: memref<1x64xf32, #tpu.memory_space<vmem>>, %arg5: memref<64x64xf32, #tpu.memory_space<vmem>>, %arg6: memref<1x64xf32, #tpu.memory_space<vmem>>, %arg7: memref<64x64xf32, #tpu.memory_space<vmem>>, %arg8: memref<1x64xf32, #tpu.memory_space<vmem>>, %arg9: memref<3072x192xf32, #tpu.memory_space<vmem>>, %arg10: memref<384x16xf32, #tpu.memory_space<vmem>>, %arg11: memref<1x16xf32, #tpu.memory_space<vmem>>, %arg12: memref<192x96xf32, #tpu.memory_space<vmem>>, %arg13: memref<1x96xf32, #tpu.memory_space<vmem>>, %arg14: memref<96x96xf32, #tpu.memory_space<vmem>>, %arg15: memref<1x96xf32, #tpu.memory_space<vmem>>, %arg16: memref<96x16xf32, #tpu.memory_space<vmem>>, %arg17: memref<1x16xf32, #tpu.memory_space<vmem>>, %arg18: memref<16x1xf32, #tpu.memory_space<vmem>>, %arg19: memref<1x1xf32, #tpu.memory_space<vmem>>, %arg20: memref<16x16xf32, #tpu.memory_space<vmem>>, %arg21: memref<1x16xf32, #tpu.memory_space<vmem>>, %arg22: memref<16x1xf32, #tpu.memory_space<vmem>>, %arg23: memref<1x1xf32, #tpu.memory_space<vmem>>, %arg24: memref<128x2xf32, #tpu.memory_space<vmem>>) attributes {dimension_semantics = [], scalar_prefetch = 0 : i64, scratch_operands = 0 : i64, tpu.core_type = #tpu.core_type<tc>} {
    %get3A = arith.constant 0 : index
    %get3A_0 = arith.constant 0 : index
    %get3A_1 = vector.load %arg0[%get3A, %get3A_0] : memref<256x64xf32, #tpu.memory_space<vmem>>, vector<256x64xf32>
    %get3A_2 = arith.constant 0 : index
    %get3A_3 = arith.constant 0 : index
    %get3A_4 = vector.load %arg3[%get3A_2, %get3A_3] : memref<64x64xf32, #tpu.memory_space<vmem>>, vector<64x64xf32>
    %dot_general3A = arith.constant dense<0.000000e+00> : vector<256x64xf32>
    %dot_general3A_5 = tpu.matmul %get3A_1, %get3A_4, %dot_general3A {dimension_numbers = #tpu.dot_dimension_numbers<[1], [0], [0], [1], [0, 0, 1, 1], [], []>, transpose_lhs_hint = false} : vector<256x64xf32>, vector<64x64xf32>, vector<256x64xf32> -> vector<256x64xf32>
    %get3A_6 = arith.constant 0 : index
    %get3A_7 = arith.constant 0 : index
    %get3A_8 = vector.load %arg4[%get3A_6, %get3A_7] : memref<1x64xf32, #tpu.memory_space<vmem>>, vector<1x64xf32>
    %add3A = vector.broadcast %get3A_8 : vector<1x64xf32> to vector<256x64xf32>
    %add3A_9 = arith.addf %dot_general3A_5, %add3A : vector<256x64xf32>
    %max3A = arith.constant 0.000000e+00 : f32
    %max3A_10 = vector.broadcast %max3A : f32 to vector<256x64xf32>
    %max3A_11 = arith.maximumf %add3A_9, %max3A_10 : vector<256x64xf32>
    %get3A_12 = arith.constant 0 : index
    %get3A_13 = arith.constant 0 : index
    %get3A_14 = vector.load %arg1[%get3A_12, %get3A_13] : memref<256x64xf32, #tpu.memory_space<vmem>>, vector<256x64xf32>
    %get3A_15 = arith.constant 0 : index
    %get3A_16 = arith.constant 0 : index
    %get3A_17 = vector.load %arg5[%get3A_15, %get3A_16] : memref<64x64xf32, #tpu.memory_space<vmem>>, vector<64x64xf32>
    %dot_general3A_18 = arith.constant dense<0.000000e+00> : vector<256x64xf32>
    %dot_general3A_19 = tpu.matmul %get3A_14, %get3A_17, %dot_general3A_18 {dimension_numbers = #tpu.dot_dimension_numbers<[1], [0], [0], [1], [0, 0, 1, 1], [], []>, transpose_lhs_hint = false} : vector<256x64xf32>, vector<64x64xf32>, vector<256x64xf32> -> vector<256x64xf32>
    %get3A_20 = arith.constant 0 : index
    %get3A_21 = arith.constant 0 : index
    %get3A_22 = vector.load %arg6[%get3A_20, %get3A_21] : memref<1x64xf32, #tpu.memory_space<vmem>>, vector<1x64xf32>
    %add3A_23 = vector.broadcast %get3A_22 : vector<1x64xf32> to vector<256x64xf32>
    %add3A_24 = arith.addf %dot_general3A_19, %add3A_23 : vector<256x64xf32>
    %max3A_25 = arith.constant 0.000000e+00 : f32
    %max3A_26 = vector.broadcast %max3A_25 : f32 to vector<256x64xf32>
    %max3A_27 = arith.maximumf %add3A_24, %max3A_26 : vector<256x64xf32>
    %get3A_28 = arith.constant 0 : index
    %get3A_29 = arith.constant 0 : index
    %get3A_30 = vector.load %arg2[%get3A_28, %get3A_29] : memref<256x64xf32, #tpu.memory_space<vmem>>, vector<256x64xf32>
    %get3A_31 = arith.constant 0 : index
    %get3A_32 = arith.constant 0 : index
    %get3A_33 = vector.load %arg7[%get3A_31, %get3A_32] : memref<64x64xf32, #tpu.memory_space<vmem>>, vector<64x64xf32>
    %dot_general3A_34 = arith.constant dense<0.000000e+00> : vector<256x64xf32>
    %dot_general3A_35 = tpu.matmul %get3A_30, %get3A_33, %dot_general3A_34 {dimension_numbers = #tpu.dot_dimension_numbers<[1], [0], [0], [1], [0, 0, 1, 1], [], []>, transpose_lhs_hint = false} : vector<256x64xf32>, vector<64x64xf32>, vector<256x64xf32> -> vector<256x64xf32>
    %get3A_36 = arith.constant 0 : index
    %get3A_37 = arith.constant 0 : index
    %get3A_38 = vector.load %arg8[%get3A_36, %get3A_37] : memref<1x64xf32, #tpu.memory_space<vmem>>, vector<1x64xf32>
    %add3A_39 = vector.broadcast %get3A_38 : vector<1x64xf32> to vector<256x64xf32>
    %add3A_40 = arith.addf %dot_general3A_35, %add3A_39 : vector<256x64xf32>
    %max3A_41 = arith.constant 0.000000e+00 : f32
    %max3A_42 = vector.broadcast %max3A_41 : f32 to vector<256x64xf32>
    %max3A_43 = arith.maximumf %add3A_40, %max3A_42 : vector<256x64xf32>
    %slice3A = vector.extract_strided_slice %max3A_11 {offsets = [0, 0], sizes = [128, 64], strides = [1, 1]} : vector<256x64xf32> to vector<128x64xf32>
    %slice3A_44 = vector.extract_strided_slice %max3A_27 {offsets = [0, 0], sizes = [128, 64], strides = [1, 1]} : vector<256x64xf32> to vector<128x64xf32>
    %slice3A_45 = vector.extract_strided_slice %max3A_43 {offsets = [0, 0], sizes = [128, 64], strides = [1, 1]} : vector<256x64xf32> to vector<128x64xf32>
    %concatenate3A = tpu.concatenate %slice3A, %slice3A_44, %slice3A_45 in 1 : vector<128x64xf32>, vector<128x64xf32>, vector<128x64xf32> -> vector<128x192xf32>
    %slice3A_46 = vector.extract_strided_slice %max3A_11 {offsets = [128, 0], sizes = [128, 64], strides = [1, 1]} : vector<256x64xf32> to vector<128x64xf32>
    %slice3A_47 = vector.extract_strided_slice %max3A_27 {offsets = [128, 0], sizes = [128, 64], strides = [1, 1]} : vector<256x64xf32> to vector<128x64xf32>
    %slice3A_48 = vector.extract_strided_slice %max3A_43 {offsets = [128, 0], sizes = [128, 64], strides = [1, 1]} : vector<256x64xf32> to vector<128x64xf32>
    %concatenate3A_49 = tpu.concatenate %slice3A_46, %slice3A_47, %slice3A_48 in 1 : vector<128x64xf32>, vector<128x64xf32>, vector<128x64xf32> -> vector<128x192xf32>
    %sub3A = arith.subf %concatenate3A, %concatenate3A_49 : vector<128x192xf32>
    %square3A = arith.mulf %sub3A, %sub3A : vector<128x192xf32>
    %neg3A = arith.constant 0.000000e+00 : f32
    %neg3A_50 = vector.broadcast %neg3A : f32 to vector<128x192xf32>
    %neg3A_51 = arith.subf %neg3A_50, %square3A : vector<128x192xf32>
    %exp3A = math.exp %neg3A_51 : vector<128x192xf32>
    %get3A_52 = arith.constant 0 : index
    %get3A_53 = arith.constant 0 : index
    %get3A_54 = vector.load %arg12[%get3A_52, %get3A_53] : memref<192x96xf32, #tpu.memory_space<vmem>>, vector<192x96xf32>
    %dot_general3A_55 = arith.constant dense<0.000000e+00> : vector<128x96xf32>
    %dot_general3A_56 = tpu.matmul %exp3A, %get3A_54, %dot_general3A_55 {dimension_numbers = #tpu.dot_dimension_numbers<[1], [0], [0], [1], [0, 0, 1, 1], [], []>, transpose_lhs_hint = false} : vector<128x192xf32>, vector<192x96xf32>, vector<128x96xf32> -> vector<128x96xf32>
    %get3A_57 = arith.constant 0 : index
    %get3A_58 = arith.constant 0 : index
    %get3A_59 = vector.load %arg13[%get3A_57, %get3A_58] : memref<1x96xf32, #tpu.memory_space<vmem>>, vector<1x96xf32>
    %add3A_60 = vector.broadcast %get3A_59 : vector<1x96xf32> to vector<128x96xf32>
    %add3A_61 = arith.addf %dot_general3A_56, %add3A_60 : vector<128x96xf32>
    %max3A_62 = arith.constant 0.000000e+00 : f32
    %max3A_63 = vector.broadcast %max3A_62 : f32 to vector<128x96xf32>
    %max3A_64 = arith.maximumf %add3A_61, %max3A_63 : vector<128x96xf32>
    %get3A_65 = arith.constant 0 : index
    %get3A_66 = arith.constant 0 : index
    %get3A_67 = vector.load %arg14[%get3A_65, %get3A_66] : memref<96x96xf32, #tpu.memory_space<vmem>>, vector<96x96xf32>
    %dot_general3A_68 = arith.constant dense<0.000000e+00> : vector<128x96xf32>
    %dot_general3A_69 = tpu.matmul %max3A_64, %get3A_67, %dot_general3A_68 {dimension_numbers = #tpu.dot_dimension_numbers<[1], [0], [0], [1], [0, 0, 1, 1], [], []>, transpose_lhs_hint = false} : vector<128x96xf32>, vector<96x96xf32>, vector<128x96xf32> -> vector<128x96xf32>
    %get3A_70 = arith.constant 0 : index
    %get3A_71 = arith.constant 0 : index
    %get3A_72 = vector.load %arg15[%get3A_70, %get3A_71] : memref<1x96xf32, #tpu.memory_space<vmem>>, vector<1x96xf32>
    %add3A_73 = vector.broadcast %get3A_72 : vector<1x96xf32> to vector<128x96xf32>
    %add3A_74 = arith.addf %dot_general3A_69, %add3A_73 : vector<128x96xf32>
    %tanh3A = math.tanh %add3A_74 : vector<128x96xf32>
    %get3A_75 = arith.constant 0 : index
    %get3A_76 = arith.constant 0 : index
    %get3A_77 = vector.load %arg16[%get3A_75, %get3A_76] : memref<96x16xf32, #tpu.memory_space<vmem>>, vector<96x16xf32>
    %dot_general3A_78 = arith.constant dense<0.000000e+00> : vector<128x16xf32>
    %dot_general3A_79 = tpu.matmul %tanh3A, %get3A_77, %dot_general3A_78 {dimension_numbers = #tpu.dot_dimension_numbers<[1], [0], [0], [1], [0, 0, 1, 1], [], []>, transpose_lhs_hint = false} : vector<128x96xf32>, vector<96x16xf32>, vector<128x16xf32> -> vector<128x16xf32>
    %get3A_80 = arith.constant 0 : index
    %get3A_81 = arith.constant 0 : index
    %get3A_82 = vector.load %arg17[%get3A_80, %get3A_81] : memref<1x16xf32, #tpu.memory_space<vmem>>, vector<1x16xf32>
    %add3A_83 = vector.broadcast %get3A_82 : vector<1x16xf32> to vector<128x16xf32>
    %add3A_84 = arith.addf %dot_general3A_79, %add3A_83 : vector<128x16xf32>
    %max3A_85 = arith.constant 0.000000e+00 : f32
    %max3A_86 = vector.broadcast %max3A_85 : f32 to vector<128x16xf32>
    %max3A_87 = arith.maximumf %add3A_84, %max3A_86 : vector<128x16xf32>
    %get3A_88 = arith.constant 0 : index
    %get3A_89 = arith.constant 0 : index
    %get3A_90 = vector.load %arg18[%get3A_88, %get3A_89] : memref<16x1xf32, #tpu.memory_space<vmem>>, vector<16x1xf32>
    %dot_general3A_91 = arith.constant dense<0.000000e+00> : vector<128x1xf32>
    %dot_general3A_92 = tpu.matmul %max3A_87, %get3A_90, %dot_general3A_91 {dimension_numbers = #tpu.dot_dimension_numbers<[1], [0], [0], [1], [0, 0, 1, 1], [], []>, transpose_lhs_hint = false} : vector<128x16xf32>, vector<16x1xf32>, vector<128x1xf32> -> vector<128x1xf32>
    %get3A_93 = arith.constant 0 : index
    %get3A_94 = arith.constant 0 : index
    %get3A_95 = vector.load %arg19[%get3A_93, %get3A_94] : memref<1x1xf32, #tpu.memory_space<vmem>>, vector<1x1xf32>
    %add3A_96 = vector.broadcast %get3A_95 : vector<1x1xf32> to vector<128x1xf32>
    %add3A_97 = arith.addf %dot_general3A_92, %add3A_96 : vector<128x1xf32>
    %logistic3A = arith.negf %add3A_97 : vector<128x1xf32>
    %logistic3A_98 = math.exp %logistic3A : vector<128x1xf32>
    %logistic3A_99 = arith.constant 1.000000e+00 : f32
    %logistic3A_100 = vector.broadcast %logistic3A_99 : f32 to vector<128x1xf32>
    %logistic3A_101 = arith.addf %logistic3A_100, %logistic3A_98 : vector<128x1xf32>
    %logistic3A_102 = arith.divf %logistic3A_100, %logistic3A_101 : vector<128x1xf32>
    %get3A_103 = arith.constant 0 : index
    %get3A_104 = arith.constant 0 : index
    %get3A_105 = vector.load %arg9[%get3A_103, %get3A_104] : memref<3072x192xf32, #tpu.memory_space<vmem>>, vector<192x192xf32>
    %dot_general3A_106 = arith.constant dense<0.000000e+00> : vector<128x192xf32>
    %dot_general3A_107 = tpu.matmul %concatenate3A, %get3A_105, %dot_general3A_106 {dimension_numbers = #tpu.dot_dimension_numbers<[1], [0], [0], [1], [0, 0, 1, 1], [], []>, transpose_lhs_hint = false} : vector<128x192xf32>, vector<192x192xf32>, vector<128x192xf32> -> vector<128x192xf32>
    %mul3A = arith.mulf %dot_general3A_107, %concatenate3A_49 : vector<128x192xf32>
    %reduce_sum3A = arith.constant dense<0.000000e+00> : vector<128xf32>
    %reduce_sum3A_108 = vector.multi_reduction <add>, %mul3A, %reduce_sum3A [1] : vector<128x192xf32> to vector<128xf32>
    %broadcast_in_dim3A = vector.shape_cast %reduce_sum3A_108 : vector<128xf32> to vector<128x1xf32>
    %get3A_109 = arith.constant 192 : index
    %get3A_110 = arith.constant 0 : index
    %get3A_111 = vector.load %arg9[%get3A_109, %get3A_110] : memref<3072x192xf32, #tpu.memory_space<vmem>>, vector<192x192xf32>
    %dot_general3A_112 = arith.constant dense<0.000000e+00> : vector<128x192xf32>
    %dot_general3A_113 = tpu.matmul %concatenate3A, %get3A_111, %dot_general3A_112 {dimension_numbers = #tpu.dot_dimension_numbers<[1], [0], [0], [1], [0, 0, 1, 1], [], []>, transpose_lhs_hint = false} : vector<128x192xf32>, vector<192x192xf32>, vector<128x192xf32> -> vector<128x192xf32>
    %mul3A_114 = arith.mulf %dot_general3A_113, %concatenate3A_49 : vector<128x192xf32>
    %reduce_sum3A_115 = arith.constant dense<0.000000e+00> : vector<128xf32>
    %reduce_sum3A_116 = vector.multi_reduction <add>, %mul3A_114, %reduce_sum3A_115 [1] : vector<128x192xf32> to vector<128xf32>
    %broadcast_in_dim3A_117 = vector.shape_cast %reduce_sum3A_116 : vector<128xf32> to vector<128x1xf32>
    %get3A_118 = arith.constant 384 : index
    %get3A_119 = arith.constant 0 : index
    %get3A_120 = vector.load %arg9[%get3A_118, %get3A_119] : memref<3072x192xf32, #tpu.memory_space<vmem>>, vector<192x192xf32>
    %dot_general3A_121 = arith.constant dense<0.000000e+00> : vector<128x192xf32>
    %dot_general3A_122 = tpu.matmul %concatenate3A, %get3A_120, %dot_general3A_121 {dimension_numbers = #tpu.dot_dimension_numbers<[1], [0], [0], [1], [0, 0, 1, 1], [], []>, transpose_lhs_hint = false} : vector<128x192xf32>, vector<192x192xf32>, vector<128x192xf32> -> vector<128x192xf32>
    %mul3A_123 = arith.mulf %dot_general3A_122, %concatenate3A_49 : vector<128x192xf32>
    %reduce_sum3A_124 = arith.constant dense<0.000000e+00> : vector<128xf32>
    %reduce_sum3A_125 = vector.multi_reduction <add>, %mul3A_123, %reduce_sum3A_124 [1] : vector<128x192xf32> to vector<128xf32>
    %broadcast_in_dim3A_126 = vector.shape_cast %reduce_sum3A_125 : vector<128xf32> to vector<128x1xf32>
    %get3A_127 = arith.constant 576 : index
    %get3A_128 = arith.constant 0 : index
    %get3A_129 = vector.load %arg9[%get3A_127, %get3A_128] : memref<3072x192xf32, #tpu.memory_space<vmem>>, vector<192x192xf32>
    %dot_general3A_130 = arith.constant dense<0.000000e+00> : vector<128x192xf32>
    %dot_general3A_131 = tpu.matmul %concatenate3A, %get3A_129, %dot_general3A_130 {dimension_numbers = #tpu.dot_dimension_numbers<[1], [0], [0], [1], [0, 0, 1, 1], [], []>, transpose_lhs_hint = false} : vector<128x192xf32>, vector<192x192xf32>, vector<128x192xf32> -> vector<128x192xf32>
    %mul3A_132 = arith.mulf %dot_general3A_131, %concatenate3A_49 : vector<128x192xf32>
    %reduce_sum3A_133 = arith.constant dense<0.000000e+00> : vector<128xf32>
    %reduce_sum3A_134 = vector.multi_reduction <add>, %mul3A_132, %reduce_sum3A_133 [1] : vector<128x192xf32> to vector<128xf32>
    %broadcast_in_dim3A_135 = vector.shape_cast %reduce_sum3A_134 : vector<128xf32> to vector<128x1xf32>
    %get3A_136 = arith.constant 768 : index
    %get3A_137 = arith.constant 0 : index
    %get3A_138 = vector.load %arg9[%get3A_136, %get3A_137] : memref<3072x192xf32, #tpu.memory_space<vmem>>, vector<192x192xf32>
    %dot_general3A_139 = arith.constant dense<0.000000e+00> : vector<128x192xf32>
    %dot_general3A_140 = tpu.matmul %concatenate3A, %get3A_138, %dot_general3A_139 {dimension_numbers = #tpu.dot_dimension_numbers<[1], [0], [0], [1], [0, 0, 1, 1], [], []>, transpose_lhs_hint = false} : vector<128x192xf32>, vector<192x192xf32>, vector<128x192xf32> -> vector<128x192xf32>
    %mul3A_141 = arith.mulf %dot_general3A_140, %concatenate3A_49 : vector<128x192xf32>
    %reduce_sum3A_142 = arith.constant dense<0.000000e+00> : vector<128xf32>
    %reduce_sum3A_143 = vector.multi_reduction <add>, %mul3A_141, %reduce_sum3A_142 [1] : vector<128x192xf32> to vector<128xf32>
    %broadcast_in_dim3A_144 = vector.shape_cast %reduce_sum3A_143 : vector<128xf32> to vector<128x1xf32>
    %get3A_145 = arith.constant 960 : index
    %get3A_146 = arith.constant 0 : index
    %get3A_147 = vector.load %arg9[%get3A_145, %get3A_146] : memref<3072x192xf32, #tpu.memory_space<vmem>>, vector<192x192xf32>
    %dot_general3A_148 = arith.constant dense<0.000000e+00> : vector<128x192xf32>
    %dot_general3A_149 = tpu.matmul %concatenate3A, %get3A_147, %dot_general3A_148 {dimension_numbers = #tpu.dot_dimension_numbers<[1], [0], [0], [1], [0, 0, 1, 1], [], []>, transpose_lhs_hint = false} : vector<128x192xf32>, vector<192x192xf32>, vector<128x192xf32> -> vector<128x192xf32>
    %mul3A_150 = arith.mulf %dot_general3A_149, %concatenate3A_49 : vector<128x192xf32>
    %reduce_sum3A_151 = arith.constant dense<0.000000e+00> : vector<128xf32>
    %reduce_sum3A_152 = vector.multi_reduction <add>, %mul3A_150, %reduce_sum3A_151 [1] : vector<128x192xf32> to vector<128xf32>
    %broadcast_in_dim3A_153 = vector.shape_cast %reduce_sum3A_152 : vector<128xf32> to vector<128x1xf32>
    %get3A_154 = arith.constant 1152 : index
    %get3A_155 = arith.constant 0 : index
    %get3A_156 = vector.load %arg9[%get3A_154, %get3A_155] : memref<3072x192xf32, #tpu.memory_space<vmem>>, vector<192x192xf32>
    %dot_general3A_157 = arith.constant dense<0.000000e+00> : vector<128x192xf32>
    %dot_general3A_158 = tpu.matmul %concatenate3A, %get3A_156, %dot_general3A_157 {dimension_numbers = #tpu.dot_dimension_numbers<[1], [0], [0], [1], [0, 0, 1, 1], [], []>, transpose_lhs_hint = false} : vector<128x192xf32>, vector<192x192xf32>, vector<128x192xf32> -> vector<128x192xf32>
    %mul3A_159 = arith.mulf %dot_general3A_158, %concatenate3A_49 : vector<128x192xf32>
    %reduce_sum3A_160 = arith.constant dense<0.000000e+00> : vector<128xf32>
    %reduce_sum3A_161 = vector.multi_reduction <add>, %mul3A_159, %reduce_sum3A_160 [1] : vector<128x192xf32> to vector<128xf32>
    %broadcast_in_dim3A_162 = vector.shape_cast %reduce_sum3A_161 : vector<128xf32> to vector<128x1xf32>
    %get3A_163 = arith.constant 1344 : index
    %get3A_164 = arith.constant 0 : index
    %get3A_165 = vector.load %arg9[%get3A_163, %get3A_164] : memref<3072x192xf32, #tpu.memory_space<vmem>>, vector<192x192xf32>
    %dot_general3A_166 = arith.constant dense<0.000000e+00> : vector<128x192xf32>
    %dot_general3A_167 = tpu.matmul %concatenate3A, %get3A_165, %dot_general3A_166 {dimension_numbers = #tpu.dot_dimension_numbers<[1], [0], [0], [1], [0, 0, 1, 1], [], []>, transpose_lhs_hint = false} : vector<128x192xf32>, vector<192x192xf32>, vector<128x192xf32> -> vector<128x192xf32>
    %mul3A_168 = arith.mulf %dot_general3A_167, %concatenate3A_49 : vector<128x192xf32>
    %reduce_sum3A_169 = arith.constant dense<0.000000e+00> : vector<128xf32>
    %reduce_sum3A_170 = vector.multi_reduction <add>, %mul3A_168, %reduce_sum3A_169 [1] : vector<128x192xf32> to vector<128xf32>
    %broadcast_in_dim3A_171 = vector.shape_cast %reduce_sum3A_170 : vector<128xf32> to vector<128x1xf32>
    %get3A_172 = arith.constant 1536 : index
    %get3A_173 = arith.constant 0 : index
    %get3A_174 = vector.load %arg9[%get3A_172, %get3A_173] : memref<3072x192xf32, #tpu.memory_space<vmem>>, vector<192x192xf32>
    %dot_general3A_175 = arith.constant dense<0.000000e+00> : vector<128x192xf32>
    %dot_general3A_176 = tpu.matmul %concatenate3A, %get3A_174, %dot_general3A_175 {dimension_numbers = #tpu.dot_dimension_numbers<[1], [0], [0], [1], [0, 0, 1, 1], [], []>, transpose_lhs_hint = false} : vector<128x192xf32>, vector<192x192xf32>, vector<128x192xf32> -> vector<128x192xf32>
    %mul3A_177 = arith.mulf %dot_general3A_176, %concatenate3A_49 : vector<128x192xf32>
    %reduce_sum3A_178 = arith.constant dense<0.000000e+00> : vector<128xf32>
    %reduce_sum3A_179 = vector.multi_reduction <add>, %mul3A_177, %reduce_sum3A_178 [1] : vector<128x192xf32> to vector<128xf32>
    %broadcast_in_dim3A_180 = vector.shape_cast %reduce_sum3A_179 : vector<128xf32> to vector<128x1xf32>
    %get3A_181 = arith.constant 1728 : index
    %get3A_182 = arith.constant 0 : index
    %get3A_183 = vector.load %arg9[%get3A_181, %get3A_182] : memref<3072x192xf32, #tpu.memory_space<vmem>>, vector<192x192xf32>
    %dot_general3A_184 = arith.constant dense<0.000000e+00> : vector<128x192xf32>
    %dot_general3A_185 = tpu.matmul %concatenate3A, %get3A_183, %dot_general3A_184 {dimension_numbers = #tpu.dot_dimension_numbers<[1], [0], [0], [1], [0, 0, 1, 1], [], []>, transpose_lhs_hint = false} : vector<128x192xf32>, vector<192x192xf32>, vector<128x192xf32> -> vector<128x192xf32>
    %mul3A_186 = arith.mulf %dot_general3A_185, %concatenate3A_49 : vector<128x192xf32>
    %reduce_sum3A_187 = arith.constant dense<0.000000e+00> : vector<128xf32>
    %reduce_sum3A_188 = vector.multi_reduction <add>, %mul3A_186, %reduce_sum3A_187 [1] : vector<128x192xf32> to vector<128xf32>
    %broadcast_in_dim3A_189 = vector.shape_cast %reduce_sum3A_188 : vector<128xf32> to vector<128x1xf32>
    %get3A_190 = arith.constant 1920 : index
    %get3A_191 = arith.constant 0 : index
    %get3A_192 = vector.load %arg9[%get3A_190, %get3A_191] : memref<3072x192xf32, #tpu.memory_space<vmem>>, vector<192x192xf32>
    %dot_general3A_193 = arith.constant dense<0.000000e+00> : vector<128x192xf32>
    %dot_general3A_194 = tpu.matmul %concatenate3A, %get3A_192, %dot_general3A_193 {dimension_numbers = #tpu.dot_dimension_numbers<[1], [0], [0], [1], [0, 0, 1, 1], [], []>, transpose_lhs_hint = false} : vector<128x192xf32>, vector<192x192xf32>, vector<128x192xf32> -> vector<128x192xf32>
    %mul3A_195 = arith.mulf %dot_general3A_194, %concatenate3A_49 : vector<128x192xf32>
    %reduce_sum3A_196 = arith.constant dense<0.000000e+00> : vector<128xf32>
    %reduce_sum3A_197 = vector.multi_reduction <add>, %mul3A_195, %reduce_sum3A_196 [1] : vector<128x192xf32> to vector<128xf32>
    %broadcast_in_dim3A_198 = vector.shape_cast %reduce_sum3A_197 : vector<128xf32> to vector<128x1xf32>
    %get3A_199 = arith.constant 2112 : index
    %get3A_200 = arith.constant 0 : index
    %get3A_201 = vector.load %arg9[%get3A_199, %get3A_200] : memref<3072x192xf32, #tpu.memory_space<vmem>>, vector<192x192xf32>
    %dot_general3A_202 = arith.constant dense<0.000000e+00> : vector<128x192xf32>
    %dot_general3A_203 = tpu.matmul %concatenate3A, %get3A_201, %dot_general3A_202 {dimension_numbers = #tpu.dot_dimension_numbers<[1], [0], [0], [1], [0, 0, 1, 1], [], []>, transpose_lhs_hint = false} : vector<128x192xf32>, vector<192x192xf32>, vector<128x192xf32> -> vector<128x192xf32>
    %mul3A_204 = arith.mulf %dot_general3A_203, %concatenate3A_49 : vector<128x192xf32>
    %reduce_sum3A_205 = arith.constant dense<0.000000e+00> : vector<128xf32>
    %reduce_sum3A_206 = vector.multi_reduction <add>, %mul3A_204, %reduce_sum3A_205 [1] : vector<128x192xf32> to vector<128xf32>
    %broadcast_in_dim3A_207 = vector.shape_cast %reduce_sum3A_206 : vector<128xf32> to vector<128x1xf32>
    %get3A_208 = arith.constant 2304 : index
    %get3A_209 = arith.constant 0 : index
    %get3A_210 = vector.load %arg9[%get3A_208, %get3A_209] : memref<3072x192xf32, #tpu.memory_space<vmem>>, vector<192x192xf32>
    %dot_general3A_211 = arith.constant dense<0.000000e+00> : vector<128x192xf32>
    %dot_general3A_212 = tpu.matmul %concatenate3A, %get3A_210, %dot_general3A_211 {dimension_numbers = #tpu.dot_dimension_numbers<[1], [0], [0], [1], [0, 0, 1, 1], [], []>, transpose_lhs_hint = false} : vector<128x192xf32>, vector<192x192xf32>, vector<128x192xf32> -> vector<128x192xf32>
    %mul3A_213 = arith.mulf %dot_general3A_212, %concatenate3A_49 : vector<128x192xf32>
    %reduce_sum3A_214 = arith.constant dense<0.000000e+00> : vector<128xf32>
    %reduce_sum3A_215 = vector.multi_reduction <add>, %mul3A_213, %reduce_sum3A_214 [1] : vector<128x192xf32> to vector<128xf32>
    %broadcast_in_dim3A_216 = vector.shape_cast %reduce_sum3A_215 : vector<128xf32> to vector<128x1xf32>
    %get3A_217 = arith.constant 2496 : index
    %get3A_218 = arith.constant 0 : index
    %get3A_219 = vector.load %arg9[%get3A_217, %get3A_218] : memref<3072x192xf32, #tpu.memory_space<vmem>>, vector<192x192xf32>
    %dot_general3A_220 = arith.constant dense<0.000000e+00> : vector<128x192xf32>
    %dot_general3A_221 = tpu.matmul %concatenate3A, %get3A_219, %dot_general3A_220 {dimension_numbers = #tpu.dot_dimension_numbers<[1], [0], [0], [1], [0, 0, 1, 1], [], []>, transpose_lhs_hint = false} : vector<128x192xf32>, vector<192x192xf32>, vector<128x192xf32> -> vector<128x192xf32>
    %mul3A_222 = arith.mulf %dot_general3A_221, %concatenate3A_49 : vector<128x192xf32>
    %reduce_sum3A_223 = arith.constant dense<0.000000e+00> : vector<128xf32>
    %reduce_sum3A_224 = vector.multi_reduction <add>, %mul3A_222, %reduce_sum3A_223 [1] : vector<128x192xf32> to vector<128xf32>
    %broadcast_in_dim3A_225 = vector.shape_cast %reduce_sum3A_224 : vector<128xf32> to vector<128x1xf32>
    %get3A_226 = arith.constant 2688 : index
    %get3A_227 = arith.constant 0 : index
    %get3A_228 = vector.load %arg9[%get3A_226, %get3A_227] : memref<3072x192xf32, #tpu.memory_space<vmem>>, vector<192x192xf32>
    %dot_general3A_229 = arith.constant dense<0.000000e+00> : vector<128x192xf32>
    %dot_general3A_230 = tpu.matmul %concatenate3A, %get3A_228, %dot_general3A_229 {dimension_numbers = #tpu.dot_dimension_numbers<[1], [0], [0], [1], [0, 0, 1, 1], [], []>, transpose_lhs_hint = false} : vector<128x192xf32>, vector<192x192xf32>, vector<128x192xf32> -> vector<128x192xf32>
    %mul3A_231 = arith.mulf %dot_general3A_230, %concatenate3A_49 : vector<128x192xf32>
    %reduce_sum3A_232 = arith.constant dense<0.000000e+00> : vector<128xf32>
    %reduce_sum3A_233 = vector.multi_reduction <add>, %mul3A_231, %reduce_sum3A_232 [1] : vector<128x192xf32> to vector<128xf32>
    %broadcast_in_dim3A_234 = vector.shape_cast %reduce_sum3A_233 : vector<128xf32> to vector<128x1xf32>
    %get3A_235 = arith.constant 2880 : index
    %get3A_236 = arith.constant 0 : index
    %get3A_237 = vector.load %arg9[%get3A_235, %get3A_236] : memref<3072x192xf32, #tpu.memory_space<vmem>>, vector<192x192xf32>
    %dot_general3A_238 = arith.constant dense<0.000000e+00> : vector<128x192xf32>
    %dot_general3A_239 = tpu.matmul %concatenate3A, %get3A_237, %dot_general3A_238 {dimension_numbers = #tpu.dot_dimension_numbers<[1], [0], [0], [1], [0, 0, 1, 1], [], []>, transpose_lhs_hint = false} : vector<128x192xf32>, vector<192x192xf32>, vector<128x192xf32> -> vector<128x192xf32>
    %mul3A_240 = arith.mulf %dot_general3A_239, %concatenate3A_49 : vector<128x192xf32>
    %reduce_sum3A_241 = arith.constant dense<0.000000e+00> : vector<128xf32>
    %reduce_sum3A_242 = vector.multi_reduction <add>, %mul3A_240, %reduce_sum3A_241 [1] : vector<128x192xf32> to vector<128xf32>
    %broadcast_in_dim3A_243 = vector.shape_cast %reduce_sum3A_242 : vector<128xf32> to vector<128x1xf32>
    %concatenate3A_244 = tpu.concatenate %broadcast_in_dim3A, %broadcast_in_dim3A_117, %broadcast_in_dim3A_126, %broadcast_in_dim3A_135, %broadcast_in_dim3A_144, %broadcast_in_dim3A_153, %broadcast_in_dim3A_162, %broadcast_in_dim3A_171, %broadcast_in_dim3A_180, %broadcast_in_dim3A_189, %broadcast_in_dim3A_198, %broadcast_in_dim3A_207, %broadcast_in_dim3A_216, %broadcast_in_dim3A_225, %broadcast_in_dim3A_234, %broadcast_in_dim3A_243 in 1 : vector<128x1xf32>, vector<128x1xf32>, vector<128x1xf32>, vector<128x1xf32>, vector<128x1xf32>, vector<128x1xf32>, vector<128x1xf32>, vector<128x1xf32>, vector<128x1xf32>, vector<128x1xf32>, vector<128x1xf32>, vector<128x1xf32>, vector<128x1xf32>, vector<128x1xf32>, vector<128x1xf32>, vector<128x1xf32> -> vector<128x16xf32>
    %get3A_245 = arith.constant 0 : index
    %get3A_246 = arith.constant 0 : index
    %get3A_247 = vector.load %arg10[%get3A_245, %get3A_246] : memref<384x16xf32, #tpu.memory_space<vmem>>, vector<192x16xf32>
    %dot_general3A_248 = arith.constant dense<0.000000e+00> : vector<128x16xf32>
    %dot_general3A_249 = tpu.matmul %concatenate3A, %get3A_247, %dot_general3A_248 {dimension_numbers = #tpu.dot_dimension_numbers<[1], [0], [0], [1], [0, 0, 1, 1], [], []>, transpose_lhs_hint = false} : vector<128x192xf32>, vector<192x16xf32>, vector<128x16xf32> -> vector<128x16xf32>
    %get3A_250 = arith.constant 192 : index
    %get3A_251 = arith.constant 0 : index
    %get3A_252 = vector.load %arg10[%get3A_250, %get3A_251] : memref<384x16xf32, #tpu.memory_space<vmem>>, vector<192x16xf32>
    %dot_general3A_253 = arith.constant dense<0.000000e+00> : vector<128x16xf32>
    %dot_general3A_254 = tpu.matmul %concatenate3A_49, %get3A_252, %dot_general3A_253 {dimension_numbers = #tpu.dot_dimension_numbers<[1], [0], [0], [1], [0, 0, 1, 1], [], []>, transpose_lhs_hint = false} : vector<128x192xf32>, vector<192x16xf32>, vector<128x16xf32> -> vector<128x16xf32>
    %add3A_255 = arith.addf %dot_general3A_249, %dot_general3A_254 : vector<128x16xf32>
    %add3A_256 = arith.addf %concatenate3A_244, %add3A_255 : vector<128x16xf32>
    %get3A_257 = arith.constant 0 : index
    %get3A_258 = arith.constant 0 : index
    %get3A_259 = vector.load %arg11[%get3A_257, %get3A_258] : memref<1x16xf32, #tpu.memory_space<vmem>>, vector<1x16xf32>
    %add3A_260 = vector.broadcast %get3A_259 : vector<1x16xf32> to vector<128x16xf32>
    %add3A_261 = arith.addf %add3A_256, %add3A_260 : vector<128x16xf32>
    %max3A_262 = arith.constant 0.000000e+00 : f32
    %max3A_263 = vector.broadcast %max3A_262 : f32 to vector<128x16xf32>
    %max3A_264 = arith.maximumf %add3A_261, %max3A_263 : vector<128x16xf32>
    %get3A_265 = arith.constant 0 : index
    %get3A_266 = arith.constant 0 : index
    %get3A_267 = vector.load %arg20[%get3A_265, %get3A_266] : memref<16x16xf32, #tpu.memory_space<vmem>>, vector<16x16xf32>
    %dot_general3A_268 = arith.constant dense<0.000000e+00> : vector<128x16xf32>
    %dot_general3A_269 = tpu.matmul %max3A_264, %get3A_267, %dot_general3A_268 {dimension_numbers = #tpu.dot_dimension_numbers<[1], [0], [0], [1], [0, 0, 1, 1], [], []>, transpose_lhs_hint = false} : vector<128x16xf32>, vector<16x16xf32>, vector<128x16xf32> -> vector<128x16xf32>
    %get3A_270 = arith.constant 0 : index
    %get3A_271 = arith.constant 0 : index
    %get3A_272 = vector.load %arg21[%get3A_270, %get3A_271] : memref<1x16xf32, #tpu.memory_space<vmem>>, vector<1x16xf32>
    %add3A_273 = vector.broadcast %get3A_272 : vector<1x16xf32> to vector<128x16xf32>
    %add3A_274 = arith.addf %dot_general3A_269, %add3A_273 : vector<128x16xf32>
    %max3A_275 = arith.constant 0.000000e+00 : f32
    %max3A_276 = vector.broadcast %max3A_275 : f32 to vector<128x16xf32>
    %max3A_277 = arith.maximumf %add3A_274, %max3A_276 : vector<128x16xf32>
    %get3A_278 = arith.constant 0 : index
    %get3A_279 = arith.constant 0 : index
    %get3A_280 = vector.load %arg22[%get3A_278, %get3A_279] : memref<16x1xf32, #tpu.memory_space<vmem>>, vector<16x1xf32>
    %dot_general3A_281 = arith.constant dense<0.000000e+00> : vector<128x1xf32>
    %dot_general3A_282 = tpu.matmul %max3A_277, %get3A_280, %dot_general3A_281 {dimension_numbers = #tpu.dot_dimension_numbers<[1], [0], [0], [1], [0, 0, 1, 1], [], []>, transpose_lhs_hint = false} : vector<128x16xf32>, vector<16x1xf32>, vector<128x1xf32> -> vector<128x1xf32>
    %get3A_283 = arith.constant 0 : index
    %get3A_284 = arith.constant 0 : index
    %get3A_285 = vector.load %arg23[%get3A_283, %get3A_284] : memref<1x1xf32, #tpu.memory_space<vmem>>, vector<1x1xf32>
    %add3A_286 = vector.broadcast %get3A_285 : vector<1x1xf32> to vector<128x1xf32>
    %add3A_287 = arith.addf %dot_general3A_282, %add3A_286 : vector<128x1xf32>
    %logistic3A_288 = arith.negf %add3A_287 : vector<128x1xf32>
    %logistic3A_289 = math.exp %logistic3A_288 : vector<128x1xf32>
    %logistic3A_290 = arith.constant 1.000000e+00 : f32
    %logistic3A_291 = vector.broadcast %logistic3A_290 : f32 to vector<128x1xf32>
    %logistic3A_292 = arith.addf %logistic3A_291, %logistic3A_289 : vector<128x1xf32>
    %logistic3A_293 = arith.divf %logistic3A_291, %logistic3A_292 : vector<128x1xf32>
    %concatenate3A_294 = tpu.concatenate %logistic3A_102, %logistic3A_293 in 1 : vector<128x1xf32>, vector<128x1xf32> -> vector<128x2xf32>
    %swap3A = arith.constant 0 : index
    %swap3A_295 = arith.constant 0 : index
    %swap3A_296 = vector.load %arg24[%swap3A, %swap3A_295] : memref<128x2xf32, #tpu.memory_space<vmem>>, vector<128x2xf32>
    tpu.vector_store %arg24[%swap3A, %swap3A_295], %concatenate3A_294 {strides = array<i32>} : memref<128x2xf32, #tpu.memory_space<vmem>>, vector<128x2xf32>,
    return
  }
}

</mosaic_0001>

<sc_bundles>
// kernel: kernel.10.cloned.1.call-start
scs
__scs_entry_jumppad:
0x0: {  	(pc) =	sbr.rel $0x88, $3  }
0x1: {  	(tag) =	ssettag $0x0;
	lr =	simm.s32 $0x1  }
0x2: {  	[smem:$0x3F6C] =	sst lr;
	_ =	strace $0xD0000000  }
0x3: {  	_ = 	snop  }
0x4: {  	_ = 	snop  }
0x5: {  	_ = 	snop  }
0x6: {  	_ = 	snop  }
0x7: {  	_ = 	snop  }
__scs_overlays_trampoline_lowered:
0x8: {  	[smem:$0x3F7B] =	sst s0  }
0x9: {  	[smem:$0x3F7C] =	sst s1  }
0xa: {  	[smem:$0x3F7D] =	sst s2  }
0xb: {  	[smem:$0x3F7E] =	sst s3  }
0xc: {  	[smem:$0x3F7F] =	sst s4  }
0xd: {  	[smem:$0x3F80] =	sst s5  }
0xe: {  	[smem:$0x3F81] =	sst s6  }
0xf: {  	[smem:$0x3F82] =	sst s7  }
0x10: {  	[smem:$0x3F83] =	sst s8  }
0x11: {  	[smem:$0x3F84] =	sst s9;
	s0 =	simm.s32 @!p0 $0x0  }
0x12: {  	s1 =	sld [smem:$0x3F6A];
	s0 =	simm.s32 @p0 $0x1  }
0x13: {  	[smem:$0x3F85] =	sst s0;
	s0 =	simm.s32 @!p1 $0x0  }
0x14: {  	s2 =	sld [smem:$0x3F69];
	s0 =	simm.s32 @p1 $0x1  }
0x15: {  	[smem:$0x3F86] =	sst s0;
	s0 =	simm.s32 @!p2 $0x0  }
0x16: {  	s3 =	sld [smem:$0x3FDB];
	s0 =	simm.s32 @p2 $0x1  }
0x17: {  	s4 =	simm.s32 $0x1BF5;
	[smem:$0x3F88] =	sst s0  }
0x18: {  	s0 =	sld [smem:$0x3F6B];
	_ =	swait.ge [sflag:s4], $0x0  }
0x19: {  	s7 =	sld [smem:$0x3F6C]  }
0x1a: {  	s8 =	sadd.s32 $0xFFFFE003, lr  }
0x1b: {  	s9 =	sadd.s32 $0xFFFFFEF7, lr;
	s5 =	simm.s32 $0xFFFFFFFF;
	p2 =	slt.u32 s8, $0xFFFFF086  }
0x1c: {  	p1 =	slt.u32 s9, $0xF7A;
	s5 =	simm.s32 @!p2 $0x0  }
0x1d: {  	s5 =	simm.s32 @p1 $0x1;
	p0 =	seq.s32 s7, s2  }
0x1e: {  	s7 =	smul.u32 @!p0 $0xF7A, s2;
	p2 =	seq.s32 @!p0 s5, $0x0  }
0x1f: {  	s9 =	smul.u32 $0xF7A, s1;
	s8 =	simm.s32 @!p0 $0x1BF5;
	p2 =	por !p2, p0  }
0x20: {  	[sflag:s8] =	ssyncset.s32 @!p0 $0xFFFFF086;
	s6 =	sadd.s32 @!p0 s3, s7;
	s7 =	simm.s32 @!p0 $0x108  }
0x21: {  	s3 =	sadd.s32 s3, s9;
	s6 =	sadd.s32 @!p0 $0x88, s6;
	s7 =	simm.s32 @p2 $0x1082  }
0x22: {  	[simem:s7], [sflag:s8] =	dma.local @!p0 [hbm:s6], $0xF7A  }
0x23: {  	s9 =	sor.u32 $0xD0000000, s2;
	s6 =	simm.s32 $0x108;
	_ =	swait.ge @!p0 [sflag:s8], $0x0  }
0x24: {  	s3 =	sadd.s32 $0x88, s3;
	s6 =	simm.s32 @!p1 $0x1082;
	[sflag:s4] =	ssyncset.s32 $0xFFFFF086  }
0x25: {  	[simem:s6], [sflag:s4] =	dma.local [hbm:s3], $0xF7A  }
0x26: {  	[smem:$0x3F6C] =	sst s1;
	(tag) =	ssettag s2;
	_ =	strace s9  }
0x27: {  	s1 =	sld [smem:$0x3F7C]  }
0x28: {  	s2 =	sld [smem:$0x3F7D]  }
0x29: {  	s4 =	sld [smem:$0x3F7F]  }
0x2a: {  	p0 =	seq.s32 s5, $0x0;
	s5 =	sld [smem:$0x3F80]  }
0x2b: {  	s6 =	sld [smem:$0x3F81]  }
0x2c: {  	s7 =	sld [smem:$0x3F82]  }
0x2d: {  	s3 =	simm.s32 $0x108;
	s8 =	sld [smem:$0x3F83]  }
0x2e: {  	s3 =	simm.s32 @!p0 $0x1082;
	s9 =	sld [smem:$0x3F84]  }
0x2f: {  	lr =	sadd.s32 s0, s3;
	s0 =	sld [smem:$0x3F7B]  }
0x30: {  	s3 =	sld [smem:$0x3F7E]  }
0x31: {  	[smem:$0x3F87] =	sst s10  }
0x32: {  	s10 =	sld [smem:$0x3F85];
	_ =	sdelay $0x3  }
0x33: {  	p0 =	seq.s32 s10, $0x1;
	s10 =	sld [smem:$0x3F87];
	_ =	sdelay $0x3  }
0x34: {  	[smem:$0x3F87] =	sst s10  }
0x35: {  	s10 =	sld [smem:$0x3F86];
	_ =	sdelay $0x3  }
0x36: {  	p1 =	seq.s32 s10, $0x1;
	s10 =	sld [smem:$0x3F87];
	_ =	sdelay $0x3  }
0x37: {  	[smem:$0x3F87] =	sst s10  }
0x38: {  	s10 =	sld [smem:$0x3F88]  }
0x39: {  	_ = 	snop;
	(pc) =	sbr.ind lr, $3  }
0x3a: {  	_ = 	snop  }
0x3b: {  	_ = 	snop  }
0x3c: {  	p2 =	seq.s32 s10, $0x1;
	s10 =	sld [smem:$0x3F87]  }
0x3d: {  	_ =	shalt  }
0x3e: {  	_ =	shalt  }
0x3f: {  	_ =	shalt  }
0x40: {  	_ =	shalt  }
0x41: {  	_ =	shalt  }
0x42: {  	_ =	shalt  }
0x43: {  	_ =	shalt  }
0x44: {  	_ =	shalt  }
0x45: {  	_ =	shalt  }
0x46: {  	_ =	shalt  }
0x47: {  	_ =	shalt  }
0x48: {  	_ =	shalt  }
0x49: {  	_ =	shalt  }
0x4a: {  	_ =	shalt  }
0x4b: {  	_ =	shalt  }
0x4c: {  	_ =	shalt  }
0x4d: {  	_ =	shalt  }
0x4e: {  	_ =	shalt  }
0x4f: {  	_ =	shalt  }
0x50: {  	_ =	shalt  }
0x51: {  	_ =	shalt  }
0x52: {  	_ =	shalt  }
0x53: {  	_ =	shalt  }
0x54: {  	_ =	shalt  }
0x55: {  	_ =	shalt  }
0x56: {  	_ =	shalt  }
0x57: {  	_ =	shalt  }
0x58: {  	_ =	shalt  }
0x59: {  	_ =	shalt  }
0x5a: {  	_ =	shalt  }
0x5b: {  	_ =	shalt  }
0x5c: {  	_ =	shalt  }
0x5d: {  	_ =	shalt  }
0x5e: {  	_ =	shalt  }
0x5f: {  	_ =	shalt  }
0x60: {  	_ =	shalt  }
0x61: {  	_ =	shalt  }
0x62: {  	_ =	shalt  }
0x63: {  	_ =	shalt  }
0x64: {  	_ =	shalt  }
0x65: {  	_ =	shalt  }
0x66: {  	_ =	shalt  }
0x67: {  	_ =	shalt  }
0x68: {  	_ =	shalt  }
0x69: {  	_ =	shalt  }
0x6a: {  	_ =	shalt  }
0x6b: {  	_ =	shalt  }
0x6c: {  	_ =	shalt  }
0x6d: {  	_ =	shalt  }
0x6e: {  	_ =	shalt  }
0x6f: {  	_ =	shalt  }
0x70: {  	_ =	shalt  }
0x71: {  	_ =	shalt  }
0x72: {  	_ =	shalt  }
0x73: {  	_ =	shalt  }
0x74: {  	_ =	shalt  }
0x75: {  	_ =	shalt  }
0x76: {  	_ =	shalt  }
0x77: {  	_ =	shalt  }
0x78: {  	_ =	shalt  }
0x79: {  	_ =	shalt  }
0x7a: {  	_ =	shalt  }
0x7b: {  	_ =	shalt  }
0x7c: {  	_ =	shalt  }
0x7d: {  	_ =	shalt  }
0x7e: {  	_ =	shalt  }
0x7f: {  	_ =	shalt  }
0x80: {  	_ =	shalt  }
0x81: {  	_ =	shalt  }
0x82: {  	_ =	shalt  }
0x83: {  	_ =	shalt  }
0x84: {  	_ =	shalt  }
0x85: {  	_ =	shalt  }
0x86: {  	_ =	shalt  }
0x87: {  	_ =	shalt  }
.Lfunc_end0:
.L_simem_size_0:
called_computation_lowered:
.L_overlay_start_0:
0x88: {  	s2 =	sld [smem:$0x3FD9]  }
0x89: {  	s3 =	sld [smem:$0x3FFE];
	_ =	sdelay $0x1  }
0x8a: {  	s1 =	srdreg.scid  }
0x8b: {  	s0 =	sand.u32 $0x1, s1  }
0x8c: {  	s16 =	sshll.u32 s0, $0xA;
	s2 =	sadd.s32 s3, s2  }
0x8d: {  	s2 =	sadd.s32 s2, s16  }
0x8e: {  	[smem:$0x3F93] =	sst s2  }
0x8f: {  	_ = 	snop  }
0x90: {  	(tm) =	ssettm $0x1  }
0x91: {  	s17 =	sld [smem:$0x3FFB];
	_ =	sdelay $0x3  }
0x92: {  	_ =	strace s17  }
0x93: {  	s2 =	sld [smem:$0x3FFC];
	_ =	sdelay $0x3  }
0x94: {  	_ =	strace s2  }
0x95: {  	s2 =	sld [smem:$0x3FFD];
	_ =	sdelay $0x3  }
0x96: {  	_ =	strace s2  }
0x97: {  	_ =	strace $0x8FFFFFFF  }
0x98: {  	s18 =	sld [smem:$0x3FDB];
	_ =	sdelay $0x1  }
0x99: {  	s19 =	simm.s32 $_scs_section_size  }
0x9a: {  	s4 =	simm.s32 $_size__tile_overlayer_lowered;
	s5 =	simm.s32 $_tile_overlayer_lowered  }
0x9b: {  	s22 =	simm.s32 $0x1BFF;
	s21 =	sshll.u32 s5, $0x1;
	s2 =	sadd.s32 s19, s18  }
0x9c: {  	s6 =	simm.s32 $0x0;
	s20 =	sshll.u32 s4, $0x1;
	s4 =	sadd.s32 s21, s2  }
0x9d: {  	[timem:s6], [sflag:s22] =	dma.local [hbm:s4], s20  }
0x9e: {  	_ =	swait.ge [sflag:s22], s20  }
0x9f: {  	s3 =	ssub.s32 $0x0, s20;
	[sflag:s22] =	ssyncset.done $0x0  }
0xa0: {  	[sflag:s22] =	ssyncadd.s32 s3;
	_ =	sdelay $0x1  }
0xa1: {  	s23 =	simm.s32 $0x1B8B  }
0xa2: {  	_ =	swait.ge [sflag:s23], $0x1  }
0xa3: {  	[sflag:s23] =	ssyncset.done $0x0  }
0xa4: {  	s25 =	simm.s32 $0x1B8E;
	s24 =	sld [smem:$0x3FFE];
	[sflag:s23] =	ssyncadd.s32 $0xFFFFFFFF  }
0xa5: {  	s26 =	simm.s32 $execute0_lowered;
	[smem:$0x3FD2] =	sst s25  }
0xa6: {  	s4 =	sshll.u32 s26, $0x1;
	_ =	strace $0x80000046;
	[dreg:$0x1] =	wrdreg $0xFFFFFFFF  }
0xa7: {  	s28 =	simm.s32 $_size_execute0_lowered;
	s2 =	sadd.s32 s2, s4;
	[dreg:$0x0] =	wrdreg $0x0  }
0xa8: {  	s4 =	sshll.u32 s28, $0x1;
	[dreg:$0x2] =	wrdreg s2  }
0xa9: {  	[dreg:$0x3] =	wrdreg s4  }
0xaa: {  	[dreg:$0x4] =	wrdreg $0xC0  }
0xab: {  	_ =	task [dreg:s6], $0x5FFFF  }
0xac: {  	[dreg:$0x1] =	wrdreg $0xFFFFFFFF  }
0xad: {  	[dreg:$0x0] =	wrdreg $0x60  }
0xae: {  	[dreg:$0x2] =	wrdreg s24  }
0xaf: {  	[dreg:$0x3] =	wrdreg $0xCE400  }
0xb0: {  	[dreg:$0x4] =	wrdreg $0x9  }
0xb1: {  	_ =	task.clear_ibuf [dreg:s6], $0x5FFFF;
	_ =	strace $0x90000046  }
0xb2: {  	s29 =	simm.s32 $0x9;
	_ =	strace $0x80000048  }
0xb3: {  	_ =	swait.ge [sflag:s29], $0x1  }
0xb4: {  	[sflag:s29] =	ssyncadd.s32 $0xFFFFFFFF  }
0xb5: {  	_ =	strace $0x90000048  }
0xb6: {  	_ =	sfence  }
0xb7: {  	s30 =	sld [smem:$0x0];
	_ =	sdelay $0x2  }
0xb8: {  	s31 =	sshll.u32 s1, $0xD;
	s1 =	sshrl.u32 s1, $0x2  }
0xb9: {  	s3 =	sand.u32 $0x4000, s31;
	s1 =	sadd.s32 s1, s30  }
0xba: {  	s0 =	sor.u32 s3, s0;
	s1 =	sshll.u32 s1, $0x11  }
0xbb: {  	s0 =	sor.u32 s1, s0  }
0xbc: {  	s0 =	sadd.s32 $0x8F2B, s0  }
0xbd: {  	[sflag:s0] =	ssyncadd.remote.s32 $0x1  }
0xbe: {  	_ =	sfence.sel $0xFFFF  }
0xbf: {  	[dreg:$0x0] =	wrdreg $0xFFFFFFFF;
	(pc) =	sbr.abs _section_cstart, $3  }
0xc0: {  	[dreg:$0x1] =	wrdreg $0xFFFFFFFF  }
0xc1: {  	_ =	task.clear_ibuf [dreg:s6], $0x2FFFF;
	_ =	strace $0x9FFFFFFF  }
0xc2: {  	(tm) =	ssettm $0x7FFFFFFF  }
0xc3: {  	_ =	shalt  }
tec
execute0_lowered:
.L_overlay_start_1:
0x0: {  	(tag) =	ssettag $0x1  }
0x1: {  	s0 =	rddreg [dreg:$0x0]  }
0x2: {  	s1 =	rddreg [dreg:$0x1];
	s10 =	stileid.u32  }
0x3: {  	s2 =	srdreg.scid;
	s3 =	simm.s32 $0x0;
	s6 =	smul.u32 $0x1400, s10  }
0x4: {  	s21 =	simm.s32 $0x16;
	[smem:$0x7FF] =	sst s3;
	s8 =	smul.u32 $0x28000, s10  }
0x5: {  	s9 =	smul.u32 $0x9C4, s10;
	s11 =	sadd.s32 $0x54C00, s0;
	s29 =	sshll.u32 s10, $0x6  }
0x6: {  	s10 =	simm.s32 $0x190;
	_ =	strace $0x80000047;
	[dreg:$0x16] =	wrdreg s11  }
0x7: {  	s12 =	simm.s32 $0x1;
	s14 =	simm.s32 $0x230;
	[dreg:$0x8] =	wrdreg s10  }
0x8: {  	s13 =	simm.s32 $0x50;
	s15 =	simm.s32 $0x280;
	[dreg:$0xa] =	wrdreg s14  }
0x9: {  	s16 =	simm.s32 $0x2D0;
	s17 =	simm.s32 $0x370;
	[dreg:$0xb] =	wrdreg s15  }
0xa: {  	s18 =	simm.s32 $0x3C0;
	s22 =	simm.s32 $0x410;
	[dreg:$0xc] =	wrdreg s16  }
0xb: {  	s23 =	simm.s32 $0x460;
	s24 =	simm.s32 $0x4B0;
	[dreg:$0xd] =	wrdreg s17  }
0xc: {  	s25 =	simm.s32 $0x500;
	s30 =	simm.s32 $0x9240;
	[dreg:$0xe] =	wrdreg s18  }
0xd: {  	s31 =	simm.s32 $0xA640;
	s2 =	sand.u32 $0x1, s2;
	[dreg:$0xf] =	wrdreg s22  }
0xe: {  	s4 =	sadd.s32 $0x5800, s0;
	s5 =	smul.u32 $0x9C40, s2;
	[dreg:$0x10] =	wrdreg s23  }
0xf: {  	s7 =	smul.u32 $0x14000, s2;
	s2 =	ssub.s32 $0x2, s2;
	[dreg:$0x11] =	wrdreg s24  }
0x10: {  	s19 =	sor.u32 $0x1C16, s29;
	s11 =	simm.s32 $0x1E0;
	[dreg:$0x12] =	wrdreg s25  }
0x11: {  	s29 =	simm.s32 $0x5F0;
	s10 =	simm.s32 $0x10;
	s14 =	simm.s32 $0x12  }
0x12: {  	s15 =	simm.s32 $0x13;
	s16 =	simm.s32 $0x14;
	s17 =	simm.s32 $0x15  }
0x13: {  	s26 =	sshrl.u32 s2, $0x1;
	s28 =	sshrl.u32 s8, $0x2;
	[dreg:$0x9] =	wrdreg s11  }
0x14: {  	s8 =	simm.s32 $0xF0;
	[dreg:$0x15] =	wrdreg s29;
	s11 =	simm.s32 $0x11  }
0x15: {  	[dreg:$0x17] =	wrdreg s19;
	s5 =	sadd.s32 s5, s0;
	s6 =	sadd.s32 s6, s7  }
0x16: {  	s2 =	ssub.s32 s2, s26;
	s7 =	simm.s32 $0xA0;
	[dreg:$0x6] =	wrdreg s8  }
0x17: {  	s26 =	simm.s32 $0x550;
	s8 =	simm.s32 $0xD;
	[dreg:$0x5] =	wrdreg s7  }
0x18: {  	s0 =	sadd.s32 s6, s0;
	s2 =	smax.u32 s2, $0x1;
	[dreg:$0x13] =	wrdreg s26  }
0x19: {  	s5 =	sadd.s32 s9, s5;
	s9 =	simm.s32 $0x140;
	[dreg:$0x19] =	wrdreg s2  }
0x1a: {  	s6 =	sadd.s32 s28, s1;
	s28 =	simm.s32 $0x5A0;
	[dreg:$0x7] =	wrdreg s9  }
0x1b: {  	s7 =	simm.s32 $0xC;
	s0 =	sadd.s32 $0x56000, s0;
	[dreg:$0x14] =	wrdreg s28  }
0x1c: {  	s3 =	sadd.s32 $0x2D800, s5;
	s5 =	sadd.s32 $0x41200, s5;
	[dreg:$0x18] =	wrdreg s0  }
0x1d: {  	s20 =	sshrl.u32 s6, $0x3;
	s2 =	simm.s32 $0xA;
	[dreg:$0x3] =	wrdreg s3  }
0x1e: {  	s6 =	simm.s32 $0xE;
	s9 =	simm.s32 $0xF;
	[dreg:$0x4] =	wrdreg s5  }
0x1f: {  	s5 =	simm.s32 $0xB;
	s0 =	simm.s32 $0x0;
	[dreg:$0x1a] =	wrdreg s20  }
.LBB2_1:
0x20: {  	[dreg:$0x1b] =	wrdreg s0  }
0x21: {  	s18 =	rddreg [dreg:$0x16]  }
0x22: {  	[spmem:s20], [sflag:s19] =	dma.local [hbm:s18], $0x1400  }
0x23: {  	_ =	swait.ge [sflag:s21], $0x1400  }
0x24: {  	[sflag:s21] =	ssyncset.done $0x0  }
0x25: {  	[sflag:s21] =	ssyncadd.s32 $0xFFFFEC00  }
0x26: {  	[bflag:$0x0] =	sbarrier.arrive $0xFFFF  }
0x27: {  	s20 =	rddreg [dreg:$0x3]  }
0x28: {  	s3 =	simm.s32 $0x0;
	s21 =	rddreg [dreg:$0x4];
	s18 =	sadd.s32 $0x0, s20  }
0x29: {  	[tilespmem:s3], [sflag:$0x1] =	stream.linear.gather [hbm4b:s18+s3], $0x320, $0x38;
	[tilespmem:$0x16E40] =	vst v63  }
0x2a: {  	s22 =	sadd.s32 $0x0, s21;
	s20 =	simm.s32 $0x320  }
0x2b: {  	[tilespmem:s20], [sflag:$0x1] =	stream.linear.gather [hbm4b:s22+s3], $0x320, $0x38;
	[tilespmem:$0x16E40] =	vst v63  }
0x2c: {  	_ =	swait.ge [sflag:s12], $0x320  }
0x2d: {  	[sflag:s12] =	ssyncset.done $0x0  }
0x2e: {  	[sflag:s12] =	ssyncadd.s32 $0xFFFFFCE0  }
0x2f: {  	_ =	swait.ge [sflag:s12], $0x320  }
0x30: {  	[sflag:s12] =	ssyncset.done $0x0  }
0x31: {  	s21 =	simm.s32 $0x640;
	[sflag:s12] =	ssyncadd.s32 $0xFFFFFCE0  }
0x32: {  	[tilespmem:s21], [sflag:$0x2] =	stream.indirect.gather [hbm4b:s4+s13], $0x40, s3, s13, $0xb8;
	[tilespmem:$0x16E40] =	vst v63  }
0x33: {  	s22 =	simm.s32 $0x1A40  }
0x34: {  	[tilespmem:s22], [sflag:$0x3] =	stream.indirect.gather [hbm4b:s4+s13], $0x40, s13, s13, $0xb8;
	[tilespmem:$0x16E40] =	vst v63  }
0x35: {  	s23 =	rddreg [dreg:$0x5];
	s3 =	simm.s32 $0x2E40  }
0x36: {  	[tilespmem:s3], [sflag:$0x4] =	stream.indirect.gather [hbm4b:s4+s13], $0x40, s23, s13, $0xb8;
	[tilespmem:$0x16E40] =	vst v63  }
0x37: {  	s24 =	rddreg [dreg:$0x6];
	s23 =	simm.s32 $0x4240  }
0x38: {  	[tilespmem:s23], [sflag:$0x5] =	stream.indirect.gather [hbm4b:s4+s13], $0x40, s24, s13, $0xb8;
	[tilespmem:$0x16E40] =	vst v63  }
0x39: {  	s25 =	rddreg [dreg:$0x7];
	s24 =	simm.s32 $0x5640  }
0x3a: {  	[tilespmem:s24], [sflag:$0x6] =	stream.indirect.gather [hbm4b:s4+s13], $0x40, s25, s13, $0xb8;
	[tilespmem:$0x16E40] =	vst v63  }
0x3b: {  	s26 =	rddreg [dreg:$0x8];
	s25 =	simm.s32 $0x6A40  }
0x3c: {  	[tilespmem:s25], [sflag:$0x7] =	stream.indirect.gather [hbm4b:s4+s13], $0x40, s26, s13, $0xb8;
	[tilespmem:$0x16E40] =	vst v63  }
0x3d: {  	s28 =	rddreg [dreg:$0x9];
	s26 =	simm.s32 $0x7E40  }
0x3e: {  	[tilespmem:s26], [sflag:$0x8] =	stream.indirect.gather [hbm4b:s4+s13], $0x40, s28, s13, $0xb8;
	[tilespmem:$0x16E40] =	vst v63  }
0x3f: {  	s29 =	rddreg [dreg:$0xa];
	s28 =	simm.s32 $0x9240  }
0x40: {  	[tilespmem:s28], [sflag:$0x9] =	stream.indirect.gather [hbm4b:s4+s13], $0x40, s29, s13, $0xb8;
	[tilespmem:$0x16E40] =	vst v63  }
0x41: {  	s0 =	rddreg [dreg:$0xb];
	s29 =	simm.s32 $0xA640  }
0x42: {  	[tilespmem:s29], [sflag:$0xA] =	stream.indirect.gather [hbm4b:s4+s13], $0x40, s0, s13, $0xb8;
	[tilespmem:$0x16E40] =	vst v63  }
0x43: {  	s19 =	rddreg [dreg:$0xc];
	s0 =	simm.s32 $0xBA40  }
0x44: {  	[tilespmem:s0], [sflag:$0xB] =	stream.indirect.gather [hbm4b:s4+s13], $0x40, s19, s13, $0xb8;
	[tilespmem:$0x16E40] =	vst v63  }
0x45: {  	s19 =	simm.s32 $0x2  }
0x46: {  	_ =	swait.ge [sflag:s19], $0x1400  }
0x47: {  	[sflag:s19] =	ssyncset.done $0x0  }
0x48: {  	[sflag:s19] =	ssyncadd.s32 $0xFFFFEC00  }
0x49: {  	[spmem:s1] =	stream.indirect.scatter.add.f32 [tilespmem:s21], [sflag:$0xC], $0x40, s20, s13, $0xb8;
	[tilespmem:$0x16E40] =	vst v63  }
0x4a: {  	s20 =	simm.s32 $0x3  }
0x4b: {  	_ =	swait.ge [sflag:s20], $0x1400  }
0x4c: {  	[sflag:s20] =	ssyncset.done $0x0  }
0x4d: {  	s18 =	simm.s32 $0x4;
	s21 =	rddreg [dreg:$0xd];
	[sflag:s20] =	ssyncadd.s32 $0xFFFFEC00  }
0x4e: {  	[spmem:s1] =	stream.indirect.scatter.add.f32 [tilespmem:s22], [sflag:$0xD], $0x40, s21, s13, $0xb8;
	[tilespmem:$0x16E40] =	vst v63  }
0x4f: {  	_ =	swait.ge [sflag:s18], $0x1400  }
0x50: {  	[sflag:s18] =	ssyncset.done $0x0  }
0x51: {  	s21 =	simm.s32 $0x5;
	s20 =	rddreg [dreg:$0xe];
	[sflag:s18] =	ssyncadd.s32 $0xFFFFEC00  }
0x52: {  	[spmem:s1] =	stream.indirect.scatter.add.f32 [tilespmem:s3], [sflag:$0xE], $0x40, s20, s13, $0xb8;
	[tilespmem:$0x16E40] =	vst v63  }
0x53: {  	_ =	swait.ge [sflag:s21], $0x1400  }
0x54: {  	[sflag:s21] =	ssyncset.done $0x0  }
0x55: {  	s19 =	simm.s32 $0x6;
	s22 =	rddreg [dreg:$0xf];
	[sflag:s21] =	ssyncadd.s32 $0xFFFFEC00  }
0x56: {  	[spmem:s1] =	stream.indirect.scatter.add.f32 [tilespmem:s23], [sflag:$0xF], $0x40, s22, s13, $0xb8;
	[tilespmem:$0x16E40] =	vst v63  }
0x57: {  	_ =	swait.ge [sflag:s19], $0x1400  }
0x58: {  	[sflag:s19] =	ssyncset.done $0x0  }
0x59: {  	s21 =	simm.s32 $0x7;
	s20 =	rddreg [dreg:$0x10];
	[sflag:s19] =	ssyncadd.s32 $0xFFFFEC00  }
0x5a: {  	[spmem:s1] =	stream.indirect.scatter.add.f32 [tilespmem:s24], [sflag:$0x10], $0x40, s20, s13, $0xb8;
	[tilespmem:$0x16E40] =	vst v63  }
0x5b: {  	_ =	swait.ge [sflag:s21], $0x1400  }
0x5c: {  	[sflag:s21] =	ssyncset.done $0x0  }
0x5d: {  	s23 =	simm.s32 $0x8;
	s22 =	rddreg [dreg:$0x11];
	[sflag:s21] =	ssyncadd.s32 $0xFFFFEC00  }
0x5e: {  	[spmem:s1] =	stream.indirect.scatter.add.f32 [tilespmem:s25], [sflag:$0x11], $0x40, s22, s13, $0xb8;
	[tilespmem:$0x16E40] =	vst v63  }
0x5f: {  	_ =	swait.ge [sflag:s23], $0x1400  }
0x60: {  	[sflag:s23] =	ssyncset.done $0x0  }
0x61: {  	s25 =	simm.s32 $0x9;
	s24 =	rddreg [dreg:$0x12];
	[sflag:s23] =	ssyncadd.s32 $0xFFFFEC00  }
0x62: {  	[spmem:s1] =	stream.indirect.scatter.add.f32 [tilespmem:s26], [sflag:$0x12], $0x40, s24, s13, $0xb8;
	[tilespmem:$0x16E40] =	vst v63  }
0x63: {  	_ =	swait.ge [sflag:s25], $0x1400  }
0x64: {  	[sflag:s25] =	ssyncset.done $0x0  }
0x65: {  	s26 =	rddreg [dreg:$0x13];
	[sflag:s25] =	ssyncadd.s32 $0xFFFFEC00  }
0x66: {  	[spmem:s1] =	stream.indirect.scatter.add.f32 [tilespmem:s28], [sflag:$0x13], $0x40, s26, s13, $0xb8;
	[tilespmem:$0x16E40] =	vst v63  }
0x67: {  	_ =	swait.ge [sflag:s2], $0x1400  }
0x68: {  	[sflag:s2] =	ssyncset.done $0x0  }
0x69: {  	s28 =	rddreg [dreg:$0x14];
	[sflag:s2] =	ssyncadd.s32 $0xFFFFEC00  }
0x6a: {  	[spmem:s1] =	stream.indirect.scatter.add.f32 [tilespmem:s29], [sflag:$0x14], $0x40, s28, s13, $0xb8;
	[tilespmem:$0x16E40] =	vst v63  }
0x6b: {  	_ =	swait.ge [sflag:s5], $0x1400  }
0x6c: {  	[sflag:s5] =	ssyncset.done $0x0  }
0x6d: {  	s29 =	rddreg [dreg:$0x15];
	[sflag:s5] =	ssyncadd.s32 $0xFFFFEC00  }
0x6e: {  	[spmem:s1] =	stream.indirect.scatter.add.f32 [tilespmem:s0], [sflag:$0x15], $0x40, s29, s13, $0xb8;
	[tilespmem:$0x16E40] =	vst v63  }
0x6f: {  	_ =	swait.ge [sflag:s7], $0x1400  }
0x70: {  	[sflag:s7] =	ssyncset.done $0x0  }
0x71: {  	[sflag:s7] =	ssyncadd.s32 $0xFFFFEC00  }
0x72: {  	_ =	swait.ge [sflag:s8], $0x1400  }
0x73: {  	[sflag:s8] =	ssyncset.done $0x0  }
0x74: {  	[sflag:s8] =	ssyncadd.s32 $0xFFFFEC00  }
0x75: {  	_ =	swait.ge [sflag:s6], $0x1400  }
0x76: {  	[sflag:s6] =	ssyncset.done $0x0  }
0x77: {  	[sflag:s6] =	ssyncadd.s32 $0xFFFFEC00  }
0x78: {  	_ =	swait.ge [sflag:s9], $0x1400  }
0x79: {  	[sflag:s9] =	ssyncset.done $0x0  }
0x7a: {  	[sflag:s9] =	ssyncadd.s32 $0xFFFFEC00  }
0x7b: {  	_ =	swait.ge [sflag:s10], $0x1400  }
0x7c: {  	[sflag:s10] =	ssyncset.done $0x0  }
0x7d: {  	[sflag:s10] =	ssyncadd.s32 $0xFFFFEC00  }
0x7e: {  	_ =	swait.ge [sflag:s11], $0x1400  }
0x7f: {  	[sflag:s11] =	ssyncset.done $0x0  }
0x80: {  	[sflag:s11] =	ssyncadd.s32 $0xFFFFEC00  }
0x81: {  	_ =	swait.ge [sflag:s14], $0x1400  }
0x82: {  	[sflag:s14] =	ssyncset.done $0x0  }
0x83: {  	[sflag:s14] =	ssyncadd.s32 $0xFFFFEC00  }
0x84: {  	_ =	swait.ge [sflag:s15], $0x1400  }
0x85: {  	[sflag:s15] =	ssyncset.done $0x0  }
0x86: {  	[sflag:s15] =	ssyncadd.s32 $0xFFFFEC00  }
0x87: {  	_ =	swait.ge [sflag:s16], $0x1400  }
0x88: {  	[sflag:s16] =	ssyncset.done $0x0  }
0x89: {  	[sflag:s16] =	ssyncadd.s32 $0xFFFFEC00  }
0x8a: {  	s18 =	simm.s32 $0x64;
	_ =	swait.ge [sflag:s17], $0x1400  }
0x8b: {  	s19 =	simm.s32 $0xC8;
	s20 =	rddreg [dreg:$0x3];
	[sflag:s17] =	ssyncset.done $0x0  }
.LBB2_2:
0x8c: {  	[sflag:s17] =	ssyncadd.s32 $0xFFFFEC00  }
0x8d: {  	s22 =	rddreg [dreg:$0x4];
	s20 =	sadd.s32 s18, s20;
	s3 =	simm.s32 $0x0  }
0x8e: {  	[tilespmem:s3], [sflag:$0x1] =	stream.linear.gather [hbm4b:s20+s3], $0x320, $0x38;
	[tilespmem:$0x16E40] =	vst v63  }
0x8f: {  	s24 =	sadd.s32 s18, s22;
	s22 =	simm.s32 $0x320  }
0x90: {  	[tilespmem:s22], [sflag:$0x1] =	stream.linear.gather [hbm4b:s24+s3], $0x320, $0x38;
	[tilespmem:$0x16E40] =	vst v63  }
0x91: {  	_ =	swait.ge [sflag:s12], $0x320  }
0x92: {  	[sflag:s12] =	ssyncset.done $0x0  }
0x93: {  	[sflag:s12] =	ssyncadd.s32 $0xFFFFFCE0  }
0x94: {  	_ =	swait.ge [sflag:s12], $0x320  }
0x95: {  	[sflag:s12] =	ssyncset.done $0x0  }
0x96: {  	s23 =	simm.s32 $0x640;
	[sflag:s12] =	ssyncadd.s32 $0xFFFFFCE0  }
0x97: {  	[tilespmem:s23], [sflag:$0x2] =	stream.indirect.gather [hbm4b:s4+s13], $0x40, s3, s13, $0xb8;
	[tilespmem:$0x16E40] =	vst v63  }
0x98: {  	s3 =	simm.s32 $0x1A40  }
0x99: {  	[tilespmem:s3], [sflag:$0x3] =	stream.indirect.gather [hbm4b:s4+s13], $0x40, s13, s13, $0xb8;
	[tilespmem:$0x16E40] =	vst v63  }
0x9a: {  	s24 =	simm.s32 $0x2E40;
	s25 =	rddreg [dreg:$0x5]  }
0x9b: {  	[tilespmem:s24], [sflag:$0x4] =	stream.indirect.gather [hbm4b:s4+s13], $0x40, s25, s13, $0xb8;
	[tilespmem:$0x16E40] =	vst v63  }
0x9c: {  	s26 =	rddreg [dreg:$0x6];
	s25 =	simm.s32 $0x4240  }
0x9d: {  	[tilespmem:s25], [sflag:$0x5] =	stream.indirect.gather [hbm4b:s4+s13], $0x40, s26, s13, $0xb8;
	[tilespmem:$0x16E40] =	vst v63  }
0x9e: {  	s28 =	rddreg [dreg:$0x7];
	s26 =	simm.s32 $0x5640  }
0x9f: {  	[tilespmem:s26], [sflag:$0x6] =	stream.indirect.gather [hbm4b:s4+s13], $0x40, s28, s13, $0xb8;
	[tilespmem:$0x16E40] =	vst v63  }
0xa0: {  	s29 =	rddreg [dreg:$0x8];
	s28 =	simm.s32 $0x6A40  }
0xa1: {  	[tilespmem:s28], [sflag:$0x7] =	stream.indirect.gather [hbm4b:s4+s13], $0x40, s29, s13, $0xb8;
	[tilespmem:$0x16E40] =	vst v63  }
0xa2: {  	s21 =	smov.u32 s19;
	s0 =	rddreg [dreg:$0x9];
	s29 =	simm.s32 $0x7E40  }
0xa3: {  	[tilespmem:s29], [sflag:$0x8] =	stream.indirect.gather [hbm4b:s4+s13], $0x40, s0, s13, $0xb8;
	[tilespmem:$0x16E40] =	vst v63  }
0xa4: {  	s18 =	smov.u32 s21;
	s21 =	rddreg [dreg:$0xa]  }
0xa5: {  	[tilespmem:s30], [sflag:$0x9] =	stream.indirect.gather [hbm4b:s4+s13], $0x40, s21, s13, $0xb8;
	[tilespmem:$0x16E40] =	vst v63  }
0xa6: {  	s0 =	rddreg [dreg:$0xb]  }
0xa7: {  	[tilespmem:s31], [sflag:$0xA] =	stream.indirect.gather [hbm4b:s4+s13], $0x40, s0, s13, $0xb8;
	[tilespmem:$0x16E40] =	vst v63  }
0xa8: {  	s21 =	rddreg [dreg:$0xc];
	s0 =	simm.s32 $0xBA40  }
0xa9: {  	[tilespmem:s0], [sflag:$0xB] =	stream.indirect.gather [hbm4b:s4+s13], $0x40, s21, s13, $0xb8;
	[tilespmem:$0x16E40] =	vst v63  }
0xaa: {  	s21 =	simm.s32 $0x2  }
0xab: {  	_ =	swait.ge [sflag:s21], $0x1400  }
0xac: {  	[sflag:s21] =	ssyncset.done $0x0  }
0xad: {  	[sflag:s21] =	ssyncadd.s32 $0xFFFFEC00  }
0xae: {  	[spmem:s1] =	stream.indirect.scatter.add.f32 [tilespmem:s23], [sflag:$0xC], $0x40, s22, s13, $0xb8;
	[tilespmem:$0x16E40] =	vst v63  }
0xaf: {  	s22 =	simm.s32 $0x3  }
0xb0: {  	_ =	swait.ge [sflag:s22], $0x1400  }
0xb1: {  	[sflag:s22] =	ssyncset.done $0x0  }
0xb2: {  	s20 =	simm.s32 $0x4;
	s23 =	rddreg [dreg:$0xd];
	[sflag:s22] =	ssyncadd.s32 $0xFFFFEC00  }
0xb3: {  	[spmem:s1] =	stream.indirect.scatter.add.f32 [tilespmem:s3], [sflag:$0xD], $0x40, s23, s13, $0xb8;
	[tilespmem:$0x16E40] =	vst v63  }
0xb4: {  	_ =	swait.ge [sflag:s20], $0x1400  }
0xb5: {  	[sflag:s20] =	ssyncset.done $0x0  }
0xb6: {  	s22 =	simm.s32 $0x5;
	s21 =	rddreg [dreg:$0xe];
	[sflag:s20] =	ssyncadd.s32 $0xFFFFEC00  }
0xb7: {  	[spmem:s1] =	stream.indirect.scatter.add.f32 [tilespmem:s24], [sflag:$0xE], $0x40, s21, s13, $0xb8;
	[tilespmem:$0x16E40] =	vst v63  }
0xb8: {  	_ =	swait.ge [sflag:s22], $0x1400  }
0xb9: {  	[sflag:s22] =	ssyncset.done $0x0  }
0xba: {  	s24 =	simm.s32 $0x6;
	s23 =	rddreg [dreg:$0xf];
	[sflag:s22] =	ssyncadd.s32 $0xFFFFEC00  }
0xbb: {  	[spmem:s1] =	stream.indirect.scatter.add.f32 [tilespmem:s25], [sflag:$0xF], $0x40, s23, s13, $0xb8;
	[tilespmem:$0x16E40] =	vst v63  }
0xbc: {  	_ =	swait.ge [sflag:s24], $0x1400  }
0xbd: {  	[sflag:s24] =	ssyncset.done $0x0  }
0xbe: {  	s21 =	simm.s32 $0x7;
	s25 =	rddreg [dreg:$0x10];
	[sflag:s24] =	ssyncadd.s32 $0xFFFFEC00  }
0xbf: {  	[spmem:s1] =	stream.indirect.scatter.add.f32 [tilespmem:s26], [sflag:$0x10], $0x40, s25, s13, $0xb8;
	[tilespmem:$0x16E40] =	vst v63  }
0xc0: {  	_ =	swait.ge [sflag:s21], $0x1400  }
0xc1: {  	[sflag:s21] =	ssyncset.done $0x0  }
0xc2: {  	s23 =	simm.s32 $0x8;
	s22 =	rddreg [dreg:$0x11];
	[sflag:s21] =	ssyncadd.s32 $0xFFFFEC00  }
0xc3: {  	[spmem:s1] =	stream.indirect.scatter.add.f32 [tilespmem:s28], [sflag:$0x11], $0x40, s22, s13, $0xb8;
	[tilespmem:$0x16E40] =	vst v63  }
0xc4: {  	_ =	swait.ge [sflag:s23], $0x1400  }
0xc5: {  	[sflag:s23] =	ssyncset.done $0x0  }
0xc6: {  	s25 =	simm.s32 $0x9;
	s24 =	rddreg [dreg:$0x12];
	[sflag:s23] =	ssyncadd.s32 $0xFFFFEC00  }
0xc7: {  	[spmem:s1] =	stream.indirect.scatter.add.f32 [tilespmem:s29], [sflag:$0x12], $0x40, s24, s13, $0xb8;
	[tilespmem:$0x16E40] =	vst v63  }
0xc8: {  	_ =	swait.ge [sflag:s25], $0x1400  }
0xc9: {  	[sflag:s25] =	ssyncset.done $0x0  }
0xca: {  	s26 =	rddreg [dreg:$0x13];
	[sflag:s25] =	ssyncadd.s32 $0xFFFFEC00  }
0xcb: {  	[spmem:s1] =	stream.indirect.scatter.add.f32 [tilespmem:s30], [sflag:$0x13], $0x40, s26, s13, $0xb8;
	[tilespmem:$0x16E40] =	vst v63  }
0xcc: {  	_ =	swait.ge [sflag:s2], $0x1400  }
0xcd: {  	[sflag:s2] =	ssyncset.done $0x0  }
0xce: {  	s28 =	rddreg [dreg:$0x14];
	[sflag:s2] =	ssyncadd.s32 $0xFFFFEC00  }
0xcf: {  	[spmem:s1] =	stream.indirect.scatter.add.f32 [tilespmem:s31], [sflag:$0x14], $0x40, s28, s13, $0xb8;
	[tilespmem:$0x16E40] =	vst v63  }
0xd0: {  	_ =	swait.ge [sflag:s5], $0x1400  }
0xd1: {  	[sflag:s5] =	ssyncset.done $0x0  }
0xd2: {  	s29 =	rddreg [dreg:$0x15];
	[sflag:s5] =	ssyncadd.s32 $0xFFFFEC00  }
0xd3: {  	[spmem:s1] =	stream.indirect.scatter.add.f32 [tilespmem:s0], [sflag:$0x15], $0x40, s29, s13, $0xb8;
	[tilespmem:$0x16E40] =	vst v63  }
0xd4: {  	_ =	swait.ge [sflag:s7], $0x1400  }
0xd5: {  	[sflag:s7] =	ssyncset.done $0x0  }
0xd6: {  	[sflag:s7] =	ssyncadd.s32 $0xFFFFEC00  }
0xd7: {  	_ =	swait.ge [sflag:s8], $0x1400  }
0xd8: {  	[sflag:s8] =	ssyncset.done $0x0  }
0xd9: {  	[sflag:s8] =	ssyncadd.s32 $0xFFFFEC00  }
0xda: {  	_ =	swait.ge [sflag:s6], $0x1400  }
0xdb: {  	[sflag:s6] =	ssyncset.done $0x0  }
0xdc: {  	[sflag:s6] =	ssyncadd.s32 $0xFFFFEC00  }
0xdd: {  	_ =	swait.ge [sflag:s9], $0x1400  }
0xde: {  	[sflag:s9] =	ssyncset.done $0x0  }
0xdf: {  	[sflag:s9] =	ssyncadd.s32 $0xFFFFEC00  }
0xe0: {  	_ =	swait.ge [sflag:s10], $0x1400  }
0xe1: {  	[sflag:s10] =	ssyncset.done $0x0  }
0xe2: {  	[sflag:s10] =	ssyncadd.s32 $0xFFFFEC00  }
0xe3: {  	_ =	swait.ge [sflag:s11], $0x1400  }
0xe4: {  	[sflag:s11] =	ssyncset.done $0x0  }
0xe5: {  	[sflag:s11] =	ssyncadd.s32 $0xFFFFEC00  }
0xe6: {  	_ =	swait.ge [sflag:s14], $0x1400  }
0xe7: {  	[sflag:s14] =	ssyncset.done $0x0  }
0xe8: {  	[sflag:s14] =	ssyncadd.s32 $0xFFFFEC00  }
0xe9: {  	_ =	swait.ge [sflag:s15], $0x1400  }
0xea: {  	[sflag:s15] =	ssyncset.done $0x0  }
0xeb: {  	p0 =	sne.s32 s19, $0x960;
	[sflag:s15] =	ssyncadd.s32 $0xFFFFEC00  }
.Ltmp0:
0xec: {  	_ =	swait.ge [sflag:s16], $0x1400;
	(pc) =	sbr.rel @p0 .LBB2_2-.Ltmp0, $4  }
0xed: {  	[sflag:s16] =	ssyncset.done $0x0  }
0xee: {  	[sflag:s16] =	ssyncadd.s32 $0xFFFFEC00  }
0xef: {  	_ =	swait.ge [sflag:s17], $0x1400  }
0xf0: {  	s19 =	sadd.s32 $0x64, s19;
	s20 =	rddreg [dreg:$0x3];
	[sflag:s17] =	ssyncset.done $0x0  }
0xf1: {  	s19 =	rddreg [dreg:$0x4]  }
0xf2: {  	[sflag:s17] =	ssyncadd.s32 $0xFFFFEC00;
	s20 =	sadd.s32 s18, s20;
	s3 =	simm.s32 $0x0  }
0xf3: {  	[tilespmem:s3], [sflag:$0x1] =	stream.linear.gather [hbm4b:s20+s3], $0x320, $0x38;
	[tilespmem:$0x16E40] =	vst v63  }
0xf4: {  	s22 =	sadd.s32 s18, s19;
	s20 =	simm.s32 $0x320  }
0xf5: {  	[tilespmem:s20], [sflag:$0x1] =	stream.linear.gather [hbm4b:s22+s3], $0x320, $0x38;
	[tilespmem:$0x16E40] =	vst v63  }
0xf6: {  	_ =	swait.ge [sflag:s12], $0x320  }
0xf7: {  	[sflag:s12] =	ssyncset.done $0x0  }
0xf8: {  	[sflag:s12] =	ssyncadd.s32 $0xFFFFFCE0  }
0xf9: {  	_ =	swait.ge [sflag:s12], $0x320  }
0xfa: {  	[sflag:s12] =	ssyncset.done $0x0  }
0xfb: {  	s21 =	simm.s32 $0x640;
	[sflag:s12] =	ssyncadd.s32 $0xFFFFFCE0  }
0xfc: {  	[tilespmem:s21], [sflag:$0x2] =	stream.indirect.gather [hbm4b:s4+s13], $0x40, s3, s13, $0xb8;
	[tilespmem:$0x16E40] =	vst v63  }
0xfd: {  	s3 =	simm.s32 $0x1A40  }
0xfe: {  	[tilespmem:s3], [sflag:$0x3] =	stream.indirect.gather [hbm4b:s4+s13], $0x40, s13, s13, $0xb8;
	[tilespmem:$0x16E40] =	vst v63  }
0xff: {  	s22 =	simm.s32 $0x2E40;
	s23 =	rddreg [dreg:$0x5]  }
0x100: {  	[tilespmem:s22], [sflag:$0x4] =	stream.indirect.gather [hbm4b:s4+s13], $0x40, s23, s13, $0xb8;
	[tilespmem:$0x16E40] =	vst v63  }
0x101: {  	s24 =	rddreg [dreg:$0x6];
	s23 =	simm.s32 $0x4240  }
0x102: {  	[tilespmem:s23], [sflag:$0x5] =	stream.indirect.gather [hbm4b:s4+s13], $0x40, s24, s13, $0xb8;
	[tilespmem:$0x16E40] =	vst v63  }
0x103: {  	s25 =	rddreg [dreg:$0x7];
	s24 =	simm.s32 $0x5640  }
0x104: {  	[tilespmem:s24], [sflag:$0x6] =	stream.indirect.gather [hbm4b:s4+s13], $0x40, s25, s13, $0xb8;
	[tilespmem:$0x16E40] =	vst v63  }
0x105: {  	s26 =	rddreg [dreg:$0x8];
	s25 =	simm.s32 $0x6A40  }
0x106: {  	[tilespmem:s25], [sflag:$0x7] =	stream.indirect.gather [hbm4b:s4+s13], $0x40, s26, s13, $0xb8;
	[tilespmem:$0x16E40] =	vst v63  }
0x107: {  	s28 =	rddreg [dreg:$0x9];
	s26 =	simm.s32 $0x7E40  }
0x108: {  	[tilespmem:s26], [sflag:$0x8] =	stream.indirect.gather [hbm4b:s4+s13], $0x40, s28, s13, $0xb8;
	[tilespmem:$0x16E40] =	vst v63  }
0x109: {  	s29 =	rddreg [dreg:$0xa];
	s28 =	simm.s32 $0x9240  }
0x10a: {  	[tilespmem:s28], [sflag:$0x9] =	stream.indirect.gather [hbm4b:s4+s13], $0x40, s29, s13, $0xb8;
	[tilespmem:$0x16E40] =	vst v63  }
0x10b: {  	s0 =	rddreg [dreg:$0xb];
	s29 =	simm.s32 $0xA640  }
0x10c: {  	[tilespmem:s29], [sflag:$0xA] =	stream.indirect.gather [hbm4b:s4+s13], $0x40, s0, s13, $0xb8;
	[tilespmem:$0x16E40] =	vst v63  }
0x10d: {  	s19 =	rddreg [dreg:$0xc];
	s0 =	simm.s32 $0xBA40  }
0x10e: {  	[tilespmem:s0], [sflag:$0xB] =	stream.indirect.gather [hbm4b:s4+s13], $0x40, s19, s13, $0xb8;
	[tilespmem:$0x16E40] =	vst v63  }
0x10f: {  	s19 =	simm.s32 $0x2  }
0x110: {  	_ =	swait.ge [sflag:s19], $0x1400  }
0x111: {  	[sflag:s19] =	ssyncset.done $0x0  }
0x112: {  	[sflag:s19] =	ssyncadd.s32 $0xFFFFEC00  }
0x113: {  	[spmem:s1] =	stream.indirect.scatter.add.f32 [tilespmem:s21], [sflag:$0xC], $0x40, s20, s13, $0xb8;
	[tilespmem:$0x16E40] =	vst v63  }
0x114: {  	s20 =	simm.s32 $0x3  }
0x115: {  	_ =	swait.ge [sflag:s20], $0x1400  }
0x116: {  	[sflag:s20] =	ssyncset.done $0x0  }
0x117: {  	s18 =	simm.s32 $0x4;
	s21 =	rddreg [dreg:$0xd];
	[sflag:s20] =	ssyncadd.s32 $0xFFFFEC00  }
0x118: {  	[spmem:s1] =	stream.indirect.scatter.add.f32 [tilespmem:s3], [sflag:$0xD], $0x40, s21, s13, $0xb8;
	[tilespmem:$0x16E40] =	vst v63  }
0x119: {  	_ =	swait.ge [sflag:s18], $0x1400  }
0x11a: {  	[sflag:s18] =	ssyncset.done $0x0  }
0x11b: {  	s20 =	simm.s32 $0x5;
	s19 =	rddreg [dreg:$0xe];
	[sflag:s18] =	ssyncadd.s32 $0xFFFFEC00  }
0x11c: {  	[spmem:s1] =	stream.indirect.scatter.add.f32 [tilespmem:s22], [sflag:$0xE], $0x40, s19, s13, $0xb8;
	[tilespmem:$0x16E40] =	vst v63  }
0x11d: {  	_ =	swait.ge [sflag:s20], $0x1400  }
0x11e: {  	[sflag:s20] =	ssyncset.done $0x0  }
0x11f: {  	s22 =	simm.s32 $0x6;
	s21 =	rddreg [dreg:$0xf];
	[sflag:s20] =	ssyncadd.s32 $0xFFFFEC00  }
0x120: {  	[spmem:s1] =	stream.indirect.scatter.add.f32 [tilespmem:s23], [sflag:$0xF], $0x40, s21, s13, $0xb8;
	[tilespmem:$0x16E40] =	vst v63  }
0x121: {  	_ =	swait.ge [sflag:s22], $0x1400  }
0x122: {  	[sflag:s22] =	ssyncset.done $0x0  }
0x123: {  	s18 =	simm.s32 $0x7;
	s23 =	rddreg [dreg:$0x10];
	[sflag:s22] =	ssyncadd.s32 $0xFFFFEC00  }
0x124: {  	[spmem:s1] =	stream.indirect.scatter.add.f32 [tilespmem:s24], [sflag:$0x10], $0x40, s23, s13, $0xb8;
	[tilespmem:$0x16E40] =	vst v63  }
0x125: {  	_ =	swait.ge [sflag:s18], $0x1400  }
0x126: {  	[sflag:s18] =	ssyncset.done $0x0  }
0x127: {  	s20 =	simm.s32 $0x8;
	s19 =	rddreg [dreg:$0x11];
	[sflag:s18] =	ssyncadd.s32 $0xFFFFEC00  }
0x128: {  	[spmem:s1] =	stream.indirect.scatter.add.f32 [tilespmem:s25], [sflag:$0x11], $0x40, s19, s13, $0xb8;
	[tilespmem:$0x16E40] =	vst v63  }
0x129: {  	_ =	swait.ge [sflag:s20], $0x1400  }
0x12a: {  	[sflag:s20] =	ssyncset.done $0x0  }
0x12b: {  	s22 =	simm.s32 $0x9;
	s21 =	rddreg [dreg:$0x12];
	[sflag:s20] =	ssyncadd.s32 $0xFFFFEC00  }
0x12c: {  	[spmem:s1] =	stream.indirect.scatter.add.f32 [tilespmem:s26], [sflag:$0x12], $0x40, s21, s13, $0xb8;
	[tilespmem:$0x16E40] =	vst v63  }
0x12d: {  	_ =	swait.ge [sflag:s22], $0x1400  }
0x12e: {  	[sflag:s22] =	ssyncset.done $0x0  }
0x12f: {  	s23 =	rddreg [dreg:$0x13];
	[sflag:s22] =	ssyncadd.s32 $0xFFFFEC00  }
0x130: {  	[spmem:s1] =	stream.indirect.scatter.add.f32 [tilespmem:s28], [sflag:$0x13], $0x40, s23, s13, $0xb8;
	[tilespmem:$0x16E40] =	vst v63  }
0x131: {  	_ =	swait.ge [sflag:s2], $0x1400  }
0x132: {  	[sflag:s2] =	ssyncset.done $0x0  }
0x133: {  	s24 =	rddreg [dreg:$0x14];
	[sflag:s2] =	ssyncadd.s32 $0xFFFFEC00  }
0x134: {  	[spmem:s1] =	stream.indirect.scatter.add.f32 [tilespmem:s29], [sflag:$0x14], $0x40, s24, s13, $0xb8;
	[tilespmem:$0x16E40] =	vst v63  }
0x135: {  	_ =	swait.ge [sflag:s5], $0x1400  }
0x136: {  	[sflag:s5] =	ssyncset.done $0x0  }
0x137: {  	s25 =	rddreg [dreg:$0x15];
	[sflag:s5] =	ssyncadd.s32 $0xFFFFEC00  }
0x138: {  	[spmem:s1] =	stream.indirect.scatter.add.f32 [tilespmem:s0], [sflag:$0x15], $0x40, s25, s13, $0xb8;
	[tilespmem:$0x16E40] =	vst v63  }
0x139: {  	_ =	swait.ge [sflag:s7], $0x1400  }
0x13a: {  	[sflag:s7] =	ssyncset.done $0x0  }
0x13b: {  	[sflag:s7] =	ssyncadd.s32 $0xFFFFEC00  }
0x13c: {  	_ =	swait.ge [sflag:s8], $0x1400  }
0x13d: {  	[sflag:s8] =	ssyncset.done $0x0  }
0x13e: {  	[sflag:s8] =	ssyncadd.s32 $0xFFFFEC00  }
0x13f: {  	_ =	swait.ge [sflag:s6], $0x1400  }
0x140: {  	[sflag:s6] =	ssyncset.done $0x0  }
0x141: {  	[sflag:s6] =	ssyncadd.s32 $0xFFFFEC00  }
0x142: {  	_ =	swait.ge [sflag:s9], $0x1400  }
0x143: {  	[sflag:s9] =	ssyncset.done $0x0  }
0x144: {  	[sflag:s9] =	ssyncadd.s32 $0xFFFFEC00  }
0x145: {  	_ =	swait.ge [sflag:s10], $0x1400  }
0x146: {  	[sflag:s10] =	ssyncset.done $0x0  }
0x147: {  	[sflag:s10] =	ssyncadd.s32 $0xFFFFEC00  }
0x148: {  	_ =	swait.ge [sflag:s11], $0x1400  }
0x149: {  	[sflag:s11] =	ssyncset.done $0x0  }
0x14a: {  	[sflag:s11] =	ssyncadd.s32 $0xFFFFEC00  }
0x14b: {  	_ =	swait.ge [sflag:s14], $0x1400  }
0x14c: {  	[sflag:s14] =	ssyncset.done $0x0  }
0x14d: {  	[sflag:s14] =	ssyncadd.s32 $0xFFFFEC00  }
0x14e: {  	_ =	swait.ge [sflag:s15], $0x1400  }
0x14f: {  	[sflag:s15] =	ssyncset.done $0x0  }
0x150: {  	[sflag:s15] =	ssyncadd.s32 $0xFFFFEC00  }
0x151: {  	_ =	swait.ge [sflag:s16], $0x1400  }
0x152: {  	[sflag:s16] =	ssyncset.done $0x0  }
0x153: {  	[sflag:s16] =	ssyncadd.s32 $0xFFFFEC00  }
0x154: {  	_ =	swait.ge [sflag:s17], $0x1400  }
0x155: {  	[sflag:s17] =	ssyncset.done $0x0  }
0x156: {  	[sflag:s17] =	ssyncadd.s32 $0xFFFFEC00  }
0x157: {  	[bflag:$0x0] =	sbarrier.arrive $0xFFFF  }
0x158: {  	s19 =	rddreg [dreg:$0x17]  }
0x159: {  	s26 =	rddreg [dreg:$0x18]  }
0x15a: {  	s21 =	simm.s32 $0x16;
	s20 =	rddreg [dreg:$0x1a]  }
0x15b: {  	[hbm:s26], [sflag:s19] =	dma.local [spmem:s20], $0x1400  }
0x15c: {  	_ =	swait.ge [sflag:s21], $0x1400  }
0x15d: {  	s28 =	rddreg [dreg:$0x1b]  }
0x15e: {  	s29 =	rddreg [dreg:$0x19];
	s0 =	sadd.s32 $0x1, s28  }
0x15f: {  	p0 =	sne.s32 s0, s29  }
.Ltmp1:
0x160: {  	_ = 	snop;
	(pc) =	sbr.rel @p0 .LBB2_1-.Ltmp1, $3  }
0x161: {  	_ =	sdelay $0x1  }
0x162: {  	[sflag:s21] =	ssyncset.done $0x0  }
0x163: {  	[sflag:s21] =	ssyncadd.s32 $0xFFFFEC00  }
0x164: {  	_ =	sfence.sel $0x180000  }
0x165: {  	[bflag:$0x0] =	sbarrier.arrive $0xFFFF  }
0x166: {  	_ =	strace $0x90000047  }
0x167: {  	s0 =	stileid.u32;
	[bflag:$0x2] =	sbarrier.arrive $0xFFFF  }
0x168: {  	p0 =	sne.s32 s0, $0x0;
	s0 =	rddreg [dreg:$0x2]  }
0x169: {  	s0 =	sadd.s32 @!p0 $0x100000, s0  }
0x16a: {  	[sflag:s0] =	ssyncadd.tile.s32 @!p0 $0x1;
	_ =	shalt  }
.Lfunc_end2:
_tile_overlayer_lowered:
.L_overlay_start_2:
0x16b: {  	(tag) =	ssettag $0x2  }
0x16c: {  	s0 =	rddreg [dreg:$0x0];
	s2 =	stileid.u32  }
0x16d: {  	s1 =	rddreg [dreg:$0x1];
	p0 =	sne.s32 s2, $0x0  }
0x16e: {  	s3 =	rddreg [dreg:$0x2];
	[bflag:$0x3] =	sbarrier.arrive $0xFFFF;
	s2 =	simm.s32 @!p0 $0x1C16  }
0x16f: {  	[timem:s3], [sflag:s2] =	dma.local @!p0 [hbm:s0], s1  }
0x170: {  	s0 =	simm.s32 @!p0 $0x16  }
0x171: {  	_ =	swait.ge @!p0 [sflag:s0], s1  }
0x172: {  	s1 =	ssub.s32 @!p0 $0x0, s1;
	[sflag:s0] =	ssyncset.done @!p0 $0x0  }
0x173: {  	[sflag:s0] =	ssyncadd.s32 @!p0 s1  }
0x174: {  	[bflag:$0x3] =	sbarrier.arrive $0xFFFF  }
0x175: {  	_ =	shalt  }

// kernel: kernel.13.cloned.1.call-start
scs
__scs_entry_jumppad:
0x0: {  	(pc) =	sbr.rel $0x88, $3  }
0x1: {  	(tag) =	ssettag $0x0;
	lr =	simm.s32 $0x1  }
0x2: {  	[smem:$0x3F6C] =	sst lr;
	_ =	strace $0xD0000000  }
0x3: {  	_ = 	snop  }
0x4: {  	_ = 	snop  }
0x5: {  	_ = 	snop  }
0x6: {  	_ = 	snop  }
0x7: {  	_ = 	snop  }
__scs_overlays_trampoline_lowered:
0x8: {  	[smem:$0x3F7B] =	sst s0  }
0x9: {  	[smem:$0x3F7C] =	sst s1  }
0xa: {  	[smem:$0x3F7D] =	sst s2  }
0xb: {  	[smem:$0x3F7E] =	sst s3  }
0xc: {  	[smem:$0x3F7F] =	sst s4  }
0xd: {  	[smem:$0x3F80] =	sst s5  }
0xe: {  	[smem:$0x3F81] =	sst s6  }
0xf: {  	[smem:$0x3F82] =	sst s7  }
0x10: {  	[smem:$0x3F83] =	sst s8  }
0x11: {  	[smem:$0x3F84] =	sst s9;
	s0 =	simm.s32 @!p0 $0x0  }
0x12: {  	s1 =	sld [smem:$0x3F6A];
	s0 =	simm.s32 @p0 $0x1  }
0x13: {  	[smem:$0x3F85] =	sst s0;
	s0 =	simm.s32 @!p1 $0x0  }
0x14: {  	s2 =	sld [smem:$0x3F69];
	s0 =	simm.s32 @p1 $0x1  }
0x15: {  	[smem:$0x3F86] =	sst s0;
	s0 =	simm.s32 @!p2 $0x0  }
0x16: {  	s3 =	sld [smem:$0x3FDB];
	s0 =	simm.s32 @p2 $0x1  }
0x17: {  	s4 =	simm.s32 $0x1BF5;
	[smem:$0x3F88] =	sst s0  }
0x18: {  	s0 =	sld [smem:$0x3F6B];
	_ =	swait.ge [sflag:s4], $0x0  }
0x19: {  	s7 =	sld [smem:$0x3F6C]  }
0x1a: {  	s8 =	sadd.s32 $0xFFFFE003, lr  }
0x1b: {  	s9 =	sadd.s32 $0xFFFFFEF7, lr;
	s5 =	simm.s32 $0xFFFFFFFF;
	p2 =	slt.u32 s8, $0xFFFFF086  }
0x1c: {  	p1 =	slt.u32 s9, $0xF7A;
	s5 =	simm.s32 @!p2 $0x0  }
0x1d: {  	s5 =	simm.s32 @p1 $0x1;
	p0 =	seq.s32 s7, s2  }
0x1e: {  	s7 =	smul.u32 @!p0 $0xF7A, s2;
	p2 =	seq.s32 @!p0 s5, $0x0  }
0x1f: {  	s9 =	smul.u32 $0xF7A, s1;
	s8 =	simm.s32 @!p0 $0x1BF5;
	p2 =	por !p2, p0  }
0x20: {  	[sflag:s8] =	ssyncset.s32 @!p0 $0xFFFFF086;
	s6 =	sadd.s32 @!p0 s3, s7;
	s7 =	simm.s32 @!p0 $0x108  }
0x21: {  	s3 =	sadd.s32 s3, s9;
	s6 =	sadd.s32 @!p0 $0x88, s6;
	s7 =	simm.s32 @p2 $0x1082  }
0x22: {  	[simem:s7], [sflag:s8] =	dma.local @!p0 [hbm:s6], $0xF7A  }
0x23: {  	s9 =	sor.u32 $0xD0000000, s2;
	s6 =	simm.s32 $0x108;
	_ =	swait.ge @!p0 [sflag:s8], $0x0  }
0x24: {  	s3 =	sadd.s32 $0x88, s3;
	s6 =	simm.s32 @!p1 $0x1082;
	[sflag:s4] =	ssyncset.s32 $0xFFFFF086  }
0x25: {  	[simem:s6], [sflag:s4] =	dma.local [hbm:s3], $0xF7A  }
0x26: {  	[smem:$0x3F6C] =	sst s1;
	(tag) =	ssettag s2;
	_ =	strace s9  }
0x27: {  	s1 =	sld [smem:$0x3F7C]  }
0x28: {  	s2 =	sld [smem:$0x3F7D]  }
0x29: {  	s4 =	sld [smem:$0x3F7F]  }
0x2a: {  	p0 =	seq.s32 s5, $0x0;
	s5 =	sld [smem:$0x3F80]  }
0x2b: {  	s6 =	sld [smem:$0x3F81]  }
0x2c: {  	s7 =	sld [smem:$0x3F82]  }
0x2d: {  	s3 =	simm.s32 $0x108;
	s8 =	sld [smem:$0x3F83]  }
0x2e: {  	s3 =	simm.s32 @!p0 $0x1082;
	s9 =	sld [smem:$0x3F84]  }
0x2f: {  	lr =	sadd.s32 s0, s3;
	s0 =	sld [smem:$0x3F7B]  }
0x30: {  	s3 =	sld [smem:$0x3F7E]  }
0x31: {  	[smem:$0x3F87] =	sst s10  }
0x32: {  	s10 =	sld [smem:$0x3F85];
	_ =	sdelay $0x3  }
0x33: {  	p0 =	seq.s32 s10, $0x1;
	s10 =	sld [smem:$0x3F87];
	_ =	sdelay $0x3  }
0x34: {  	[smem:$0x3F87] =	sst s10  }
0x35: {  	s10 =	sld [smem:$0x3F86];
	_ =	sdelay $0x3  }
0x36: {  	p1 =	seq.s32 s10, $0x1;
	s10 =	sld [smem:$0x3F87];
	_ =	sdelay $0x3  }
0x37: {  	[smem:$0x3F87] =	sst s10  }
0x38: {  	s10 =	sld [smem:$0x3F88]  }
0x39: {  	_ = 	snop;
	(pc) =	sbr.ind lr, $3  }
0x3a: {  	_ = 	snop  }
0x3b: {  	_ = 	snop  }
0x3c: {  	p2 =	seq.s32 s10, $0x1;
	s10 =	sld [smem:$0x3F87]  }
0x3d: {  	_ =	shalt  }
0x3e: {  	_ =	shalt  }
0x3f: {  	_ =	shalt  }
0x40: {  	_ =	shalt  }
0x41: {  	_ =	shalt  }
0x42: {  	_ =	shalt  }
0x43: {  	_ =	shalt  }
0x44: {  	_ =	shalt  }
0x45: {  	_ =	shalt  }
0x46: {  	_ =	shalt  }
0x47: {  	_ =	shalt  }
0x48: {  	_ =	shalt  }
0x49: {  	_ =	shalt  }
0x4a: {  	_ =	shalt  }
0x4b: {  	_ =	shalt  }
0x4c: {  	_ =	shalt  }
0x4d: {  	_ =	shalt  }
0x4e: {  	_ =	shalt  }
0x4f: {  	_ =	shalt  }
0x50: {  	_ =	shalt  }
0x51: {  	_ =	shalt  }
0x52: {  	_ =	shalt  }
0x53: {  	_ =	shalt  }
0x54: {  	_ =	shalt  }
0x55: {  	_ =	shalt  }
0x56: {  	_ =	shalt  }
0x57: {  	_ =	shalt  }
0x58: {  	_ =	shalt  }
0x59: {  	_ =	shalt  }
0x5a: {  	_ =	shalt  }
0x5b: {  	_ =	shalt  }
0x5c: {  	_ =	shalt  }
0x5d: {  	_ =	shalt  }
0x5e: {  	_ =	shalt  }
0x5f: {  	_ =	shalt  }
0x60: {  	_ =	shalt  }
0x61: {  	_ =	shalt  }
0x62: {  	_ =	shalt  }
0x63: {  	_ =	shalt  }
0x64: {  	_ =	shalt  }
0x65: {  	_ =	shalt  }
0x66: {  	_ =	shalt  }
0x67: {  	_ =	shalt  }
0x68: {  	_ =	shalt  }
0x69: {  	_ =	shalt  }
0x6a: {  	_ =	shalt  }
0x6b: {  	_ =	shalt  }
0x6c: {  	_ =	shalt  }
0x6d: {  	_ =	shalt  }
0x6e: {  	_ =	shalt  }
0x6f: {  	_ =	shalt  }
0x70: {  	_ =	shalt  }
0x71: {  	_ =	shalt  }
0x72: {  	_ =	shalt  }
0x73: {  	_ =	shalt  }
0x74: {  	_ =	shalt  }
0x75: {  	_ =	shalt  }
0x76: {  	_ =	shalt  }
0x77: {  	_ =	shalt  }
0x78: {  	_ =	shalt  }
0x79: {  	_ =	shalt  }
0x7a: {  	_ =	shalt  }
0x7b: {  	_ =	shalt  }
0x7c: {  	_ =	shalt  }
0x7d: {  	_ =	shalt  }
0x7e: {  	_ =	shalt  }
0x7f: {  	_ =	shalt  }
0x80: {  	_ =	shalt  }
0x81: {  	_ =	shalt  }
0x82: {  	_ =	shalt  }
0x83: {  	_ =	shalt  }
0x84: {  	_ =	shalt  }
0x85: {  	_ =	shalt  }
0x86: {  	_ =	shalt  }
0x87: {  	_ =	shalt  }
.Lfunc_end0:
.L_simem_size_0:
called_computation.1_lowered:
.L_overlay_start_0:
0x88: {  	s2 =	sld [smem:$0x3FD9]  }
0x89: {  	s3 =	sld [smem:$0x3FFE];
	_ =	sdelay $0x1  }
0x8a: {  	s1 =	srdreg.scid  }
0x8b: {  	s0 =	sand.u32 $0x1, s1  }
0x8c: {  	s16 =	sshll.u32 s0, $0xA;
	s2 =	sadd.s32 s3, s2  }
0x8d: {  	s2 =	sadd.s32 s2, s16  }
0x8e: {  	[smem:$0x3F93] =	sst s2  }
0x8f: {  	_ = 	snop  }
0x90: {  	(tm) =	ssettm $0x1  }
0x91: {  	s17 =	sld [smem:$0x3FFB];
	_ =	sdelay $0x3  }
0x92: {  	_ =	strace s17  }
0x93: {  	s2 =	sld [smem:$0x3FFC];
	_ =	sdelay $0x3  }
0x94: {  	_ =	strace s2  }
0x95: {  	s2 =	sld [smem:$0x3FFD];
	_ =	sdelay $0x3  }
0x96: {  	_ =	strace s2  }
0x97: {  	_ =	strace $0x8FFFFFFF  }
0x98: {  	s18 =	sld [smem:$0x3FDB];
	_ =	sdelay $0x1  }
0x99: {  	s19 =	simm.s32 $_scs_section_size  }
0x9a: {  	s4 =	simm.s32 $_size__tile_overlayer_lowered;
	s5 =	simm.s32 $_tile_overlayer_lowered  }
0x9b: {  	s22 =	simm.s32 $0x1BFF;
	s21 =	sshll.u32 s5, $0x1;
	s2 =	sadd.s32 s19, s18  }
0x9c: {  	s6 =	simm.s32 $0x0;
	s20 =	sshll.u32 s4, $0x1;
	s4 =	sadd.s32 s21, s2  }
0x9d: {  	[timem:s6], [sflag:s22] =	dma.local [hbm:s4], s20  }
0x9e: {  	_ =	swait.ge [sflag:s22], s20  }
0x9f: {  	s3 =	ssub.s32 $0x0, s20;
	[sflag:s22] =	ssyncset.done $0x0  }
0xa0: {  	[sflag:s22] =	ssyncadd.s32 s3;
	_ =	sdelay $0x1  }
0xa1: {  	s23 =	simm.s32 $0x1B8B  }
0xa2: {  	_ =	swait.ge [sflag:s23], $0x1  }
0xa3: {  	[sflag:s23] =	ssyncset.done $0x0  }
0xa4: {  	s25 =	simm.s32 $0x1B8E;
	s24 =	sld [smem:$0x3FFE];
	[sflag:s23] =	ssyncadd.s32 $0xFFFFFFFF  }
0xa5: {  	s26 =	simm.s32 $execute0_lowered;
	[smem:$0x3FD2] =	sst s25  }
0xa6: {  	s4 =	sshll.u32 s26, $0x1;
	_ =	strace $0x80000049;
	[dreg:$0x1] =	wrdreg $0xFFFFFFFF  }
0xa7: {  	s28 =	simm.s32 $_size_execute0_lowered;
	s2 =	sadd.s32 s2, s4;
	[dreg:$0x0] =	wrdreg $0x0  }
0xa8: {  	s4 =	sshll.u32 s28, $0x1;
	[dreg:$0x2] =	wrdreg s2  }
0xa9: {  	[dreg:$0x3] =	wrdreg s4  }
0xaa: {  	[dreg:$0x4] =	wrdreg $0xC0  }
0xab: {  	_ =	task [dreg:s6], $0x5FFFF  }
0xac: {  	[dreg:$0x1] =	wrdreg $0xFFFFFFFF  }
0xad: {  	[dreg:$0x0] =	wrdreg $0x60  }
0xae: {  	[dreg:$0x2] =	wrdreg s24  }
0xaf: {  	[dreg:$0x3] =	wrdreg $0xCE400  }
0xb0: {  	[dreg:$0x4] =	wrdreg $0x9  }
0xb1: {  	_ =	task.clear_ibuf [dreg:s6], $0x5FFFF;
	_ =	strace $0x90000049  }
0xb2: {  	s29 =	simm.s32 $0x9;
	_ =	strace $0x8000004B  }
0xb3: {  	_ =	swait.ge [sflag:s29], $0x1  }
0xb4: {  	[sflag:s29] =	ssyncadd.s32 $0xFFFFFFFF  }
0xb5: {  	_ =	strace $0x9000004B  }
0xb6: {  	_ =	sfence  }
0xb7: {  	s30 =	sld [smem:$0x0];
	_ =	sdelay $0x2  }
0xb8: {  	s31 =	sshll.u32 s1, $0xD;
	s1 =	sshrl.u32 s1, $0x2  }
0xb9: {  	s3 =	sand.u32 $0x4000, s31;
	s1 =	sadd.s32 s1, s30  }
0xba: {  	s0 =	sor.u32 s3, s0;
	s1 =	sshll.u32 s1, $0x11  }
0xbb: {  	s0 =	sor.u32 s1, s0  }
0xbc: {  	s0 =	sadd.s32 $0x8F2B, s0  }
0xbd: {  	[sflag:s0] =	ssyncadd.remote.s32 $0x1  }
0xbe: {  	_ =	sfence.sel $0xFFFF  }
0xbf: {  	[dreg:$0x0] =	wrdreg $0xFFFFFFFF;
	(pc) =	sbr.abs _section_cstart, $3  }
0xc0: {  	[dreg:$0x1] =	wrdreg $0xFFFFFFFF  }
0xc1: {  	_ =	task.clear_ibuf [dreg:s6], $0x2FFFF;
	_ =	strace $0x9FFFFFFF  }
0xc2: {  	(tm) =	ssettm $0x7FFFFFFF  }
0xc3: {  	_ =	shalt  }
tec
execute0_lowered:
.L_overlay_start_1:
0x0: {  	(tag) =	ssettag $0x1  }
0x1: {  	s0 =	rddreg [dreg:$0x0]  }
0x2: {  	s1 =	rddreg [dreg:$0x1];
	s10 =	stileid.u32  }
0x3: {  	s2 =	srdreg.scid;
	s3 =	simm.s32 $0x0;
	s6 =	smul.u32 $0x1400, s10  }
0x4: {  	s21 =	simm.s32 $0x16;
	[smem:$0x7FF] =	sst s3;
	s8 =	smul.u32 $0x28000, s10  }
0x5: {  	s9 =	smul.u32 $0x9C4, s10;
	s11 =	sadd.s32 $0x54C00, s0;
	s29 =	sshll.u32 s10, $0x6  }
0x6: {  	s10 =	simm.s32 $0x190;
	_ =	strace $0x8000004A;
	[dreg:$0x16] =	wrdreg s11  }
0x7: {  	s12 =	simm.s32 $0x1;
	s14 =	simm.s32 $0x230;
	[dreg:$0x8] =	wrdreg s10  }
0x8: {  	s13 =	simm.s32 $0x50;
	s15 =	simm.s32 $0x280;
	[dreg:$0xa] =	wrdreg s14  }
0x9: {  	s16 =	simm.s32 $0x2D0;
	s17 =	simm.s32 $0x370;
	[dreg:$0xb] =	wrdreg s15  }
0xa: {  	s18 =	simm.s32 $0x3C0;
	s22 =	simm.s32 $0x410;
	[dreg:$0xc] =	wrdreg s16  }
0xb: {  	s23 =	simm.s32 $0x460;
	s24 =	simm.s32 $0x4B0;
	[dreg:$0xd] =	wrdreg s17  }
0xc: {  	s25 =	simm.s32 $0x500;
	s30 =	simm.s32 $0x9240;
	[dreg:$0xe] =	wrdreg s18  }
0xd: {  	s31 =	simm.s32 $0xA640;
	s2 =	sand.u32 $0x1, s2;
	[dreg:$0xf] =	wrdreg s22  }
0xe: {  	s4 =	sadd.s32 $0x5800, s0;
	s5 =	smul.u32 $0x9C40, s2;
	[dreg:$0x10] =	wrdreg s23  }
0xf: {  	s7 =	smul.u32 $0x14000, s2;
	s2 =	ssub.s32 $0x2, s2;
	[dreg:$0x11] =	wrdreg s24  }
0x10: {  	s19 =	sor.u32 $0x1C16, s29;
	s11 =	simm.s32 $0x1E0;
	[dreg:$0x12] =	wrdreg s25  }
0x11: {  	s29 =	simm.s32 $0x5F0;
	s10 =	simm.s32 $0x10;
	s14 =	simm.s32 $0x12  }
0x12: {  	s15 =	simm.s32 $0x13;
	s16 =	simm.s32 $0x14;
	s17 =	simm.s32 $0x15  }
0x13: {  	s26 =	sshrl.u32 s2, $0x1;
	s28 =	sshrl.u32 s8, $0x2;
	[dreg:$0x9] =	wrdreg s11  }
0x14: {  	s8 =	simm.s32 $0xF0;
	[dreg:$0x15] =	wrdreg s29;
	s11 =	simm.s32 $0x11  }
0x15: {  	[dreg:$0x17] =	wrdreg s19;
	s5 =	sadd.s32 s5, s0;
	s6 =	sadd.s32 s6, s7  }
0x16: {  	s2 =	ssub.s32 s2, s26;
	s7 =	simm.s32 $0xA0;
	[dreg:$0x6] =	wrdreg s8  }
0x17: {  	s26 =	simm.s32 $0x550;
	s8 =	simm.s32 $0xD;
	[dreg:$0x5] =	wrdreg s7  }
0x18: {  	s0 =	sadd.s32 s6, s0;
	s2 =	smax.u32 s2, $0x1;
	[dreg:$0x13] =	wrdreg s26  }
0x19: {  	s5 =	sadd.s32 s9, s5;
	s9 =	simm.s32 $0x140;
	[dreg:$0x19] =	wrdreg s2  }
0x1a: {  	s6 =	sadd.s32 s28, s1;
	s28 =	simm.s32 $0x5A0;
	[dreg:$0x7] =	wrdreg s9  }
0x1b: {  	s7 =	simm.s32 $0xC;
	s0 =	sadd.s32 $0xA6000, s0;
	[dreg:$0x14] =	wrdreg s28  }
0x1c: {  	s3 =	sadd.s32 $0x2D800, s5;
	s5 =	sadd.s32 $0x41200, s5;
	[dreg:$0x18] =	wrdreg s0  }
0x1d: {  	s20 =	sshrl.u32 s6, $0x3;
	s2 =	simm.s32 $0xA;
	[dreg:$0x3] =	wrdreg s3  }
0x1e: {  	s6 =	simm.s32 $0xE;
	s9 =	simm.s32 $0xF;
	[dreg:$0x4] =	wrdreg s5  }
0x1f: {  	s5 =	simm.s32 $0xB;
	s0 =	simm.s32 $0x0;
	[dreg:$0x1a] =	wrdreg s20  }
.LBB2_1:
0x20: {  	[dreg:$0x1b] =	wrdreg s0  }
0x21: {  	s18 =	rddreg [dreg:$0x16]  }
0x22: {  	[spmem:s20], [sflag:s19] =	dma.local [hbm:s18], $0x1400  }
0x23: {  	_ =	swait.ge [sflag:s21], $0x1400  }
0x24: {  	[sflag:s21] =	ssyncset.done $0x0  }
0x25: {  	[sflag:s21] =	ssyncadd.s32 $0xFFFFEC00  }
0x26: {  	[bflag:$0x0] =	sbarrier.arrive $0xFFFF  }
0x27: {  	s20 =	rddreg [dreg:$0x3]  }
0x28: {  	s3 =	simm.s32 $0x0;
	s21 =	rddreg [dreg:$0x4];
	s18 =	sadd.s32 $0x0, s20  }
0x29: {  	[tilespmem:s3], [sflag:$0x1] =	stream.linear.gather [hbm4b:s18+s3], $0x320, $0x38;
	[tilespmem:$0x16E40] =	vst v63  }
0x2a: {  	s22 =	sadd.s32 $0x0, s21;
	s20 =	simm.s32 $0x320  }
0x2b: {  	[tilespmem:s20], [sflag:$0x1] =	stream.linear.gather [hbm4b:s22+s3], $0x320, $0x38;
	[tilespmem:$0x16E40] =	vst v63  }
0x2c: {  	_ =	swait.ge [sflag:s12], $0x320  }
0x2d: {  	[sflag:s12] =	ssyncset.done $0x0  }
0x2e: {  	[sflag:s12] =	ssyncadd.s32 $0xFFFFFCE0  }
0x2f: {  	_ =	swait.ge [sflag:s12], $0x320  }
0x30: {  	[sflag:s12] =	ssyncset.done $0x0  }
0x31: {  	s21 =	simm.s32 $0x640;
	[sflag:s12] =	ssyncadd.s32 $0xFFFFFCE0  }
0x32: {  	[tilespmem:s21], [sflag:$0x2] =	stream.indirect.gather [hbm4b:s4+s13], $0x40, s3, s13, $0xb8;
	[tilespmem:$0x16E40] =	vst v63  }
0x33: {  	s22 =	simm.s32 $0x1A40  }
0x34: {  	[tilespmem:s22], [sflag:$0x3] =	stream.indirect.gather [hbm4b:s4+s13], $0x40, s13, s13, $0xb8;
	[tilespmem:$0x16E40] =	vst v63  }
0x35: {  	s23 =	rddreg [dreg:$0x5];
	s3 =	simm.s32 $0x2E40  }
0x36: {  	[tilespmem:s3], [sflag:$0x4] =	stream.indirect.gather [hbm4b:s4+s13], $0x40, s23, s13, $0xb8;
	[tilespmem:$0x16E40] =	vst v63  }
0x37: {  	s24 =	rddreg [dreg:$0x6];
	s23 =	simm.s32 $0x4240  }
0x38: {  	[tilespmem:s23], [sflag:$0x5] =	stream.indirect.gather [hbm4b:s4+s13], $0x40, s24, s13, $0xb8;
	[tilespmem:$0x16E40] =	vst v63  }
0x39: {  	s25 =	rddreg [dreg:$0x7];
	s24 =	simm.s32 $0x5640  }
0x3a: {  	[tilespmem:s24], [sflag:$0x6] =	stream.indirect.gather [hbm4b:s4+s13], $0x40, s25, s13, $0xb8;
	[tilespmem:$0x16E40] =	vst v63  }
0x3b: {  	s26 =	rddreg [dreg:$0x8];
	s25 =	simm.s32 $0x6A40  }
0x3c: {  	[tilespmem:s25], [sflag:$0x7] =	stream.indirect.gather [hbm4b:s4+s13], $0x40, s26, s13, $0xb8;
	[tilespmem:$0x16E40] =	vst v63  }
0x3d: {  	s28 =	rddreg [dreg:$0x9];
	s26 =	simm.s32 $0x7E40  }
0x3e: {  	[tilespmem:s26], [sflag:$0x8] =	stream.indirect.gather [hbm4b:s4+s13], $0x40, s28, s13, $0xb8;
	[tilespmem:$0x16E40] =	vst v63  }
0x3f: {  	s29 =	rddreg [dreg:$0xa];
	s28 =	simm.s32 $0x9240  }
0x40: {  	[tilespmem:s28], [sflag:$0x9] =	stream.indirect.gather [hbm4b:s4+s13], $0x40, s29, s13, $0xb8;
	[tilespmem:$0x16E40] =	vst v63  }
0x41: {  	s0 =	rddreg [dreg:$0xb];
	s29 =	simm.s32 $0xA640  }
0x42: {  	[tilespmem:s29], [sflag:$0xA] =	stream.indirect.gather [hbm4b:s4+s13], $0x40, s0, s13, $0xb8;
	[tilespmem:$0x16E40] =	vst v63  }
0x43: {  	s19 =	rddreg [dreg:$0xc];
	s0 =	simm.s32 $0xBA40  }
0x44: {  	[tilespmem:s0], [sflag:$0xB] =	stream.indirect.gather [hbm4b:s4+s13], $0x40, s19, s13, $0xb8;
	[tilespmem:$0x16E40] =	vst v63  }
0x45: {  	s19 =	simm.s32 $0x2  }
0x46: {  	_ =	swait.ge [sflag:s19], $0x1400  }
0x47: {  	[sflag:s19] =	ssyncset.done $0x0  }
0x48: {  	[sflag:s19] =	ssyncadd.s32 $0xFFFFEC00  }
0x49: {  	[spmem:s1] =	stream.indirect.scatter.add.f32 [tilespmem:s21], [sflag:$0xC], $0x40, s20, s13, $0xb8;
	[tilespmem:$0x16E40] =	vst v63  }
0x4a: {  	s20 =	simm.s32 $0x3  }
0x4b: {  	_ =	swait.ge [sflag:s20], $0x1400  }
0x4c: {  	[sflag:s20] =	ssyncset.done $0x0  }
0x4d: {  	s18 =	simm.s32 $0x4;
	s21 =	rddreg [dreg:$0xd];
	[sflag:s20] =	ssyncadd.s32 $0xFFFFEC00  }
0x4e: {  	[spmem:s1] =	stream.indirect.scatter.add.f32 [tilespmem:s22], [sflag:$0xD], $0x40, s21, s13, $0xb8;
	[tilespmem:$0x16E40] =	vst v63  }
0x4f: {  	_ =	swait.ge [sflag:s18], $0x1400  }
0x50: {  	[sflag:s18] =	ssyncset.done $0x0  }
0x51: {  	s21 =	simm.s32 $0x5;
	s20 =	rddreg [dreg:$0xe];
	[sflag:s18] =	ssyncadd.s32 $0xFFFFEC00  }
0x52: {  	[spmem:s1] =	stream.indirect.scatter.add.f32 [tilespmem:s3], [sflag:$0xE], $0x40, s20, s13, $0xb8;
	[tilespmem:$0x16E40] =	vst v63  }
0x53: {  	_ =	swait.ge [sflag:s21], $0x1400  }
0x54: {  	[sflag:s21] =	ssyncset.done $0x0  }
0x55: {  	s19 =	simm.s32 $0x6;
	s22 =	rddreg [dreg:$0xf];
	[sflag:s21] =	ssyncadd.s32 $0xFFFFEC00  }
0x56: {  	[spmem:s1] =	stream.indirect.scatter.add.f32 [tilespmem:s23], [sflag:$0xF], $0x40, s22, s13, $0xb8;
	[tilespmem:$0x16E40] =	vst v63  }
0x57: {  	_ =	swait.ge [sflag:s19], $0x1400  }
0x58: {  	[sflag:s19] =	ssyncset.done $0x0  }
0x59: {  	s21 =	simm.s32 $0x7;
	s20 =	rddreg [dreg:$0x10];
	[sflag:s19] =	ssyncadd.s32 $0xFFFFEC00  }
0x5a: {  	[spmem:s1] =	stream.indirect.scatter.add.f32 [tilespmem:s24], [sflag:$0x10], $0x40, s20, s13, $0xb8;
	[tilespmem:$0x16E40] =	vst v63  }
0x5b: {  	_ =	swait.ge [sflag:s21], $0x1400  }
0x5c: {  	[sflag:s21] =	ssyncset.done $0x0  }
0x5d: {  	s23 =	simm.s32 $0x8;
	s22 =	rddreg [dreg:$0x11];
	[sflag:s21] =	ssyncadd.s32 $0xFFFFEC00  }
0x5e: {  	[spmem:s1] =	stream.indirect.scatter.add.f32 [tilespmem:s25], [sflag:$0x11], $0x40, s22, s13, $0xb8;
	[tilespmem:$0x16E40] =	vst v63  }
0x5f: {  	_ =	swait.ge [sflag:s23], $0x1400  }
0x60: {  	[sflag:s23] =	ssyncset.done $0x0  }
0x61: {  	s25 =	simm.s32 $0x9;
	s24 =	rddreg [dreg:$0x12];
	[sflag:s23] =	ssyncadd.s32 $0xFFFFEC00  }
0x62: {  	[spmem:s1] =	stream.indirect.scatter.add.f32 [tilespmem:s26], [sflag:$0x12], $0x40, s24, s13, $0xb8;
	[tilespmem:$0x16E40] =	vst v63  }
0x63: {  	_ =	swait.ge [sflag:s25], $0x1400  }
0x64: {  	[sflag:s25] =	ssyncset.done $0x0  }
0x65: {  	s26 =	rddreg [dreg:$0x13];
	[sflag:s25] =	ssyncadd.s32 $0xFFFFEC00  }
0x66: {  	[spmem:s1] =	stream.indirect.scatter.add.f32 [tilespmem:s28], [sflag:$0x13], $0x40, s26, s13, $0xb8;
	[tilespmem:$0x16E40] =	vst v63  }
0x67: {  	_ =	swait.ge [sflag:s2], $0x1400  }
0x68: {  	[sflag:s2] =	ssyncset.done $0x0  }
0x69: {  	s28 =	rddreg [dreg:$0x14];
	[sflag:s2] =	ssyncadd.s32 $0xFFFFEC00  }
0x6a: {  	[spmem:s1] =	stream.indirect.scatter.add.f32 [tilespmem:s29], [sflag:$0x14], $0x40, s28, s13, $0xb8;
	[tilespmem:$0x16E40] =	vst v63  }
0x6b: {  	_ =	swait.ge [sflag:s5], $0x1400  }
0x6c: {  	[sflag:s5] =	ssyncset.done $0x0  }
0x6d: {  	s29 =	rddreg [dreg:$0x15];
	[sflag:s5] =	ssyncadd.s32 $0xFFFFEC00  }
0x6e: {  	[spmem:s1] =	stream.indirect.scatter.add.f32 [tilespmem:s0], [sflag:$0x15], $0x40, s29, s13, $0xb8;
	[tilespmem:$0x16E40] =	vst v63  }
0x6f: {  	_ =	swait.ge [sflag:s7], $0x1400  }
0x70: {  	[sflag:s7] =	ssyncset.done $0x0  }
0x71: {  	[sflag:s7] =	ssyncadd.s32 $0xFFFFEC00  }
0x72: {  	_ =	swait.ge [sflag:s8], $0x1400  }
0x73: {  	[sflag:s8] =	ssyncset.done $0x0  }
0x74: {  	[sflag:s8] =	ssyncadd.s32 $0xFFFFEC00  }
0x75: {  	_ =	swait.ge [sflag:s6], $0x1400  }
0x76: {  	[sflag:s6] =	ssyncset.done $0x0  }
0x77: {  	[sflag:s6] =	ssyncadd.s32 $0xFFFFEC00  }
0x78: {  	_ =	swait.ge [sflag:s9], $0x1400  }
0x79: {  	[sflag:s9] =	ssyncset.done $0x0  }
0x7a: {  	[sflag:s9] =	ssyncadd.s32 $0xFFFFEC00  }
0x7b: {  	_ =	swait.ge [sflag:s10], $0x1400  }
0x7c: {  	[sflag:s10] =	ssyncset.done $0x0  }
0x7d: {  	[sflag:s10] =	ssyncadd.s32 $0xFFFFEC00  }
0x7e: {  	_ =	swait.ge [sflag:s11], $0x1400  }
0x7f: {  	[sflag:s11] =	ssyncset.done $0x0  }
0x80: {  	[sflag:s11] =	ssyncadd.s32 $0xFFFFEC00  }
0x81: {  	_ =	swait.ge [sflag:s14], $0x1400  }
0x82: {  	[sflag:s14] =	ssyncset.done $0x0  }
0x83: {  	[sflag:s14] =	ssyncadd.s32 $0xFFFFEC00  }
0x84: {  	_ =	swait.ge [sflag:s15], $0x1400  }
0x85: {  	[sflag:s15] =	ssyncset.done $0x0  }
0x86: {  	[sflag:s15] =	ssyncadd.s32 $0xFFFFEC00  }
0x87: {  	_ =	swait.ge [sflag:s16], $0x1400  }
0x88: {  	[sflag:s16] =	ssyncset.done $0x0  }
0x89: {  	[sflag:s16] =	ssyncadd.s32 $0xFFFFEC00  }
0x8a: {  	s18 =	simm.s32 $0x64;
	_ =	swait.ge [sflag:s17], $0x1400  }
0x8b: {  	s19 =	simm.s32 $0xC8;
	s20 =	rddreg [dreg:$0x3];
	[sflag:s17] =	ssyncset.done $0x0  }
.LBB2_2:
0x8c: {  	[sflag:s17] =	ssyncadd.s32 $0xFFFFEC00  }
0x8d: {  	s22 =	rddreg [dreg:$0x4];
	s20 =	sadd.s32 s18, s20;
	s3 =	simm.s32 $0x0  }
0x8e: {  	[tilespmem:s3], [sflag:$0x1] =	stream.linear.gather [hbm4b:s20+s3], $0x320, $0x38;
	[tilespmem:$0x16E40] =	vst v63  }
0x8f: {  	s24 =	sadd.s32 s18, s22;
	s22 =	simm.s32 $0x320  }
0x90: {  	[tilespmem:s22], [sflag:$0x1] =	stream.linear.gather [hbm4b:s24+s3], $0x320, $0x38;
	[tilespmem:$0x16E40] =	vst v63  }
0x91: {  	_ =	swait.ge [sflag:s12], $0x320  }
0x92: {  	[sflag:s12] =	ssyncset.done $0x0  }
0x93: {  	[sflag:s12] =	ssyncadd.s32 $0xFFFFFCE0  }
0x94: {  	_ =	swait.ge [sflag:s12], $0x320  }
0x95: {  	[sflag:s12] =	ssyncset.done $0x0  }
0x96: {  	s23 =	simm.s32 $0x640;
	[sflag:s12] =	ssyncadd.s32 $0xFFFFFCE0  }
0x97: {  	[tilespmem:s23], [sflag:$0x2] =	stream.indirect.gather [hbm4b:s4+s13], $0x40, s3, s13, $0xb8;
	[tilespmem:$0x16E40] =	vst v63  }
0x98: {  	s3 =	simm.s32 $0x1A40  }
0x99: {  	[tilespmem:s3], [sflag:$0x3] =	stream.indirect.gather [hbm4b:s4+s13], $0x40, s13, s13, $0xb8;
	[tilespmem:$0x16E40] =	vst v63  }
0x9a: {  	s24 =	simm.s32 $0x2E40;
	s25 =	rddreg [dreg:$0x5]  }
0x9b: {  	[tilespmem:s24], [sflag:$0x4] =	stream.indirect.gather [hbm4b:s4+s13], $0x40, s25, s13, $0xb8;
	[tilespmem:$0x16E40] =	vst v63  }
0x9c: {  	s26 =	rddreg [dreg:$0x6];
	s25 =	simm.s32 $0x4240  }
0x9d: {  	[tilespmem:s25], [sflag:$0x5] =	stream.indirect.gather [hbm4b:s4+s13], $0x40, s26, s13, $0xb8;
	[tilespmem:$0x16E40] =	vst v63  }
0x9e: {  	s28 =	rddreg [dreg:$0x7];
	s26 =	simm.s32 $0x5640  }
0x9f: {  	[tilespmem:s26], [sflag:$0x6] =	stream.indirect.gather [hbm4b:s4+s13], $0x40, s28, s13, $0xb8;
	[tilespmem:$0x16E40] =	vst v63  }
0xa0: {  	s29 =	rddreg [dreg:$0x8];
	s28 =	simm.s32 $0x6A40  }
0xa1: {  	[tilespmem:s28], [sflag:$0x7] =	stream.indirect.gather [hbm4b:s4+s13], $0x40, s29, s13, $0xb8;
	[tilespmem:$0x16E40] =	vst v63  }
0xa2: {  	s21 =	smov.u32 s19;
	s0 =	rddreg [dreg:$0x9];
	s29 =	simm.s32 $0x7E40  }
0xa3: {  	[tilespmem:s29], [sflag:$0x8] =	stream.indirect.gather [hbm4b:s4+s13], $0x40, s0, s13, $0xb8;
	[tilespmem:$0x16E40] =	vst v63  }
0xa4: {  	s18 =	smov.u32 s21;
	s21 =	rddreg [dreg:$0xa]  }
0xa5: {  	[tilespmem:s30], [sflag:$0x9] =	stream.indirect.gather [hbm4b:s4+s13], $0x40, s21, s13, $0xb8;
	[tilespmem:$0x16E40] =	vst v63  }
0xa6: {  	s0 =	rddreg [dreg:$0xb]  }
0xa7: {  	[tilespmem:s31], [sflag:$0xA] =	stream.indirect.gather [hbm4b:s4+s13], $0x40, s0, s13, $0xb8;
	[tilespmem:$0x16E40] =	vst v63  }
0xa8: {  	s21 =	rddreg [dreg:$0xc];
	s0 =	simm.s32 $0xBA40  }
0xa9: {  	[tilespmem:s0], [sflag:$0xB] =	stream.indirect.gather [hbm4b:s4+s13], $0x40, s21, s13, $0xb8;
	[tilespmem:$0x16E40] =	vst v63  }
0xaa: {  	s21 =	simm.s32 $0x2  }
0xab: {  	_ =	swait.ge [sflag:s21], $0x1400  }
0xac: {  	[sflag:s21] =	ssyncset.done $0x0  }
0xad: {  	[sflag:s21] =	ssyncadd.s32 $0xFFFFEC00  }
0xae: {  	[spmem:s1] =	stream.indirect.scatter.add.f32 [tilespmem:s23], [sflag:$0xC], $0x40, s22, s13, $0xb8;
	[tilespmem:$0x16E40] =	vst v63  }
0xaf: {  	s22 =	simm.s32 $0x3  }
0xb0: {  	_ =	swait.ge [sflag:s22], $0x1400  }
0xb1: {  	[sflag:s22] =	ssyncset.done $0x0  }
0xb2: {  	s20 =	simm.s32 $0x4;
	s23 =	rddreg [dreg:$0xd];
	[sflag:s22] =	ssyncadd.s32 $0xFFFFEC00  }
0xb3: {  	[spmem:s1] =	stream.indirect.scatter.add.f32 [tilespmem:s3], [sflag:$0xD], $0x40, s23, s13, $0xb8;
	[tilespmem:$0x16E40] =	vst v63  }
0xb4: {  	_ =	swait.ge [sflag:s20], $0x1400  }
0xb5: {  	[sflag:s20] =	ssyncset.done $0x0  }
0xb6: {  	s22 =	simm.s32 $0x5;
	s21 =	rddreg [dreg:$0xe];
	[sflag:s20] =	ssyncadd.s32 $0xFFFFEC00  }
0xb7: {  	[spmem:s1] =	stream.indirect.scatter.add.f32 [tilespmem:s24], [sflag:$0xE], $0x40, s21, s13, $0xb8;
	[tilespmem:$0x16E40] =	vst v63  }
0xb8: {  	_ =	swait.ge [sflag:s22], $0x1400  }
0xb9: {  	[sflag:s22] =	ssyncset.done $0x0  }
0xba: {  	s24 =	simm.s32 $0x6;
	s23 =	rddreg [dreg:$0xf];
	[sflag:s22] =	ssyncadd.s32 $0xFFFFEC00  }
0xbb: {  	[spmem:s1] =	stream.indirect.scatter.add.f32 [tilespmem:s25], [sflag:$0xF], $0x40, s23, s13, $0xb8;
	[tilespmem:$0x16E40] =	vst v63  }
0xbc: {  	_ =	swait.ge [sflag:s24], $0x1400  }
0xbd: {  	[sflag:s24] =	ssyncset.done $0x0  }
0xbe: {  	s21 =	simm.s32 $0x7;
	s25 =	rddreg [dreg:$0x10];
	[sflag:s24] =	ssyncadd.s32 $0xFFFFEC00  }
0xbf: {  	[spmem:s1] =	stream.indirect.scatter.add.f32 [tilespmem:s26], [sflag:$0x10], $0x40, s25, s13, $0xb8;
	[tilespmem:$0x16E40] =	vst v63  }
0xc0: {  	_ =	swait.ge [sflag:s21], $0x1400  }
0xc1: {  	[sflag:s21] =	ssyncset.done $0x0  }
0xc2: {  	s23 =	simm.s32 $0x8;
	s22 =	rddreg [dreg:$0x11];
	[sflag:s21] =	ssyncadd.s32 $0xFFFFEC00  }
0xc3: {  	[spmem:s1] =	stream.indirect.scatter.add.f32 [tilespmem:s28], [sflag:$0x11], $0x40, s22, s13, $0xb8;
	[tilespmem:$0x16E40] =	vst v63  }
0xc4: {  	_ =	swait.ge [sflag:s23], $0x1400  }
0xc5: {  	[sflag:s23] =	ssyncset.done $0x0  }
0xc6: {  	s25 =	simm.s32 $0x9;
	s24 =	rddreg [dreg:$0x12];
	[sflag:s23] =	ssyncadd.s32 $0xFFFFEC00  }
0xc7: {  	[spmem:s1] =	stream.indirect.scatter.add.f32 [tilespmem:s29], [sflag:$0x12], $0x40, s24, s13, $0xb8;
	[tilespmem:$0x16E40] =	vst v63  }
0xc8: {  	_ =	swait.ge [sflag:s25], $0x1400  }
0xc9: {  	[sflag:s25] =	ssyncset.done $0x0  }
0xca: {  	s26 =	rddreg [dreg:$0x13];
	[sflag:s25] =	ssyncadd.s32 $0xFFFFEC00  }
0xcb: {  	[spmem:s1] =	stream.indirect.scatter.add.f32 [tilespmem:s30], [sflag:$0x13], $0x40, s26, s13, $0xb8;
	[tilespmem:$0x16E40] =	vst v63  }
0xcc: {  	_ =	swait.ge [sflag:s2], $0x1400  }
0xcd: {  	[sflag:s2] =	ssyncset.done $0x0  }
0xce: {  	s28 =	rddreg [dreg:$0x14];
	[sflag:s2] =	ssyncadd.s32 $0xFFFFEC00  }
0xcf: {  	[spmem:s1] =	stream.indirect.scatter.add.f32 [tilespmem:s31], [sflag:$0x14], $0x40, s28, s13, $0xb8;
	[tilespmem:$0x16E40] =	vst v63  }
0xd0: {  	_ =	swait.ge [sflag:s5], $0x1400  }
0xd1: {  	[sflag:s5] =	ssyncset.done $0x0  }
0xd2: {  	s29 =	rddreg [dreg:$0x15];
	[sflag:s5] =	ssyncadd.s32 $0xFFFFEC00  }
0xd3: {  	[spmem:s1] =	stream.indirect.scatter.add.f32 [tilespmem:s0], [sflag:$0x15], $0x40, s29, s13, $0xb8;
	[tilespmem:$0x16E40] =	vst v63  }
0xd4: {  	_ =	swait.ge [sflag:s7], $0x1400  }
0xd5: {  	[sflag:s7] =	ssyncset.done $0x0  }
0xd6: {  	[sflag:s7] =	ssyncadd.s32 $0xFFFFEC00  }
0xd7: {  	_ =	swait.ge [sflag:s8], $0x1400  }
0xd8: {  	[sflag:s8] =	ssyncset.done $0x0  }
0xd9: {  	[sflag:s8] =	ssyncadd.s32 $0xFFFFEC00  }
0xda: {  	_ =	swait.ge [sflag:s6], $0x1400  }
0xdb: {  	[sflag:s6] =	ssyncset.done $0x0  }
0xdc: {  	[sflag:s6] =	ssyncadd.s32 $0xFFFFEC00  }
0xdd: {  	_ =	swait.ge [sflag:s9], $0x1400  }
0xde: {  	[sflag:s9] =	ssyncset.done $0x0  }
0xdf: {  	[sflag:s9] =	ssyncadd.s32 $0xFFFFEC00  }
0xe0: {  	_ =	swait.ge [sflag:s10], $0x1400  }
0xe1: {  	[sflag:s10] =	ssyncset.done $0x0  }
0xe2: {  	[sflag:s10] =	ssyncadd.s32 $0xFFFFEC00  }
0xe3: {  	_ =	swait.ge [sflag:s11], $0x1400  }
0xe4: {  	[sflag:s11] =	ssyncset.done $0x0  }
0xe5: {  	[sflag:s11] =	ssyncadd.s32 $0xFFFFEC00  }
0xe6: {  	_ =	swait.ge [sflag:s14], $0x1400  }
0xe7: {  	[sflag:s14] =	ssyncset.done $0x0  }
0xe8: {  	[sflag:s14] =	ssyncadd.s32 $0xFFFFEC00  }
0xe9: {  	_ =	swait.ge [sflag:s15], $0x1400  }
0xea: {  	[sflag:s15] =	ssyncset.done $0x0  }
0xeb: {  	p0 =	sne.s32 s19, $0x960;
	[sflag:s15] =	ssyncadd.s32 $0xFFFFEC00  }
.Ltmp0:
0xec: {  	_ =	swait.ge [sflag:s16], $0x1400;
	(pc) =	sbr.rel @p0 .LBB2_2-.Ltmp0, $4  }
0xed: {  	[sflag:s16] =	ssyncset.done $0x0  }
0xee: {  	[sflag:s16] =	ssyncadd.s32 $0xFFFFEC00  }
0xef: {  	_ =	swait.ge [sflag:s17], $0x1400  }
0xf0: {  	s19 =	sadd.s32 $0x64, s19;
	s20 =	rddreg [dreg:$0x3];
	[sflag:s17] =	ssyncset.done $0x0  }
0xf1: {  	s19 =	rddreg [dreg:$0x4]  }
0xf2: {  	[sflag:s17] =	ssyncadd.s32 $0xFFFFEC00;
	s20 =	sadd.s32 s18, s20;
	s3 =	simm.s32 $0x0  }
0xf3: {  	[tilespmem:s3], [sflag:$0x1] =	stream.linear.gather [hbm4b:s20+s3], $0x320, $0x38;
	[tilespmem:$0x16E40] =	vst v63  }
0xf4: {  	s22 =	sadd.s32 s18, s19;
	s20 =	simm.s32 $0x320  }
0xf5: {  	[tilespmem:s20], [sflag:$0x1] =	stream.linear.gather [hbm4b:s22+s3], $0x320, $0x38;
	[tilespmem:$0x16E40] =	vst v63  }
0xf6: {  	_ =	swait.ge [sflag:s12], $0x320  }
0xf7: {  	[sflag:s12] =	ssyncset.done $0x0  }
0xf8: {  	[sflag:s12] =	ssyncadd.s32 $0xFFFFFCE0  }
0xf9: {  	_ =	swait.ge [sflag:s12], $0x320  }
0xfa: {  	[sflag:s12] =	ssyncset.done $0x0  }
0xfb: {  	s21 =	simm.s32 $0x640;
	[sflag:s12] =	ssyncadd.s32 $0xFFFFFCE0  }
0xfc: {  	[tilespmem:s21], [sflag:$0x2] =	stream.indirect.gather [hbm4b:s4+s13], $0x40, s3, s13, $0xb8;
	[tilespmem:$0x16E40] =	vst v63  }
0xfd: {  	s3 =	simm.s32 $0x1A40  }
0xfe: {  	[tilespmem:s3], [sflag:$0x3] =	stream.indirect.gather [hbm4b:s4+s13], $0x40, s13, s13, $0xb8;
	[tilespmem:$0x16E40] =	vst v63  }
0xff: {  	s22 =	simm.s32 $0x2E40;
	s23 =	rddreg [dreg:$0x5]  }
0x100: {  	[tilespmem:s22], [sflag:$0x4] =	stream.indirect.gather [hbm4b:s4+s13], $0x40, s23, s13, $0xb8;
	[tilespmem:$0x16E40] =	vst v63  }
0x101: {  	s24 =	rddreg [dreg:$0x6];
	s23 =	simm.s32 $0x4240  }
0x102: {  	[tilespmem:s23], [sflag:$0x5] =	stream.indirect.gather [hbm4b:s4+s13], $0x40, s24, s13, $0xb8;
	[tilespmem:$0x16E40] =	vst v63  }
0x103: {  	s25 =	rddreg [dreg:$0x7];
	s24 =	simm.s32 $0x5640  }
0x104: {  	[tilespmem:s24], [sflag:$0x6] =	stream.indirect.gather [hbm4b:s4+s13], $0x40, s25, s13, $0xb8;
	[tilespmem:$0x16E40] =	vst v63  }
0x105: {  	s26 =	rddreg [dreg:$0x8];
	s25 =	simm.s32 $0x6A40  }
0x106: {  	[tilespmem:s25], [sflag:$0x7] =	stream.indirect.gather [hbm4b:s4+s13], $0x40, s26, s13, $0xb8;
	[tilespmem:$0x16E40] =	vst v63  }
0x107: {  	s28 =	rddreg [dreg:$0x9];
	s26 =	simm.s32 $0x7E40  }
0x108: {  	[tilespmem:s26], [sflag:$0x8] =	stream.indirect.gather [hbm4b:s4+s13], $0x40, s28, s13, $0xb8;
	[tilespmem:$0x16E40] =	vst v63  }
0x109: {  	s29 =	rddreg [dreg:$0xa];
	s28 =	simm.s32 $0x9240  }
0x10a: {  	[tilespmem:s28], [sflag:$0x9] =	stream.indirect.gather [hbm4b:s4+s13], $0x40, s29, s13, $0xb8;
	[tilespmem:$0x16E40] =	vst v63  }
0x10b: {  	s0 =	rddreg [dreg:$0xb];
	s29 =	simm.s32 $0xA640  }
0x10c: {  	[tilespmem:s29], [sflag:$0xA] =	stream.indirect.gather [hbm4b:s4+s13], $0x40, s0, s13, $0xb8;
	[tilespmem:$0x16E40] =	vst v63  }
0x10d: {  	s19 =	rddreg [dreg:$0xc];
	s0 =	simm.s32 $0xBA40  }
0x10e: {  	[tilespmem:s0], [sflag:$0xB] =	stream.indirect.gather [hbm4b:s4+s13], $0x40, s19, s13, $0xb8;
	[tilespmem:$0x16E40] =	vst v63  }
0x10f: {  	s19 =	simm.s32 $0x2  }
0x110: {  	_ =	swait.ge [sflag:s19], $0x1400  }
0x111: {  	[sflag:s19] =	ssyncset.done $0x0  }
0x112: {  	[sflag:s19] =	ssyncadd.s32 $0xFFFFEC00  }
0x113: {  	[spmem:s1] =	stream.indirect.scatter.add.f32 [tilespmem:s21], [sflag:$0xC], $0x40, s20, s13, $0xb8;
	[tilespmem:$0x16E40] =	vst v63  }
0x114: {  	s20 =	simm.s32 $0x3  }
0x115: {  	_ =	swait.ge [sflag:s20], $0x1400  }
0x116: {  	[sflag:s20] =	ssyncset.done $0x0  }
0x117: {  	s18 =	simm.s32 $0x4;
	s21 =	rddreg [dreg:$0xd];
	[sflag:s20] =	ssyncadd.s32 $0xFFFFEC00  }
0x118: {  	[spmem:s1] =	stream.indirect.scatter.add.f32 [tilespmem:s3], [sflag:$0xD], $0x40, s21, s13, $0xb8;
	[tilespmem:$0x16E40] =	vst v63  }
0x119: {  	_ =	swait.ge [sflag:s18], $0x1400  }
0x11a: {  	[sflag:s18] =	ssyncset.done $0x0  }
0x11b: {  	s20 =	simm.s32 $0x5;
	s19 =	rddreg [dreg:$0xe];
	[sflag:s18] =	ssyncadd.s32 $0xFFFFEC00  }
0x11c: {  	[spmem:s1] =	stream.indirect.scatter.add.f32 [tilespmem:s22], [sflag:$0xE], $0x40, s19, s13, $0xb8;
	[tilespmem:$0x16E40] =	vst v63  }
0x11d: {  	_ =	swait.ge [sflag:s20], $0x1400  }
0x11e: {  	[sflag:s20] =	ssyncset.done $0x0  }
0x11f: {  	s22 =	simm.s32 $0x6;
	s21 =	rddreg [dreg:$0xf];
	[sflag:s20] =	ssyncadd.s32 $0xFFFFEC00  }
0x120: {  	[spmem:s1] =	stream.indirect.scatter.add.f32 [tilespmem:s23], [sflag:$0xF], $0x40, s21, s13, $0xb8;
	[tilespmem:$0x16E40] =	vst v63  }
0x121: {  	_ =	swait.ge [sflag:s22], $0x1400  }
0x122: {  	[sflag:s22] =	ssyncset.done $0x0  }
0x123: {  	s18 =	simm.s32 $0x7;
	s23 =	rddreg [dreg:$0x10];
	[sflag:s22] =	ssyncadd.s32 $0xFFFFEC00  }
0x124: {  	[spmem:s1] =	stream.indirect.scatter.add.f32 [tilespmem:s24], [sflag:$0x10], $0x40, s23, s13, $0xb8;
	[tilespmem:$0x16E40] =	vst v63  }
0x125: {  	_ =	swait.ge [sflag:s18], $0x1400  }
0x126: {  	[sflag:s18] =	ssyncset.done $0x0  }
0x127: {  	s20 =	simm.s32 $0x8;
	s19 =	rddreg [dreg:$0x11];
	[sflag:s18] =	ssyncadd.s32 $0xFFFFEC00  }
0x128: {  	[spmem:s1] =	stream.indirect.scatter.add.f32 [tilespmem:s25], [sflag:$0x11], $0x40, s19, s13, $0xb8;
	[tilespmem:$0x16E40] =	vst v63  }
0x129: {  	_ =	swait.ge [sflag:s20], $0x1400  }
0x12a: {  	[sflag:s20] =	ssyncset.done $0x0  }
0x12b: {  	s22 =	simm.s32 $0x9;
	s21 =	rddreg [dreg:$0x12];
	[sflag:s20] =	ssyncadd.s32 $0xFFFFEC00  }
0x12c: {  	[spmem:s1] =	stream.indirect.scatter.add.f32 [tilespmem:s26], [sflag:$0x12], $0x40, s21, s13, $0xb8;
	[tilespmem:$0x16E40] =	vst v63  }
0x12d: {  	_ =	swait.ge [sflag:s22], $0x1400  }
0x12e: {  	[sflag:s22] =	ssyncset.done $0x0  }
0x12f: {  	s23 =	rddreg [dreg:$0x13];
	[sflag:s22] =	ssyncadd.s32 $0xFFFFEC00  }
0x130: {  	[spmem:s1] =	stream.indirect.scatter.add.f32 [tilespmem:s28], [sflag:$0x13], $0x40, s23, s13, $0xb8;
	[tilespmem:$0x16E40] =	vst v63  }
0x131: {  	_ =	swait.ge [sflag:s2], $0x1400  }
0x132: {  	[sflag:s2] =	ssyncset.done $0x0  }
0x133: {  	s24 =	rddreg [dreg:$0x14];
	[sflag:s2] =	ssyncadd.s32 $0xFFFFEC00  }
0x134: {  	[spmem:s1] =	stream.indirect.scatter.add.f32 [tilespmem:s29], [sflag:$0x14], $0x40, s24, s13, $0xb8;
	[tilespmem:$0x16E40] =	vst v63  }
0x135: {  	_ =	swait.ge [sflag:s5], $0x1400  }
0x136: {  	[sflag:s5] =	ssyncset.done $0x0  }
0x137: {  	s25 =	rddreg [dreg:$0x15];
	[sflag:s5] =	ssyncadd.s32 $0xFFFFEC00  }
0x138: {  	[spmem:s1] =	stream.indirect.scatter.add.f32 [tilespmem:s0], [sflag:$0x15], $0x40, s25, s13, $0xb8;
	[tilespmem:$0x16E40] =	vst v63  }
0x139: {  	_ =	swait.ge [sflag:s7], $0x1400  }
0x13a: {  	[sflag:s7] =	ssyncset.done $0x0  }
0x13b: {  	[sflag:s7] =	ssyncadd.s32 $0xFFFFEC00  }
0x13c: {  	_ =	swait.ge [sflag:s8], $0x1400  }
0x13d: {  	[sflag:s8] =	ssyncset.done $0x0  }
0x13e: {  	[sflag:s8] =	ssyncadd.s32 $0xFFFFEC00  }
0x13f: {  	_ =	swait.ge [sflag:s6], $0x1400  }
0x140: {  	[sflag:s6] =	ssyncset.done $0x0  }
0x141: {  	[sflag:s6] =	ssyncadd.s32 $0xFFFFEC00  }
0x142: {  	_ =	swait.ge [sflag:s9], $0x1400  }
0x143: {  	[sflag:s9] =	ssyncset.done $0x0  }
0x144: {  	[sflag:s9] =	ssyncadd.s32 $0xFFFFEC00  }
0x145: {  	_ =	swait.ge [sflag:s10], $0x1400  }
0x146: {  	[sflag:s10] =	ssyncset.done $0x0  }
0x147: {  	[sflag:s10] =	ssyncadd.s32 $0xFFFFEC00  }
0x148: {  	_ =	swait.ge [sflag:s11], $0x1400  }
0x149: {  	[sflag:s11] =	ssyncset.done $0x0  }
0x14a: {  	[sflag:s11] =	ssyncadd.s32 $0xFFFFEC00  }
0x14b: {  	_ =	swait.ge [sflag:s14], $0x1400  }
0x14c: {  	[sflag:s14] =	ssyncset.done $0x0  }
0x14d: {  	[sflag:s14] =	ssyncadd.s32 $0xFFFFEC00  }
0x14e: {  	_ =	swait.ge [sflag:s15], $0x1400  }
0x14f: {  	[sflag:s15] =	ssyncset.done $0x0  }
0x150: {  	[sflag:s15] =	ssyncadd.s32 $0xFFFFEC00  }
0x151: {  	_ =	swait.ge [sflag:s16], $0x1400  }
0x152: {  	[sflag:s16] =	ssyncset.done $0x0  }
0x153: {  	[sflag:s16] =	ssyncadd.s32 $0xFFFFEC00  }
0x154: {  	_ =	swait.ge [sflag:s17], $0x1400  }
0x155: {  	[sflag:s17] =	ssyncset.done $0x0  }
0x156: {  	[sflag:s17] =	ssyncadd.s32 $0xFFFFEC00  }
0x157: {  	[bflag:$0x0] =	sbarrier.arrive $0xFFFF  }
0x158: {  	s19 =	rddreg [dreg:$0x17]  }
0x159: {  	s26 =	rddreg [dreg:$0x18]  }
0x15a: {  	s21 =	simm.s32 $0x16;
	s20 =	rddreg [dreg:$0x1a]  }
0x15b: {  	[hbm:s26], [sflag:s19] =	dma.local [spmem:s20], $0x1400  }
0x15c: {  	_ =	swait.ge [sflag:s21], $0x1400  }
0x15d: {  	s28 =	rddreg [dreg:$0x1b]  }
0x15e: {  	s29 =	rddreg [dreg:$0x19];
	s0 =	sadd.s32 $0x1, s28  }
0x15f: {  	p0 =	sne.s32 s0, s29  }
.Ltmp1:
0x160: {  	_ = 	snop;
	(pc) =	sbr.rel @p0 .LBB2_1-.Ltmp1, $3  }
0x161: {  	_ =	sdelay $0x1  }
0x162: {  	[sflag:s21] =	ssyncset.done $0x0  }
0x163: {  	[sflag:s21] =	ssyncadd.s32 $0xFFFFEC00  }
0x164: {  	_ =	sfence.sel $0x180000  }
0x165: {  	[bflag:$0x0] =	sbarrier.arrive $0xFFFF  }
0x166: {  	_ =	strace $0x9000004A  }
0x167: {  	s0 =	stileid.u32;
	[bflag:$0x2] =	sbarrier.arrive $0xFFFF  }
0x168: {  	p0 =	sne.s32 s0, $0x0;
	s0 =	rddreg [dreg:$0x2]  }
0x169: {  	s0 =	sadd.s32 @!p0 $0x100000, s0  }
0x16a: {  	[sflag:s0] =	ssyncadd.tile.s32 @!p0 $0x1;
	_ =	shalt  }
.Lfunc_end2:
_tile_overlayer_lowered:
.L_overlay_start_2:
0x16b: {  	(tag) =	ssettag $0x2  }
0x16c: {  	s0 =	rddreg [dreg:$0x0];
	s2 =	stileid.u32  }
0x16d: {  	s1 =	rddreg [dreg:$0x1];
	p0 =	sne.s32 s2, $0x0  }
0x16e: {  	s3 =	rddreg [dreg:$0x2];
	[bflag:$0x3] =	sbarrier.arrive $0xFFFF;
	s2 =	simm.s32 @!p0 $0x1C16  }
0x16f: {  	[timem:s3], [sflag:s2] =	dma.local @!p0 [hbm:s0], s1  }
0x170: {  	s0 =	simm.s32 @!p0 $0x16  }
0x171: {  	_ =	swait.ge @!p0 [sflag:s0], s1  }
0x172: {  	s1 =	ssub.s32 @!p0 $0x0, s1;
	[sflag:s0] =	ssyncset.done @!p0 $0x0  }
0x173: {  	[sflag:s0] =	ssyncadd.s32 @!p0 s1  }
0x174: {  	[bflag:$0x3] =	sbarrier.arrive $0xFFFF  }
0x175: {  	_ =	shalt  }

// kernel: kernel.16.cloned.1.call-start
scs
__scs_entry_jumppad:
0x0: {  	(pc) =	sbr.rel $0x88, $3  }
0x1: {  	(tag) =	ssettag $0x0;
	lr =	simm.s32 $0x1  }
0x2: {  	[smem:$0x3F6C] =	sst lr;
	_ =	strace $0xD0000000  }
0x3: {  	_ = 	snop  }
0x4: {  	_ = 	snop  }
0x5: {  	_ = 	snop  }
0x6: {  	_ = 	snop  }
0x7: {  	_ = 	snop  }
__scs_overlays_trampoline_lowered:
0x8: {  	[smem:$0x3F7B] =	sst s0  }
0x9: {  	[smem:$0x3F7C] =	sst s1  }
0xa: {  	[smem:$0x3F7D] =	sst s2  }
0xb: {  	[smem:$0x3F7E] =	sst s3  }
0xc: {  	[smem:$0x3F7F] =	sst s4  }
0xd: {  	[smem:$0x3F80] =	sst s5  }
0xe: {  	[smem:$0x3F81] =	sst s6  }
0xf: {  	[smem:$0x3F82] =	sst s7  }
0x10: {  	[smem:$0x3F83] =	sst s8  }
0x11: {  	[smem:$0x3F84] =	sst s9;
	s0 =	simm.s32 @!p0 $0x0  }
0x12: {  	s1 =	sld [smem:$0x3F6A];
	s0 =	simm.s32 @p0 $0x1  }
0x13: {  	[smem:$0x3F85] =	sst s0;
	s0 =	simm.s32 @!p1 $0x0  }
0x14: {  	s2 =	sld [smem:$0x3F69];
	s0 =	simm.s32 @p1 $0x1  }
0x15: {  	[smem:$0x3F86] =	sst s0;
	s0 =	simm.s32 @!p2 $0x0  }
0x16: {  	s3 =	sld [smem:$0x3FDB];
	s0 =	simm.s32 @p2 $0x1  }
0x17: {  	s4 =	simm.s32 $0x1BF5;
	[smem:$0x3F88] =	sst s0  }
0x18: {  	s0 =	sld [smem:$0x3F6B];
	_ =	swait.ge [sflag:s4], $0x0  }
0x19: {  	s7 =	sld [smem:$0x3F6C]  }
0x1a: {  	s8 =	sadd.s32 $0xFFFFE003, lr  }
0x1b: {  	s9 =	sadd.s32 $0xFFFFFEF7, lr;
	s5 =	simm.s32 $0xFFFFFFFF;
	p2 =	slt.u32 s8, $0xFFFFF086  }
0x1c: {  	p1 =	slt.u32 s9, $0xF7A;
	s5 =	simm.s32 @!p2 $0x0  }
0x1d: {  	s5 =	simm.s32 @p1 $0x1;
	p0 =	seq.s32 s7, s2  }
0x1e: {  	s7 =	smul.u32 @!p0 $0xF7A, s2;
	p2 =	seq.s32 @!p0 s5, $0x0  }
0x1f: {  	s9 =	smul.u32 $0xF7A, s1;
	s8 =	simm.s32 @!p0 $0x1BF5;
	p2 =	por !p2, p0  }
0x20: {  	[sflag:s8] =	ssyncset.s32 @!p0 $0xFFFFF086;
	s6 =	sadd.s32 @!p0 s3, s7;
	s7 =	simm.s32 @!p0 $0x108  }
0x21: {  	s3 =	sadd.s32 s3, s9;
	s6 =	sadd.s32 @!p0 $0x88, s6;
	s7 =	simm.s32 @p2 $0x1082  }
0x22: {  	[simem:s7], [sflag:s8] =	dma.local @!p0 [hbm:s6], $0xF7A  }
0x23: {  	s9 =	sor.u32 $0xD0000000, s2;
	s6 =	simm.s32 $0x108;
	_ =	swait.ge @!p0 [sflag:s8], $0x0  }
0x24: {  	s3 =	sadd.s32 $0x88, s3;
	s6 =	simm.s32 @!p1 $0x1082;
	[sflag:s4] =	ssyncset.s32 $0xFFFFF086  }
0x25: {  	[simem:s6], [sflag:s4] =	dma.local [hbm:s3], $0xF7A  }
0x26: {  	[smem:$0x3F6C] =	sst s1;
	(tag) =	ssettag s2;
	_ =	strace s9  }
0x27: {  	s1 =	sld [smem:$0x3F7C]  }
0x28: {  	s2 =	sld [smem:$0x3F7D]  }
0x29: {  	s4 =	sld [smem:$0x3F7F]  }
0x2a: {  	p0 =	seq.s32 s5, $0x0;
	s5 =	sld [smem:$0x3F80]  }
0x2b: {  	s6 =	sld [smem:$0x3F81]  }
0x2c: {  	s7 =	sld [smem:$0x3F82]  }
0x2d: {  	s3 =	simm.s32 $0x108;
	s8 =	sld [smem:$0x3F83]  }
0x2e: {  	s3 =	simm.s32 @!p0 $0x1082;
	s9 =	sld [smem:$0x3F84]  }
0x2f: {  	lr =	sadd.s32 s0, s3;
	s0 =	sld [smem:$0x3F7B]  }
0x30: {  	s3 =	sld [smem:$0x3F7E]  }
0x31: {  	[smem:$0x3F87] =	sst s10  }
0x32: {  	s10 =	sld [smem:$0x3F85];
	_ =	sdelay $0x3  }
0x33: {  	p0 =	seq.s32 s10, $0x1;
	s10 =	sld [smem:$0x3F87];
	_ =	sdelay $0x3  }
0x34: {  	[smem:$0x3F87] =	sst s10  }
0x35: {  	s10 =	sld [smem:$0x3F86];
	_ =	sdelay $0x3  }
0x36: {  	p1 =	seq.s32 s10, $0x1;
	s10 =	sld [smem:$0x3F87];
	_ =	sdelay $0x3  }
0x37: {  	[smem:$0x3F87] =	sst s10  }
0x38: {  	s10 =	sld [smem:$0x3F88]  }
0x39: {  	_ = 	snop;
	(pc) =	sbr.ind lr, $3  }
0x3a: {  	_ = 	snop  }
0x3b: {  	_ = 	snop  }
0x3c: {  	p2 =	seq.s32 s10, $0x1;
	s10 =	sld [smem:$0x3F87]  }
0x3d: {  	_ =	shalt  }
0x3e: {  	_ =	shalt  }
0x3f: {  	_ =	shalt  }
0x40: {  	_ =	shalt  }
0x41: {  	_ =	shalt  }
0x42: {  	_ =	shalt  }
0x43: {  	_ =	shalt  }
0x44: {  	_ =	shalt  }
0x45: {  	_ =	shalt  }
0x46: {  	_ =	shalt  }
0x47: {  	_ =	shalt  }
0x48: {  	_ =	shalt  }
0x49: {  	_ =	shalt  }
0x4a: {  	_ =	shalt  }
0x4b: {  	_ =	shalt  }
0x4c: {  	_ =	shalt  }
0x4d: {  	_ =	shalt  }
0x4e: {  	_ =	shalt  }
0x4f: {  	_ =	shalt  }
0x50: {  	_ =	shalt  }
0x51: {  	_ =	shalt  }
0x52: {  	_ =	shalt  }
0x53: {  	_ =	shalt  }
0x54: {  	_ =	shalt  }
0x55: {  	_ =	shalt  }
0x56: {  	_ =	shalt  }
0x57: {  	_ =	shalt  }
0x58: {  	_ =	shalt  }
0x59: {  	_ =	shalt  }
0x5a: {  	_ =	shalt  }
0x5b: {  	_ =	shalt  }
0x5c: {  	_ =	shalt  }
0x5d: {  	_ =	shalt  }
0x5e: {  	_ =	shalt  }
0x5f: {  	_ =	shalt  }
0x60: {  	_ =	shalt  }
0x61: {  	_ =	shalt  }
0x62: {  	_ =	shalt  }
0x63: {  	_ =	shalt  }
0x64: {  	_ =	shalt  }
0x65: {  	_ =	shalt  }
0x66: {  	_ =	shalt  }
0x67: {  	_ =	shalt  }
0x68: {  	_ =	shalt  }
0x69: {  	_ =	shalt  }
0x6a: {  	_ =	shalt  }
0x6b: {  	_ =	shalt  }
0x6c: {  	_ =	shalt  }
0x6d: {  	_ =	shalt  }
0x6e: {  	_ =	shalt  }
0x6f: {  	_ =	shalt  }
0x70: {  	_ =	shalt  }
0x71: {  	_ =	shalt  }
0x72: {  	_ =	shalt  }
0x73: {  	_ =	shalt  }
0x74: {  	_ =	shalt  }
0x75: {  	_ =	shalt  }
0x76: {  	_ =	shalt  }
0x77: {  	_ =	shalt  }
0x78: {  	_ =	shalt  }
0x79: {  	_ =	shalt  }
0x7a: {  	_ =	shalt  }
0x7b: {  	_ =	shalt  }
0x7c: {  	_ =	shalt  }
0x7d: {  	_ =	shalt  }
0x7e: {  	_ =	shalt  }
0x7f: {  	_ =	shalt  }
0x80: {  	_ =	shalt  }
0x81: {  	_ =	shalt  }
0x82: {  	_ =	shalt  }
0x83: {  	_ =	shalt  }
0x84: {  	_ =	shalt  }
0x85: {  	_ =	shalt  }
0x86: {  	_ =	shalt  }
0x87: {  	_ =	shalt  }
.Lfunc_end0:
.L_simem_size_0:
called_computation.2_lowered:
.L_overlay_start_0:
0x88: {  	s2 =	sld [smem:$0x3FD9]  }
0x89: {  	s3 =	sld [smem:$0x3FFE];
	_ =	sdelay $0x1  }
0x8a: {  	s1 =	srdreg.scid  }
0x8b: {  	s0 =	sand.u32 $0x1, s1  }
0x8c: {  	s16 =	sshll.u32 s0, $0xA;
	s2 =	sadd.s32 s3, s2  }
0x8d: {  	s2 =	sadd.s32 s2, s16  }
0x8e: {  	[smem:$0x3F93] =	sst s2  }
0x8f: {  	_ = 	snop  }
0x90: {  	(tm) =	ssettm $0x1  }
0x91: {  	s17 =	sld [smem:$0x3FFB];
	_ =	sdelay $0x3  }
0x92: {  	_ =	strace s17  }
0x93: {  	s2 =	sld [smem:$0x3FFC];
	_ =	sdelay $0x3  }
0x94: {  	_ =	strace s2  }
0x95: {  	s2 =	sld [smem:$0x3FFD];
	_ =	sdelay $0x3  }
0x96: {  	_ =	strace s2  }
0x97: {  	_ =	strace $0x8FFFFFFF  }
0x98: {  	s18 =	sld [smem:$0x3FDB];
	_ =	sdelay $0x1  }
0x99: {  	s19 =	simm.s32 $_scs_section_size  }
0x9a: {  	s4 =	simm.s32 $_size__tile_overlayer_lowered;
	s5 =	simm.s32 $_tile_overlayer_lowered  }
0x9b: {  	s22 =	simm.s32 $0x1BFF;
	s21 =	sshll.u32 s5, $0x1;
	s2 =	sadd.s32 s19, s18  }
0x9c: {  	s6 =	simm.s32 $0x0;
	s20 =	sshll.u32 s4, $0x1;
	s4 =	sadd.s32 s21, s2  }
0x9d: {  	[timem:s6], [sflag:s22] =	dma.local [hbm:s4], s20  }
0x9e: {  	_ =	swait.ge [sflag:s22], s20  }
0x9f: {  	s3 =	ssub.s32 $0x0, s20;
	[sflag:s22] =	ssyncset.done $0x0  }
0xa0: {  	[sflag:s22] =	ssyncadd.s32 s3;
	_ =	sdelay $0x1  }
0xa1: {  	s23 =	simm.s32 $0x1B8B  }
0xa2: {  	_ =	swait.ge [sflag:s23], $0x1  }
0xa3: {  	[sflag:s23] =	ssyncset.done $0x0  }
0xa4: {  	s25 =	simm.s32 $0x1B8E;
	s24 =	sld [smem:$0x3FFE];
	[sflag:s23] =	ssyncadd.s32 $0xFFFFFFFF  }
0xa5: {  	s26 =	simm.s32 $execute0_lowered;
	[smem:$0x3FD2] =	sst s25  }
0xa6: {  	s4 =	sshll.u32 s26, $0x1;
	_ =	strace $0x8000004C;
	[dreg:$0x1] =	wrdreg $0xFFFFFFFF  }
0xa7: {  	s28 =	simm.s32 $_size_execute0_lowered;
	s2 =	sadd.s32 s2, s4;
	[dreg:$0x0] =	wrdreg $0x0  }
0xa8: {  	s4 =	sshll.u32 s28, $0x1;
	[dreg:$0x2] =	wrdreg s2  }
0xa9: {  	[dreg:$0x3] =	wrdreg s4  }
0xaa: {  	[dreg:$0x4] =	wrdreg $0xC0  }
0xab: {  	_ =	task [dreg:s6], $0x5FFFF  }
0xac: {  	[dreg:$0x1] =	wrdreg $0xFFFFFFFF  }
0xad: {  	[dreg:$0x0] =	wrdreg $0x60  }
0xae: {  	[dreg:$0x2] =	wrdreg s24  }
0xaf: {  	[dreg:$0x3] =	wrdreg $0xCE400  }
0xb0: {  	[dreg:$0x4] =	wrdreg $0x9  }
0xb1: {  	_ =	task.clear_ibuf [dreg:s6], $0x5FFFF;
	_ =	strace $0x9000004C  }
0xb2: {  	s29 =	simm.s32 $0x9;
	_ =	strace $0x8000004E  }
0xb3: {  	_ =	swait.ge [sflag:s29], $0x1  }
0xb4: {  	[sflag:s29] =	ssyncadd.s32 $0xFFFFFFFF  }
0xb5: {  	_ =	strace $0x9000004E  }
0xb6: {  	_ =	sfence  }
0xb7: {  	s30 =	sld [smem:$0x0];
	_ =	sdelay $0x2  }
0xb8: {  	s31 =	sshll.u32 s1, $0xD;
	s1 =	sshrl.u32 s1, $0x2  }
0xb9: {  	s3 =	sand.u32 $0x4000, s31;
	s1 =	sadd.s32 s1, s30  }
0xba: {  	s0 =	sor.u32 s3, s0;
	s1 =	sshll.u32 s1, $0x11  }
0xbb: {  	s0 =	sor.u32 s1, s0  }
0xbc: {  	s0 =	sadd.s32 $0x8F2B, s0  }
0xbd: {  	[sflag:s0] =	ssyncadd.remote.s32 $0x1  }
0xbe: {  	_ =	sfence.sel $0xFFFF  }
0xbf: {  	[dreg:$0x0] =	wrdreg $0xFFFFFFFF;
	(pc) =	sbr.abs _section_cstart, $3  }
0xc0: {  	[dreg:$0x1] =	wrdreg $0xFFFFFFFF  }
0xc1: {  	_ =	task.clear_ibuf [dreg:s6], $0x2FFFF;
	_ =	strace $0x9FFFFFFF  }
0xc2: {  	(tm) =	ssettm $0x7FFFFFFF  }
0xc3: {  	_ =	shalt  }
tec
execute0_lowered:
.L_overlay_start_1:
0x0: {  	(tag) =	ssettag $0x1  }
0x1: {  	s0 =	rddreg [dreg:$0x0]  }
0x2: {  	s1 =	rddreg [dreg:$0x1];
	s10 =	stileid.u32  }
0x3: {  	s2 =	srdreg.scid;
	s3 =	simm.s32 $0x0;
	s6 =	smul.u32 $0x1400, s10  }
0x4: {  	s21 =	simm.s32 $0x16;
	[smem:$0x7FF] =	sst s3;
	s8 =	smul.u32 $0x28000, s10  }
0x5: {  	s9 =	smul.u32 $0x9C4, s10;
	s11 =	sadd.s32 $0x54C00, s0;
	s29 =	sshll.u32 s10, $0x6  }
0x6: {  	s10 =	simm.s32 $0x190;
	_ =	strace $0x8000004D;
	[dreg:$0x16] =	wrdreg s11  }
0x7: {  	s12 =	simm.s32 $0x1;
	s14 =	simm.s32 $0x230;
	[dreg:$0x8] =	wrdreg s10  }
0x8: {  	s13 =	simm.s32 $0x50;
	s15 =	simm.s32 $0x280;
	[dreg:$0xa] =	wrdreg s14  }
0x9: {  	s16 =	simm.s32 $0x2D0;
	s17 =	simm.s32 $0x370;
	[dreg:$0xb] =	wrdreg s15  }
0xa: {  	s18 =	simm.s32 $0x3C0;
	s22 =	simm.s32 $0x410;
	[dreg:$0xc] =	wrdreg s16  }
0xb: {  	s23 =	simm.s32 $0x460;
	s24 =	simm.s32 $0x4B0;
	[dreg:$0xd] =	wrdreg s17  }
0xc: {  	s25 =	simm.s32 $0x500;
	s30 =	simm.s32 $0x9240;
	[dreg:$0xe] =	wrdreg s18  }
0xd: {  	s31 =	simm.s32 $0xA640;
	s2 =	sand.u32 $0x1, s2;
	[dreg:$0xf] =	wrdreg s22  }
0xe: {  	s4 =	sadd.s32 $0x5800, s0;
	s5 =	smul.u32 $0x9C40, s2;
	[dreg:$0x10] =	wrdreg s23  }
0xf: {  	s7 =	smul.u32 $0x14000, s2;
	s2 =	ssub.s32 $0x2, s2;
	[dreg:$0x11] =	wrdreg s24  }
0x10: {  	s19 =	sor.u32 $0x1C16, s29;
	s11 =	simm.s32 $0x1E0;
	[dreg:$0x12] =	wrdreg s25  }
0x11: {  	s29 =	simm.s32 $0x5F0;
	s10 =	simm.s32 $0x10;
	s14 =	simm.s32 $0x12  }
0x12: {  	s15 =	simm.s32 $0x13;
	s16 =	simm.s32 $0x14;
	s17 =	simm.s32 $0x15  }
0x13: {  	s26 =	sshrl.u32 s2, $0x1;
	s28 =	sshrl.u32 s8, $0x2;
	[dreg:$0x9] =	wrdreg s11  }
0x14: {  	s8 =	simm.s32 $0xF0;
	[dreg:$0x15] =	wrdreg s29;
	s11 =	simm.s32 $0x11  }
0x15: {  	[dreg:$0x17] =	wrdreg s19;
	s5 =	sadd.s32 s5, s0;
	s6 =	sadd.s32 s6, s7  }
0x16: {  	s2 =	ssub.s32 s2, s26;
	s7 =	simm.s32 $0xA0;
	[dreg:$0x6] =	wrdreg s8  }
0x17: {  	s26 =	simm.s32 $0x550;
	s8 =	simm.s32 $0xD;
	[dreg:$0x5] =	wrdreg s7  }
0x18: {  	s0 =	sadd.s32 s6, s0;
	s2 =	smax.u32 s2, $0x1;
	[dreg:$0x13] =	wrdreg s26  }
0x19: {  	s5 =	sadd.s32 s9, s5;
	s9 =	simm.s32 $0x140;
	[dreg:$0x19] =	wrdreg s2  }
0x1a: {  	s6 =	sadd.s32 s28, s1;
	s28 =	simm.s32 $0x5A0;
	[dreg:$0x7] =	wrdreg s9  }
0x1b: {  	s7 =	simm.s32 $0xC;
	s0 =	sadd.s32 $0x56000, s0;
	[dreg:$0x14] =	wrdreg s28  }
0x1c: {  	s3 =	sadd.s32 $0x2D800, s5;
	s5 =	sadd.s32 $0x41200, s5;
	[dreg:$0x18] =	wrdreg s0  }
0x1d: {  	s20 =	sshrl.u32 s6, $0x3;
	s2 =	simm.s32 $0xA;
	[dreg:$0x3] =	wrdreg s3  }
0x1e: {  	s6 =	simm.s32 $0xE;
	s9 =	simm.s32 $0xF;
	[dreg:$0x4] =	wrdreg s5  }
0x1f: {  	s5 =	simm.s32 $0xB;
	s0 =	simm.s32 $0x0;
	[dreg:$0x1a] =	wrdreg s20  }
.LBB2_1:
0x20: {  	[dreg:$0x1b] =	wrdreg s0  }
0x21: {  	s18 =	rddreg [dreg:$0x16]  }
0x22: {  	[spmem:s20], [sflag:s19] =	dma.local [hbm:s18], $0x1400  }
0x23: {  	_ =	swait.ge [sflag:s21], $0x1400  }
0x24: {  	[sflag:s21] =	ssyncset.done $0x0  }
0x25: {  	[sflag:s21] =	ssyncadd.s32 $0xFFFFEC00  }
0x26: {  	[bflag:$0x0] =	sbarrier.arrive $0xFFFF  }
0x27: {  	s20 =	rddreg [dreg:$0x3]  }
0x28: {  	s3 =	simm.s32 $0x0;
	s21 =	rddreg [dreg:$0x4];
	s18 =	sadd.s32 $0x0, s20  }
0x29: {  	[tilespmem:s3], [sflag:$0x1] =	stream.linear.gather [hbm4b:s18+s3], $0x320, $0x38;
	[tilespmem:$0x16E40] =	vst v63  }
0x2a: {  	s22 =	sadd.s32 $0x0, s21;
	s20 =	simm.s32 $0x320  }
0x2b: {  	[tilespmem:s20], [sflag:$0x1] =	stream.linear.gather [hbm4b:s22+s3], $0x320, $0x38;
	[tilespmem:$0x16E40] =	vst v63  }
0x2c: {  	_ =	swait.ge [sflag:s12], $0x320  }
0x2d: {  	[sflag:s12] =	ssyncset.done $0x0  }
0x2e: {  	[sflag:s12] =	ssyncadd.s32 $0xFFFFFCE0  }
0x2f: {  	_ =	swait.ge [sflag:s12], $0x320  }
0x30: {  	[sflag:s12] =	ssyncset.done $0x0  }
0x31: {  	s21 =	simm.s32 $0x640;
	[sflag:s12] =	ssyncadd.s32 $0xFFFFFCE0  }
0x32: {  	[tilespmem:s21], [sflag:$0x2] =	stream.indirect.gather [hbm4b:s4+s13], $0x40, s3, s13, $0xb8;
	[tilespmem:$0x16E40] =	vst v63  }
0x33: {  	s22 =	simm.s32 $0x1A40  }
0x34: {  	[tilespmem:s22], [sflag:$0x3] =	stream.indirect.gather [hbm4b:s4+s13], $0x40, s13, s13, $0xb8;
	[tilespmem:$0x16E40] =	vst v63  }
0x35: {  	s23 =	rddreg [dreg:$0x5];
	s3 =	simm.s32 $0x2E40  }
0x36: {  	[tilespmem:s3], [sflag:$0x4] =	stream.indirect.gather [hbm4b:s4+s13], $0x40, s23, s13, $0xb8;
	[tilespmem:$0x16E40] =	vst v63  }
0x37: {  	s24 =	rddreg [dreg:$0x6];
	s23 =	simm.s32 $0x4240  }
0x38: {  	[tilespmem:s23], [sflag:$0x5] =	stream.indirect.gather [hbm4b:s4+s13], $0x40, s24, s13, $0xb8;
	[tilespmem:$0x16E40] =	vst v63  }
0x39: {  	s25 =	rddreg [dreg:$0x7];
	s24 =	simm.s32 $0x5640  }
0x3a: {  	[tilespmem:s24], [sflag:$0x6] =	stream.indirect.gather [hbm4b:s4+s13], $0x40, s25, s13, $0xb8;
	[tilespmem:$0x16E40] =	vst v63  }
0x3b: {  	s26 =	rddreg [dreg:$0x8];
	s25 =	simm.s32 $0x6A40  }
0x3c: {  	[tilespmem:s25], [sflag:$0x7] =	stream.indirect.gather [hbm4b:s4+s13], $0x40, s26, s13, $0xb8;
	[tilespmem:$0x16E40] =	vst v63  }
0x3d: {  	s28 =	rddreg [dreg:$0x9];
	s26 =	simm.s32 $0x7E40  }
0x3e: {  	[tilespmem:s26], [sflag:$0x8] =	stream.indirect.gather [hbm4b:s4+s13], $0x40, s28, s13, $0xb8;
	[tilespmem:$0x16E40] =	vst v63  }
0x3f: {  	s29 =	rddreg [dreg:$0xa];
	s28 =	simm.s32 $0x9240  }
0x40: {  	[tilespmem:s28], [sflag:$0x9] =	stream.indirect.gather [hbm4b:s4+s13], $0x40, s29, s13, $0xb8;
	[tilespmem:$0x16E40] =	vst v63  }
0x41: {  	s0 =	rddreg [dreg:$0xb];
	s29 =	simm.s32 $0xA640  }
0x42: {  	[tilespmem:s29], [sflag:$0xA] =	stream.indirect.gather [hbm4b:s4+s13], $0x40, s0, s13, $0xb8;
	[tilespmem:$0x16E40] =	vst v63  }
0x43: {  	s19 =	rddreg [dreg:$0xc];
	s0 =	simm.s32 $0xBA40  }
0x44: {  	[tilespmem:s0], [sflag:$0xB] =	stream.indirect.gather [hbm4b:s4+s13], $0x40, s19, s13, $0xb8;
	[tilespmem:$0x16E40] =	vst v63  }
0x45: {  	s19 =	simm.s32 $0x2  }
0x46: {  	_ =	swait.ge [sflag:s19], $0x1400  }
0x47: {  	[sflag:s19] =	ssyncset.done $0x0  }
0x48: {  	[sflag:s19] =	ssyncadd.s32 $0xFFFFEC00  }
0x49: {  	[spmem:s1] =	stream.indirect.scatter.add.f32 [tilespmem:s21], [sflag:$0xC], $0x40, s20, s13, $0xb8;
	[tilespmem:$0x16E40] =	vst v63  }
0x4a: {  	s20 =	simm.s32 $0x3  }
0x4b: {  	_ =	swait.ge [sflag:s20], $0x1400  }
0x4c: {  	[sflag:s20] =	ssyncset.done $0x0  }
0x4d: {  	s18 =	simm.s32 $0x4;
	s21 =	rddreg [dreg:$0xd];
	[sflag:s20] =	ssyncadd.s32 $0xFFFFEC00  }
0x4e: {  	[spmem:s1] =	stream.indirect.scatter.add.f32 [tilespmem:s22], [sflag:$0xD], $0x40, s21, s13, $0xb8;
	[tilespmem:$0x16E40] =	vst v63  }
0x4f: {  	_ =	swait.ge [sflag:s18], $0x1400  }
0x50: {  	[sflag:s18] =	ssyncset.done $0x0  }
0x51: {  	s21 =	simm.s32 $0x5;
	s20 =	rddreg [dreg:$0xe];
	[sflag:s18] =	ssyncadd.s32 $0xFFFFEC00  }
0x52: {  	[spmem:s1] =	stream.indirect.scatter.add.f32 [tilespmem:s3], [sflag:$0xE], $0x40, s20, s13, $0xb8;
	[tilespmem:$0x16E40] =	vst v63  }
0x53: {  	_ =	swait.ge [sflag:s21], $0x1400  }
0x54: {  	[sflag:s21] =	ssyncset.done $0x0  }
0x55: {  	s19 =	simm.s32 $0x6;
	s22 =	rddreg [dreg:$0xf];
	[sflag:s21] =	ssyncadd.s32 $0xFFFFEC00  }
0x56: {  	[spmem:s1] =	stream.indirect.scatter.add.f32 [tilespmem:s23], [sflag:$0xF], $0x40, s22, s13, $0xb8;
	[tilespmem:$0x16E40] =	vst v63  }
0x57: {  	_ =	swait.ge [sflag:s19], $0x1400  }
0x58: {  	[sflag:s19] =	ssyncset.done $0x0  }
0x59: {  	s21 =	simm.s32 $0x7;
	s20 =	rddreg [dreg:$0x10];
	[sflag:s19] =	ssyncadd.s32 $0xFFFFEC00  }
0x5a: {  	[spmem:s1] =	stream.indirect.scatter.add.f32 [tilespmem:s24], [sflag:$0x10], $0x40, s20, s13, $0xb8;
	[tilespmem:$0x16E40] =	vst v63  }
0x5b: {  	_ =	swait.ge [sflag:s21], $0x1400  }
0x5c: {  	[sflag:s21] =	ssyncset.done $0x0  }
0x5d: {  	s23 =	simm.s32 $0x8;
	s22 =	rddreg [dreg:$0x11];
	[sflag:s21] =	ssyncadd.s32 $0xFFFFEC00  }
0x5e: {  	[spmem:s1] =	stream.indirect.scatter.add.f32 [tilespmem:s25], [sflag:$0x11], $0x40, s22, s13, $0xb8;
	[tilespmem:$0x16E40] =	vst v63  }
0x5f: {  	_ =	swait.ge [sflag:s23], $0x1400  }
0x60: {  	[sflag:s23] =	ssyncset.done $0x0  }
0x61: {  	s25 =	simm.s32 $0x9;
	s24 =	rddreg [dreg:$0x12];
	[sflag:s23] =	ssyncadd.s32 $0xFFFFEC00  }
0x62: {  	[spmem:s1] =	stream.indirect.scatter.add.f32 [tilespmem:s26], [sflag:$0x12], $0x40, s24, s13, $0xb8;
	[tilespmem:$0x16E40] =	vst v63  }
0x63: {  	_ =	swait.ge [sflag:s25], $0x1400  }
0x64: {  	[sflag:s25] =	ssyncset.done $0x0  }
0x65: {  	s26 =	rddreg [dreg:$0x13];
	[sflag:s25] =	ssyncadd.s32 $0xFFFFEC00  }
0x66: {  	[spmem:s1] =	stream.indirect.scatter.add.f32 [tilespmem:s28], [sflag:$0x13], $0x40, s26, s13, $0xb8;
	[tilespmem:$0x16E40] =	vst v63  }
0x67: {  	_ =	swait.ge [sflag:s2], $0x1400  }
0x68: {  	[sflag:s2] =	ssyncset.done $0x0  }
0x69: {  	s28 =	rddreg [dreg:$0x14];
	[sflag:s2] =	ssyncadd.s32 $0xFFFFEC00  }
0x6a: {  	[spmem:s1] =	stream.indirect.scatter.add.f32 [tilespmem:s29], [sflag:$0x14], $0x40, s28, s13, $0xb8;
	[tilespmem:$0x16E40] =	vst v63  }
0x6b: {  	_ =	swait.ge [sflag:s5], $0x1400  }
0x6c: {  	[sflag:s5] =	ssyncset.done $0x0  }
0x6d: {  	s29 =	rddreg [dreg:$0x15];
	[sflag:s5] =	ssyncadd.s32 $0xFFFFEC00  }
0x6e: {  	[spmem:s1] =	stream.indirect.scatter.add.f32 [tilespmem:s0], [sflag:$0x15], $0x40, s29, s13, $0xb8;
	[tilespmem:$0x16E40] =	vst v63  }
0x6f: {  	_ =	swait.ge [sflag:s7], $0x1400  }
0x70: {  	[sflag:s7] =	ssyncset.done $0x0  }
0x71: {  	[sflag:s7] =	ssyncadd.s32 $0xFFFFEC00  }
0x72: {  	_ =	swait.ge [sflag:s8], $0x1400  }
0x73: {  	[sflag:s8] =	ssyncset.done $0x0  }
0x74: {  	[sflag:s8] =	ssyncadd.s32 $0xFFFFEC00  }
0x75: {  	_ =	swait.ge [sflag:s6], $0x1400  }
0x76: {  	[sflag:s6] =	ssyncset.done $0x0  }
0x77: {  	[sflag:s6] =	ssyncadd.s32 $0xFFFFEC00  }
0x78: {  	_ =	swait.ge [sflag:s9], $0x1400  }
0x79: {  	[sflag:s9] =	ssyncset.done $0x0  }
0x7a: {  	[sflag:s9] =	ssyncadd.s32 $0xFFFFEC00  }
0x7b: {  	_ =	swait.ge [sflag:s10], $0x1400  }
0x7c: {  	[sflag:s10] =	ssyncset.done $0x0  }
0x7d: {  	[sflag:s10] =	ssyncadd.s32 $0xFFFFEC00  }
0x7e: {  	_ =	swait.ge [sflag:s11], $0x1400  }
0x7f: {  	[sflag:s11] =	ssyncset.done $0x0  }
0x80: {  	[sflag:s11] =	ssyncadd.s32 $0xFFFFEC00  }
0x81: {  	_ =	swait.ge [sflag:s14], $0x1400  }
0x82: {  	[sflag:s14] =	ssyncset.done $0x0  }
0x83: {  	[sflag:s14] =	ssyncadd.s32 $0xFFFFEC00  }
0x84: {  	_ =	swait.ge [sflag:s15], $0x1400  }
0x85: {  	[sflag:s15] =	ssyncset.done $0x0  }
0x86: {  	[sflag:s15] =	ssyncadd.s32 $0xFFFFEC00  }
0x87: {  	_ =	swait.ge [sflag:s16], $0x1400  }
0x88: {  	[sflag:s16] =	ssyncset.done $0x0  }
0x89: {  	[sflag:s16] =	ssyncadd.s32 $0xFFFFEC00  }
0x8a: {  	s18 =	simm.s32 $0x64;
	_ =	swait.ge [sflag:s17], $0x1400  }
0x8b: {  	s19 =	simm.s32 $0xC8;
	s20 =	rddreg [dreg:$0x3];
	[sflag:s17] =	ssyncset.done $0x0  }
.LBB2_2:
0x8c: {  	[sflag:s17] =	ssyncadd.s32 $0xFFFFEC00  }
0x8d: {  	s22 =	rddreg [dreg:$0x4];
	s20 =	sadd.s32 s18, s20;
	s3 =	simm.s32 $0x0  }
0x8e: {  	[tilespmem:s3], [sflag:$0x1] =	stream.linear.gather [hbm4b:s20+s3], $0x320, $0x38;
	[tilespmem:$0x16E40] =	vst v63  }
0x8f: {  	s24 =	sadd.s32 s18, s22;
	s22 =	simm.s32 $0x320  }
0x90: {  	[tilespmem:s22], [sflag:$0x1] =	stream.linear.gather [hbm4b:s24+s3], $0x320, $0x38;
	[tilespmem:$0x16E40] =	vst v63  }
0x91: {  	_ =	swait.ge [sflag:s12], $0x320  }
0x92: {  	[sflag:s12] =	ssyncset.done $0x0  }
0x93: {  	[sflag:s12] =	ssyncadd.s32 $0xFFFFFCE0  }
0x94: {  	_ =	swait.ge [sflag:s12], $0x320  }
0x95: {  	[sflag:s12] =	ssyncset.done $0x0  }
0x96: {  	s23 =	simm.s32 $0x640;
	[sflag:s12] =	ssyncadd.s32 $0xFFFFFCE0  }
0x97: {  	[tilespmem:s23], [sflag:$0x2] =	stream.indirect.gather [hbm4b:s4+s13], $0x40, s3, s13, $0xb8;
	[tilespmem:$0x16E40] =	vst v63  }
0x98: {  	s3 =	simm.s32 $0x1A40  }
0x99: {  	[tilespmem:s3], [sflag:$0x3] =	stream.indirect.gather [hbm4b:s4+s13], $0x40, s13, s13, $0xb8;
	[tilespmem:$0x16E40] =	vst v63  }
0x9a: {  	s24 =	simm.s32 $0x2E40;
	s25 =	rddreg [dreg:$0x5]  }
0x9b: {  	[tilespmem:s24], [sflag:$0x4] =	stream.indirect.gather [hbm4b:s4+s13], $0x40, s25, s13, $0xb8;
	[tilespmem:$0x16E40] =	vst v63  }
0x9c: {  	s26 =	rddreg [dreg:$0x6];
	s25 =	simm.s32 $0x4240  }
0x9d: {  	[tilespmem:s25], [sflag:$0x5] =	stream.indirect.gather [hbm4b:s4+s13], $0x40, s26, s13, $0xb8;
	[tilespmem:$0x16E40] =	vst v63  }
0x9e: {  	s28 =	rddreg [dreg:$0x7];
	s26 =	simm.s32 $0x5640  }
0x9f: {  	[tilespmem:s26], [sflag:$0x6] =	stream.indirect.gather [hbm4b:s4+s13], $0x40, s28, s13, $0xb8;
	[tilespmem:$0x16E40] =	vst v63  }
0xa0: {  	s29 =	rddreg [dreg:$0x8];
	s28 =	simm.s32 $0x6A40  }
0xa1: {  	[tilespmem:s28], [sflag:$0x7] =	stream.indirect.gather [hbm4b:s4+s13], $0x40, s29, s13, $0xb8;
	[tilespmem:$0x16E40] =	vst v63  }
0xa2: {  	s21 =	smov.u32 s19;
	s0 =	rddreg [dreg:$0x9];
	s29 =	simm.s32 $0x7E40  }
0xa3: {  	[tilespmem:s29], [sflag:$0x8] =	stream.indirect.gather [hbm4b:s4+s13], $0x40, s0, s13, $0xb8;
	[tilespmem:$0x16E40] =	vst v63  }
0xa4: {  	s18 =	smov.u32 s21;
	s21 =	rddreg [dreg:$0xa]  }
0xa5: {  	[tilespmem:s30], [sflag:$0x9] =	stream.indirect.gather [hbm4b:s4+s13], $0x40, s21, s13, $0xb8;
	[tilespmem:$0x16E40] =	vst v63  }
0xa6: {  	s0 =	rddreg [dreg:$0xb]  }
0xa7: {  	[tilespmem:s31], [sflag:$0xA] =	stream.indirect.gather [hbm4b:s4+s13], $0x40, s0, s13, $0xb8;
	[tilespmem:$0x16E40] =	vst v63  }
0xa8: {  	s21 =	rddreg [dreg:$0xc];
	s0 =	simm.s32 $0xBA40  }
0xa9: {  	[tilespmem:s0], [sflag:$0xB] =	stream.indirect.gather [hbm4b:s4+s13], $0x40, s21, s13, $0xb8;
	[tilespmem:$0x16E40] =	vst v63  }
0xaa: {  	s21 =	simm.s32 $0x2  }
0xab: {  	_ =	swait.ge [sflag:s21], $0x1400  }
0xac: {  	[sflag:s21] =	ssyncset.done $0x0  }
0xad: {  	[sflag:s21] =	ssyncadd.s32 $0xFFFFEC00  }
0xae: {  	[spmem:s1] =	stream.indirect.scatter.add.f32 [tilespmem:s23], [sflag:$0xC], $0x40, s22, s13, $0xb8;
	[tilespmem:$0x16E40] =	vst v63  }
0xaf: {  	s22 =	simm.s32 $0x3  }
0xb0: {  	_ =	swait.ge [sflag:s22], $0x1400  }
0xb1: {  	[sflag:s22] =	ssyncset.done $0x0  }
0xb2: {  	s20 =	simm.s32 $0x4;
	s23 =	rddreg [dreg:$0xd];
	[sflag:s22] =	ssyncadd.s32 $0xFFFFEC00  }
0xb3: {  	[spmem:s1] =	stream.indirect.scatter.add.f32 [tilespmem:s3], [sflag:$0xD], $0x40, s23, s13, $0xb8;
	[tilespmem:$0x16E40] =	vst v63  }
0xb4: {  	_ =	swait.ge [sflag:s20], $0x1400  }
0xb5: {  	[sflag:s20] =	ssyncset.done $0x0  }
0xb6: {  	s22 =	simm.s32 $0x5;
	s21 =	rddreg [dreg:$0xe];
	[sflag:s20] =	ssyncadd.s32 $0xFFFFEC00  }
0xb7: {  	[spmem:s1] =	stream.indirect.scatter.add.f32 [tilespmem:s24], [sflag:$0xE], $0x40, s21, s13, $0xb8;
	[tilespmem:$0x16E40] =	vst v63  }
0xb8: {  	_ =	swait.ge [sflag:s22], $0x1400  }
0xb9: {  	[sflag:s22] =	ssyncset.done $0x0  }
0xba: {  	s24 =	simm.s32 $0x6;
	s23 =	rddreg [dreg:$0xf];
	[sflag:s22] =	ssyncadd.s32 $0xFFFFEC00  }
0xbb: {  	[spmem:s1] =	stream.indirect.scatter.add.f32 [tilespmem:s25], [sflag:$0xF], $0x40, s23, s13, $0xb8;
	[tilespmem:$0x16E40] =	vst v63  }
0xbc: {  	_ =	swait.ge [sflag:s24], $0x1400  }
0xbd: {  	[sflag:s24] =	ssyncset.done $0x0  }
0xbe: {  	s21 =	simm.s32 $0x7;
	s25 =	rddreg [dreg:$0x10];
	[sflag:s24] =	ssyncadd.s32 $0xFFFFEC00  }
0xbf: {  	[spmem:s1] =	stream.indirect.scatter.add.f32 [tilespmem:s26], [sflag:$0x10], $0x40, s25, s13, $0xb8;
	[tilespmem:$0x16E40] =	vst v63  }
0xc0: {  	_ =	swait.ge [sflag:s21], $0x1400  }
0xc1: {  	[sflag:s21] =	ssyncset.done $0x0  }
0xc2: {  	s23 =	simm.s32 $0x8;
	s22 =	rddreg [dreg:$0x11];
	[sflag:s21] =	ssyncadd.s32 $0xFFFFEC00  }
0xc3: {  	[spmem:s1] =	stream.indirect.scatter.add.f32 [tilespmem:s28], [sflag:$0x11], $0x40, s22, s13, $0xb8;
	[tilespmem:$0x16E40] =	vst v63  }
0xc4: {  	_ =	swait.ge [sflag:s23], $0x1400  }
0xc5: {  	[sflag:s23] =	ssyncset.done $0x0  }
0xc6: {  	s25 =	simm.s32 $0x9;
	s24 =	rddreg [dreg:$0x12];
	[sflag:s23] =	ssyncadd.s32 $0xFFFFEC00  }
0xc7: {  	[spmem:s1] =	stream.indirect.scatter.add.f32 [tilespmem:s29], [sflag:$0x12], $0x40, s24, s13, $0xb8;
	[tilespmem:$0x16E40] =	vst v63  }
0xc8: {  	_ =	swait.ge [sflag:s25], $0x1400  }
0xc9: {  	[sflag:s25] =	ssyncset.done $0x0  }
0xca: {  	s26 =	rddreg [dreg:$0x13];
	[sflag:s25] =	ssyncadd.s32 $0xFFFFEC00  }
0xcb: {  	[spmem:s1] =	stream.indirect.scatter.add.f32 [tilespmem:s30], [sflag:$0x13], $0x40, s26, s13, $0xb8;
	[tilespmem:$0x16E40] =	vst v63  }
0xcc: {  	_ =	swait.ge [sflag:s2], $0x1400  }
0xcd: {  	[sflag:s2] =	ssyncset.done $0x0  }
0xce: {  	s28 =	rddreg [dreg:$0x14];
	[sflag:s2] =	ssyncadd.s32 $0xFFFFEC00  }
0xcf: {  	[spmem:s1] =	stream.indirect.scatter.add.f32 [tilespmem:s31], [sflag:$0x14], $0x40, s28, s13, $0xb8;
	[tilespmem:$0x16E40] =	vst v63  }
0xd0: {  	_ =	swait.ge [sflag:s5], $0x1400  }
0xd1: {  	[sflag:s5] =	ssyncset.done $0x0  }
0xd2: {  	s29 =	rddreg [dreg:$0x15];
	[sflag:s5] =	ssyncadd.s32 $0xFFFFEC00  }
0xd3: {  	[spmem:s1] =	stream.indirect.scatter.add.f32 [tilespmem:s0], [sflag:$0x15], $0x40, s29, s13, $0xb8;
	[tilespmem:$0x16E40] =	vst v63  }
0xd4: {  	_ =	swait.ge [sflag:s7], $0x1400  }
0xd5: {  	[sflag:s7] =	ssyncset.done $0x0  }
0xd6: {  	[sflag:s7] =	ssyncadd.s32 $0xFFFFEC00  }
0xd7: {  	_ =	swait.ge [sflag:s8], $0x1400  }
0xd8: {  	[sflag:s8] =	ssyncset.done $0x0  }
0xd9: {  	[sflag:s8] =	ssyncadd.s32 $0xFFFFEC00  }
0xda: {  	_ =	swait.ge [sflag:s6], $0x1400  }
0xdb: {  	[sflag:s6] =	ssyncset.done $0x0  }
0xdc: {  	[sflag:s6] =	ssyncadd.s32 $0xFFFFEC00  }
0xdd: {  	_ =	swait.ge [sflag:s9], $0x1400  }
0xde: {  	[sflag:s9] =	ssyncset.done $0x0  }
0xdf: {  	[sflag:s9] =	ssyncadd.s32 $0xFFFFEC00  }
0xe0: {  	_ =	swait.ge [sflag:s10], $0x1400  }
0xe1: {  	[sflag:s10] =	ssyncset.done $0x0  }
0xe2: {  	[sflag:s10] =	ssyncadd.s32 $0xFFFFEC00  }
0xe3: {  	_ =	swait.ge [sflag:s11], $0x1400  }
0xe4: {  	[sflag:s11] =	ssyncset.done $0x0  }
0xe5: {  	[sflag:s11] =	ssyncadd.s32 $0xFFFFEC00  }
0xe6: {  	_ =	swait.ge [sflag:s14], $0x1400  }
0xe7: {  	[sflag:s14] =	ssyncset.done $0x0  }
0xe8: {  	[sflag:s14] =	ssyncadd.s32 $0xFFFFEC00  }
0xe9: {  	_ =	swait.ge [sflag:s15], $0x1400  }
0xea: {  	[sflag:s15] =	ssyncset.done $0x0  }
0xeb: {  	p0 =	sne.s32 s19, $0x960;
	[sflag:s15] =	ssyncadd.s32 $0xFFFFEC00  }
.Ltmp0:
0xec: {  	_ =	swait.ge [sflag:s16], $0x1400;
	(pc) =	sbr.rel @p0 .LBB2_2-.Ltmp0, $4  }
0xed: {  	[sflag:s16] =	ssyncset.done $0x0  }
0xee: {  	[sflag:s16] =	ssyncadd.s32 $0xFFFFEC00  }
0xef: {  	_ =	swait.ge [sflag:s17], $0x1400  }
0xf0: {  	s19 =	sadd.s32 $0x64, s19;
	s20 =	rddreg [dreg:$0x3];
	[sflag:s17] =	ssyncset.done $0x0  }
0xf1: {  	s19 =	rddreg [dreg:$0x4]  }
0xf2: {  	[sflag:s17] =	ssyncadd.s32 $0xFFFFEC00;
	s20 =	sadd.s32 s18, s20;
	s3 =	simm.s32 $0x0  }
0xf3: {  	[tilespmem:s3], [sflag:$0x1] =	stream.linear.gather [hbm4b:s20+s3], $0x320, $0x38;
	[tilespmem:$0x16E40] =	vst v63  }
0xf4: {  	s22 =	sadd.s32 s18, s19;
	s20 =	simm.s32 $0x320  }
0xf5: {  	[tilespmem:s20], [sflag:$0x1] =	stream.linear.gather [hbm4b:s22+s3], $0x320, $0x38;
	[tilespmem:$0x16E40] =	vst v63  }
0xf6: {  	_ =	swait.ge [sflag:s12], $0x320  }
0xf7: {  	[sflag:s12] =	ssyncset.done $0x0  }
0xf8: {  	[sflag:s12] =	ssyncadd.s32 $0xFFFFFCE0  }
0xf9: {  	_ =	swait.ge [sflag:s12], $0x320  }
0xfa: {  	[sflag:s12] =	ssyncset.done $0x0  }
0xfb: {  	s21 =	simm.s32 $0x640;
	[sflag:s12] =	ssyncadd.s32 $0xFFFFFCE0  }
0xfc: {  	[tilespmem:s21], [sflag:$0x2] =	stream.indirect.gather [hbm4b:s4+s13], $0x40, s3, s13, $0xb8;
	[tilespmem:$0x16E40] =	vst v63  }
0xfd: {  	s3 =	simm.s32 $0x1A40  }
0xfe: {  	[tilespmem:s3], [sflag:$0x3] =	stream.indirect.gather [hbm4b:s4+s13], $0x40, s13, s13, $0xb8;
	[tilespmem:$0x16E40] =	vst v63  }
0xff: {  	s22 =	simm.s32 $0x2E40;
	s23 =	rddreg [dreg:$0x5]  }
0x100: {  	[tilespmem:s22], [sflag:$0x4] =	stream.indirect.gather [hbm4b:s4+s13], $0x40, s23, s13, $0xb8;
	[tilespmem:$0x16E40] =	vst v63  }
0x101: {  	s24 =	rddreg [dreg:$0x6];
	s23 =	simm.s32 $0x4240  }
0x102: {  	[tilespmem:s23], [sflag:$0x5] =	stream.indirect.gather [hbm4b:s4+s13], $0x40, s24, s13, $0xb8;
	[tilespmem:$0x16E40] =	vst v63  }
0x103: {  	s25 =	rddreg [dreg:$0x7];
	s24 =	simm.s32 $0x5640  }
0x104: {  	[tilespmem:s24], [sflag:$0x6] =	stream.indirect.gather [hbm4b:s4+s13], $0x40, s25, s13, $0xb8;
	[tilespmem:$0x16E40] =	vst v63  }
0x105: {  	s26 =	rddreg [dreg:$0x8];
	s25 =	simm.s32 $0x6A40  }
0x106: {  	[tilespmem:s25], [sflag:$0x7] =	stream.indirect.gather [hbm4b:s4+s13], $0x40, s26, s13, $0xb8;
	[tilespmem:$0x16E40] =	vst v63  }
0x107: {  	s28 =	rddreg [dreg:$0x9];
	s26 =	simm.s32 $0x7E40  }
0x108: {  	[tilespmem:s26], [sflag:$0x8] =	stream.indirect.gather [hbm4b:s4+s13], $0x40, s28, s13, $0xb8;
	[tilespmem:$0x16E40] =	vst v63  }
0x109: {  	s29 =	rddreg [dreg:$0xa];
	s28 =	simm.s32 $0x9240  }
0x10a: {  	[tilespmem:s28], [sflag:$0x9] =	stream.indirect.gather [hbm4b:s4+s13], $0x40, s29, s13, $0xb8;
	[tilespmem:$0x16E40] =	vst v63  }
0x10b: {  	s0 =	rddreg [dreg:$0xb];
	s29 =	simm.s32 $0xA640  }
0x10c: {  	[tilespmem:s29], [sflag:$0xA] =	stream.indirect.gather [hbm4b:s4+s13], $0x40, s0, s13, $0xb8;
	[tilespmem:$0x16E40] =	vst v63  }
0x10d: {  	s19 =	rddreg [dreg:$0xc];
	s0 =	simm.s32 $0xBA40  }
0x10e: {  	[tilespmem:s0], [sflag:$0xB] =	stream.indirect.gather [hbm4b:s4+s13], $0x40, s19, s13, $0xb8;
	[tilespmem:$0x16E40] =	vst v63  }
0x10f: {  	s19 =	simm.s32 $0x2  }
0x110: {  	_ =	swait.ge [sflag:s19], $0x1400  }
0x111: {  	[sflag:s19] =	ssyncset.done $0x0  }
0x112: {  	[sflag:s19] =	ssyncadd.s32 $0xFFFFEC00  }
0x113: {  	[spmem:s1] =	stream.indirect.scatter.add.f32 [tilespmem:s21], [sflag:$0xC], $0x40, s20, s13, $0xb8;
	[tilespmem:$0x16E40] =	vst v63  }
0x114: {  	s20 =	simm.s32 $0x3  }
0x115: {  	_ =	swait.ge [sflag:s20], $0x1400  }
0x116: {  	[sflag:s20] =	ssyncset.done $0x0  }
0x117: {  	s18 =	simm.s32 $0x4;
	s21 =	rddreg [dreg:$0xd];
	[sflag:s20] =	ssyncadd.s32 $0xFFFFEC00  }
0x118: {  	[spmem:s1] =	stream.indirect.scatter.add.f32 [tilespmem:s3], [sflag:$0xD], $0x40, s21, s13, $0xb8;
	[tilespmem:$0x16E40] =	vst v63  }
0x119: {  	_ =	swait.ge [sflag:s18], $0x1400  }
0x11a: {  	[sflag:s18] =	ssyncset.done $0x0  }
0x11b: {  	s20 =	simm.s32 $0x5;
	s19 =	rddreg [dreg:$0xe];
	[sflag:s18] =	ssyncadd.s32 $0xFFFFEC00  }
0x11c: {  	[spmem:s1] =	stream.indirect.scatter.add.f32 [tilespmem:s22], [sflag:$0xE], $0x40, s19, s13, $0xb8;
	[tilespmem:$0x16E40] =	vst v63  }
0x11d: {  	_ =	swait.ge [sflag:s20], $0x1400  }
0x11e: {  	[sflag:s20] =	ssyncset.done $0x0  }
0x11f: {  	s22 =	simm.s32 $0x6;
	s21 =	rddreg [dreg:$0xf];
	[sflag:s20] =	ssyncadd.s32 $0xFFFFEC00  }
0x120: {  	[spmem:s1] =	stream.indirect.scatter.add.f32 [tilespmem:s23], [sflag:$0xF], $0x40, s21, s13, $0xb8;
	[tilespmem:$0x16E40] =	vst v63  }
0x121: {  	_ =	swait.ge [sflag:s22], $0x1400  }
0x122: {  	[sflag:s22] =	ssyncset.done $0x0  }
0x123: {  	s18 =	simm.s32 $0x7;
	s23 =	rddreg [dreg:$0x10];
	[sflag:s22] =	ssyncadd.s32 $0xFFFFEC00  }
0x124: {  	[spmem:s1] =	stream.indirect.scatter.add.f32 [tilespmem:s24], [sflag:$0x10], $0x40, s23, s13, $0xb8;
	[tilespmem:$0x16E40] =	vst v63  }
0x125: {  	_ =	swait.ge [sflag:s18], $0x1400  }
0x126: {  	[sflag:s18] =	ssyncset.done $0x0  }
0x127: {  	s20 =	simm.s32 $0x8;
	s19 =	rddreg [dreg:$0x11];
	[sflag:s18] =	ssyncadd.s32 $0xFFFFEC00  }
0x128: {  	[spmem:s1] =	stream.indirect.scatter.add.f32 [tilespmem:s25], [sflag:$0x11], $0x40, s19, s13, $0xb8;
	[tilespmem:$0x16E40] =	vst v63  }
0x129: {  	_ =	swait.ge [sflag:s20], $0x1400  }
0x12a: {  	[sflag:s20] =	ssyncset.done $0x0  }
0x12b: {  	s22 =	simm.s32 $0x9;
	s21 =	rddreg [dreg:$0x12];
	[sflag:s20] =	ssyncadd.s32 $0xFFFFEC00  }
0x12c: {  	[spmem:s1] =	stream.indirect.scatter.add.f32 [tilespmem:s26], [sflag:$0x12], $0x40, s21, s13, $0xb8;
	[tilespmem:$0x16E40] =	vst v63  }
0x12d: {  	_ =	swait.ge [sflag:s22], $0x1400  }
0x12e: {  	[sflag:s22] =	ssyncset.done $0x0  }
0x12f: {  	s23 =	rddreg [dreg:$0x13];
	[sflag:s22] =	ssyncadd.s32 $0xFFFFEC00  }
0x130: {  	[spmem:s1] =	stream.indirect.scatter.add.f32 [tilespmem:s28], [sflag:$0x13], $0x40, s23, s13, $0xb8;
	[tilespmem:$0x16E40] =	vst v63  }
0x131: {  	_ =	swait.ge [sflag:s2], $0x1400  }
0x132: {  	[sflag:s2] =	ssyncset.done $0x0  }
0x133: {  	s24 =	rddreg [dreg:$0x14];
	[sflag:s2] =	ssyncadd.s32 $0xFFFFEC00  }
0x134: {  	[spmem:s1] =	stream.indirect.scatter.add.f32 [tilespmem:s29], [sflag:$0x14], $0x40, s24, s13, $0xb8;
	[tilespmem:$0x16E40] =	vst v63  }
0x135: {  	_ =	swait.ge [sflag:s5], $0x1400  }
0x136: {  	[sflag:s5] =	ssyncset.done $0x0  }
0x137: {  	s25 =	rddreg [dreg:$0x15];
	[sflag:s5] =	ssyncadd.s32 $0xFFFFEC00  }
0x138: {  	[spmem:s1] =	stream.indirect.scatter.add.f32 [tilespmem:s0], [sflag:$0x15], $0x40, s25, s13, $0xb8;
	[tilespmem:$0x16E40] =	vst v63  }
0x139: {  	_ =	swait.ge [sflag:s7], $0x1400  }
0x13a: {  	[sflag:s7] =	ssyncset.done $0x0  }
0x13b: {  	[sflag:s7] =	ssyncadd.s32 $0xFFFFEC00  }
0x13c: {  	_ =	swait.ge [sflag:s8], $0x1400  }
0x13d: {  	[sflag:s8] =	ssyncset.done $0x0  }
0x13e: {  	[sflag:s8] =	ssyncadd.s32 $0xFFFFEC00  }
0x13f: {  	_ =	swait.ge [sflag:s6], $0x1400  }
0x140: {  	[sflag:s6] =	ssyncset.done $0x0  }
0x141: {  	[sflag:s6] =	ssyncadd.s32 $0xFFFFEC00  }
0x142: {  	_ =	swait.ge [sflag:s9], $0x1400  }
0x143: {  	[sflag:s9] =	ssyncset.done $0x0  }
0x144: {  	[sflag:s9] =	ssyncadd.s32 $0xFFFFEC00  }
0x145: {  	_ =	swait.ge [sflag:s10], $0x1400  }
0x146: {  	[sflag:s10] =	ssyncset.done $0x0  }
0x147: {  	[sflag:s10] =	ssyncadd.s32 $0xFFFFEC00  }
0x148: {  	_ =	swait.ge [sflag:s11], $0x1400  }
0x149: {  	[sflag:s11] =	ssyncset.done $0x0  }
0x14a: {  	[sflag:s11] =	ssyncadd.s32 $0xFFFFEC00  }
0x14b: {  	_ =	swait.ge [sflag:s14], $0x1400  }
0x14c: {  	[sflag:s14] =	ssyncset.done $0x0  }
0x14d: {  	[sflag:s14] =	ssyncadd.s32 $0xFFFFEC00  }
0x14e: {  	_ =	swait.ge [sflag:s15], $0x1400  }
0x14f: {  	[sflag:s15] =	ssyncset.done $0x0  }
0x150: {  	[sflag:s15] =	ssyncadd.s32 $0xFFFFEC00  }
0x151: {  	_ =	swait.ge [sflag:s16], $0x1400  }
0x152: {  	[sflag:s16] =	ssyncset.done $0x0  }
0x153: {  	[sflag:s16] =	ssyncadd.s32 $0xFFFFEC00  }
0x154: {  	_ =	swait.ge [sflag:s17], $0x1400  }
0x155: {  	[sflag:s17] =	ssyncset.done $0x0  }
0x156: {  	[sflag:s17] =	ssyncadd.s32 $0xFFFFEC00  }
0x157: {  	[bflag:$0x0] =	sbarrier.arrive $0xFFFF  }
0x158: {  	s19 =	rddreg [dreg:$0x17]  }
0x159: {  	s26 =	rddreg [dreg:$0x18]  }
0x15a: {  	s21 =	simm.s32 $0x16;
	s20 =	rddreg [dreg:$0x1a]  }
0x15b: {  	[hbm:s26], [sflag:s19] =	dma.local [spmem:s20], $0x1400  }
0x15c: {  	_ =	swait.ge [sflag:s21], $0x1400  }
0x15d: {  	s28 =	rddreg [dreg:$0x1b]  }
0x15e: {  	s29 =	rddreg [dreg:$0x19];
	s0 =	sadd.s32 $0x1, s28  }
0x15f: {  	p0 =	sne.s32 s0, s29  }
.Ltmp1:
0x160: {  	_ = 	snop;
	(pc) =	sbr.rel @p0 .LBB2_1-.Ltmp1, $3  }
0x161: {  	_ =	sdelay $0x1  }
0x162: {  	[sflag:s21] =	ssyncset.done $0x0  }
0x163: {  	[sflag:s21] =	ssyncadd.s32 $0xFFFFEC00  }
0x164: {  	_ =	sfence.sel $0x180000  }
0x165: {  	[bflag:$0x0] =	sbarrier.arrive $0xFFFF  }
0x166: {  	_ =	strace $0x9000004D  }
0x167: {  	s0 =	stileid.u32;
	[bflag:$0x2] =	sbarrier.arrive $0xFFFF  }
0x168: {  	p0 =	sne.s32 s0, $0x0;
	s0 =	rddreg [dreg:$0x2]  }
0x169: {  	s0 =	sadd.s32 @!p0 $0x100000, s0  }
0x16a: {  	[sflag:s0] =	ssyncadd.tile.s32 @!p0 $0x1;
	_ =	shalt  }
.Lfunc_end2:
_tile_overlayer_lowered:
.L_overlay_start_2:
0x16b: {  	(tag) =	ssettag $0x2  }
0x16c: {  	s0 =	rddreg [dreg:$0x0];
	s2 =	stileid.u32  }
0x16d: {  	s1 =	rddreg [dreg:$0x1];
	p0 =	sne.s32 s2, $0x0  }
0x16e: {  	s3 =	rddreg [dreg:$0x2];
	[bflag:$0x3] =	sbarrier.arrive $0xFFFF;
	s2 =	simm.s32 @!p0 $0x1C16  }
0x16f: {  	[timem:s3], [sflag:s2] =	dma.local @!p0 [hbm:s0], s1  }
0x170: {  	s0 =	simm.s32 @!p0 $0x16  }
0x171: {  	_ =	swait.ge @!p0 [sflag:s0], s1  }
0x172: {  	s1 =	ssub.s32 @!p0 $0x0, s1;
	[sflag:s0] =	ssyncset.done @!p0 $0x0  }
0x173: {  	[sflag:s0] =	ssyncadd.s32 @!p0 s1  }
0x174: {  	[bflag:$0x3] =	sbarrier.arrive $0xFFFF  }
0x175: {  	_ =	shalt  }

</sc_bundles>
